<compile_context>
chip_gen: v7x
topology: tpu7x:2x2x1
jax: 0.10.2.dev20260603
libtpu: 0.0.44.dev20260713+nightly
codegen_flags: <defaults>
</compile_context>

<pallas_src>
import functools

import jax
import jax.numpy as jnp
from jax import lax
from jax.experimental import pallas as pl
from jax.experimental.pallas import tpu as pltpu
from jax.experimental.pallas import tpu_sc as plsc

_P = 64


def _positions_kernel(parts_ref, inv_ref, cs_ref, *, n):
    b = pl.program_id(0)
    pair = parts_ref[0]
    R = 128
    C = 128
    Q = R * _P

    f32_ = jnp.float32
    oh64 = (lax.broadcasted_iota(jnp.int32, (Q, _P), 0) % _P
            == lax.broadcasted_iota(jnp.int32, (Q, _P), 1)).astype(f32_)
    a0 = pair[:, 0:1].astype(f32_)
    a1 = pair[:, 1:2].astype(f32_)
    b0 = jnp.sum((a0 * oh64).reshape(R, _P, _P), axis=1)
    b1 = jnp.sum((a1 * oh64).reshape(R, _P, _P), axis=1)
    c_iota = lax.broadcasted_iota(jnp.int32, (_P, C), 1)
    cc_iota = lax.broadcasted_iota(jnp.int32, (_P, C), 0)
    pe = ((c_iota // 2 == cc_iota)
          & (c_iota % 2 == 0)).astype(f32_)
    po = ((c_iota // 2 == cc_iota)
          & (c_iota % 2 == 1)).astype(f32_)
    p2 = (jnp.dot(b0, pe, preferred_element_type=f32_)
          + jnp.dot(b1, po, preferred_element_type=f32_)).astype(jnp.int32)

    f32 = jnp.float32
    hi = lax.Precision.HIGHEST

    qi_qc = lax.broadcasted_iota(jnp.int32, (Q, C), 0)
    piot = (qi_qc % _P)
    oh = (lax.broadcasted_iota(jnp.int32, (Q, _P), 0) % _P
          == lax.broadcasted_iota(jnp.int32, (Q, _P), 1)).astype(f32)
    ci = lax.broadcasted_iota(jnp.int32, (C, C), 0)
    cj = lax.broadcasted_iota(jnp.int32, (C, C), 1)
    u_strict = (ci < cj).astype(f32)
    l_strict = (cj < ci).astype(f32)
    p_i = lax.broadcasted_iota(jnp.int32, (_P, _P), 0)
    p_j = lax.broadcasted_iota(jnp.int32, (_P, _P), 1)
    up_strict = (p_i < p_j).astype(f32)

    rep = jnp.repeat(p2.astype(f32), _P, axis=0)
    ew = (rep == piot.astype(f32)).astype(f32)

    prefw = jnp.dot(ew, u_strict, preferred_element_type=f32)

    rc = jnp.sum(ew, axis=1, keepdims=True)
    rc2 = jnp.sum((rc * oh).reshape(R, _P, _P), axis=1)

    before2 = jnp.dot(l_strict[:, :R], rc2, preferred_element_type=f32)
    counts = jnp.sum(rc2, axis=0, keepdims=True)
    base = jnp.dot(counts, up_strict, preferred_element_type=f32,
                   precision=hi)
    bb2 = before2 + base

    bbrep = jnp.repeat(bb2, _P, axis=0)
    bbflat = jnp.sum(bbrep * oh, axis=1, keepdims=True)

    pos = jnp.sum((ew * (prefw + bbflat)).reshape(R, _P, C), axis=1)

    incl = counts + base
    inv_ref[0] = pos.astype(jnp.int32) + b * n
    cs_ref[0] = incl.astype(jnp.int32) + b * n


def _compute_positions(parts3):
    B = parts3.shape[0]
    n = parts3.shape[1] * parts3.shape[2]
    return pl.pallas_call(
        functools.partial(_positions_kernel, n=n),
        grid=(B,),
        in_specs=[pl.BlockSpec((1, n // 2, 2), lambda b: (b, 0, 0))],
        out_specs=[
            pl.BlockSpec((1, 128, 128), lambda b: (b, 0, 0)),
            pl.BlockSpec((1, 1, _P), lambda b: (b, 0, 0)),
        ],
        out_shape=[
            jax.ShapeDtypeStruct((B, 128, 128), jnp.int32),
            jax.ShapeDtypeStruct((B, 1, _P), jnp.int32),
        ],
    )(parts3)


_CH = 32


_NBUF = 3


def _scatter_body(x_hbm, pos0_hbm, pos1_hbm, out_hbm,
                  rows_v, idx0_v, idx1_v, l0, l1, l2, s0, s1, s2,
                  *, rows_per_w, nc):
    wid = lax.axis_index("s") * nc + lax.axis_index("c")
    w0 = wid * rows_per_w
    n_chunks = rows_per_w // _CH
    lsem = (l0, l1, l2)
    ssem = (s0, s1, s2)

    def start_load(c):
        b = c % _NBUF
        sl = pl.ds(w0 + c * _CH, _CH)
        return (
            pltpu.async_copy(pos0_hbm.at[sl], idx0_v.at[b], lsem[b]),
            pltpu.async_copy(pos1_hbm.at[sl], idx1_v.at[b], lsem[b]),
            pltpu.async_copy(x_hbm.at[sl], rows_v.at[b], lsem[b]),
        )

    def start_scatter(c):
        b = c % _NBUF
        return (
            pltpu.async_copy(rows_v.at[b], out_hbm.at[idx0_v.at[b]], ssem[b]),
            pltpu.async_copy(rows_v.at[b], out_hbm.at[idx1_v.at[b]], ssem[b]),
        )

    loads = {0: start_load(0), 1: start_load(1)}
    scats = {}
    for c in range(n_chunks):
        for h in loads.pop(c):
            h.wait()
        scats[c] = start_scatter(c)
        nxt = c + 2
        if nxt < n_chunks:
            if nxt - _NBUF in scats:
                for h in scats.pop(nxt - _NBUF):
                    h.wait()
            loads[nxt] = start_load(nxt)
    for hs in scats.values():
        for h in hs:
            h.wait()


def _scatter_rows(x2, pos0, pos1):
    N, d = x2.shape
    info = plsc.get_sparse_core_info()
    nc, ns = info.num_cores, info.num_subcores
    nw = nc * ns
    rows_per_w = N // nw
    mesh = plsc.VectorSubcoreMesh(core_axis_name="c", subcore_axis_name="s")
    return pl.kernel(
        functools.partial(_scatter_body, rows_per_w=rows_per_w, nc=nc),
        out_type=jax.ShapeDtypeStruct((2 * N, d), jnp.float32),
        mesh=mesh,
        scratch_types=[
            pltpu.VMEM((_NBUF, _CH, d), jnp.float32),
            pltpu.VMEM((_NBUF, _CH), jnp.int32),
            pltpu.VMEM((_NBUF, _CH), jnp.int32),
            pltpu.SemaphoreType.DMA,
            pltpu.SemaphoreType.DMA,
            pltpu.SemaphoreType.DMA,
            pltpu.SemaphoreType.DMA,
            pltpu.SemaphoreType.DMA,
            pltpu.SemaphoreType.DMA,
        ],
    )(x2, pos0, pos1)


def kernel(x, partition_indices):
    B, S, d = x.shape
    k = partition_indices.shape[2]
    n = S * k

    inv, cs = _compute_positions(partition_indices.astype(jnp.int32))

    inverse = inv.reshape(B, S, k)
    cu_seqlens = jnp.concatenate(
        [jnp.zeros((1,), jnp.int32), cs.reshape(-1)])

    x2 = x.reshape(B * S, d)
    pos0 = inv[:, :, 0::2].reshape(-1)
    pos1 = inv[:, :, 1::2].reshape(-1)
    packed = _scatter_rows(x2, pos0, pos1)
    return packed, cu_seqlens, inverse

# --- scband reference (transcript-rebuilt; emitter-appended) ---
"""Pipeline reference for scband-ssevarlen-ops-70617852280888 (READ-ONLY COPY).

The authoritative reference and input builder live on the scoring server;
editing this copy changes nothing except your own understanding.
"""

import jax, jax.numpy as jnp
import numpy as np

NUM_PARTITIONS = 64


def setup_inputs(seed: int = 0) -> dict:
    key = jax.random.key(seed)
    k1, k2 = jax.random.split(key)
    x = jax.random.normal(k1, (2, 8192, 1024), dtype=jnp.float32)
    partition_indices = jax.random.randint(k2, (2, 8192, 2), 0, NUM_PARTITIONS)
    return {"x": x, "partition_indices": partition_indices}


def reference(x, partition_indices):
    # Faithful translation of SSEVarlenOps.forward with return_inverse=True.
    # Per batch, tokens are expanded k times (one copy per selected partition),
    # then grouped by partition id in order of appearance (a stable sort by
    # partition id). cu_seqlens holds batch*num_partitions cumulative segment
    # boundaries; inverse maps (b, t, slot) -> position in packed output.
    B, S, d = x.shape
    k = partition_indices.shape[2]
    P = NUM_PARTITIONS
    n = S * k
    # tokens: (B, S*k, d) -- each token repeated k times (contiguous slots)
    tokens = jnp.repeat(x[:, :, None, :], k, axis=2).reshape(B, n, d)
    parts = partition_indices.reshape(B, n)
    # stable argsort by partition id reproduces the per-partition masking order
    order = jnp.argsort(parts, axis=1, stable=True)
    packed_tokens = jnp.take_along_axis(tokens, order[:, :, None], axis=1).reshape(B * n, d)
    # segment counts per (batch, partition)
    counts = jax.vmap(lambda p: jnp.bincount(p, length=P))(parts)  # (B, P)
    cu_seqlens = jnp.concatenate([
        jnp.zeros((1,), dtype=jnp.int32),
        jnp.cumsum(counts.reshape(-1)).astype(jnp.int32),
    ])
    # inverse permutation: position of each (token, slot) in the packed output
    inv_pos = jnp.argsort(order, axis=1)  # within-batch position
    offsets = (jnp.arange(B, dtype=inv_pos.dtype) * n)[:, None]  # offset never resets across batches
    inverse = (inv_pos + offsets).reshape(B, S, k)
    return packed_tokens, cu_seqlens, inverse

if __name__ == "__main__":
    import jax
    _d = setup_inputs()
    print(jax.jit(kernel)(*tuple(_d.values())))

</pallas_src>

<mosaic_0001>
#map = affine_map<(d0, d1) -> (0, 0)>
#map1 = affine_map<(d0, d1) -> (0)>
module attributes {stable_mosaic.version = 14 : i64} {
  func.func @_scatter_body(%arg0: i32, %arg1: i32, %arg2: memref<16384x1024xf32, #tpu.memory_space<hbm>>, %arg3: memref<16384xi32, #tpu.memory_space<hbm>>, %arg4: memref<16384xi32, #tpu.memory_space<hbm>>, %arg5: memref<32768x1024xf32, #tpu.memory_space<hbm>>, %arg6: memref<3x32x1024xf32, #tpu.memory_space<vmem>>, %arg7: memref<3x32xi32, #tpu.memory_space<vmem>>, %arg8: memref<3x32xi32, #tpu.memory_space<vmem>>, %arg9: memref<!tpu.dma_semaphore, #tpu.memory_space<semaphore_mem>>, %arg10: memref<!tpu.dma_semaphore, #tpu.memory_space<semaphore_mem>>, %arg11: memref<!tpu.dma_semaphore, #tpu.memory_space<semaphore_mem>>, %arg12: memref<!tpu.dma_semaphore, #tpu.memory_space<semaphore_mem>>, %arg13: memref<!tpu.dma_semaphore, #tpu.memory_space<semaphore_mem>>, %arg14: memref<!tpu.dma_semaphore, #tpu.memory_space<semaphore_mem>>) attributes {dimension_semantics = [#tpu.dimension_semantics<core_parallel>, #tpu.dimension_semantics<subcore_parallel>], iteration_bounds = array<i64: 2, 16>, scalar_prefetch = 0 : i64, scratch_operands = 9 : i64, tpu.core_type = #tpu.core_type<sc_vector_subcore>, window_params = [{transform_indices = #map}, {transform_indices = #map1}, {transform_indices = #map1}, {transform_indices = #map}]} {
    %mul3A = arith.constant 2 : i32
    %mul3A_0 = arith.muli %arg1, %mul3A : i32
    %add3A = arith.addi %mul3A_0, %arg0 : i32
    %mul3A_1 = arith.constant 512 : i32
    %mul3A_2 = arith.muli %add3A, %mul3A_1 : i32
    %add3A_3 = arith.constant 0 : i32
    %add3A_4 = arith.addi %mul3A_2, %add3A_3 : i32
    %dma_start3A = arith.constant 0 : i32
    %dma_start3A_5 = arith.constant 0 : i32
    %dma_start3A_6 = tpu.memref_slice %arg7[%dma_start3A, %dma_start3A_5] : memref<3x32xi32, #tpu.memory_space<vmem>> -> memref<1x32xi32, #tpu.memory_space<vmem>>
    %dma_start3A_7 = tpu.memref_squeeze %dma_start3A_6 : memref<1x32xi32, #tpu.memory_space<vmem>> -> memref<32xi32, #tpu.memory_space<vmem>>
    %dma_start3A_8 = tpu.memref_slice %arg3[%add3A_4] : memref<16384xi32, #tpu.memory_space<hbm>> -> memref<32xi32, #tpu.memory_space<hbm>>
    %dma_start3A_9 = arith.constant 0 : i32
    %dma_start3A_10 = tpu.memref_slice %arg7[%dma_start3A, %dma_start3A_9] : memref<3x32xi32, #tpu.memory_space<vmem>> -> memref<1x32xi32, #tpu.memory_space<vmem>>
    %dma_start3A_11 = tpu.memref_squeeze %dma_start3A_10 : memref<1x32xi32, #tpu.memory_space<vmem>> -> memref<32xi32, #tpu.memory_space<vmem>>
    %dma_start3A_12 = tpu.memref_slice %arg3[%add3A_4] : memref<16384xi32, #tpu.memory_space<hbm>> -> memref<32xi32, #tpu.memory_space<hbm>>
    tpu.enqueue_dma source(%dma_start3A_12 : memref<32xi32, #tpu.memory_space<hbm>>) target(%dma_start3A_11 : memref<32xi32, #tpu.memory_space<vmem>>) target_semaphore(%arg9 : memref<!tpu.dma_semaphore, #tpu.memory_space<semaphore_mem>>)
    %dma_start3A_13 = arith.constant 0 : i32
    %dma_start3A_14 = arith.constant 0 : i32
    %dma_start3A_15 = tpu.memref_slice %arg8[%dma_start3A_13, %dma_start3A_14] : memref<3x32xi32, #tpu.memory_space<vmem>> -> memref<1x32xi32, #tpu.memory_space<vmem>>
    %dma_start3A_16 = tpu.memref_squeeze %dma_start3A_15 : memref<1x32xi32, #tpu.memory_space<vmem>> -> memref<32xi32, #tpu.memory_space<vmem>>
    %dma_start3A_17 = tpu.memref_slice %arg4[%add3A_4] : memref<16384xi32, #tpu.memory_space<hbm>> -> memref<32xi32, #tpu.memory_space<hbm>>
    %dma_start3A_18 = arith.constant 0 : i32
    %dma_start3A_19 = tpu.memref_slice %arg8[%dma_start3A_13, %dma_start3A_18] : memref<3x32xi32, #tpu.memory_space<vmem>> -> memref<1x32xi32, #tpu.memory_space<vmem>>
    %dma_start3A_20 = tpu.memref_squeeze %dma_start3A_19 : memref<1x32xi32, #tpu.memory_space<vmem>> -> memref<32xi32, #tpu.memory_space<vmem>>
    %dma_start3A_21 = tpu.memref_slice %arg4[%add3A_4] : memref<16384xi32, #tpu.memory_space<hbm>> -> memref<32xi32, #tpu.memory_space<hbm>>
    tpu.enqueue_dma source(%dma_start3A_21 : memref<32xi32, #tpu.memory_space<hbm>>) target(%dma_start3A_20 : memref<32xi32, #tpu.memory_space<vmem>>) target_semaphore(%arg9 : memref<!tpu.dma_semaphore, #tpu.memory_space<semaphore_mem>>)
    %dma_start3A_22 = arith.constant 0 : i32
    %dma_start3A_23 = arith.constant 0 : i32
    %dma_start3A_24 = arith.constant 0 : i32
    %dma_start3A_25 = tpu.memref_slice %arg6[%dma_start3A_22, %dma_start3A_23, %dma_start3A_24] : memref<3x32x1024xf32, #tpu.memory_space<vmem>> -> memref<1x32x1024xf32, #tpu.memory_space<vmem>>
    %dma_start3A_26 = tpu.memref_squeeze %dma_start3A_25 : memref<1x32x1024xf32, #tpu.memory_space<vmem>> -> memref<32x1024xf32, #tpu.memory_space<vmem>>
    %dma_start3A_27 = arith.constant 0 : i32
    %dma_start3A_28 = tpu.memref_slice %arg2[%add3A_4, %dma_start3A_27] : memref<16384x1024xf32, #tpu.memory_space<hbm>> -> memref<32x1024xf32, #tpu.memory_space<hbm>>
    %dma_start3A_29 = arith.constant 0 : i32
    %dma_start3A_30 = arith.constant 0 : i32
    %dma_start3A_31 = tpu.memref_slice %arg6[%dma_start3A_22, %dma_start3A_29, %dma_start3A_30] : memref<3x32x1024xf32, #tpu.memory_space<vmem>> -> memref<1x32x1024xf32, #tpu.memory_space<vmem>>
    %dma_start3A_32 = tpu.memref_squeeze %dma_start3A_31 : memref<1x32x1024xf32, #tpu.memory_space<vmem>> -> memref<32x1024xf32, #tpu.memory_space<vmem>>
    %dma_start3A_33 = arith.constant 0 : i32
    %dma_start3A_34 = tpu.memref_slice %arg2[%add3A_4, %dma_start3A_33] : memref<16384x1024xf32, #tpu.memory_space<hbm>> -> memref<32x1024xf32, #tpu.memory_space<hbm>>
    tpu.enqueue_dma source(%dma_start3A_34 : memref<32x1024xf32, #tpu.memory_space<hbm>>) target(%dma_start3A_32 : memref<32x1024xf32, #tpu.memory_space<vmem>>) target_semaphore(%arg9 : memref<!tpu.dma_semaphore, #tpu.memory_space<semaphore_mem>>)
    %add3A_35 = arith.constant 32 : i32
    %add3A_36 = arith.addi %mul3A_2, %add3A_35 : i32
    %dma_start3A_37 = arith.constant 1 : i32
    %dma_start3A_38 = arith.constant 0 : i32
    %dma_start3A_39 = tpu.memref_slice %arg7[%dma_start3A_37, %dma_start3A_38] : memref<3x32xi32, #tpu.memory_space<vmem>> -> memref<1x32xi32, #tpu.memory_space<vmem>>
    %dma_start3A_40 = tpu.memref_squeeze %dma_start3A_39 : memref<1x32xi32, #tpu.memory_space<vmem>> -> memref<32xi32, #tpu.memory_space<vmem>>
    %dma_start3A_41 = tpu.memref_slice %arg3[%add3A_36] : memref<16384xi32, #tpu.memory_space<hbm>> -> memref<32xi32, #tpu.memory_space<hbm>>
    %dma_start3A_42 = arith.constant 0 : i32
    %dma_start3A_43 = tpu.memref_slice %arg7[%dma_start3A_37, %dma_start3A_42] : memref<3x32xi32, #tpu.memory_space<vmem>> -> memref<1x32xi32, #tpu.memory_space<vmem>>
    %dma_start3A_44 = tpu.memref_squeeze %dma_start3A_43 : memref<1x32xi32, #tpu.memory_space<vmem>> -> memref<32xi32, #tpu.memory_space<vmem>>
    %dma_start3A_45 = tpu.memref_slice %arg3[%add3A_36] : memref<16384xi32, #tpu.memory_space<hbm>> -> memref<32xi32, #tpu.memory_space<hbm>>
    tpu.enqueue_dma source(%dma_start3A_45 : memref<32xi32, #tpu.memory_space<hbm>>) target(%dma_start3A_44 : memref<32xi32, #tpu.memory_space<vmem>>) target_semaphore(%arg10 : memref<!tpu.dma_semaphore, #tpu.memory_space<semaphore_mem>>)
    %dma_start3A_46 = arith.constant 1 : i32
    %dma_start3A_47 = arith.constant 0 : i32
    %dma_start3A_48 = tpu.memref_slice %arg8[%dma_start3A_46, %dma_start3A_47] : memref<3x32xi32, #tpu.memory_space<vmem>> -> memref<1x32xi32, #tpu.memory_space<vmem>>
    %dma_start3A_49 = tpu.memref_squeeze %dma_start3A_48 : memref<1x32xi32, #tpu.memory_space<vmem>> -> memref<32xi32, #tpu.memory_space<vmem>>
    %dma_start3A_50 = tpu.memref_slice %arg4[%add3A_36] : memref<16384xi32, #tpu.memory_space<hbm>> -> memref<32xi32, #tpu.memory_space<hbm>>
    %dma_start3A_51 = arith.constant 0 : i32
    %dma_start3A_52 = tpu.memref_slice %arg8[%dma_start3A_46, %dma_start3A_51] : memref<3x32xi32, #tpu.memory_space<vmem>> -> memref<1x32xi32, #tpu.memory_space<vmem>>
    %dma_start3A_53 = tpu.memref_squeeze %dma_start3A_52 : memref<1x32xi32, #tpu.memory_space<vmem>> -> memref<32xi32, #tpu.memory_space<vmem>>
    %dma_start3A_54 = tpu.memref_slice %arg4[%add3A_36] : memref<16384xi32, #tpu.memory_space<hbm>> -> memref<32xi32, #tpu.memory_space<hbm>>
    tpu.enqueue_dma source(%dma_start3A_54 : memref<32xi32, #tpu.memory_space<hbm>>) target(%dma_start3A_53 : memref<32xi32, #tpu.memory_space<vmem>>) target_semaphore(%arg10 : memref<!tpu.dma_semaphore, #tpu.memory_space<semaphore_mem>>)
    %dma_start3A_55 = arith.constant 1 : i32
    %dma_start3A_56 = arith.constant 0 : i32
    %dma_start3A_57 = arith.constant 0 : i32
    %dma_start3A_58 = tpu.memref_slice %arg6[%dma_start3A_55, %dma_start3A_56, %dma_start3A_57] : memref<3x32x1024xf32, #tpu.memory_space<vmem>> -> memref<1x32x1024xf32, #tpu.memory_space<vmem>>
    %dma_start3A_59 = tpu.memref_squeeze %dma_start3A_58 : memref<1x32x1024xf32, #tpu.memory_space<vmem>> -> memref<32x1024xf32, #tpu.memory_space<vmem>>
    %dma_start3A_60 = arith.constant 0 : i32
    %dma_start3A_61 = tpu.memref_slice %arg2[%add3A_36, %dma_start3A_60] : memref<16384x1024xf32, #tpu.memory_space<hbm>> -> memref<32x1024xf32, #tpu.memory_space<hbm>>
    %dma_start3A_62 = arith.constant 0 : i32
    %dma_start3A_63 = arith.constant 0 : i32
    %dma_start3A_64 = tpu.memref_slice %arg6[%dma_start3A_55, %dma_start3A_62, %dma_start3A_63] : memref<3x32x1024xf32, #tpu.memory_space<vmem>> -> memref<1x32x1024xf32, #tpu.memory_space<vmem>>
    %dma_start3A_65 = tpu.memref_squeeze %dma_start3A_64 : memref<1x32x1024xf32, #tpu.memory_space<vmem>> -> memref<32x1024xf32, #tpu.memory_space<vmem>>
    %dma_start3A_66 = arith.constant 0 : i32
    %dma_start3A_67 = tpu.memref_slice %arg2[%add3A_36, %dma_start3A_66] : memref<16384x1024xf32, #tpu.memory_space<hbm>> -> memref<32x1024xf32, #tpu.memory_space<hbm>>
    tpu.enqueue_dma source(%dma_start3A_67 : memref<32x1024xf32, #tpu.memory_space<hbm>>) target(%dma_start3A_65 : memref<32x1024xf32, #tpu.memory_space<vmem>>) target_semaphore(%arg10 : memref<!tpu.dma_semaphore, #tpu.memory_space<semaphore_mem>>)
    %dma_wait3A = arith.constant 0 : i32
    %dma_wait3A_68 = arith.constant 0 : i32
    %dma_wait3A_69 = tpu.memref_slice %arg7[%dma_wait3A, %dma_wait3A_68] : memref<3x32xi32, #tpu.memory_space<vmem>> -> memref<1x32xi32, #tpu.memory_space<vmem>>
    %dma_wait3A_70 = tpu.memref_squeeze %dma_wait3A_69 : memref<1x32xi32, #tpu.memory_space<vmem>> -> memref<32xi32, #tpu.memory_space<vmem>>
    %dma_wait3A_71 = tpu.memref_slice %arg3[%add3A_4] : memref<16384xi32, #tpu.memory_space<hbm>> -> memref<32xi32, #tpu.memory_space<hbm>>
    %dma_wait3A_72 = arith.constant 0 : i32
    %dma_wait3A_73 = tpu.memref_slice %arg7[%dma_wait3A, %dma_wait3A_72] : memref<3x32xi32, #tpu.memory_space<vmem>> -> memref<1x32xi32, #tpu.memory_space<vmem>>
    %dma_wait3A_74 = tpu.memref_squeeze %dma_wait3A_73 : memref<1x32xi32, #tpu.memory_space<vmem>> -> memref<32xi32, #tpu.memory_space<vmem>>
    %dma_wait3A_75 = tpu.memref_slice %arg3[%add3A_4] : memref<16384xi32, #tpu.memory_space<hbm>> -> memref<32xi32, #tpu.memory_space<hbm>>
    tpu.wait_dma2 semaphore(%arg9 : memref<!tpu.dma_semaphore, #tpu.memory_space<semaphore_mem>>) src(%dma_wait3A_75 : memref<32xi32, #tpu.memory_space<hbm>>) dst(%dma_wait3A_74 : memref<32xi32, #tpu.memory_space<vmem>>)
    %dma_wait3A_76 = arith.constant 0 : i32
    %dma_wait3A_77 = arith.constant 0 : i32
    %dma_wait3A_78 = tpu.memref_slice %arg8[%dma_wait3A_76, %dma_wait3A_77] : memref<3x32xi32, #tpu.memory_space<vmem>> -> memref<1x32xi32, #tpu.memory_space<vmem>>
    %dma_wait3A_79 = tpu.memref_squeeze %dma_wait3A_78 : memref<1x32xi32, #tpu.memory_space<vmem>> -> memref<32xi32, #tpu.memory_space<vmem>>
    %dma_wait3A_80 = tpu.memref_slice %arg4[%add3A_4] : memref<16384xi32, #tpu.memory_space<hbm>> -> memref<32xi32, #tpu.memory_space<hbm>>
    %dma_wait3A_81 = arith.constant 0 : i32
    %dma_wait3A_82 = tpu.memref_slice %arg8[%dma_wait3A_76, %dma_wait3A_81] : memref<3x32xi32, #tpu.memory_space<vmem>> -> memref<1x32xi32, #tpu.memory_space<vmem>>
    %dma_wait3A_83 = tpu.memref_squeeze %dma_wait3A_82 : memref<1x32xi32, #tpu.memory_space<vmem>> -> memref<32xi32, #tpu.memory_space<vmem>>
    %dma_wait3A_84 = tpu.memref_slice %arg4[%add3A_4] : memref<16384xi32, #tpu.memory_space<hbm>> -> memref<32xi32, #tpu.memory_space<hbm>>
    tpu.wait_dma2 semaphore(%arg9 : memref<!tpu.dma_semaphore, #tpu.memory_space<semaphore_mem>>) src(%dma_wait3A_84 : memref<32xi32, #tpu.memory_space<hbm>>) dst(%dma_wait3A_83 : memref<32xi32, #tpu.memory_space<vmem>>)
    %dma_wait3A_85 = arith.constant 0 : i32
    %dma_wait3A_86 = arith.constant 0 : i32
    %dma_wait3A_87 = arith.constant 0 : i32
    %dma_wait3A_88 = tpu.memref_slice %arg6[%dma_wait3A_85, %dma_wait3A_86, %dma_wait3A_87] : memref<3x32x1024xf32, #tpu.memory_space<vmem>> -> memref<1x32x1024xf32, #tpu.memory_space<vmem>>
    %dma_wait3A_89 = tpu.memref_squeeze %dma_wait3A_88 : memref<1x32x1024xf32, #tpu.memory_space<vmem>> -> memref<32x1024xf32, #tpu.memory_space<vmem>>
    %dma_wait3A_90 = arith.constant 0 : i32
    %dma_wait3A_91 = tpu.memref_slice %arg2[%add3A_4, %dma_wait3A_90] : memref<16384x1024xf32, #tpu.memory_space<hbm>> -> memref<32x1024xf32, #tpu.memory_space<hbm>>
    %dma_wait3A_92 = arith.constant 0 : i32
    %dma_wait3A_93 = arith.constant 0 : i32
    %dma_wait3A_94 = tpu.memref_slice %arg6[%dma_wait3A_85, %dma_wait3A_92, %dma_wait3A_93] : memref<3x32x1024xf32, #tpu.memory_space<vmem>> -> memref<1x32x1024xf32, #tpu.memory_space<vmem>>
    %dma_wait3A_95 = tpu.memref_squeeze %dma_wait3A_94 : memref<1x32x1024xf32, #tpu.memory_space<vmem>> -> memref<32x1024xf32, #tpu.memory_space<vmem>>
    %dma_wait3A_96 = arith.constant 0 : i32
    %dma_wait3A_97 = tpu.memref_slice %arg2[%add3A_4, %dma_wait3A_96] : memref<16384x1024xf32, #tpu.memory_space<hbm>> -> memref<32x1024xf32, #tpu.memory_space<hbm>>
    tpu.wait_dma2 semaphore(%arg9 : memref<!tpu.dma_semaphore, #tpu.memory_space<semaphore_mem>>) src(%dma_wait3A_97 : memref<32x1024xf32, #tpu.memory_space<hbm>>) dst(%dma_wait3A_95 : memref<32x1024xf32, #tpu.memory_space<vmem>>)
    %dma_start3A_98 = arith.constant 0 : i32
    %dma_start3A_99 = arith.constant 0 : i32
    %dma_start3A_100 = arith.constant 0 : i32
    %dma_start3A_101 = arith.constant 0 : i32
    %dma_start3A_102 = tpu.memref_slice %arg6[%dma_start3A_98, %dma_start3A_100, %dma_start3A_101] : memref<3x32x1024xf32, #tpu.memory_space<vmem>> -> memref<1x32x1024xf32, #tpu.memory_space<vmem>>
    %dma_start3A_103 = tpu.memref_squeeze %dma_start3A_102 : memref<1x32x1024xf32, #tpu.memory_space<vmem>> -> memref<32x1024xf32, #tpu.memory_space<vmem>>
    %dma_start3A_104 = arith.constant 0 : i32
    %dma_start3A_105 = tpu.memref_slice %arg7[%dma_start3A_99, %dma_start3A_104] : memref<3x32xi32, #tpu.memory_space<vmem>> -> memref<1x32xi32, #tpu.memory_space<vmem>>
    %dma_start3A_106 = tpu.memref_squeeze %dma_start3A_105 : memref<1x32xi32, #tpu.memory_space<vmem>> -> memref<32xi32, #tpu.memory_space<vmem>>
    %dma_start3A_107 = arith.constant 0 : i32
    %dma_start3A_108 = arith.constant 0 : i32
    %dma_start3A_109 = tpu.memref_slice %arg5[%dma_start3A_107, %dma_start3A_108] : memref<32768x1024xf32, #tpu.memory_space<hbm>> -> memref<32768x1024xf32, #tpu.memory_space<hbm>>
    tpu.enqueue_indirect_dma source(%dma_start3A_103 : memref<32x1024xf32, #tpu.memory_space<vmem>>) target(%dma_start3A_109 : memref<32768x1024xf32, #tpu.memory_space<hbm>>) offsets(%dma_start3A_106 : memref<32xi32, #tpu.memory_space<vmem>>) semaphore(%arg12 : memref<!tpu.dma_semaphore, #tpu.memory_space<semaphore_mem>>)
    %dma_start3A_110 = arith.constant 0 : i32
    %dma_start3A_111 = arith.constant 0 : i32
    %dma_start3A_112 = arith.constant 0 : i32
    %dma_start3A_113 = arith.constant 0 : i32
    %dma_start3A_114 = tpu.memref_slice %arg6[%dma_start3A_110, %dma_start3A_112, %dma_start3A_113] : memref<3x32x1024xf32, #tpu.memory_space<vmem>> -> memref<1x32x1024xf32, #tpu.memory_space<vmem>>
    %dma_start3A_115 = tpu.memref_squeeze %dma_start3A_114 : memref<1x32x1024xf32, #tpu.memory_space<vmem>> -> memref<32x1024xf32, #tpu.memory_space<vmem>>
    %dma_start3A_116 = arith.constant 0 : i32
    %dma_start3A_117 = tpu.memref_slice %arg8[%dma_start3A_111, %dma_start3A_116] : memref<3x32xi32, #tpu.memory_space<vmem>> -> memref<1x32xi32, #tpu.memory_space<vmem>>
    %dma_start3A_118 = tpu.memref_squeeze %dma_start3A_117 : memref<1x32xi32, #tpu.memory_space<vmem>> -> memref<32xi32, #tpu.memory_space<vmem>>
    %dma_start3A_119 = arith.constant 0 : i32
    %dma_start3A_120 = arith.constant 0 : i32
    %dma_start3A_121 = tpu.memref_slice %arg5[%dma_start3A_119, %dma_start3A_120] : memref<32768x1024xf32, #tpu.memory_space<hbm>> -> memref<32768x1024xf32, #tpu.memory_space<hbm>>
    tpu.enqueue_indirect_dma source(%dma_start3A_115 : memref<32x1024xf32, #tpu.memory_space<vmem>>) target(%dma_start3A_121 : memref<32768x1024xf32, #tpu.memory_space<hbm>>) offsets(%dma_start3A_118 : memref<32xi32, #tpu.memory_space<vmem>>) semaphore(%arg12 : memref<!tpu.dma_semaphore, #tpu.memory_space<semaphore_mem>>)
    %add3A_122 = arith.constant 64 : i32
    %add3A_123 = arith.addi %mul3A_2, %add3A_122 : i32
    %dma_start3A_124 = arith.constant 2 : i32
    %dma_start3A_125 = arith.constant 0 : i32
    %dma_start3A_126 = tpu.memref_slice %arg7[%dma_start3A_124, %dma_start3A_125] : memref<3x32xi32, #tpu.memory_space<vmem>> -> memref<1x32xi32, #tpu.memory_space<vmem>>
    %dma_start3A_127 = tpu.memref_squeeze %dma_start3A_126 : memref<1x32xi32, #tpu.memory_space<vmem>> -> memref<32xi32, #tpu.memory_space<vmem>>
    %dma_start3A_128 = tpu.memref_slice %arg3[%add3A_123] : memref<16384xi32, #tpu.memory_space<hbm>> -> memref<32xi32, #tpu.memory_space<hbm>>
    %dma_start3A_129 = arith.constant 0 : i32
    %dma_start3A_130 = tpu.memref_slice %arg7[%dma_start3A_124, %dma_start3A_129] : memref<3x32xi32, #tpu.memory_space<vmem>> -> memref<1x32xi32, #tpu.memory_space<vmem>>
    %dma_start3A_131 = tpu.memref_squeeze %dma_start3A_130 : memref<1x32xi32, #tpu.memory_space<vmem>> -> memref<32xi32, #tpu.memory_space<vmem>>
    %dma_start3A_132 = tpu.memref_slice %arg3[%add3A_123] : memref<16384xi32, #tpu.memory_space<hbm>> -> memref<32xi32, #tpu.memory_space<hbm>>
    tpu.enqueue_dma source(%dma_start3A_132 : memref<32xi32, #tpu.memory_space<hbm>>) target(%dma_start3A_131 : memref<32xi32, #tpu.memory_space<vmem>>) target_semaphore(%arg11 : memref<!tpu.dma_semaphore, #tpu.memory_space<semaphore_mem>>)
    %dma_start3A_133 = arith.constant 2 : i32
    %dma_start3A_134 = arith.constant 0 : i32
    %dma_start3A_135 = tpu.memref_slice %arg8[%dma_start3A_133, %dma_start3A_134] : memref<3x32xi32, #tpu.memory_space<vmem>> -> memref<1x32xi32, #tpu.memory_space<vmem>>
    %dma_start3A_136 = tpu.memref_squeeze %dma_start3A_135 : memref<1x32xi32, #tpu.memory_space<vmem>> -> memref<32xi32, #tpu.memory_space<vmem>>
    %dma_start3A_137 = tpu.memref_slice %arg4[%add3A_123] : memref<16384xi32, #tpu.memory_space<hbm>> -> memref<32xi32, #tpu.memory_space<hbm>>
    %dma_start3A_138 = arith.constant 0 : i32
    %dma_start3A_139 = tpu.memref_slice %arg8[%dma_start3A_133, %dma_start3A_138] : memref<3x32xi32, #tpu.memory_space<vmem>> -> memref<1x32xi32, #tpu.memory_space<vmem>>
    %dma_start3A_140 = tpu.memref_squeeze %dma_start3A_139 : memref<1x32xi32, #tpu.memory_space<vmem>> -> memref<32xi32, #tpu.memory_space<vmem>>
    %dma_start3A_141 = tpu.memref_slice %arg4[%add3A_123] : memref<16384xi32, #tpu.memory_space<hbm>> -> memref<32xi32, #tpu.memory_space<hbm>>
    tpu.enqueue_dma source(%dma_start3A_141 : memref<32xi32, #tpu.memory_space<hbm>>) target(%dma_start3A_140 : memref<32xi32, #tpu.memory_space<vmem>>) target_semaphore(%arg11 : memref<!tpu.dma_semaphore, #tpu.memory_space<semaphore_mem>>)
    %dma_start3A_142 = arith.constant 2 : i32
    %dma_start3A_143 = arith.constant 0 : i32
    %dma_start3A_144 = arith.constant 0 : i32
    %dma_start3A_145 = tpu.memref_slice %arg6[%dma_start3A_142, %dma_start3A_143, %dma_start3A_144] : memref<3x32x1024xf32, #tpu.memory_space<vmem>> -> memref<1x32x1024xf32, #tpu.memory_space<vmem>>
    %dma_start3A_146 = tpu.memref_squeeze %dma_start3A_145 : memref<1x32x1024xf32, #tpu.memory_space<vmem>> -> memref<32x1024xf32, #tpu.memory_space<vmem>>
    %dma_start3A_147 = arith.constant 0 : i32
    %dma_start3A_148 = tpu.memref_slice %arg2[%add3A_123, %dma_start3A_147] : memref<16384x1024xf32, #tpu.memory_space<hbm>> -> memref<32x1024xf32, #tpu.memory_space<hbm>>
    %dma_start3A_149 = arith.constant 0 : i32
    %dma_start3A_150 = arith.constant 0 : i32
    %dma_start3A_151 = tpu.memref_slice %arg6[%dma_start3A_142, %dma_start3A_149, %dma_start3A_150] : memref<3x32x1024xf32, #tpu.memory_space<vmem>> -> memref<1x32x1024xf32, #tpu.memory_space<vmem>>
    %dma_start3A_152 = tpu.memref_squeeze %dma_start3A_151 : memref<1x32x1024xf32, #tpu.memory_space<vmem>> -> memref<32x1024xf32, #tpu.memory_space<vmem>>
    %dma_start3A_153 = arith.constant 0 : i32
    %dma_start3A_154 = tpu.memref_slice %arg2[%add3A_123, %dma_start3A_153] : memref<16384x1024xf32, #tpu.memory_space<hbm>> -> memref<32x1024xf32, #tpu.memory_space<hbm>>
    tpu.enqueue_dma source(%dma_start3A_154 : memref<32x1024xf32, #tpu.memory_space<hbm>>) target(%dma_start3A_152 : memref<32x1024xf32, #tpu.memory_space<vmem>>) target_semaphore(%arg11 : memref<!tpu.dma_semaphore, #tpu.memory_space<semaphore_mem>>)
    %dma_wait3A_155 = arith.constant 1 : i32
    %dma_wait3A_156 = arith.constant 0 : i32
    %dma_wait3A_157 = tpu.memref_slice %arg7[%dma_wait3A_155, %dma_wait3A_156] : memref<3x32xi32, #tpu.memory_space<vmem>> -> memref<1x32xi32, #tpu.memory_space<vmem>>
    %dma_wait3A_158 = tpu.memref_squeeze %dma_wait3A_157 : memref<1x32xi32, #tpu.memory_space<vmem>> -> memref<32xi32, #tpu.memory_space<vmem>>
    %dma_wait3A_159 = tpu.memref_slice %arg3[%add3A_36] : memref<16384xi32, #tpu.memory_space<hbm>> -> memref<32xi32, #tpu.memory_space<hbm>>
    %dma_wait3A_160 = arith.constant 0 : i32
    %dma_wait3A_161 = tpu.memref_slice %arg7[%dma_wait3A_155, %dma_wait3A_160] : memref<3x32xi32, #tpu.memory_space<vmem>> -> memref<1x32xi32, #tpu.memory_space<vmem>>
    %dma_wait3A_162 = tpu.memref_squeeze %dma_wait3A_161 : memref<1x32xi32, #tpu.memory_space<vmem>> -> memref<32xi32, #tpu.memory_space<vmem>>
    %dma_wait3A_163 = tpu.memref_slice %arg3[%add3A_36] : memref<16384xi32, #tpu.memory_space<hbm>> -> memref<32xi32, #tpu.memory_space<hbm>>
    tpu.wait_dma2 semaphore(%arg10 : memref<!tpu.dma_semaphore, #tpu.memory_space<semaphore_mem>>) src(%dma_wait3A_163 : memref<32xi32, #tpu.memory_space<hbm>>) dst(%dma_wait3A_162 : memref<32xi32, #tpu.memory_space<vmem>>)
    %dma_wait3A_164 = arith.constant 1 : i32
    %dma_wait3A_165 = arith.constant 0 : i32
    %dma_wait3A_166 = tpu.memref_slice %arg8[%dma_wait3A_164, %dma_wait3A_165] : memref<3x32xi32, #tpu.memory_space<vmem>> -> memref<1x32xi32, #tpu.memory_space<vmem>>
    %dma_wait3A_167 = tpu.memref_squeeze %dma_wait3A_166 : memref<1x32xi32, #tpu.memory_space<vmem>> -> memref<32xi32, #tpu.memory_space<vmem>>
    %dma_wait3A_168 = tpu.memref_slice %arg4[%add3A_36] : memref<16384xi32, #tpu.memory_space<hbm>> -> memref<32xi32, #tpu.memory_space<hbm>>
    %dma_wait3A_169 = arith.constant 0 : i32
    %dma_wait3A_170 = tpu.memref_slice %arg8[%dma_wait3A_164, %dma_wait3A_169] : memref<3x32xi32, #tpu.memory_space<vmem>> -> memref<1x32xi32, #tpu.memory_space<vmem>>
    %dma_wait3A_171 = tpu.memref_squeeze %dma_wait3A_170 : memref<1x32xi32, #tpu.memory_space<vmem>> -> memref<32xi32, #tpu.memory_space<vmem>>
    %dma_wait3A_172 = tpu.memref_slice %arg4[%add3A_36] : memref<16384xi32, #tpu.memory_space<hbm>> -> memref<32xi32, #tpu.memory_space<hbm>>
    tpu.wait_dma2 semaphore(%arg10 : memref<!tpu.dma_semaphore, #tpu.memory_space<semaphore_mem>>) src(%dma_wait3A_172 : memref<32xi32, #tpu.memory_space<hbm>>) dst(%dma_wait3A_171 : memref<32xi32, #tpu.memory_space<vmem>>)
    %dma_wait3A_173 = arith.constant 1 : i32
    %dma_wait3A_174 = arith.constant 0 : i32
    %dma_wait3A_175 = arith.constant 0 : i32
    %dma_wait3A_176 = tpu.memref_slice %arg6[%dma_wait3A_173, %dma_wait3A_174, %dma_wait3A_175] : memref<3x32x1024xf32, #tpu.memory_space<vmem>> -> memref<1x32x1024xf32, #tpu.memory_space<vmem>>
    %dma_wait3A_177 = tpu.memref_squeeze %dma_wait3A_176 : memref<1x32x1024xf32, #tpu.memory_space<vmem>> -> memref<32x1024xf32, #tpu.memory_space<vmem>>
    %dma_wait3A_178 = arith.constant 0 : i32
    %dma_wait3A_179 = tpu.memref_slice %arg2[%add3A_36, %dma_wait3A_178] : memref<16384x1024xf32, #tpu.memory_space<hbm>> -> memref<32x1024xf32, #tpu.memory_space<hbm>>
    %dma_wait3A_180 = arith.constant 0 : i32
    %dma_wait3A_181 = arith.constant 0 : i32
    %dma_wait3A_182 = tpu.memref_slice %arg6[%dma_wait3A_173, %dma_wait3A_180, %dma_wait3A_181] : memref<3x32x1024xf32, #tpu.memory_space<vmem>> -> memref<1x32x1024xf32, #tpu.memory_space<vmem>>
    %dma_wait3A_183 = tpu.memref_squeeze %dma_wait3A_182 : memref<1x32x1024xf32, #tpu.memory_space<vmem>> -> memref<32x1024xf32, #tpu.memory_space<vmem>>
    %dma_wait3A_184 = arith.constant 0 : i32
    %dma_wait3A_185 = tpu.memref_slice %arg2[%add3A_36, %dma_wait3A_184] : memref<16384x1024xf32, #tpu.memory_space<hbm>> -> memref<32x1024xf32, #tpu.memory_space<hbm>>
    tpu.wait_dma2 semaphore(%arg10 : memref<!tpu.dma_semaphore, #tpu.memory_space<semaphore_mem>>) src(%dma_wait3A_185 : memref<32x1024xf32, #tpu.memory_space<hbm>>) dst(%dma_wait3A_183 : memref<32x1024xf32, #tpu.memory_space<vmem>>)
    %dma_start3A_186 = arith.constant 1 : i32
    %dma_start3A_187 = arith.constant 1 : i32
    %dma_start3A_188 = arith.constant 0 : i32
    %dma_start3A_189 = arith.constant 0 : i32
    %dma_start3A_190 = tpu.memref_slice %arg6[%dma_start3A_186, %dma_start3A_188, %dma_start3A_189] : memref<3x32x1024xf32, #tpu.memory_space<vmem>> -> memref<1x32x1024xf32, #tpu.memory_space<vmem>>
    %dma_start3A_191 = tpu.memref_squeeze %dma_start3A_190 : memref<1x32x1024xf32, #tpu.memory_space<vmem>> -> memref<32x1024xf32, #tpu.memory_space<vmem>>
    %dma_start3A_192 = arith.constant 0 : i32
    %dma_start3A_193 = tpu.memref_slice %arg7[%dma_start3A_187, %dma_start3A_192] : memref<3x32xi32, #tpu.memory_space<vmem>> -> memref<1x32xi32, #tpu.memory_space<vmem>>
    %dma_start3A_194 = tpu.memref_squeeze %dma_start3A_193 : memref<1x32xi32, #tpu.memory_space<vmem>> -> memref<32xi32, #tpu.memory_space<vmem>>
    %dma_start3A_195 = arith.constant 0 : i32
    %dma_start3A_196 = arith.constant 0 : i32
    %dma_start3A_197 = tpu.memref_slice %arg5[%dma_start3A_195, %dma_start3A_196] : memref<32768x1024xf32, #tpu.memory_space<hbm>> -> memref<32768x1024xf32, #tpu.memory_space<hbm>>
    tpu.enqueue_indirect_dma source(%dma_start3A_191 : memref<32x1024xf32, #tpu.memory_space<vmem>>) target(%dma_start3A_197 : memref<32768x1024xf32, #tpu.memory_space<hbm>>) offsets(%dma_start3A_194 : memref<32xi32, #tpu.memory_space<vmem>>) semaphore(%arg13 : memref<!tpu.dma_semaphore, #tpu.memory_space<semaphore_mem>>)
    %dma_start3A_198 = arith.constant 1 : i32
    %dma_start3A_199 = arith.constant 1 : i32
    %dma_start3A_200 = arith.constant 0 : i32
    %dma_start3A_201 = arith.constant 0 : i32
    %dma_start3A_202 = tpu.memref_slice %arg6[%dma_start3A_198, %dma_start3A_200, %dma_start3A_201] : memref<3x32x1024xf32, #tpu.memory_space<vmem>> -> memref<1x32x1024xf32, #tpu.memory_space<vmem>>
    %dma_start3A_203 = tpu.memref_squeeze %dma_start3A_202 : memref<1x32x1024xf32, #tpu.memory_space<vmem>> -> memref<32x1024xf32, #tpu.memory_space<vmem>>
    %dma_start3A_204 = arith.constant 0 : i32
    %dma_start3A_205 = tpu.memref_slice %arg8[%dma_start3A_199, %dma_start3A_204] : memref<3x32xi32, #tpu.memory_space<vmem>> -> memref<1x32xi32, #tpu.memory_space<vmem>>
    %dma_start3A_206 = tpu.memref_squeeze %dma_start3A_205 : memref<1x32xi32, #tpu.memory_space<vmem>> -> memref<32xi32, #tpu.memory_space<vmem>>
    %dma_start3A_207 = arith.constant 0 : i32
    %dma_start3A_208 = arith.constant 0 : i32
    %dma_start3A_209 = tpu.memref_slice %arg5[%dma_start3A_207, %dma_start3A_208] : memref<32768x1024xf32, #tpu.memory_space<hbm>> -> memref<32768x1024xf32, #tpu.memory_space<hbm>>
    tpu.enqueue_indirect_dma source(%dma_start3A_203 : memref<32x1024xf32, #tpu.memory_space<vmem>>) target(%dma_start3A_209 : memref<32768x1024xf32, #tpu.memory_space<hbm>>) offsets(%dma_start3A_206 : memref<32xi32, #tpu.memory_space<vmem>>) semaphore(%arg13 : memref<!tpu.dma_semaphore, #tpu.memory_space<semaphore_mem>>)
    %dma_wait3A_210 = arith.constant 0 : i32
    %dma_wait3A_211 = arith.constant 0 : i32
    %dma_wait3A_212 = arith.constant 0 : i32
    %dma_wait3A_213 = arith.constant 0 : i32
    %dma_wait3A_214 = tpu.memref_slice %arg6[%dma_wait3A_210, %dma_wait3A_212, %dma_wait3A_213] : memref<3x32x1024xf32, #tpu.memory_space<vmem>> -> memref<1x32x1024xf32, #tpu.memory_space<vmem>>
    %dma_wait3A_215 = tpu.memref_squeeze %dma_wait3A_214 : memref<1x32x1024xf32, #tpu.memory_space<vmem>> -> memref<32x1024xf32, #tpu.memory_space<vmem>>
    %dma_wait3A_216 = arith.constant 0 : i32
    %dma_wait3A_217 = tpu.memref_slice %arg7[%dma_wait3A_211, %dma_wait3A_216] : memref<3x32xi32, #tpu.memory_space<vmem>> -> memref<1x32xi32, #tpu.memory_space<vmem>>
    %dma_wait3A_218 = tpu.memref_squeeze %dma_wait3A_217 : memref<1x32xi32, #tpu.memory_space<vmem>> -> memref<32xi32, #tpu.memory_space<vmem>>
    %dma_wait3A_219 = arith.constant 0 : i32
    %dma_wait3A_220 = arith.constant 0 : i32
    %dma_wait3A_221 = tpu.memref_slice %arg5[%dma_wait3A_219, %dma_wait3A_220] : memref<32768x1024xf32, #tpu.memory_space<hbm>> -> memref<32768x1024xf32, #tpu.memory_space<hbm>>
    tpu.wait_indirect_dma semaphore(%arg12 : memref<!tpu.dma_semaphore, #tpu.memory_space<semaphore_mem>>) src(%dma_wait3A_215 : memref<32x1024xf32, #tpu.memory_space<vmem>>) dst(%dma_wait3A_221 : memref<32768x1024xf32, #tpu.memory_space<hbm>>)
    %dma_wait3A_222 = arith.constant 0 : i32
    %dma_wait3A_223 = arith.constant 0 : i32
    %dma_wait3A_224 = arith.constant 0 : i32
    %dma_wait3A_225 = arith.constant 0 : i32
    %dma_wait3A_226 = tpu.memref_slice %arg6[%dma_wait3A_222, %dma_wait3A_224, %dma_wait3A_225] : memref<3x32x1024xf32, #tpu.memory_space<vmem>> -> memref<1x32x1024xf32, #tpu.memory_space<vmem>>
    %dma_wait3A_227 = tpu.memref_squeeze %dma_wait3A_226 : memref<1x32x1024xf32, #tpu.memory_space<vmem>> -> memref<32x1024xf32, #tpu.memory_space<vmem>>
    %dma_wait3A_228 = arith.constant 0 : i32
    %dma_wait3A_229 = tpu.memref_slice %arg8[%dma_wait3A_223, %dma_wait3A_228] : memref<3x32xi32, #tpu.memory_space<vmem>> -> memref<1x32xi32, #tpu.memory_space<vmem>>
    %dma_wait3A_230 = tpu.memref_squeeze %dma_wait3A_229 : memref<1x32xi32, #tpu.memory_space<vmem>> -> memref<32xi32, #tpu.memory_space<vmem>>
    %dma_wait3A_231 = arith.constant 0 : i32
    %dma_wait3A_232 = arith.constant 0 : i32
    %dma_wait3A_233 = tpu.memref_slice %arg5[%dma_wait3A_231, %dma_wait3A_232] : memref<32768x1024xf32, #tpu.memory_space<hbm>> -> memref<32768x1024xf32, #tpu.memory_space<hbm>>
    tpu.wait_indirect_dma semaphore(%arg12 : memref<!tpu.dma_semaphore, #tpu.memory_space<semaphore_mem>>) src(%dma_wait3A_227 : memref<32x1024xf32, #tpu.memory_space<vmem>>) dst(%dma_wait3A_233 : memref<32768x1024xf32, #tpu.memory_space<hbm>>)
    %add3A_234 = arith.constant 96 : i32
    %add3A_235 = arith.addi %mul3A_2, %add3A_234 : i32
    %dma_start3A_236 = arith.constant 0 : i32
    %dma_start3A_237 = arith.constant 0 : i32
    %dma_start3A_238 = tpu.memref_slice %arg7[%dma_start3A_236, %dma_start3A_237] : memref<3x32xi32, #tpu.memory_space<vmem>> -> memref<1x32xi32, #tpu.memory_space<vmem>>
    %dma_start3A_239 = tpu.memref_squeeze %dma_start3A_238 : memref<1x32xi32, #tpu.memory_space<vmem>> -> memref<32xi32, #tpu.memory_space<vmem>>
    %dma_start3A_240 = tpu.memref_slice %arg3[%add3A_235] : memref<16384xi32, #tpu.memory_space<hbm>> -> memref<32xi32, #tpu.memory_space<hbm>>
    %dma_start3A_241 = arith.constant 0 : i32
    %dma_start3A_242 = tpu.memref_slice %arg7[%dma_start3A_236, %dma_start3A_241] : memref<3x32xi32, #tpu.memory_space<vmem>> -> memref<1x32xi32, #tpu.memory_space<vmem>>
    %dma_start3A_243 = tpu.memref_squeeze %dma_start3A_242 : memref<1x32xi32, #tpu.memory_space<vmem>> -> memref<32xi32, #tpu.memory_space<vmem>>
    %dma_start3A_244 = tpu.memref_slice %arg3[%add3A_235] : memref<16384xi32, #tpu.memory_space<hbm>> -> memref<32xi32, #tpu.memory_space<hbm>>
    tpu.enqueue_dma source(%dma_start3A_244 : memref<32xi32, #tpu.memory_space<hbm>>) target(%dma_start3A_243 : memref<32xi32, #tpu.memory_space<vmem>>) target_semaphore(%arg9 : memref<!tpu.dma_semaphore, #tpu.memory_space<semaphore_mem>>)
    %dma_start3A_245 = arith.constant 0 : i32
    %dma_start3A_246 = arith.constant 0 : i32
    %dma_start3A_247 = tpu.memref_slice %arg8[%dma_start3A_245, %dma_start3A_246] : memref<3x32xi32, #tpu.memory_space<vmem>> -> memref<1x32xi32, #tpu.memory_space<vmem>>
    %dma_start3A_248 = tpu.memref_squeeze %dma_start3A_247 : memref<1x32xi32, #tpu.memory_space<vmem>> -> memref<32xi32, #tpu.memory_space<vmem>>
    %dma_start3A_249 = tpu.memref_slice %arg4[%add3A_235] : memref<16384xi32, #tpu.memory_space<hbm>> -> memref<32xi32, #tpu.memory_space<hbm>>
    %dma_start3A_250 = arith.constant 0 : i32
    %dma_start3A_251 = tpu.memref_slice %arg8[%dma_start3A_245, %dma_start3A_250] : memref<3x32xi32, #tpu.memory_space<vmem>> -> memref<1x32xi32, #tpu.memory_space<vmem>>
    %dma_start3A_252 = tpu.memref_squeeze %dma_start3A_251 : memref<1x32xi32, #tpu.memory_space<vmem>> -> memref<32xi32, #tpu.memory_space<vmem>>
    %dma_start3A_253 = tpu.memref_slice %arg4[%add3A_235] : memref<16384xi32, #tpu.memory_space<hbm>> -> memref<32xi32, #tpu.memory_space<hbm>>
    tpu.enqueue_dma source(%dma_start3A_253 : memref<32xi32, #tpu.memory_space<hbm>>) target(%dma_start3A_252 : memref<32xi32, #tpu.memory_space<vmem>>) target_semaphore(%arg9 : memref<!tpu.dma_semaphore, #tpu.memory_space<semaphore_mem>>)
    %dma_start3A_254 = arith.constant 0 : i32
    %dma_start3A_255 = arith.constant 0 : i32
    %dma_start3A_256 = arith.constant 0 : i32
    %dma_start3A_257 = tpu.memref_slice %arg6[%dma_start3A_254, %dma_start3A_255, %dma_start3A_256] : memref<3x32x1024xf32, #tpu.memory_space<vmem>> -> memref<1x32x1024xf32, #tpu.memory_space<vmem>>
    %dma_start3A_258 = tpu.memref_squeeze %dma_start3A_257 : memref<1x32x1024xf32, #tpu.memory_space<vmem>> -> memref<32x1024xf32, #tpu.memory_space<vmem>>
    %dma_start3A_259 = arith.constant 0 : i32
    %dma_start3A_260 = tpu.memref_slice %arg2[%add3A_235, %dma_start3A_259] : memref<16384x1024xf32, #tpu.memory_space<hbm>> -> memref<32x1024xf32, #tpu.memory_space<hbm>>
    %dma_start3A_261 = arith.constant 0 : i32
    %dma_start3A_262 = arith.constant 0 : i32
    %dma_start3A_263 = tpu.memref_slice %arg6[%dma_start3A_254, %dma_start3A_261, %dma_start3A_262] : memref<3x32x1024xf32, #tpu.memory_space<vmem>> -> memref<1x32x1024xf32, #tpu.memory_space<vmem>>
    %dma_start3A_264 = tpu.memref_squeeze %dma_start3A_263 : memref<1x32x1024xf32, #tpu.memory_space<vmem>> -> memref<32x1024xf32, #tpu.memory_space<vmem>>
    %dma_start3A_265 = arith.constant 0 : i32
    %dma_start3A_266 = tpu.memref_slice %arg2[%add3A_235, %dma_start3A_265] : memref<16384x1024xf32, #tpu.memory_space<hbm>> -> memref<32x1024xf32, #tpu.memory_space<hbm>>
    tpu.enqueue_dma source(%dma_start3A_266 : memref<32x1024xf32, #tpu.memory_space<hbm>>) target(%dma_start3A_264 : memref<32x1024xf32, #tpu.memory_space<vmem>>) target_semaphore(%arg9 : memref<!tpu.dma_semaphore, #tpu.memory_space<semaphore_mem>>)
    %dma_wait3A_267 = arith.constant 2 : i32
    %dma_wait3A_268 = arith.constant 0 : i32
    %dma_wait3A_269 = tpu.memref_slice %arg7[%dma_wait3A_267, %dma_wait3A_268] : memref<3x32xi32, #tpu.memory_space<vmem>> -> memref<1x32xi32, #tpu.memory_space<vmem>>
    %dma_wait3A_270 = tpu.memref_squeeze %dma_wait3A_269 : memref<1x32xi32, #tpu.memory_space<vmem>> -> memref<32xi32, #tpu.memory_space<vmem>>
    %dma_wait3A_271 = tpu.memref_slice %arg3[%add3A_123] : memref<16384xi32, #tpu.memory_space<hbm>> -> memref<32xi32, #tpu.memory_space<hbm>>
    %dma_wait3A_272 = arith.constant 0 : i32
    %dma_wait3A_273 = tpu.memref_slice %arg7[%dma_wait3A_267, %dma_wait3A_272] : memref<3x32xi32, #tpu.memory_space<vmem>> -> memref<1x32xi32, #tpu.memory_space<vmem>>
    %dma_wait3A_274 = tpu.memref_squeeze %dma_wait3A_273 : memref<1x32xi32, #tpu.memory_space<vmem>> -> memref<32xi32, #tpu.memory_space<vmem>>
    %dma_wait3A_275 = tpu.memref_slice %arg3[%add3A_123] : memref<16384xi32, #tpu.memory_space<hbm>> -> memref<32xi32, #tpu.memory_space<hbm>>
    tpu.wait_dma2 semaphore(%arg11 : memref<!tpu.dma_semaphore, #tpu.memory_space<semaphore_mem>>) src(%dma_wait3A_275 : memref<32xi32, #tpu.memory_space<hbm>>) dst(%dma_wait3A_274 : memref<32xi32, #tpu.memory_space<vmem>>)
    %dma_wait3A_276 = arith.constant 2 : i32
    %dma_wait3A_277 = arith.constant 0 : i32
    %dma_wait3A_278 = tpu.memref_slice %arg8[%dma_wait3A_276, %dma_wait3A_277] : memref<3x32xi32, #tpu.memory_space<vmem>> -> memref<1x32xi32, #tpu.memory_space<vmem>>
    %dma_wait3A_279 = tpu.memref_squeeze %dma_wait3A_278 : memref<1x32xi32, #tpu.memory_space<vmem>> -> memref<32xi32, #tpu.memory_space<vmem>>
    %dma_wait3A_280 = tpu.memref_slice %arg4[%add3A_123] : memref<16384xi32, #tpu.memory_space<hbm>> -> memref<32xi32, #tpu.memory_space<hbm>>
    %dma_wait3A_281 = arith.constant 0 : i32
    %dma_wait3A_282 = tpu.memref_slice %arg8[%dma_wait3A_276, %dma_wait3A_281] : memref<3x32xi32, #tpu.memory_space<vmem>> -> memref<1x32xi32, #tpu.memory_space<vmem>>
    %dma_wait3A_283 = tpu.memref_squeeze %dma_wait3A_282 : memref<1x32xi32, #tpu.memory_space<vmem>> -> memref<32xi32, #tpu.memory_space<vmem>>
    %dma_wait3A_284 = tpu.memref_slice %arg4[%add3A_123] : memref<16384xi32, #tpu.memory_space<hbm>> -> memref<32xi32, #tpu.memory_space<hbm>>
    tpu.wait_dma2 semaphore(%arg11 : memref<!tpu.dma_semaphore, #tpu.memory_space<semaphore_mem>>) src(%dma_wait3A_284 : memref<32xi32, #tpu.memory_space<hbm>>) dst(%dma_wait3A_283 : memref<32xi32, #tpu.memory_space<vmem>>)
    %dma_wait3A_285 = arith.constant 2 : i32
    %dma_wait3A_286 = arith.constant 0 : i32
    %dma_wait3A_287 = arith.constant 0 : i32
    %dma_wait3A_288 = tpu.memref_slice %arg6[%dma_wait3A_285, %dma_wait3A_286, %dma_wait3A_287] : memref<3x32x1024xf32, #tpu.memory_space<vmem>> -> memref<1x32x1024xf32, #tpu.memory_space<vmem>>
    %dma_wait3A_289 = tpu.memref_squeeze %dma_wait3A_288 : memref<1x32x1024xf32, #tpu.memory_space<vmem>> -> memref<32x1024xf32, #tpu.memory_space<vmem>>
    %dma_wait3A_290 = arith.constant 0 : i32
    %dma_wait3A_291 = tpu.memref_slice %arg2[%add3A_123, %dma_wait3A_290] : memref<16384x1024xf32, #tpu.memory_space<hbm>> -> memref<32x1024xf32, #tpu.memory_space<hbm>>
    %dma_wait3A_292 = arith.constant 0 : i32
    %dma_wait3A_293 = arith.constant 0 : i32
    %dma_wait3A_294 = tpu.memref_slice %arg6[%dma_wait3A_285, %dma_wait3A_292, %dma_wait3A_293] : memref<3x32x1024xf32, #tpu.memory_space<vmem>> -> memref<1x32x1024xf32, #tpu.memory_space<vmem>>
    %dma_wait3A_295 = tpu.memref_squeeze %dma_wait3A_294 : memref<1x32x1024xf32, #tpu.memory_space<vmem>> -> memref<32x1024xf32, #tpu.memory_space<vmem>>
    %dma_wait3A_296 = arith.constant 0 : i32
    %dma_wait3A_297 = tpu.memref_slice %arg2[%add3A_123, %dma_wait3A_296] : memref<16384x1024xf32, #tpu.memory_space<hbm>> -> memref<32x1024xf32, #tpu.memory_space<hbm>>
    tpu.wait_dma2 semaphore(%arg11 : memref<!tpu.dma_semaphore, #tpu.memory_space<semaphore_mem>>) src(%dma_wait3A_297 : memref<32x1024xf32, #tpu.memory_space<hbm>>) dst(%dma_wait3A_295 : memref<32x1024xf32, #tpu.memory_space<vmem>>)
    %dma_start3A_298 = arith.constant 2 : i32
    %dma_start3A_299 = arith.constant 2 : i32
    %dma_start3A_300 = arith.constant 0 : i32
    %dma_start3A_301 = arith.constant 0 : i32
    %dma_start3A_302 = tpu.memref_slice %arg6[%dma_start3A_298, %dma_start3A_300, %dma_start3A_301] : memref<3x32x1024xf32, #tpu.memory_space<vmem>> -> memref<1x32x1024xf32, #tpu.memory_space<vmem>>
    %dma_start3A_303 = tpu.memref_squeeze %dma_start3A_302 : memref<1x32x1024xf32, #tpu.memory_space<vmem>> -> memref<32x1024xf32, #tpu.memory_space<vmem>>
    %dma_start3A_304 = arith.constant 0 : i32
    %dma_start3A_305 = tpu.memref_slice %arg7[%dma_start3A_299, %dma_start3A_304] : memref<3x32xi32, #tpu.memory_space<vmem>> -> memref<1x32xi32, #tpu.memory_space<vmem>>
    %dma_start3A_306 = tpu.memref_squeeze %dma_start3A_305 : memref<1x32xi32, #tpu.memory_space<vmem>> -> memref<32xi32, #tpu.memory_space<vmem>>
    %dma_start3A_307 = arith.constant 0 : i32
    %dma_start3A_308 = arith.constant 0 : i32
    %dma_start3A_309 = tpu.memref_slice %arg5[%dma_start3A_307, %dma_start3A_308] : memref<32768x1024xf32, #tpu.memory_space<hbm>> -> memref<32768x1024xf32, #tpu.memory_space<hbm>>
    tpu.enqueue_indirect_dma source(%dma_start3A_303 : memref<32x1024xf32, #tpu.memory_space<vmem>>) target(%dma_start3A_309 : memref<32768x1024xf32, #tpu.memory_space<hbm>>) offsets(%dma_start3A_306 : memref<32xi32, #tpu.memory_space<vmem>>) semaphore(%arg14 : memref<!tpu.dma_semaphore, #tpu.memory_space<semaphore_mem>>)
    %dma_start3A_310 = arith.constant 2 : i32
    %dma_start3A_311 = arith.constant 2 : i32
    %dma_start3A_312 = arith.constant 0 : i32
    %dma_start3A_313 = arith.constant 0 : i32
    %dma_start3A_314 = tpu.memref_slice %arg6[%dma_start3A_310, %dma_start3A_312, %dma_start3A_313] : memref<3x32x1024xf32, #tpu.memory_space<vmem>> -> memref<1x32x1024xf32, #tpu.memory_space<vmem>>
    %dma_start3A_315 = tpu.memref_squeeze %dma_start3A_314 : memref<1x32x1024xf32, #tpu.memory_space<vmem>> -> memref<32x1024xf32, #tpu.memory_space<vmem>>
    %dma_start3A_316 = arith.constant 0 : i32
    %dma_start3A_317 = tpu.memref_slice %arg8[%dma_start3A_311, %dma_start3A_316] : memref<3x32xi32, #tpu.memory_space<vmem>> -> memref<1x32xi32, #tpu.memory_space<vmem>>
    %dma_start3A_318 = tpu.memref_squeeze %dma_start3A_317 : memref<1x32xi32, #tpu.memory_space<vmem>> -> memref<32xi32, #tpu.memory_space<vmem>>
    %dma_start3A_319 = arith.constant 0 : i32
    %dma_start3A_320 = arith.constant 0 : i32
    %dma_start3A_321 = tpu.memref_slice %arg5[%dma_start3A_319, %dma_start3A_320] : memref<32768x1024xf32, #tpu.memory_space<hbm>> -> memref<32768x1024xf32, #tpu.memory_space<hbm>>
    tpu.enqueue_indirect_dma source(%dma_start3A_315 : memref<32x1024xf32, #tpu.memory_space<vmem>>) target(%dma_start3A_321 : memref<32768x1024xf32, #tpu.memory_space<hbm>>) offsets(%dma_start3A_318 : memref<32xi32, #tpu.memory_space<vmem>>) semaphore(%arg14 : memref<!tpu.dma_semaphore, #tpu.memory_space<semaphore_mem>>)
    %dma_wait3A_322 = arith.constant 1 : i32
    %dma_wait3A_323 = arith.constant 1 : i32
    %dma_wait3A_324 = arith.constant 0 : i32
    %dma_wait3A_325 = arith.constant 0 : i32
    %dma_wait3A_326 = tpu.memref_slice %arg6[%dma_wait3A_322, %dma_wait3A_324, %dma_wait3A_325] : memref<3x32x1024xf32, #tpu.memory_space<vmem>> -> memref<1x32x1024xf32, #tpu.memory_space<vmem>>
    %dma_wait3A_327 = tpu.memref_squeeze %dma_wait3A_326 : memref<1x32x1024xf32, #tpu.memory_space<vmem>> -> memref<32x1024xf32, #tpu.memory_space<vmem>>
    %dma_wait3A_328 = arith.constant 0 : i32
    %dma_wait3A_329 = tpu.memref_slice %arg7[%dma_wait3A_323, %dma_wait3A_328] : memref<3x32xi32, #tpu.memory_space<vmem>> -> memref<1x32xi32, #tpu.memory_space<vmem>>
    %dma_wait3A_330 = tpu.memref_squeeze %dma_wait3A_329 : memref<1x32xi32, #tpu.memory_space<vmem>> -> memref<32xi32, #tpu.memory_space<vmem>>
    %dma_wait3A_331 = arith.constant 0 : i32
    %dma_wait3A_332 = arith.constant 0 : i32
    %dma_wait3A_333 = tpu.memref_slice %arg5[%dma_wait3A_331, %dma_wait3A_332] : memref<32768x1024xf32, #tpu.memory_space<hbm>> -> memref<32768x1024xf32, #tpu.memory_space<hbm>>
    tpu.wait_indirect_dma semaphore(%arg13 : memref<!tpu.dma_semaphore, #tpu.memory_space<semaphore_mem>>) src(%dma_wait3A_327 : memref<32x1024xf32, #tpu.memory_space<vmem>>) dst(%dma_wait3A_333 : memref<32768x1024xf32, #tpu.memory_space<hbm>>)
    %dma_wait3A_334 = arith.constant 1 : i32
    %dma_wait3A_335 = arith.constant 1 : i32
    %dma_wait3A_336 = arith.constant 0 : i32
    %dma_wait3A_337 = arith.constant 0 : i32
    %dma_wait3A_338 = tpu.memref_slice %arg6[%dma_wait3A_334, %dma_wait3A_336, %dma_wait3A_337] : memref<3x32x1024xf32, #tpu.memory_space<vmem>> -> memref<1x32x1024xf32, #tpu.memory_space<vmem>>
    %dma_wait3A_339 = tpu.memref_squeeze %dma_wait3A_338 : memref<1x32x1024xf32, #tpu.memory_space<vmem>> -> memref<32x1024xf32, #tpu.memory_space<vmem>>
    %dma_wait3A_340 = arith.constant 0 : i32
    %dma_wait3A_341 = tpu.memref_slice %arg8[%dma_wait3A_335, %dma_wait3A_340] : memref<3x32xi32, #tpu.memory_space<vmem>> -> memref<1x32xi32, #tpu.memory_space<vmem>>
    %dma_wait3A_342 = tpu.memref_squeeze %dma_wait3A_341 : memref<1x32xi32, #tpu.memory_space<vmem>> -> memref<32xi32, #tpu.memory_space<vmem>>
    %dma_wait3A_343 = arith.constant 0 : i32
    %dma_wait3A_344 = arith.constant 0 : i32
    %dma_wait3A_345 = tpu.memref_slice %arg5[%dma_wait3A_343, %dma_wait3A_344] : memref<32768x1024xf32, #tpu.memory_space<hbm>> -> memref<32768x1024xf32, #tpu.memory_space<hbm>>
    tpu.wait_indirect_dma semaphore(%arg13 : memref<!tpu.dma_semaphore, #tpu.memory_space<semaphore_mem>>) src(%dma_wait3A_339 : memref<32x1024xf32, #tpu.memory_space<vmem>>) dst(%dma_wait3A_345 : memref<32768x1024xf32, #tpu.memory_space<hbm>>)
    %add3A_346 = arith.constant 128 : i32
    %add3A_347 = arith.addi %mul3A_2, %add3A_346 : i32
    %dma_start3A_348 = arith.constant 1 : i32
    %dma_start3A_349 = arith.constant 0 : i32
    %dma_start3A_350 = tpu.memref_slice %arg7[%dma_start3A_348, %dma_start3A_349] : memref<3x32xi32, #tpu.memory_space<vmem>> -> memref<1x32xi32, #tpu.memory_space<vmem>>
    %dma_start3A_351 = tpu.memref_squeeze %dma_start3A_350 : memref<1x32xi32, #tpu.memory_space<vmem>> -> memref<32xi32, #tpu.memory_space<vmem>>
    %dma_start3A_352 = tpu.memref_slice %arg3[%add3A_347] : memref<16384xi32, #tpu.memory_space<hbm>> -> memref<32xi32, #tpu.memory_space<hbm>>
    %dma_start3A_353 = arith.constant 0 : i32
    %dma_start3A_354 = tpu.memref_slice %arg7[%dma_start3A_348, %dma_start3A_353] : memref<3x32xi32, #tpu.memory_space<vmem>> -> memref<1x32xi32, #tpu.memory_space<vmem>>
    %dma_start3A_355 = tpu.memref_squeeze %dma_start3A_354 : memref<1x32xi32, #tpu.memory_space<vmem>> -> memref<32xi32, #tpu.memory_space<vmem>>
    %dma_start3A_356 = tpu.memref_slice %arg3[%add3A_347] : memref<16384xi32, #tpu.memory_space<hbm>> -> memref<32xi32, #tpu.memory_space<hbm>>
    tpu.enqueue_dma source(%dma_start3A_356 : memref<32xi32, #tpu.memory_space<hbm>>) target(%dma_start3A_355 : memref<32xi32, #tpu.memory_space<vmem>>) target_semaphore(%arg10 : memref<!tpu.dma_semaphore, #tpu.memory_space<semaphore_mem>>)
    %dma_start3A_357 = arith.constant 1 : i32
    %dma_start3A_358 = arith.constant 0 : i32
    %dma_start3A_359 = tpu.memref_slice %arg8[%dma_start3A_357, %dma_start3A_358] : memref<3x32xi32, #tpu.memory_space<vmem>> -> memref<1x32xi32, #tpu.memory_space<vmem>>
    %dma_start3A_360 = tpu.memref_squeeze %dma_start3A_359 : memref<1x32xi32, #tpu.memory_space<vmem>> -> memref<32xi32, #tpu.memory_space<vmem>>
    %dma_start3A_361 = tpu.memref_slice %arg4[%add3A_347] : memref<16384xi32, #tpu.memory_space<hbm>> -> memref<32xi32, #tpu.memory_space<hbm>>
    %dma_start3A_362 = arith.constant 0 : i32
    %dma_start3A_363 = tpu.memref_slice %arg8[%dma_start3A_357, %dma_start3A_362] : memref<3x32xi32, #tpu.memory_space<vmem>> -> memref<1x32xi32, #tpu.memory_space<vmem>>
    %dma_start3A_364 = tpu.memref_squeeze %dma_start3A_363 : memref<1x32xi32, #tpu.memory_space<vmem>> -> memref<32xi32, #tpu.memory_space<vmem>>
    %dma_start3A_365 = tpu.memref_slice %arg4[%add3A_347] : memref<16384xi32, #tpu.memory_space<hbm>> -> memref<32xi32, #tpu.memory_space<hbm>>
    tpu.enqueue_dma source(%dma_start3A_365 : memref<32xi32, #tpu.memory_space<hbm>>) target(%dma_start3A_364 : memref<32xi32, #tpu.memory_space<vmem>>) target_semaphore(%arg10 : memref<!tpu.dma_semaphore, #tpu.memory_space<semaphore_mem>>)
    %dma_start3A_366 = arith.constant 1 : i32
    %dma_start3A_367 = arith.constant 0 : i32
    %dma_start3A_368 = arith.constant 0 : i32
    %dma_start3A_369 = tpu.memref_slice %arg6[%dma_start3A_366, %dma_start3A_367, %dma_start3A_368] : memref<3x32x1024xf32, #tpu.memory_space<vmem>> -> memref<1x32x1024xf32, #tpu.memory_space<vmem>>
    %dma_start3A_370 = tpu.memref_squeeze %dma_start3A_369 : memref<1x32x1024xf32, #tpu.memory_space<vmem>> -> memref<32x1024xf32, #tpu.memory_space<vmem>>
    %dma_start3A_371 = arith.constant 0 : i32
    %dma_start3A_372 = tpu.memref_slice %arg2[%add3A_347, %dma_start3A_371] : memref<16384x1024xf32, #tpu.memory_space<hbm>> -> memref<32x1024xf32, #tpu.memory_space<hbm>>
    %dma_start3A_373 = arith.constant 0 : i32
    %dma_start3A_374 = arith.constant 0 : i32
    %dma_start3A_375 = tpu.memref_slice %arg6[%dma_start3A_366, %dma_start3A_373, %dma_start3A_374] : memref<3x32x1024xf32, #tpu.memory_space<vmem>> -> memref<1x32x1024xf32, #tpu.memory_space<vmem>>
    %dma_start3A_376 = tpu.memref_squeeze %dma_start3A_375 : memref<1x32x1024xf32, #tpu.memory_space<vmem>> -> memref<32x1024xf32, #tpu.memory_space<vmem>>
    %dma_start3A_377 = arith.constant 0 : i32
    %dma_start3A_378 = tpu.memref_slice %arg2[%add3A_347, %dma_start3A_377] : memref<16384x1024xf32, #tpu.memory_space<hbm>> -> memref<32x1024xf32, #tpu.memory_space<hbm>>
    tpu.enqueue_dma source(%dma_start3A_378 : memref<32x1024xf32, #tpu.memory_space<hbm>>) target(%dma_start3A_376 : memref<32x1024xf32, #tpu.memory_space<vmem>>) target_semaphore(%arg10 : memref<!tpu.dma_semaphore, #tpu.memory_space<semaphore_mem>>)
    %dma_wait3A_379 = arith.constant 0 : i32
    %dma_wait3A_380 = arith.constant 0 : i32
    %dma_wait3A_381 = tpu.memref_slice %arg7[%dma_wait3A_379, %dma_wait3A_380] : memref<3x32xi32, #tpu.memory_space<vmem>> -> memref<1x32xi32, #tpu.memory_space<vmem>>
    %dma_wait3A_382 = tpu.memref_squeeze %dma_wait3A_381 : memref<1x32xi32, #tpu.memory_space<vmem>> -> memref<32xi32, #tpu.memory_space<vmem>>
    %dma_wait3A_383 = tpu.memref_slice %arg3[%add3A_235] : memref<16384xi32, #tpu.memory_space<hbm>> -> memref<32xi32, #tpu.memory_space<hbm>>
    %dma_wait3A_384 = arith.constant 0 : i32
    %dma_wait3A_385 = tpu.memref_slice %arg7[%dma_wait3A_379, %dma_wait3A_384] : memref<3x32xi32, #tpu.memory_space<vmem>> -> memref<1x32xi32, #tpu.memory_space<vmem>>
    %dma_wait3A_386 = tpu.memref_squeeze %dma_wait3A_385 : memref<1x32xi32, #tpu.memory_space<vmem>> -> memref<32xi32, #tpu.memory_space<vmem>>
    %dma_wait3A_387 = tpu.memref_slice %arg3[%add3A_235] : memref<16384xi32, #tpu.memory_space<hbm>> -> memref<32xi32, #tpu.memory_space<hbm>>
    tpu.wait_dma2 semaphore(%arg9 : memref<!tpu.dma_semaphore, #tpu.memory_space<semaphore_mem>>) src(%dma_wait3A_387 : memref<32xi32, #tpu.memory_space<hbm>>) dst(%dma_wait3A_386 : memref<32xi32, #tpu.memory_space<vmem>>)
    %dma_wait3A_388 = arith.constant 0 : i32
    %dma_wait3A_389 = arith.constant 0 : i32
    %dma_wait3A_390 = tpu.memref_slice %arg8[%dma_wait3A_388, %dma_wait3A_389] : memref<3x32xi32, #tpu.memory_space<vmem>> -> memref<1x32xi32, #tpu.memory_space<vmem>>
    %dma_wait3A_391 = tpu.memref_squeeze %dma_wait3A_390 : memref<1x32xi32, #tpu.memory_space<vmem>> -> memref<32xi32, #tpu.memory_space<vmem>>
    %dma_wait3A_392 = tpu.memref_slice %arg4[%add3A_235] : memref<16384xi32, #tpu.memory_space<hbm>> -> memref<32xi32, #tpu.memory_space<hbm>>
    %dma_wait3A_393 = arith.constant 0 : i32
    %dma_wait3A_394 = tpu.memref_slice %arg8[%dma_wait3A_388, %dma_wait3A_393] : memref<3x32xi32, #tpu.memory_space<vmem>> -> memref<1x32xi32, #tpu.memory_space<vmem>>
    %dma_wait3A_395 = tpu.memref_squeeze %dma_wait3A_394 : memref<1x32xi32, #tpu.memory_space<vmem>> -> memref<32xi32, #tpu.memory_space<vmem>>
    %dma_wait3A_396 = tpu.memref_slice %arg4[%add3A_235] : memref<16384xi32, #tpu.memory_space<hbm>> -> memref<32xi32, #tpu.memory_space<hbm>>
    tpu.wait_dma2 semaphore(%arg9 : memref<!tpu.dma_semaphore, #tpu.memory_space<semaphore_mem>>) src(%dma_wait3A_396 : memref<32xi32, #tpu.memory_space<hbm>>) dst(%dma_wait3A_395 : memref<32xi32, #tpu.memory_space<vmem>>)
    %dma_wait3A_397 = arith.constant 0 : i32
    %dma_wait3A_398 = arith.constant 0 : i32
    %dma_wait3A_399 = arith.constant 0 : i32
    %dma_wait3A_400 = tpu.memref_slice %arg6[%dma_wait3A_397, %dma_wait3A_398, %dma_wait3A_399] : memref<3x32x1024xf32, #tpu.memory_space<vmem>> -> memref<1x32x1024xf32, #tpu.memory_space<vmem>>
    %dma_wait3A_401 = tpu.memref_squeeze %dma_wait3A_400 : memref<1x32x1024xf32, #tpu.memory_space<vmem>> -> memref<32x1024xf32, #tpu.memory_space<vmem>>
    %dma_wait3A_402 = arith.constant 0 : i32
    %dma_wait3A_403 = tpu.memref_slice %arg2[%add3A_235, %dma_wait3A_402] : memref<16384x1024xf32, #tpu.memory_space<hbm>> -> memref<32x1024xf32, #tpu.memory_space<hbm>>
    %dma_wait3A_404 = arith.constant 0 : i32
    %dma_wait3A_405 = arith.constant 0 : i32
    %dma_wait3A_406 = tpu.memref_slice %arg6[%dma_wait3A_397, %dma_wait3A_404, %dma_wait3A_405] : memref<3x32x1024xf32, #tpu.memory_space<vmem>> -> memref<1x32x1024xf32, #tpu.memory_space<vmem>>
    %dma_wait3A_407 = tpu.memref_squeeze %dma_wait3A_406 : memref<1x32x1024xf32, #tpu.memory_space<vmem>> -> memref<32x1024xf32, #tpu.memory_space<vmem>>
    %dma_wait3A_408 = arith.constant 0 : i32
    %dma_wait3A_409 = tpu.memref_slice %arg2[%add3A_235, %dma_wait3A_408] : memref<16384x1024xf32, #tpu.memory_space<hbm>> -> memref<32x1024xf32, #tpu.memory_space<hbm>>
    tpu.wait_dma2 semaphore(%arg9 : memref<!tpu.dma_semaphore, #tpu.memory_space<semaphore_mem>>) src(%dma_wait3A_409 : memref<32x1024xf32, #tpu.memory_space<hbm>>) dst(%dma_wait3A_407 : memref<32x1024xf32, #tpu.memory_space<vmem>>)
    %dma_start3A_410 = arith.constant 0 : i32
    %dma_start3A_411 = arith.constant 0 : i32
    %dma_start3A_412 = arith.constant 0 : i32
    %dma_start3A_413 = arith.constant 0 : i32
    %dma_start3A_414 = tpu.memref_slice %arg6[%dma_start3A_410, %dma_start3A_412, %dma_start3A_413] : memref<3x32x1024xf32, #tpu.memory_space<vmem>> -> memref<1x32x1024xf32, #tpu.memory_space<vmem>>
    %dma_start3A_415 = tpu.memref_squeeze %dma_start3A_414 : memref<1x32x1024xf32, #tpu.memory_space<vmem>> -> memref<32x1024xf32, #tpu.memory_space<vmem>>
    %dma_start3A_416 = arith.constant 0 : i32
    %dma_start3A_417 = tpu.memref_slice %arg7[%dma_start3A_411, %dma_start3A_416] : memref<3x32xi32, #tpu.memory_space<vmem>> -> memref<1x32xi32, #tpu.memory_space<vmem>>
    %dma_start3A_418 = tpu.memref_squeeze %dma_start3A_417 : memref<1x32xi32, #tpu.memory_space<vmem>> -> memref<32xi32, #tpu.memory_space<vmem>>
    %dma_start3A_419 = arith.constant 0 : i32
    %dma_start3A_420 = arith.constant 0 : i32
    %dma_start3A_421 = tpu.memref_slice %arg5[%dma_start3A_419, %dma_start3A_420] : memref<32768x1024xf32, #tpu.memory_space<hbm>> -> memref<32768x1024xf32, #tpu.memory_space<hbm>>
    tpu.enqueue_indirect_dma source(%dma_start3A_415 : memref<32x1024xf32, #tpu.memory_space<vmem>>) target(%dma_start3A_421 : memref<32768x1024xf32, #tpu.memory_space<hbm>>) offsets(%dma_start3A_418 : memref<32xi32, #tpu.memory_space<vmem>>) semaphore(%arg12 : memref<!tpu.dma_semaphore, #tpu.memory_space<semaphore_mem>>)
    %dma_start3A_422 = arith.constant 0 : i32
    %dma_start3A_423 = arith.constant 0 : i32
    %dma_start3A_424 = arith.constant 0 : i32
    %dma_start3A_425 = arith.constant 0 : i32
    %dma_start3A_426 = tpu.memref_slice %arg6[%dma_start3A_422, %dma_start3A_424, %dma_start3A_425] : memref<3x32x1024xf32, #tpu.memory_space<vmem>> -> memref<1x32x1024xf32, #tpu.memory_space<vmem>>
    %dma_start3A_427 = tpu.memref_squeeze %dma_start3A_426 : memref<1x32x1024xf32, #tpu.memory_space<vmem>> -> memref<32x1024xf32, #tpu.memory_space<vmem>>
    %dma_start3A_428 = arith.constant 0 : i32
    %dma_start3A_429 = tpu.memref_slice %arg8[%dma_start3A_423, %dma_start3A_428] : memref<3x32xi32, #tpu.memory_space<vmem>> -> memref<1x32xi32, #tpu.memory_space<vmem>>
    %dma_start3A_430 = tpu.memref_squeeze %dma_start3A_429 : memref<1x32xi32, #tpu.memory_space<vmem>> -> memref<32xi32, #tpu.memory_space<vmem>>
    %dma_start3A_431 = arith.constant 0 : i32
    %dma_start3A_432 = arith.constant 0 : i32
    %dma_start3A_433 = tpu.memref_slice %arg5[%dma_start3A_431, %dma_start3A_432] : memref<32768x1024xf32, #tpu.memory_space<hbm>> -> memref<32768x1024xf32, #tpu.memory_space<hbm>>
    tpu.enqueue_indirect_dma source(%dma_start3A_427 : memref<32x1024xf32, #tpu.memory_space<vmem>>) target(%dma_start3A_433 : memref<32768x1024xf32, #tpu.memory_space<hbm>>) offsets(%dma_start3A_430 : memref<32xi32, #tpu.memory_space<vmem>>) semaphore(%arg12 : memref<!tpu.dma_semaphore, #tpu.memory_space<semaphore_mem>>)
    %dma_wait3A_434 = arith.constant 2 : i32
    %dma_wait3A_435 = arith.constant 2 : i32
    %dma_wait3A_436 = arith.constant 0 : i32
    %dma_wait3A_437 = arith.constant 0 : i32
    %dma_wait3A_438 = tpu.memref_slice %arg6[%dma_wait3A_434, %dma_wait3A_436, %dma_wait3A_437] : memref<3x32x1024xf32, #tpu.memory_space<vmem>> -> memref<1x32x1024xf32, #tpu.memory_space<vmem>>
    %dma_wait3A_439 = tpu.memref_squeeze %dma_wait3A_438 : memref<1x32x1024xf32, #tpu.memory_space<vmem>> -> memref<32x1024xf32, #tpu.memory_space<vmem>>
    %dma_wait3A_440 = arith.constant 0 : i32
    %dma_wait3A_441 = tpu.memref_slice %arg7[%dma_wait3A_435, %dma_wait3A_440] : memref<3x32xi32, #tpu.memory_space<vmem>> -> memref<1x32xi32, #tpu.memory_space<vmem>>
    %dma_wait3A_442 = tpu.memref_squeeze %dma_wait3A_441 : memref<1x32xi32, #tpu.memory_space<vmem>> -> memref<32xi32, #tpu.memory_space<vmem>>
    %dma_wait3A_443 = arith.constant 0 : i32
    %dma_wait3A_444 = arith.constant 0 : i32
    %dma_wait3A_445 = tpu.memref_slice %arg5[%dma_wait3A_443, %dma_wait3A_444] : memref<32768x1024xf32, #tpu.memory_space<hbm>> -> memref<32768x1024xf32, #tpu.memory_space<hbm>>
    tpu.wait_indirect_dma semaphore(%arg14 : memref<!tpu.dma_semaphore, #tpu.memory_space<semaphore_mem>>) src(%dma_wait3A_439 : memref<32x1024xf32, #tpu.memory_space<vmem>>) dst(%dma_wait3A_445 : memref<32768x1024xf32, #tpu.memory_space<hbm>>)
    %dma_wait3A_446 = arith.constant 2 : i32
    %dma_wait3A_447 = arith.constant 2 : i32
    %dma_wait3A_448 = arith.constant 0 : i32
    %dma_wait3A_449 = arith.constant 0 : i32
    %dma_wait3A_450 = tpu.memref_slice %arg6[%dma_wait3A_446, %dma_wait3A_448, %dma_wait3A_449] : memref<3x32x1024xf32, #tpu.memory_space<vmem>> -> memref<1x32x1024xf32, #tpu.memory_space<vmem>>
    %dma_wait3A_451 = tpu.memref_squeeze %dma_wait3A_450 : memref<1x32x1024xf32, #tpu.memory_space<vmem>> -> memref<32x1024xf32, #tpu.memory_space<vmem>>
    %dma_wait3A_452 = arith.constant 0 : i32
    %dma_wait3A_453 = tpu.memref_slice %arg8[%dma_wait3A_447, %dma_wait3A_452] : memref<3x32xi32, #tpu.memory_space<vmem>> -> memref<1x32xi32, #tpu.memory_space<vmem>>
    %dma_wait3A_454 = tpu.memref_squeeze %dma_wait3A_453 : memref<1x32xi32, #tpu.memory_space<vmem>> -> memref<32xi32, #tpu.memory_space<vmem>>
    %dma_wait3A_455 = arith.constant 0 : i32
    %dma_wait3A_456 = arith.constant 0 : i32
    %dma_wait3A_457 = tpu.memref_slice %arg5[%dma_wait3A_455, %dma_wait3A_456] : memref<32768x1024xf32, #tpu.memory_space<hbm>> -> memref<32768x1024xf32, #tpu.memory_space<hbm>>
    tpu.wait_indirect_dma semaphore(%arg14 : memref<!tpu.dma_semaphore, #tpu.memory_space<semaphore_mem>>) src(%dma_wait3A_451 : memref<32x1024xf32, #tpu.memory_space<vmem>>) dst(%dma_wait3A_457 : memref<32768x1024xf32, #tpu.memory_space<hbm>>)
    %add3A_458 = arith.constant 160 : i32
    %add3A_459 = arith.addi %mul3A_2, %add3A_458 : i32
    %dma_start3A_460 = arith.constant 2 : i32
    %dma_start3A_461 = arith.constant 0 : i32
    %dma_start3A_462 = tpu.memref_slice %arg7[%dma_start3A_460, %dma_start3A_461] : memref<3x32xi32, #tpu.memory_space<vmem>> -> memref<1x32xi32, #tpu.memory_space<vmem>>
    %dma_start3A_463 = tpu.memref_squeeze %dma_start3A_462 : memref<1x32xi32, #tpu.memory_space<vmem>> -> memref<32xi32, #tpu.memory_space<vmem>>
    %dma_start3A_464 = tpu.memref_slice %arg3[%add3A_459] : memref<16384xi32, #tpu.memory_space<hbm>> -> memref<32xi32, #tpu.memory_space<hbm>>
    %dma_start3A_465 = arith.constant 0 : i32
    %dma_start3A_466 = tpu.memref_slice %arg7[%dma_start3A_460, %dma_start3A_465] : memref<3x32xi32, #tpu.memory_space<vmem>> -> memref<1x32xi32, #tpu.memory_space<vmem>>
    %dma_start3A_467 = tpu.memref_squeeze %dma_start3A_466 : memref<1x32xi32, #tpu.memory_space<vmem>> -> memref<32xi32, #tpu.memory_space<vmem>>
    %dma_start3A_468 = tpu.memref_slice %arg3[%add3A_459] : memref<16384xi32, #tpu.memory_space<hbm>> -> memref<32xi32, #tpu.memory_space<hbm>>
    tpu.enqueue_dma source(%dma_start3A_468 : memref<32xi32, #tpu.memory_space<hbm>>) target(%dma_start3A_467 : memref<32xi32, #tpu.memory_space<vmem>>) target_semaphore(%arg11 : memref<!tpu.dma_semaphore, #tpu.memory_space<semaphore_mem>>)
    %dma_start3A_469 = arith.constant 2 : i32
    %dma_start3A_470 = arith.constant 0 : i32
    %dma_start3A_471 = tpu.memref_slice %arg8[%dma_start3A_469, %dma_start3A_470] : memref<3x32xi32, #tpu.memory_space<vmem>> -> memref<1x32xi32, #tpu.memory_space<vmem>>
    %dma_start3A_472 = tpu.memref_squeeze %dma_start3A_471 : memref<1x32xi32, #tpu.memory_space<vmem>> -> memref<32xi32, #tpu.memory_space<vmem>>
    %dma_start3A_473 = tpu.memref_slice %arg4[%add3A_459] : memref<16384xi32, #tpu.memory_space<hbm>> -> memref<32xi32, #tpu.memory_space<hbm>>
    %dma_start3A_474 = arith.constant 0 : i32
    %dma_start3A_475 = tpu.memref_slice %arg8[%dma_start3A_469, %dma_start3A_474] : memref<3x32xi32, #tpu.memory_space<vmem>> -> memref<1x32xi32, #tpu.memory_space<vmem>>
    %dma_start3A_476 = tpu.memref_squeeze %dma_start3A_475 : memref<1x32xi32, #tpu.memory_space<vmem>> -> memref<32xi32, #tpu.memory_space<vmem>>
    %dma_start3A_477 = tpu.memref_slice %arg4[%add3A_459] : memref<16384xi32, #tpu.memory_space<hbm>> -> memref<32xi32, #tpu.memory_space<hbm>>
    tpu.enqueue_dma source(%dma_start3A_477 : memref<32xi32, #tpu.memory_space<hbm>>) target(%dma_start3A_476 : memref<32xi32, #tpu.memory_space<vmem>>) target_semaphore(%arg11 : memref<!tpu.dma_semaphore, #tpu.memory_space<semaphore_mem>>)
    %dma_start3A_478 = arith.constant 2 : i32
    %dma_start3A_479 = arith.constant 0 : i32
    %dma_start3A_480 = arith.constant 0 : i32
    %dma_start3A_481 = tpu.memref_slice %arg6[%dma_start3A_478, %dma_start3A_479, %dma_start3A_480] : memref<3x32x1024xf32, #tpu.memory_space<vmem>> -> memref<1x32x1024xf32, #tpu.memory_space<vmem>>
    %dma_start3A_482 = tpu.memref_squeeze %dma_start3A_481 : memref<1x32x1024xf32, #tpu.memory_space<vmem>> -> memref<32x1024xf32, #tpu.memory_space<vmem>>
    %dma_start3A_483 = arith.constant 0 : i32
    %dma_start3A_484 = tpu.memref_slice %arg2[%add3A_459, %dma_start3A_483] : memref<16384x1024xf32, #tpu.memory_space<hbm>> -> memref<32x1024xf32, #tpu.memory_space<hbm>>
    %dma_start3A_485 = arith.constant 0 : i32
    %dma_start3A_486 = arith.constant 0 : i32
    %dma_start3A_487 = tpu.memref_slice %arg6[%dma_start3A_478, %dma_start3A_485, %dma_start3A_486] : memref<3x32x1024xf32, #tpu.memory_space<vmem>> -> memref<1x32x1024xf32, #tpu.memory_space<vmem>>
    %dma_start3A_488 = tpu.memref_squeeze %dma_start3A_487 : memref<1x32x1024xf32, #tpu.memory_space<vmem>> -> memref<32x1024xf32, #tpu.memory_space<vmem>>
    %dma_start3A_489 = arith.constant 0 : i32
    %dma_start3A_490 = tpu.memref_slice %arg2[%add3A_459, %dma_start3A_489] : memref<16384x1024xf32, #tpu.memory_space<hbm>> -> memref<32x1024xf32, #tpu.memory_space<hbm>>
    tpu.enqueue_dma source(%dma_start3A_490 : memref<32x1024xf32, #tpu.memory_space<hbm>>) target(%dma_start3A_488 : memref<32x1024xf32, #tpu.memory_space<vmem>>) target_semaphore(%arg11 : memref<!tpu.dma_semaphore, #tpu.memory_space<semaphore_mem>>)
    %dma_wait3A_491 = arith.constant 1 : i32
    %dma_wait3A_492 = arith.constant 0 : i32
    %dma_wait3A_493 = tpu.memref_slice %arg7[%dma_wait3A_491, %dma_wait3A_492] : memref<3x32xi32, #tpu.memory_space<vmem>> -> memref<1x32xi32, #tpu.memory_space<vmem>>
    %dma_wait3A_494 = tpu.memref_squeeze %dma_wait3A_493 : memref<1x32xi32, #tpu.memory_space<vmem>> -> memref<32xi32, #tpu.memory_space<vmem>>
    %dma_wait3A_495 = tpu.memref_slice %arg3[%add3A_347] : memref<16384xi32, #tpu.memory_space<hbm>> -> memref<32xi32, #tpu.memory_space<hbm>>
    %dma_wait3A_496 = arith.constant 0 : i32
    %dma_wait3A_497 = tpu.memref_slice %arg7[%dma_wait3A_491, %dma_wait3A_496] : memref<3x32xi32, #tpu.memory_space<vmem>> -> memref<1x32xi32, #tpu.memory_space<vmem>>
    %dma_wait3A_498 = tpu.memref_squeeze %dma_wait3A_497 : memref<1x32xi32, #tpu.memory_space<vmem>> -> memref<32xi32, #tpu.memory_space<vmem>>
    %dma_wait3A_499 = tpu.memref_slice %arg3[%add3A_347] : memref<16384xi32, #tpu.memory_space<hbm>> -> memref<32xi32, #tpu.memory_space<hbm>>
    tpu.wait_dma2 semaphore(%arg10 : memref<!tpu.dma_semaphore, #tpu.memory_space<semaphore_mem>>) src(%dma_wait3A_499 : memref<32xi32, #tpu.memory_space<hbm>>) dst(%dma_wait3A_498 : memref<32xi32, #tpu.memory_space<vmem>>)
    %dma_wait3A_500 = arith.constant 1 : i32
    %dma_wait3A_501 = arith.constant 0 : i32
    %dma_wait3A_502 = tpu.memref_slice %arg8[%dma_wait3A_500, %dma_wait3A_501] : memref<3x32xi32, #tpu.memory_space<vmem>> -> memref<1x32xi32, #tpu.memory_space<vmem>>
    %dma_wait3A_503 = tpu.memref_squeeze %dma_wait3A_502 : memref<1x32xi32, #tpu.memory_space<vmem>> -> memref<32xi32, #tpu.memory_space<vmem>>
    %dma_wait3A_504 = tpu.memref_slice %arg4[%add3A_347] : memref<16384xi32, #tpu.memory_space<hbm>> -> memref<32xi32, #tpu.memory_space<hbm>>
    %dma_wait3A_505 = arith.constant 0 : i32
    %dma_wait3A_506 = tpu.memref_slice %arg8[%dma_wait3A_500, %dma_wait3A_505] : memref<3x32xi32, #tpu.memory_space<vmem>> -> memref<1x32xi32, #tpu.memory_space<vmem>>
    %dma_wait3A_507 = tpu.memref_squeeze %dma_wait3A_506 : memref<1x32xi32, #tpu.memory_space<vmem>> -> memref<32xi32, #tpu.memory_space<vmem>>
    %dma_wait3A_508 = tpu.memref_slice %arg4[%add3A_347] : memref<16384xi32, #tpu.memory_space<hbm>> -> memref<32xi32, #tpu.memory_space<hbm>>
    tpu.wait_dma2 semaphore(%arg10 : memref<!tpu.dma_semaphore, #tpu.memory_space<semaphore_mem>>) src(%dma_wait3A_508 : memref<32xi32, #tpu.memory_space<hbm>>) dst(%dma_wait3A_507 : memref<32xi32, #tpu.memory_space<vmem>>)
    %dma_wait3A_509 = arith.constant 1 : i32
    %dma_wait3A_510 = arith.constant 0 : i32
    %dma_wait3A_511 = arith.constant 0 : i32
    %dma_wait3A_512 = tpu.memref_slice %arg6[%dma_wait3A_509, %dma_wait3A_510, %dma_wait3A_511] : memref<3x32x1024xf32, #tpu.memory_space<vmem>> -> memref<1x32x1024xf32, #tpu.memory_space<vmem>>
    %dma_wait3A_513 = tpu.memref_squeeze %dma_wait3A_512 : memref<1x32x1024xf32, #tpu.memory_space<vmem>> -> memref<32x1024xf32, #tpu.memory_space<vmem>>
    %dma_wait3A_514 = arith.constant 0 : i32
    %dma_wait3A_515 = tpu.memref_slice %arg2[%add3A_347, %dma_wait3A_514] : memref<16384x1024xf32, #tpu.memory_space<hbm>> -> memref<32x1024xf32, #tpu.memory_space<hbm>>
    %dma_wait3A_516 = arith.constant 0 : i32
    %dma_wait3A_517 = arith.constant 0 : i32
    %dma_wait3A_518 = tpu.memref_slice %arg6[%dma_wait3A_509, %dma_wait3A_516, %dma_wait3A_517] : memref<3x32x1024xf32, #tpu.memory_space<vmem>> -> memref<1x32x1024xf32, #tpu.memory_space<vmem>>
    %dma_wait3A_519 = tpu.memref_squeeze %dma_wait3A_518 : memref<1x32x1024xf32, #tpu.memory_space<vmem>> -> memref<32x1024xf32, #tpu.memory_space<vmem>>
    %dma_wait3A_520 = arith.constant 0 : i32
    %dma_wait3A_521 = tpu.memref_slice %arg2[%add3A_347, %dma_wait3A_520] : memref<16384x1024xf32, #tpu.memory_space<hbm>> -> memref<32x1024xf32, #tpu.memory_space<hbm>>
    tpu.wait_dma2 semaphore(%arg10 : memref<!tpu.dma_semaphore, #tpu.memory_space<semaphore_mem>>) src(%dma_wait3A_521 : memref<32x1024xf32, #tpu.memory_space<hbm>>) dst(%dma_wait3A_519 : memref<32x1024xf32, #tpu.memory_space<vmem>>)
    %dma_start3A_522 = arith.constant 1 : i32
    %dma_start3A_523 = arith.constant 1 : i32
    %dma_start3A_524 = arith.constant 0 : i32
    %dma_start3A_525 = arith.constant 0 : i32
    %dma_start3A_526 = tpu.memref_slice %arg6[%dma_start3A_522, %dma_start3A_524, %dma_start3A_525] : memref<3x32x1024xf32, #tpu.memory_space<vmem>> -> memref<1x32x1024xf32, #tpu.memory_space<vmem>>
    %dma_start3A_527 = tpu.memref_squeeze %dma_start3A_526 : memref<1x32x1024xf32, #tpu.memory_space<vmem>> -> memref<32x1024xf32, #tpu.memory_space<vmem>>
    %dma_start3A_528 = arith.constant 0 : i32
    %dma_start3A_529 = tpu.memref_slice %arg7[%dma_start3A_523, %dma_start3A_528] : memref<3x32xi32, #tpu.memory_space<vmem>> -> memref<1x32xi32, #tpu.memory_space<vmem>>
    %dma_start3A_530 = tpu.memref_squeeze %dma_start3A_529 : memref<1x32xi32, #tpu.memory_space<vmem>> -> memref<32xi32, #tpu.memory_space<vmem>>
    %dma_start3A_531 = arith.constant 0 : i32
    %dma_start3A_532 = arith.constant 0 : i32
    %dma_start3A_533 = tpu.memref_slice %arg5[%dma_start3A_531, %dma_start3A_532] : memref<32768x1024xf32, #tpu.memory_space<hbm>> -> memref<32768x1024xf32, #tpu.memory_space<hbm>>
    tpu.enqueue_indirect_dma source(%dma_start3A_527 : memref<32x1024xf32, #tpu.memory_space<vmem>>) target(%dma_start3A_533 : memref<32768x1024xf32, #tpu.memory_space<hbm>>) offsets(%dma_start3A_530 : memref<32xi32, #tpu.memory_space<vmem>>) semaphore(%arg13 : memref<!tpu.dma_semaphore, #tpu.memory_space<semaphore_mem>>)
    %dma_start3A_534 = arith.constant 1 : i32
    %dma_start3A_535 = arith.constant 1 : i32
    %dma_start3A_536 = arith.constant 0 : i32
    %dma_start3A_537 = arith.constant 0 : i32
    %dma_start3A_538 = tpu.memref_slice %arg6[%dma_start3A_534, %dma_start3A_536, %dma_start3A_537] : memref<3x32x1024xf32, #tpu.memory_space<vmem>> -> memref<1x32x1024xf32, #tpu.memory_space<vmem>>
    %dma_start3A_539 = tpu.memref_squeeze %dma_start3A_538 : memref<1x32x1024xf32, #tpu.memory_space<vmem>> -> memref<32x1024xf32, #tpu.memory_space<vmem>>
    %dma_start3A_540 = arith.constant 0 : i32
    %dma_start3A_541 = tpu.memref_slice %arg8[%dma_start3A_535, %dma_start3A_540] : memref<3x32xi32, #tpu.memory_space<vmem>> -> memref<1x32xi32, #tpu.memory_space<vmem>>
    %dma_start3A_542 = tpu.memref_squeeze %dma_start3A_541 : memref<1x32xi32, #tpu.memory_space<vmem>> -> memref<32xi32, #tpu.memory_space<vmem>>
    %dma_start3A_543 = arith.constant 0 : i32
    %dma_start3A_544 = arith.constant 0 : i32
    %dma_start3A_545 = tpu.memref_slice %arg5[%dma_start3A_543, %dma_start3A_544] : memref<32768x1024xf32, #tpu.memory_space<hbm>> -> memref<32768x1024xf32, #tpu.memory_space<hbm>>
    tpu.enqueue_indirect_dma source(%dma_start3A_539 : memref<32x1024xf32, #tpu.memory_space<vmem>>) target(%dma_start3A_545 : memref<32768x1024xf32, #tpu.memory_space<hbm>>) offsets(%dma_start3A_542 : memref<32xi32, #tpu.memory_space<vmem>>) semaphore(%arg13 : memref<!tpu.dma_semaphore, #tpu.memory_space<semaphore_mem>>)
    %dma_wait3A_546 = arith.constant 0 : i32
    %dma_wait3A_547 = arith.constant 0 : i32
    %dma_wait3A_548 = arith.constant 0 : i32
    %dma_wait3A_549 = arith.constant 0 : i32
    %dma_wait3A_550 = tpu.memref_slice %arg6[%dma_wait3A_546, %dma_wait3A_548, %dma_wait3A_549] : memref<3x32x1024xf32, #tpu.memory_space<vmem>> -> memref<1x32x1024xf32, #tpu.memory_space<vmem>>
    %dma_wait3A_551 = tpu.memref_squeeze %dma_wait3A_550 : memref<1x32x1024xf32, #tpu.memory_space<vmem>> -> memref<32x1024xf32, #tpu.memory_space<vmem>>
    %dma_wait3A_552 = arith.constant 0 : i32
    %dma_wait3A_553 = tpu.memref_slice %arg7[%dma_wait3A_547, %dma_wait3A_552] : memref<3x32xi32, #tpu.memory_space<vmem>> -> memref<1x32xi32, #tpu.memory_space<vmem>>
    %dma_wait3A_554 = tpu.memref_squeeze %dma_wait3A_553 : memref<1x32xi32, #tpu.memory_space<vmem>> -> memref<32xi32, #tpu.memory_space<vmem>>
    %dma_wait3A_555 = arith.constant 0 : i32
    %dma_wait3A_556 = arith.constant 0 : i32
    %dma_wait3A_557 = tpu.memref_slice %arg5[%dma_wait3A_555, %dma_wait3A_556] : memref<32768x1024xf32, #tpu.memory_space<hbm>> -> memref<32768x1024xf32, #tpu.memory_space<hbm>>
    tpu.wait_indirect_dma semaphore(%arg12 : memref<!tpu.dma_semaphore, #tpu.memory_space<semaphore_mem>>) src(%dma_wait3A_551 : memref<32x1024xf32, #tpu.memory_space<vmem>>) dst(%dma_wait3A_557 : memref<32768x1024xf32, #tpu.memory_space<hbm>>)
    %dma_wait3A_558 = arith.constant 0 : i32
    %dma_wait3A_559 = arith.constant 0 : i32
    %dma_wait3A_560 = arith.constant 0 : i32
    %dma_wait3A_561 = arith.constant 0 : i32
    %dma_wait3A_562 = tpu.memref_slice %arg6[%dma_wait3A_558, %dma_wait3A_560, %dma_wait3A_561] : memref<3x32x1024xf32, #tpu.memory_space<vmem>> -> memref<1x32x1024xf32, #tpu.memory_space<vmem>>
    %dma_wait3A_563 = tpu.memref_squeeze %dma_wait3A_562 : memref<1x32x1024xf32, #tpu.memory_space<vmem>> -> memref<32x1024xf32, #tpu.memory_space<vmem>>
    %dma_wait3A_564 = arith.constant 0 : i32
    %dma_wait3A_565 = tpu.memref_slice %arg8[%dma_wait3A_559, %dma_wait3A_564] : memref<3x32xi32, #tpu.memory_space<vmem>> -> memref<1x32xi32, #tpu.memory_space<vmem>>
    %dma_wait3A_566 = tpu.memref_squeeze %dma_wait3A_565 : memref<1x32xi32, #tpu.memory_space<vmem>> -> memref<32xi32, #tpu.memory_space<vmem>>
    %dma_wait3A_567 = arith.constant 0 : i32
    %dma_wait3A_568 = arith.constant 0 : i32
    %dma_wait3A_569 = tpu.memref_slice %arg5[%dma_wait3A_567, %dma_wait3A_568] : memref<32768x1024xf32, #tpu.memory_space<hbm>> -> memref<32768x1024xf32, #tpu.memory_space<hbm>>
    tpu.wait_indirect_dma semaphore(%arg12 : memref<!tpu.dma_semaphore, #tpu.memory_space<semaphore_mem>>) src(%dma_wait3A_563 : memref<32x1024xf32, #tpu.memory_space<vmem>>) dst(%dma_wait3A_569 : memref<32768x1024xf32, #tpu.memory_space<hbm>>)
    %add3A_570 = arith.constant 192 : i32
    %add3A_571 = arith.addi %mul3A_2, %add3A_570 : i32
    %dma_start3A_572 = arith.constant 0 : i32
    %dma_start3A_573 = arith.constant 0 : i32
    %dma_start3A_574 = tpu.memref_slice %arg7[%dma_start3A_572, %dma_start3A_573] : memref<3x32xi32, #tpu.memory_space<vmem>> -> memref<1x32xi32, #tpu.memory_space<vmem>>
    %dma_start3A_575 = tpu.memref_squeeze %dma_start3A_574 : memref<1x32xi32, #tpu.memory_space<vmem>> -> memref<32xi32, #tpu.memory_space<vmem>>
    %dma_start3A_576 = tpu.memref_slice %arg3[%add3A_571] : memref<16384xi32, #tpu.memory_space<hbm>> -> memref<32xi32, #tpu.memory_space<hbm>>
    %dma_start3A_577 = arith.constant 0 : i32
    %dma_start3A_578 = tpu.memref_slice %arg7[%dma_start3A_572, %dma_start3A_577] : memref<3x32xi32, #tpu.memory_space<vmem>> -> memref<1x32xi32, #tpu.memory_space<vmem>>
    %dma_start3A_579 = tpu.memref_squeeze %dma_start3A_578 : memref<1x32xi32, #tpu.memory_space<vmem>> -> memref<32xi32, #tpu.memory_space<vmem>>
    %dma_start3A_580 = tpu.memref_slice %arg3[%add3A_571] : memref<16384xi32, #tpu.memory_space<hbm>> -> memref<32xi32, #tpu.memory_space<hbm>>
    tpu.enqueue_dma source(%dma_start3A_580 : memref<32xi32, #tpu.memory_space<hbm>>) target(%dma_start3A_579 : memref<32xi32, #tpu.memory_space<vmem>>) target_semaphore(%arg9 : memref<!tpu.dma_semaphore, #tpu.memory_space<semaphore_mem>>)
    %dma_start3A_581 = arith.constant 0 : i32
    %dma_start3A_582 = arith.constant 0 : i32
    %dma_start3A_583 = tpu.memref_slice %arg8[%dma_start3A_581, %dma_start3A_582] : memref<3x32xi32, #tpu.memory_space<vmem>> -> memref<1x32xi32, #tpu.memory_space<vmem>>
    %dma_start3A_584 = tpu.memref_squeeze %dma_start3A_583 : memref<1x32xi32, #tpu.memory_space<vmem>> -> memref<32xi32, #tpu.memory_space<vmem>>
    %dma_start3A_585 = tpu.memref_slice %arg4[%add3A_571] : memref<16384xi32, #tpu.memory_space<hbm>> -> memref<32xi32, #tpu.memory_space<hbm>>
    %dma_start3A_586 = arith.constant 0 : i32
    %dma_start3A_587 = tpu.memref_slice %arg8[%dma_start3A_581, %dma_start3A_586] : memref<3x32xi32, #tpu.memory_space<vmem>> -> memref<1x32xi32, #tpu.memory_space<vmem>>
    %dma_start3A_588 = tpu.memref_squeeze %dma_start3A_587 : memref<1x32xi32, #tpu.memory_space<vmem>> -> memref<32xi32, #tpu.memory_space<vmem>>
    %dma_start3A_589 = tpu.memref_slice %arg4[%add3A_571] : memref<16384xi32, #tpu.memory_space<hbm>> -> memref<32xi32, #tpu.memory_space<hbm>>
    tpu.enqueue_dma source(%dma_start3A_589 : memref<32xi32, #tpu.memory_space<hbm>>) target(%dma_start3A_588 : memref<32xi32, #tpu.memory_space<vmem>>) target_semaphore(%arg9 : memref<!tpu.dma_semaphore, #tpu.memory_space<semaphore_mem>>)
    %dma_start3A_590 = arith.constant 0 : i32
    %dma_start3A_591 = arith.constant 0 : i32
    %dma_start3A_592 = arith.constant 0 : i32
    %dma_start3A_593 = tpu.memref_slice %arg6[%dma_start3A_590, %dma_start3A_591, %dma_start3A_592] : memref<3x32x1024xf32, #tpu.memory_space<vmem>> -> memref<1x32x1024xf32, #tpu.memory_space<vmem>>
    %dma_start3A_594 = tpu.memref_squeeze %dma_start3A_593 : memref<1x32x1024xf32, #tpu.memory_space<vmem>> -> memref<32x1024xf32, #tpu.memory_space<vmem>>
    %dma_start3A_595 = arith.constant 0 : i32
    %dma_start3A_596 = tpu.memref_slice %arg2[%add3A_571, %dma_start3A_595] : memref<16384x1024xf32, #tpu.memory_space<hbm>> -> memref<32x1024xf32, #tpu.memory_space<hbm>>
    %dma_start3A_597 = arith.constant 0 : i32
    %dma_start3A_598 = arith.constant 0 : i32
    %dma_start3A_599 = tpu.memref_slice %arg6[%dma_start3A_590, %dma_start3A_597, %dma_start3A_598] : memref<3x32x1024xf32, #tpu.memory_space<vmem>> -> memref<1x32x1024xf32, #tpu.memory_space<vmem>>
    %dma_start3A_600 = tpu.memref_squeeze %dma_start3A_599 : memref<1x32x1024xf32, #tpu.memory_space<vmem>> -> memref<32x1024xf32, #tpu.memory_space<vmem>>
    %dma_start3A_601 = arith.constant 0 : i32
    %dma_start3A_602 = tpu.memref_slice %arg2[%add3A_571, %dma_start3A_601] : memref<16384x1024xf32, #tpu.memory_space<hbm>> -> memref<32x1024xf32, #tpu.memory_space<hbm>>
    tpu.enqueue_dma source(%dma_start3A_602 : memref<32x1024xf32, #tpu.memory_space<hbm>>) target(%dma_start3A_600 : memref<32x1024xf32, #tpu.memory_space<vmem>>) target_semaphore(%arg9 : memref<!tpu.dma_semaphore, #tpu.memory_space<semaphore_mem>>)
    %dma_wait3A_603 = arith.constant 2 : i32
    %dma_wait3A_604 = arith.constant 0 : i32
    %dma_wait3A_605 = tpu.memref_slice %arg7[%dma_wait3A_603, %dma_wait3A_604] : memref<3x32xi32, #tpu.memory_space<vmem>> -> memref<1x32xi32, #tpu.memory_space<vmem>>
    %dma_wait3A_606 = tpu.memref_squeeze %dma_wait3A_605 : memref<1x32xi32, #tpu.memory_space<vmem>> -> memref<32xi32, #tpu.memory_space<vmem>>
    %dma_wait3A_607 = tpu.memref_slice %arg3[%add3A_459] : memref<16384xi32, #tpu.memory_space<hbm>> -> memref<32xi32, #tpu.memory_space<hbm>>
    %dma_wait3A_608 = arith.constant 0 : i32
    %dma_wait3A_609 = tpu.memref_slice %arg7[%dma_wait3A_603, %dma_wait3A_608] : memref<3x32xi32, #tpu.memory_space<vmem>> -> memref<1x32xi32, #tpu.memory_space<vmem>>
    %dma_wait3A_610 = tpu.memref_squeeze %dma_wait3A_609 : memref<1x32xi32, #tpu.memory_space<vmem>> -> memref<32xi32, #tpu.memory_space<vmem>>
    %dma_wait3A_611 = tpu.memref_slice %arg3[%add3A_459] : memref<16384xi32, #tpu.memory_space<hbm>> -> memref<32xi32, #tpu.memory_space<hbm>>
    tpu.wait_dma2 semaphore(%arg11 : memref<!tpu.dma_semaphore, #tpu.memory_space<semaphore_mem>>) src(%dma_wait3A_611 : memref<32xi32, #tpu.memory_space<hbm>>) dst(%dma_wait3A_610 : memref<32xi32, #tpu.memory_space<vmem>>)
    %dma_wait3A_612 = arith.constant 2 : i32
    %dma_wait3A_613 = arith.constant 0 : i32
    %dma_wait3A_614 = tpu.memref_slice %arg8[%dma_wait3A_612, %dma_wait3A_613] : memref<3x32xi32, #tpu.memory_space<vmem>> -> memref<1x32xi32, #tpu.memory_space<vmem>>
    %dma_wait3A_615 = tpu.memref_squeeze %dma_wait3A_614 : memref<1x32xi32, #tpu.memory_space<vmem>> -> memref<32xi32, #tpu.memory_space<vmem>>
    %dma_wait3A_616 = tpu.memref_slice %arg4[%add3A_459] : memref<16384xi32, #tpu.memory_space<hbm>> -> memref<32xi32, #tpu.memory_space<hbm>>
    %dma_wait3A_617 = arith.constant 0 : i32
    %dma_wait3A_618 = tpu.memref_slice %arg8[%dma_wait3A_612, %dma_wait3A_617] : memref<3x32xi32, #tpu.memory_space<vmem>> -> memref<1x32xi32, #tpu.memory_space<vmem>>
    %dma_wait3A_619 = tpu.memref_squeeze %dma_wait3A_618 : memref<1x32xi32, #tpu.memory_space<vmem>> -> memref<32xi32, #tpu.memory_space<vmem>>
    %dma_wait3A_620 = tpu.memref_slice %arg4[%add3A_459] : memref<16384xi32, #tpu.memory_space<hbm>> -> memref<32xi32, #tpu.memory_space<hbm>>
    tpu.wait_dma2 semaphore(%arg11 : memref<!tpu.dma_semaphore, #tpu.memory_space<semaphore_mem>>) src(%dma_wait3A_620 : memref<32xi32, #tpu.memory_space<hbm>>) dst(%dma_wait3A_619 : memref<32xi32, #tpu.memory_space<vmem>>)
    %dma_wait3A_621 = arith.constant 2 : i32
    %dma_wait3A_622 = arith.constant 0 : i32
    %dma_wait3A_623 = arith.constant 0 : i32
    %dma_wait3A_624 = tpu.memref_slice %arg6[%dma_wait3A_621, %dma_wait3A_622, %dma_wait3A_623] : memref<3x32x1024xf32, #tpu.memory_space<vmem>> -> memref<1x32x1024xf32, #tpu.memory_space<vmem>>
    %dma_wait3A_625 = tpu.memref_squeeze %dma_wait3A_624 : memref<1x32x1024xf32, #tpu.memory_space<vmem>> -> memref<32x1024xf32, #tpu.memory_space<vmem>>
    %dma_wait3A_626 = arith.constant 0 : i32
    %dma_wait3A_627 = tpu.memref_slice %arg2[%add3A_459, %dma_wait3A_626] : memref<16384x1024xf32, #tpu.memory_space<hbm>> -> memref<32x1024xf32, #tpu.memory_space<hbm>>
    %dma_wait3A_628 = arith.constant 0 : i32
    %dma_wait3A_629 = arith.constant 0 : i32
    %dma_wait3A_630 = tpu.memref_slice %arg6[%dma_wait3A_621, %dma_wait3A_628, %dma_wait3A_629] : memref<3x32x1024xf32, #tpu.memory_space<vmem>> -> memref<1x32x1024xf32, #tpu.memory_space<vmem>>
    %dma_wait3A_631 = tpu.memref_squeeze %dma_wait3A_630 : memref<1x32x1024xf32, #tpu.memory_space<vmem>> -> memref<32x1024xf32, #tpu.memory_space<vmem>>
    %dma_wait3A_632 = arith.constant 0 : i32
    %dma_wait3A_633 = tpu.memref_slice %arg2[%add3A_459, %dma_wait3A_632] : memref<16384x1024xf32, #tpu.memory_space<hbm>> -> memref<32x1024xf32, #tpu.memory_space<hbm>>
    tpu.wait_dma2 semaphore(%arg11 : memref<!tpu.dma_semaphore, #tpu.memory_space<semaphore_mem>>) src(%dma_wait3A_633 : memref<32x1024xf32, #tpu.memory_space<hbm>>) dst(%dma_wait3A_631 : memref<32x1024xf32, #tpu.memory_space<vmem>>)
    %dma_start3A_634 = arith.constant 2 : i32
    %dma_start3A_635 = arith.constant 2 : i32
    %dma_start3A_636 = arith.constant 0 : i32
    %dma_start3A_637 = arith.constant 0 : i32
    %dma_start3A_638 = tpu.memref_slice %arg6[%dma_start3A_634, %dma_start3A_636, %dma_start3A_637] : memref<3x32x1024xf32, #tpu.memory_space<vmem>> -> memref<1x32x1024xf32, #tpu.memory_space<vmem>>
    %dma_start3A_639 = tpu.memref_squeeze %dma_start3A_638 : memref<1x32x1024xf32, #tpu.memory_space<vmem>> -> memref<32x1024xf32, #tpu.memory_space<vmem>>
    %dma_start3A_640 = arith.constant 0 : i32
    %dma_start3A_641 = tpu.memref_slice %arg7[%dma_start3A_635, %dma_start3A_640] : memref<3x32xi32, #tpu.memory_space<vmem>> -> memref<1x32xi32, #tpu.memory_space<vmem>>
    %dma_start3A_642 = tpu.memref_squeeze %dma_start3A_641 : memref<1x32xi32, #tpu.memory_space<vmem>> -> memref<32xi32, #tpu.memory_space<vmem>>
    %dma_start3A_643 = arith.constant 0 : i32
    %dma_start3A_644 = arith.constant 0 : i32
    %dma_start3A_645 = tpu.memref_slice %arg5[%dma_start3A_643, %dma_start3A_644] : memref<32768x1024xf32, #tpu.memory_space<hbm>> -> memref<32768x1024xf32, #tpu.memory_space<hbm>>
    tpu.enqueue_indirect_dma source(%dma_start3A_639 : memref<32x1024xf32, #tpu.memory_space<vmem>>) target(%dma_start3A_645 : memref<32768x1024xf32, #tpu.memory_space<hbm>>) offsets(%dma_start3A_642 : memref<32xi32, #tpu.memory_space<vmem>>) semaphore(%arg14 : memref<!tpu.dma_semaphore, #tpu.memory_space<semaphore_mem>>)
    %dma_start3A_646 = arith.constant 2 : i32
    %dma_start3A_647 = arith.constant 2 : i32
    %dma_start3A_648 = arith.constant 0 : i32
    %dma_start3A_649 = arith.constant 0 : i32
    %dma_start3A_650 = tpu.memref_slice %arg6[%dma_start3A_646, %dma_start3A_648, %dma_start3A_649] : memref<3x32x1024xf32, #tpu.memory_space<vmem>> -> memref<1x32x1024xf32, #tpu.memory_space<vmem>>
    %dma_start3A_651 = tpu.memref_squeeze %dma_start3A_650 : memref<1x32x1024xf32, #tpu.memory_space<vmem>> -> memref<32x1024xf32, #tpu.memory_space<vmem>>
    %dma_start3A_652 = arith.constant 0 : i32
    %dma_start3A_653 = tpu.memref_slice %arg8[%dma_start3A_647, %dma_start3A_652] : memref<3x32xi32, #tpu.memory_space<vmem>> -> memref<1x32xi32, #tpu.memory_space<vmem>>
    %dma_start3A_654 = tpu.memref_squeeze %dma_start3A_653 : memref<1x32xi32, #tpu.memory_space<vmem>> -> memref<32xi32, #tpu.memory_space<vmem>>
    %dma_start3A_655 = arith.constant 0 : i32
    %dma_start3A_656 = arith.constant 0 : i32
    %dma_start3A_657 = tpu.memref_slice %arg5[%dma_start3A_655, %dma_start3A_656] : memref<32768x1024xf32, #tpu.memory_space<hbm>> -> memref<32768x1024xf32, #tpu.memory_space<hbm>>
    tpu.enqueue_indirect_dma source(%dma_start3A_651 : memref<32x1024xf32, #tpu.memory_space<vmem>>) target(%dma_start3A_657 : memref<32768x1024xf32, #tpu.memory_space<hbm>>) offsets(%dma_start3A_654 : memref<32xi32, #tpu.memory_space<vmem>>) semaphore(%arg14 : memref<!tpu.dma_semaphore, #tpu.memory_space<semaphore_mem>>)
    %dma_wait3A_658 = arith.constant 1 : i32
    %dma_wait3A_659 = arith.constant 1 : i32
    %dma_wait3A_660 = arith.constant 0 : i32
    %dma_wait3A_661 = arith.constant 0 : i32
    %dma_wait3A_662 = tpu.memref_slice %arg6[%dma_wait3A_658, %dma_wait3A_660, %dma_wait3A_661] : memref<3x32x1024xf32, #tpu.memory_space<vmem>> -> memref<1x32x1024xf32, #tpu.memory_space<vmem>>
    %dma_wait3A_663 = tpu.memref_squeeze %dma_wait3A_662 : memref<1x32x1024xf32, #tpu.memory_space<vmem>> -> memref<32x1024xf32, #tpu.memory_space<vmem>>
    %dma_wait3A_664 = arith.constant 0 : i32
    %dma_wait3A_665 = tpu.memref_slice %arg7[%dma_wait3A_659, %dma_wait3A_664] : memref<3x32xi32, #tpu.memory_space<vmem>> -> memref<1x32xi32, #tpu.memory_space<vmem>>
    %dma_wait3A_666 = tpu.memref_squeeze %dma_wait3A_665 : memref<1x32xi32, #tpu.memory_space<vmem>> -> memref<32xi32, #tpu.memory_space<vmem>>
    %dma_wait3A_667 = arith.constant 0 : i32
    %dma_wait3A_668 = arith.constant 0 : i32
    %dma_wait3A_669 = tpu.memref_slice %arg5[%dma_wait3A_667, %dma_wait3A_668] : memref<32768x1024xf32, #tpu.memory_space<hbm>> -> memref<32768x1024xf32, #tpu.memory_space<hbm>>
    tpu.wait_indirect_dma semaphore(%arg13 : memref<!tpu.dma_semaphore, #tpu.memory_space<semaphore_mem>>) src(%dma_wait3A_663 : memref<32x1024xf32, #tpu.memory_space<vmem>>) dst(%dma_wait3A_669 : memref<32768x1024xf32, #tpu.memory_space<hbm>>)
    %dma_wait3A_670 = arith.constant 1 : i32
    %dma_wait3A_671 = arith.constant 1 : i32
    %dma_wait3A_672 = arith.constant 0 : i32
    %dma_wait3A_673 = arith.constant 0 : i32
    %dma_wait3A_674 = tpu.memref_slice %arg6[%dma_wait3A_670, %dma_wait3A_672, %dma_wait3A_673] : memref<3x32x1024xf32, #tpu.memory_space<vmem>> -> memref<1x32x1024xf32, #tpu.memory_space<vmem>>
    %dma_wait3A_675 = tpu.memref_squeeze %dma_wait3A_674 : memref<1x32x1024xf32, #tpu.memory_space<vmem>> -> memref<32x1024xf32, #tpu.memory_space<vmem>>
    %dma_wait3A_676 = arith.constant 0 : i32
    %dma_wait3A_677 = tpu.memref_slice %arg8[%dma_wait3A_671, %dma_wait3A_676] : memref<3x32xi32, #tpu.memory_space<vmem>> -> memref<1x32xi32, #tpu.memory_space<vmem>>
    %dma_wait3A_678 = tpu.memref_squeeze %dma_wait3A_677 : memref<1x32xi32, #tpu.memory_space<vmem>> -> memref<32xi32, #tpu.memory_space<vmem>>
    %dma_wait3A_679 = arith.constant 0 : i32
    %dma_wait3A_680 = arith.constant 0 : i32
    %dma_wait3A_681 = tpu.memref_slice %arg5[%dma_wait3A_679, %dma_wait3A_680] : memref<32768x1024xf32, #tpu.memory_space<hbm>> -> memref<32768x1024xf32, #tpu.memory_space<hbm>>
    tpu.wait_indirect_dma semaphore(%arg13 : memref<!tpu.dma_semaphore, #tpu.memory_space<semaphore_mem>>) src(%dma_wait3A_675 : memref<32x1024xf32, #tpu.memory_space<vmem>>) dst(%dma_wait3A_681 : memref<32768x1024xf32, #tpu.memory_space<hbm>>)
    %add3A_682 = arith.constant 224 : i32
    %add3A_683 = arith.addi %mul3A_2, %add3A_682 : i32
    %dma_start3A_684 = arith.constant 1 : i32
    %dma_start3A_685 = arith.constant 0 : i32
    %dma_start3A_686 = tpu.memref_slice %arg7[%dma_start3A_684, %dma_start3A_685] : memref<3x32xi32, #tpu.memory_space<vmem>> -> memref<1x32xi32, #tpu.memory_space<vmem>>
    %dma_start3A_687 = tpu.memref_squeeze %dma_start3A_686 : memref<1x32xi32, #tpu.memory_space<vmem>> -> memref<32xi32, #tpu.memory_space<vmem>>
    %dma_start3A_688 = tpu.memref_slice %arg3[%add3A_683] : memref<16384xi32, #tpu.memory_space<hbm>> -> memref<32xi32, #tpu.memory_space<hbm>>
    %dma_start3A_689 = arith.constant 0 : i32
    %dma_start3A_690 = tpu.memref_slice %arg7[%dma_start3A_684, %dma_start3A_689] : memref<3x32xi32, #tpu.memory_space<vmem>> -> memref<1x32xi32, #tpu.memory_space<vmem>>
    %dma_start3A_691 = tpu.memref_squeeze %dma_start3A_690 : memref<1x32xi32, #tpu.memory_space<vmem>> -> memref<32xi32, #tpu.memory_space<vmem>>
    %dma_start3A_692 = tpu.memref_slice %arg3[%add3A_683] : memref<16384xi32, #tpu.memory_space<hbm>> -> memref<32xi32, #tpu.memory_space<hbm>>
    tpu.enqueue_dma source(%dma_start3A_692 : memref<32xi32, #tpu.memory_space<hbm>>) target(%dma_start3A_691 : memref<32xi32, #tpu.memory_space<vmem>>) target_semaphore(%arg10 : memref<!tpu.dma_semaphore, #tpu.memory_space<semaphore_mem>>)
    %dma_start3A_693 = arith.constant 1 : i32
    %dma_start3A_694 = arith.constant 0 : i32
    %dma_start3A_695 = tpu.memref_slice %arg8[%dma_start3A_693, %dma_start3A_694] : memref<3x32xi32, #tpu.memory_space<vmem>> -> memref<1x32xi32, #tpu.memory_space<vmem>>
    %dma_start3A_696 = tpu.memref_squeeze %dma_start3A_695 : memref<1x32xi32, #tpu.memory_space<vmem>> -> memref<32xi32, #tpu.memory_space<vmem>>
    %dma_start3A_697 = tpu.memref_slice %arg4[%add3A_683] : memref<16384xi32, #tpu.memory_space<hbm>> -> memref<32xi32, #tpu.memory_space<hbm>>
    %dma_start3A_698 = arith.constant 0 : i32
    %dma_start3A_699 = tpu.memref_slice %arg8[%dma_start3A_693, %dma_start3A_698] : memref<3x32xi32, #tpu.memory_space<vmem>> -> memref<1x32xi32, #tpu.memory_space<vmem>>
    %dma_start3A_700 = tpu.memref_squeeze %dma_start3A_699 : memref<1x32xi32, #tpu.memory_space<vmem>> -> memref<32xi32, #tpu.memory_space<vmem>>
    %dma_start3A_701 = tpu.memref_slice %arg4[%add3A_683] : memref<16384xi32, #tpu.memory_space<hbm>> -> memref<32xi32, #tpu.memory_space<hbm>>
    tpu.enqueue_dma source(%dma_start3A_701 : memref<32xi32, #tpu.memory_space<hbm>>) target(%dma_start3A_700 : memref<32xi32, #tpu.memory_space<vmem>>) target_semaphore(%arg10 : memref<!tpu.dma_semaphore, #tpu.memory_space<semaphore_mem>>)
    %dma_start3A_702 = arith.constant 1 : i32
    %dma_start3A_703 = arith.constant 0 : i32
    %dma_start3A_704 = arith.constant 0 : i32
    %dma_start3A_705 = tpu.memref_slice %arg6[%dma_start3A_702, %dma_start3A_703, %dma_start3A_704] : memref<3x32x1024xf32, #tpu.memory_space<vmem>> -> memref<1x32x1024xf32, #tpu.memory_space<vmem>>
    %dma_start3A_706 = tpu.memref_squeeze %dma_start3A_705 : memref<1x32x1024xf32, #tpu.memory_space<vmem>> -> memref<32x1024xf32, #tpu.memory_space<vmem>>
    %dma_start3A_707 = arith.constant 0 : i32
    %dma_start3A_708 = tpu.memref_slice %arg2[%add3A_683, %dma_start3A_707] : memref<16384x1024xf32, #tpu.memory_space<hbm>> -> memref<32x1024xf32, #tpu.memory_space<hbm>>
    %dma_start3A_709 = arith.constant 0 : i32
    %dma_start3A_710 = arith.constant 0 : i32
    %dma_start3A_711 = tpu.memref_slice %arg6[%dma_start3A_702, %dma_start3A_709, %dma_start3A_710] : memref<3x32x1024xf32, #tpu.memory_space<vmem>> -> memref<1x32x1024xf32, #tpu.memory_space<vmem>>
    %dma_start3A_712 = tpu.memref_squeeze %dma_start3A_711 : memref<1x32x1024xf32, #tpu.memory_space<vmem>> -> memref<32x1024xf32, #tpu.memory_space<vmem>>
    %dma_start3A_713 = arith.constant 0 : i32
    %dma_start3A_714 = tpu.memref_slice %arg2[%add3A_683, %dma_start3A_713] : memref<16384x1024xf32, #tpu.memory_space<hbm>> -> memref<32x1024xf32, #tpu.memory_space<hbm>>
    tpu.enqueue_dma source(%dma_start3A_714 : memref<32x1024xf32, #tpu.memory_space<hbm>>) target(%dma_start3A_712 : memref<32x1024xf32, #tpu.memory_space<vmem>>) target_semaphore(%arg10 : memref<!tpu.dma_semaphore, #tpu.memory_space<semaphore_mem>>)
    %dma_wait3A_715 = arith.constant 0 : i32
    %dma_wait3A_716 = arith.constant 0 : i32
    %dma_wait3A_717 = tpu.memref_slice %arg7[%dma_wait3A_715, %dma_wait3A_716] : memref<3x32xi32, #tpu.memory_space<vmem>> -> memref<1x32xi32, #tpu.memory_space<vmem>>
    %dma_wait3A_718 = tpu.memref_squeeze %dma_wait3A_717 : memref<1x32xi32, #tpu.memory_space<vmem>> -> memref<32xi32, #tpu.memory_space<vmem>>
    %dma_wait3A_719 = tpu.memref_slice %arg3[%add3A_571] : memref<16384xi32, #tpu.memory_space<hbm>> -> memref<32xi32, #tpu.memory_space<hbm>>
    %dma_wait3A_720 = arith.constant 0 : i32
    %dma_wait3A_721 = tpu.memref_slice %arg7[%dma_wait3A_715, %dma_wait3A_720] : memref<3x32xi32, #tpu.memory_space<vmem>> -> memref<1x32xi32, #tpu.memory_space<vmem>>
    %dma_wait3A_722 = tpu.memref_squeeze %dma_wait3A_721 : memref<1x32xi32, #tpu.memory_space<vmem>> -> memref<32xi32, #tpu.memory_space<vmem>>
    %dma_wait3A_723 = tpu.memref_slice %arg3[%add3A_571] : memref<16384xi32, #tpu.memory_space<hbm>> -> memref<32xi32, #tpu.memory_space<hbm>>
    tpu.wait_dma2 semaphore(%arg9 : memref<!tpu.dma_semaphore, #tpu.memory_space<semaphore_mem>>) src(%dma_wait3A_723 : memref<32xi32, #tpu.memory_space<hbm>>) dst(%dma_wait3A_722 : memref<32xi32, #tpu.memory_space<vmem>>)
    %dma_wait3A_724 = arith.constant 0 : i32
    %dma_wait3A_725 = arith.constant 0 : i32
    %dma_wait3A_726 = tpu.memref_slice %arg8[%dma_wait3A_724, %dma_wait3A_725] : memref<3x32xi32, #tpu.memory_space<vmem>> -> memref<1x32xi32, #tpu.memory_space<vmem>>
    %dma_wait3A_727 = tpu.memref_squeeze %dma_wait3A_726 : memref<1x32xi32, #tpu.memory_space<vmem>> -> memref<32xi32, #tpu.memory_space<vmem>>
    %dma_wait3A_728 = tpu.memref_slice %arg4[%add3A_571] : memref<16384xi32, #tpu.memory_space<hbm>> -> memref<32xi32, #tpu.memory_space<hbm>>
    %dma_wait3A_729 = arith.constant 0 : i32
    %dma_wait3A_730 = tpu.memref_slice %arg8[%dma_wait3A_724, %dma_wait3A_729] : memref<3x32xi32, #tpu.memory_space<vmem>> -> memref<1x32xi32, #tpu.memory_space<vmem>>
    %dma_wait3A_731 = tpu.memref_squeeze %dma_wait3A_730 : memref<1x32xi32, #tpu.memory_space<vmem>> -> memref<32xi32, #tpu.memory_space<vmem>>
    %dma_wait3A_732 = tpu.memref_slice %arg4[%add3A_571] : memref<16384xi32, #tpu.memory_space<hbm>> -> memref<32xi32, #tpu.memory_space<hbm>>
    tpu.wait_dma2 semaphore(%arg9 : memref<!tpu.dma_semaphore, #tpu.memory_space<semaphore_mem>>) src(%dma_wait3A_732 : memref<32xi32, #tpu.memory_space<hbm>>) dst(%dma_wait3A_731 : memref<32xi32, #tpu.memory_space<vmem>>)
    %dma_wait3A_733 = arith.constant 0 : i32
    %dma_wait3A_734 = arith.constant 0 : i32
    %dma_wait3A_735 = arith.constant 0 : i32
    %dma_wait3A_736 = tpu.memref_slice %arg6[%dma_wait3A_733, %dma_wait3A_734, %dma_wait3A_735] : memref<3x32x1024xf32, #tpu.memory_space<vmem>> -> memref<1x32x1024xf32, #tpu.memory_space<vmem>>
    %dma_wait3A_737 = tpu.memref_squeeze %dma_wait3A_736 : memref<1x32x1024xf32, #tpu.memory_space<vmem>> -> memref<32x1024xf32, #tpu.memory_space<vmem>>
    %dma_wait3A_738 = arith.constant 0 : i32
    %dma_wait3A_739 = tpu.memref_slice %arg2[%add3A_571, %dma_wait3A_738] : memref<16384x1024xf32, #tpu.memory_space<hbm>> -> memref<32x1024xf32, #tpu.memory_space<hbm>>
    %dma_wait3A_740 = arith.constant 0 : i32
    %dma_wait3A_741 = arith.constant 0 : i32
    %dma_wait3A_742 = tpu.memref_slice %arg6[%dma_wait3A_733, %dma_wait3A_740, %dma_wait3A_741] : memref<3x32x1024xf32, #tpu.memory_space<vmem>> -> memref<1x32x1024xf32, #tpu.memory_space<vmem>>
    %dma_wait3A_743 = tpu.memref_squeeze %dma_wait3A_742 : memref<1x32x1024xf32, #tpu.memory_space<vmem>> -> memref<32x1024xf32, #tpu.memory_space<vmem>>
    %dma_wait3A_744 = arith.constant 0 : i32
    %dma_wait3A_745 = tpu.memref_slice %arg2[%add3A_571, %dma_wait3A_744] : memref<16384x1024xf32, #tpu.memory_space<hbm>> -> memref<32x1024xf32, #tpu.memory_space<hbm>>
    tpu.wait_dma2 semaphore(%arg9 : memref<!tpu.dma_semaphore, #tpu.memory_space<semaphore_mem>>) src(%dma_wait3A_745 : memref<32x1024xf32, #tpu.memory_space<hbm>>) dst(%dma_wait3A_743 : memref<32x1024xf32, #tpu.memory_space<vmem>>)
    %dma_start3A_746 = arith.constant 0 : i32
    %dma_start3A_747 = arith.constant 0 : i32
    %dma_start3A_748 = arith.constant 0 : i32
    %dma_start3A_749 = arith.constant 0 : i32
    %dma_start3A_750 = tpu.memref_slice %arg6[%dma_start3A_746, %dma_start3A_748, %dma_start3A_749] : memref<3x32x1024xf32, #tpu.memory_space<vmem>> -> memref<1x32x1024xf32, #tpu.memory_space<vmem>>
    %dma_start3A_751 = tpu.memref_squeeze %dma_start3A_750 : memref<1x32x1024xf32, #tpu.memory_space<vmem>> -> memref<32x1024xf32, #tpu.memory_space<vmem>>
    %dma_start3A_752 = arith.constant 0 : i32
    %dma_start3A_753 = tpu.memref_slice %arg7[%dma_start3A_747, %dma_start3A_752] : memref<3x32xi32, #tpu.memory_space<vmem>> -> memref<1x32xi32, #tpu.memory_space<vmem>>
    %dma_start3A_754 = tpu.memref_squeeze %dma_start3A_753 : memref<1x32xi32, #tpu.memory_space<vmem>> -> memref<32xi32, #tpu.memory_space<vmem>>
    %dma_start3A_755 = arith.constant 0 : i32
    %dma_start3A_756 = arith.constant 0 : i32
    %dma_start3A_757 = tpu.memref_slice %arg5[%dma_start3A_755, %dma_start3A_756] : memref<32768x1024xf32, #tpu.memory_space<hbm>> -> memref<32768x1024xf32, #tpu.memory_space<hbm>>
    tpu.enqueue_indirect_dma source(%dma_start3A_751 : memref<32x1024xf32, #tpu.memory_space<vmem>>) target(%dma_start3A_757 : memref<32768x1024xf32, #tpu.memory_space<hbm>>) offsets(%dma_start3A_754 : memref<32xi32, #tpu.memory_space<vmem>>) semaphore(%arg12 : memref<!tpu.dma_semaphore, #tpu.memory_space<semaphore_mem>>)
    %dma_start3A_758 = arith.constant 0 : i32
    %dma_start3A_759 = arith.constant 0 : i32
    %dma_start3A_760 = arith.constant 0 : i32
    %dma_start3A_761 = arith.constant 0 : i32
    %dma_start3A_762 = tpu.memref_slice %arg6[%dma_start3A_758, %dma_start3A_760, %dma_start3A_761] : memref<3x32x1024xf32, #tpu.memory_space<vmem>> -> memref<1x32x1024xf32, #tpu.memory_space<vmem>>
    %dma_start3A_763 = tpu.memref_squeeze %dma_start3A_762 : memref<1x32x1024xf32, #tpu.memory_space<vmem>> -> memref<32x1024xf32, #tpu.memory_space<vmem>>
    %dma_start3A_764 = arith.constant 0 : i32
    %dma_start3A_765 = tpu.memref_slice %arg8[%dma_start3A_759, %dma_start3A_764] : memref<3x32xi32, #tpu.memory_space<vmem>> -> memref<1x32xi32, #tpu.memory_space<vmem>>
    %dma_start3A_766 = tpu.memref_squeeze %dma_start3A_765 : memref<1x32xi32, #tpu.memory_space<vmem>> -> memref<32xi32, #tpu.memory_space<vmem>>
    %dma_start3A_767 = arith.constant 0 : i32
    %dma_start3A_768 = arith.constant 0 : i32
    %dma_start3A_769 = tpu.memref_slice %arg5[%dma_start3A_767, %dma_start3A_768] : memref<32768x1024xf32, #tpu.memory_space<hbm>> -> memref<32768x1024xf32, #tpu.memory_space<hbm>>
    tpu.enqueue_indirect_dma source(%dma_start3A_763 : memref<32x1024xf32, #tpu.memory_space<vmem>>) target(%dma_start3A_769 : memref<32768x1024xf32, #tpu.memory_space<hbm>>) offsets(%dma_start3A_766 : memref<32xi32, #tpu.memory_space<vmem>>) semaphore(%arg12 : memref<!tpu.dma_semaphore, #tpu.memory_space<semaphore_mem>>)
    %dma_wait3A_770 = arith.constant 2 : i32
    %dma_wait3A_771 = arith.constant 2 : i32
    %dma_wait3A_772 = arith.constant 0 : i32
    %dma_wait3A_773 = arith.constant 0 : i32
    %dma_wait3A_774 = tpu.memref_slice %arg6[%dma_wait3A_770, %dma_wait3A_772, %dma_wait3A_773] : memref<3x32x1024xf32, #tpu.memory_space<vmem>> -> memref<1x32x1024xf32, #tpu.memory_space<vmem>>
    %dma_wait3A_775 = tpu.memref_squeeze %dma_wait3A_774 : memref<1x32x1024xf32, #tpu.memory_space<vmem>> -> memref<32x1024xf32, #tpu.memory_space<vmem>>
    %dma_wait3A_776 = arith.constant 0 : i32
    %dma_wait3A_777 = tpu.memref_slice %arg7[%dma_wait3A_771, %dma_wait3A_776] : memref<3x32xi32, #tpu.memory_space<vmem>> -> memref<1x32xi32, #tpu.memory_space<vmem>>
    %dma_wait3A_778 = tpu.memref_squeeze %dma_wait3A_777 : memref<1x32xi32, #tpu.memory_space<vmem>> -> memref<32xi32, #tpu.memory_space<vmem>>
    %dma_wait3A_779 = arith.constant 0 : i32
    %dma_wait3A_780 = arith.constant 0 : i32
    %dma_wait3A_781 = tpu.memref_slice %arg5[%dma_wait3A_779, %dma_wait3A_780] : memref<32768x1024xf32, #tpu.memory_space<hbm>> -> memref<32768x1024xf32, #tpu.memory_space<hbm>>
    tpu.wait_indirect_dma semaphore(%arg14 : memref<!tpu.dma_semaphore, #tpu.memory_space<semaphore_mem>>) src(%dma_wait3A_775 : memref<32x1024xf32, #tpu.memory_space<vmem>>) dst(%dma_wait3A_781 : memref<32768x1024xf32, #tpu.memory_space<hbm>>)
    %dma_wait3A_782 = arith.constant 2 : i32
    %dma_wait3A_783 = arith.constant 2 : i32
    %dma_wait3A_784 = arith.constant 0 : i32
    %dma_wait3A_785 = arith.constant 0 : i32
    %dma_wait3A_786 = tpu.memref_slice %arg6[%dma_wait3A_782, %dma_wait3A_784, %dma_wait3A_785] : memref<3x32x1024xf32, #tpu.memory_space<vmem>> -> memref<1x32x1024xf32, #tpu.memory_space<vmem>>
    %dma_wait3A_787 = tpu.memref_squeeze %dma_wait3A_786 : memref<1x32x1024xf32, #tpu.memory_space<vmem>> -> memref<32x1024xf32, #tpu.memory_space<vmem>>
    %dma_wait3A_788 = arith.constant 0 : i32
    %dma_wait3A_789 = tpu.memref_slice %arg8[%dma_wait3A_783, %dma_wait3A_788] : memref<3x32xi32, #tpu.memory_space<vmem>> -> memref<1x32xi32, #tpu.memory_space<vmem>>
    %dma_wait3A_790 = tpu.memref_squeeze %dma_wait3A_789 : memref<1x32xi32, #tpu.memory_space<vmem>> -> memref<32xi32, #tpu.memory_space<vmem>>
    %dma_wait3A_791 = arith.constant 0 : i32
    %dma_wait3A_792 = arith.constant 0 : i32
    %dma_wait3A_793 = tpu.memref_slice %arg5[%dma_wait3A_791, %dma_wait3A_792] : memref<32768x1024xf32, #tpu.memory_space<hbm>> -> memref<32768x1024xf32, #tpu.memory_space<hbm>>
    tpu.wait_indirect_dma semaphore(%arg14 : memref<!tpu.dma_semaphore, #tpu.memory_space<semaphore_mem>>) src(%dma_wait3A_787 : memref<32x1024xf32, #tpu.memory_space<vmem>>) dst(%dma_wait3A_793 : memref<32768x1024xf32, #tpu.memory_space<hbm>>)
    %add3A_794 = arith.constant 256 : i32
    %add3A_795 = arith.addi %mul3A_2, %add3A_794 : i32
    %dma_start3A_796 = arith.constant 2 : i32
    %dma_start3A_797 = arith.constant 0 : i32
    %dma_start3A_798 = tpu.memref_slice %arg7[%dma_start3A_796, %dma_start3A_797] : memref<3x32xi32, #tpu.memory_space<vmem>> -> memref<1x32xi32, #tpu.memory_space<vmem>>
    %dma_start3A_799 = tpu.memref_squeeze %dma_start3A_798 : memref<1x32xi32, #tpu.memory_space<vmem>> -> memref<32xi32, #tpu.memory_space<vmem>>
    %dma_start3A_800 = tpu.memref_slice %arg3[%add3A_795] : memref<16384xi32, #tpu.memory_space<hbm>> -> memref<32xi32, #tpu.memory_space<hbm>>
    %dma_start3A_801 = arith.constant 0 : i32
    %dma_start3A_802 = tpu.memref_slice %arg7[%dma_start3A_796, %dma_start3A_801] : memref<3x32xi32, #tpu.memory_space<vmem>> -> memref<1x32xi32, #tpu.memory_space<vmem>>
    %dma_start3A_803 = tpu.memref_squeeze %dma_start3A_802 : memref<1x32xi32, #tpu.memory_space<vmem>> -> memref<32xi32, #tpu.memory_space<vmem>>
    %dma_start3A_804 = tpu.memref_slice %arg3[%add3A_795] : memref<16384xi32, #tpu.memory_space<hbm>> -> memref<32xi32, #tpu.memory_space<hbm>>
    tpu.enqueue_dma source(%dma_start3A_804 : memref<32xi32, #tpu.memory_space<hbm>>) target(%dma_start3A_803 : memref<32xi32, #tpu.memory_space<vmem>>) target_semaphore(%arg11 : memref<!tpu.dma_semaphore, #tpu.memory_space<semaphore_mem>>)
    %dma_start3A_805 = arith.constant 2 : i32
    %dma_start3A_806 = arith.constant 0 : i32
    %dma_start3A_807 = tpu.memref_slice %arg8[%dma_start3A_805, %dma_start3A_806] : memref<3x32xi32, #tpu.memory_space<vmem>> -> memref<1x32xi32, #tpu.memory_space<vmem>>
    %dma_start3A_808 = tpu.memref_squeeze %dma_start3A_807 : memref<1x32xi32, #tpu.memory_space<vmem>> -> memref<32xi32, #tpu.memory_space<vmem>>
    %dma_start3A_809 = tpu.memref_slice %arg4[%add3A_795] : memref<16384xi32, #tpu.memory_space<hbm>> -> memref<32xi32, #tpu.memory_space<hbm>>
    %dma_start3A_810 = arith.constant 0 : i32
    %dma_start3A_811 = tpu.memref_slice %arg8[%dma_start3A_805, %dma_start3A_810] : memref<3x32xi32, #tpu.memory_space<vmem>> -> memref<1x32xi32, #tpu.memory_space<vmem>>
    %dma_start3A_812 = tpu.memref_squeeze %dma_start3A_811 : memref<1x32xi32, #tpu.memory_space<vmem>> -> memref<32xi32, #tpu.memory_space<vmem>>
    %dma_start3A_813 = tpu.memref_slice %arg4[%add3A_795] : memref<16384xi32, #tpu.memory_space<hbm>> -> memref<32xi32, #tpu.memory_space<hbm>>
    tpu.enqueue_dma source(%dma_start3A_813 : memref<32xi32, #tpu.memory_space<hbm>>) target(%dma_start3A_812 : memref<32xi32, #tpu.memory_space<vmem>>) target_semaphore(%arg11 : memref<!tpu.dma_semaphore, #tpu.memory_space<semaphore_mem>>)
    %dma_start3A_814 = arith.constant 2 : i32
    %dma_start3A_815 = arith.constant 0 : i32
    %dma_start3A_816 = arith.constant 0 : i32
    %dma_start3A_817 = tpu.memref_slice %arg6[%dma_start3A_814, %dma_start3A_815, %dma_start3A_816] : memref<3x32x1024xf32, #tpu.memory_space<vmem>> -> memref<1x32x1024xf32, #tpu.memory_space<vmem>>
    %dma_start3A_818 = tpu.memref_squeeze %dma_start3A_817 : memref<1x32x1024xf32, #tpu.memory_space<vmem>> -> memref<32x1024xf32, #tpu.memory_space<vmem>>
    %dma_start3A_819 = arith.constant 0 : i32
    %dma_start3A_820 = tpu.memref_slice %arg2[%add3A_795, %dma_start3A_819] : memref<16384x1024xf32, #tpu.memory_space<hbm>> -> memref<32x1024xf32, #tpu.memory_space<hbm>>
    %dma_start3A_821 = arith.constant 0 : i32
    %dma_start3A_822 = arith.constant 0 : i32
    %dma_start3A_823 = tpu.memref_slice %arg6[%dma_start3A_814, %dma_start3A_821, %dma_start3A_822] : memref<3x32x1024xf32, #tpu.memory_space<vmem>> -> memref<1x32x1024xf32, #tpu.memory_space<vmem>>
    %dma_start3A_824 = tpu.memref_squeeze %dma_start3A_823 : memref<1x32x1024xf32, #tpu.memory_space<vmem>> -> memref<32x1024xf32, #tpu.memory_space<vmem>>
    %dma_start3A_825 = arith.constant 0 : i32
    %dma_start3A_826 = tpu.memref_slice %arg2[%add3A_795, %dma_start3A_825] : memref<16384x1024xf32, #tpu.memory_space<hbm>> -> memref<32x1024xf32, #tpu.memory_space<hbm>>
    tpu.enqueue_dma source(%dma_start3A_826 : memref<32x1024xf32, #tpu.memory_space<hbm>>) target(%dma_start3A_824 : memref<32x1024xf32, #tpu.memory_space<vmem>>) target_semaphore(%arg11 : memref<!tpu.dma_semaphore, #tpu.memory_space<semaphore_mem>>)
    %dma_wait3A_827 = arith.constant 1 : i32
    %dma_wait3A_828 = arith.constant 0 : i32
    %dma_wait3A_829 = tpu.memref_slice %arg7[%dma_wait3A_827, %dma_wait3A_828] : memref<3x32xi32, #tpu.memory_space<vmem>> -> memref<1x32xi32, #tpu.memory_space<vmem>>
    %dma_wait3A_830 = tpu.memref_squeeze %dma_wait3A_829 : memref<1x32xi32, #tpu.memory_space<vmem>> -> memref<32xi32, #tpu.memory_space<vmem>>
    %dma_wait3A_831 = tpu.memref_slice %arg3[%add3A_683] : memref<16384xi32, #tpu.memory_space<hbm>> -> memref<32xi32, #tpu.memory_space<hbm>>
    %dma_wait3A_832 = arith.constant 0 : i32
    %dma_wait3A_833 = tpu.memref_slice %arg7[%dma_wait3A_827, %dma_wait3A_832] : memref<3x32xi32, #tpu.memory_space<vmem>> -> memref<1x32xi32, #tpu.memory_space<vmem>>
    %dma_wait3A_834 = tpu.memref_squeeze %dma_wait3A_833 : memref<1x32xi32, #tpu.memory_space<vmem>> -> memref<32xi32, #tpu.memory_space<vmem>>
    %dma_wait3A_835 = tpu.memref_slice %arg3[%add3A_683] : memref<16384xi32, #tpu.memory_space<hbm>> -> memref<32xi32, #tpu.memory_space<hbm>>
    tpu.wait_dma2 semaphore(%arg10 : memref<!tpu.dma_semaphore, #tpu.memory_space<semaphore_mem>>) src(%dma_wait3A_835 : memref<32xi32, #tpu.memory_space<hbm>>) dst(%dma_wait3A_834 : memref<32xi32, #tpu.memory_space<vmem>>)
    %dma_wait3A_836 = arith.constant 1 : i32
    %dma_wait3A_837 = arith.constant 0 : i32
    %dma_wait3A_838 = tpu.memref_slice %arg8[%dma_wait3A_836, %dma_wait3A_837] : memref<3x32xi32, #tpu.memory_space<vmem>> -> memref<1x32xi32, #tpu.memory_space<vmem>>
    %dma_wait3A_839 = tpu.memref_squeeze %dma_wait3A_838 : memref<1x32xi32, #tpu.memory_space<vmem>> -> memref<32xi32, #tpu.memory_space<vmem>>
    %dma_wait3A_840 = tpu.memref_slice %arg4[%add3A_683] : memref<16384xi32, #tpu.memory_space<hbm>> -> memref<32xi32, #tpu.memory_space<hbm>>
    %dma_wait3A_841 = arith.constant 0 : i32
    %dma_wait3A_842 = tpu.memref_slice %arg8[%dma_wait3A_836, %dma_wait3A_841] : memref<3x32xi32, #tpu.memory_space<vmem>> -> memref<1x32xi32, #tpu.memory_space<vmem>>
    %dma_wait3A_843 = tpu.memref_squeeze %dma_wait3A_842 : memref<1x32xi32, #tpu.memory_space<vmem>> -> memref<32xi32, #tpu.memory_space<vmem>>
    %dma_wait3A_844 = tpu.memref_slice %arg4[%add3A_683] : memref<16384xi32, #tpu.memory_space<hbm>> -> memref<32xi32, #tpu.memory_space<hbm>>
    tpu.wait_dma2 semaphore(%arg10 : memref<!tpu.dma_semaphore, #tpu.memory_space<semaphore_mem>>) src(%dma_wait3A_844 : memref<32xi32, #tpu.memory_space<hbm>>) dst(%dma_wait3A_843 : memref<32xi32, #tpu.memory_space<vmem>>)
    %dma_wait3A_845 = arith.constant 1 : i32
    %dma_wait3A_846 = arith.constant 0 : i32
    %dma_wait3A_847 = arith.constant 0 : i32
    %dma_wait3A_848 = tpu.memref_slice %arg6[%dma_wait3A_845, %dma_wait3A_846, %dma_wait3A_847] : memref<3x32x1024xf32, #tpu.memory_space<vmem>> -> memref<1x32x1024xf32, #tpu.memory_space<vmem>>
    %dma_wait3A_849 = tpu.memref_squeeze %dma_wait3A_848 : memref<1x32x1024xf32, #tpu.memory_space<vmem>> -> memref<32x1024xf32, #tpu.memory_space<vmem>>
    %dma_wait3A_850 = arith.constant 0 : i32
    %dma_wait3A_851 = tpu.memref_slice %arg2[%add3A_683, %dma_wait3A_850] : memref<16384x1024xf32, #tpu.memory_space<hbm>> -> memref<32x1024xf32, #tpu.memory_space<hbm>>
    %dma_wait3A_852 = arith.constant 0 : i32
    %dma_wait3A_853 = arith.constant 0 : i32
    %dma_wait3A_854 = tpu.memref_slice %arg6[%dma_wait3A_845, %dma_wait3A_852, %dma_wait3A_853] : memref<3x32x1024xf32, #tpu.memory_space<vmem>> -> memref<1x32x1024xf32, #tpu.memory_space<vmem>>
    %dma_wait3A_855 = tpu.memref_squeeze %dma_wait3A_854 : memref<1x32x1024xf32, #tpu.memory_space<vmem>> -> memref<32x1024xf32, #tpu.memory_space<vmem>>
    %dma_wait3A_856 = arith.constant 0 : i32
    %dma_wait3A_857 = tpu.memref_slice %arg2[%add3A_683, %dma_wait3A_856] : memref<16384x1024xf32, #tpu.memory_space<hbm>> -> memref<32x1024xf32, #tpu.memory_space<hbm>>
    tpu.wait_dma2 semaphore(%arg10 : memref<!tpu.dma_semaphore, #tpu.memory_space<semaphore_mem>>) src(%dma_wait3A_857 : memref<32x1024xf32, #tpu.memory_space<hbm>>) dst(%dma_wait3A_855 : memref<32x1024xf32, #tpu.memory_space<vmem>>)
    %dma_start3A_858 = arith.constant 1 : i32
    %dma_start3A_859 = arith.constant 1 : i32
    %dma_start3A_860 = arith.constant 0 : i32
    %dma_start3A_861 = arith.constant 0 : i32
    %dma_start3A_862 = tpu.memref_slice %arg6[%dma_start3A_858, %dma_start3A_860, %dma_start3A_861] : memref<3x32x1024xf32, #tpu.memory_space<vmem>> -> memref<1x32x1024xf32, #tpu.memory_space<vmem>>
    %dma_start3A_863 = tpu.memref_squeeze %dma_start3A_862 : memref<1x32x1024xf32, #tpu.memory_space<vmem>> -> memref<32x1024xf32, #tpu.memory_space<vmem>>
    %dma_start3A_864 = arith.constant 0 : i32
    %dma_start3A_865 = tpu.memref_slice %arg7[%dma_start3A_859, %dma_start3A_864] : memref<3x32xi32, #tpu.memory_space<vmem>> -> memref<1x32xi32, #tpu.memory_space<vmem>>
    %dma_start3A_866 = tpu.memref_squeeze %dma_start3A_865 : memref<1x32xi32, #tpu.memory_space<vmem>> -> memref<32xi32, #tpu.memory_space<vmem>>
    %dma_start3A_867 = arith.constant 0 : i32
    %dma_start3A_868 = arith.constant 0 : i32
    %dma_start3A_869 = tpu.memref_slice %arg5[%dma_start3A_867, %dma_start3A_868] : memref<32768x1024xf32, #tpu.memory_space<hbm>> -> memref<32768x1024xf32, #tpu.memory_space<hbm>>
    tpu.enqueue_indirect_dma source(%dma_start3A_863 : memref<32x1024xf32, #tpu.memory_space<vmem>>) target(%dma_start3A_869 : memref<32768x1024xf32, #tpu.memory_space<hbm>>) offsets(%dma_start3A_866 : memref<32xi32, #tpu.memory_space<vmem>>) semaphore(%arg13 : memref<!tpu.dma_semaphore, #tpu.memory_space<semaphore_mem>>)
    %dma_start3A_870 = arith.constant 1 : i32
    %dma_start3A_871 = arith.constant 1 : i32
    %dma_start3A_872 = arith.constant 0 : i32
    %dma_start3A_873 = arith.constant 0 : i32
    %dma_start3A_874 = tpu.memref_slice %arg6[%dma_start3A_870, %dma_start3A_872, %dma_start3A_873] : memref<3x32x1024xf32, #tpu.memory_space<vmem>> -> memref<1x32x1024xf32, #tpu.memory_space<vmem>>
    %dma_start3A_875 = tpu.memref_squeeze %dma_start3A_874 : memref<1x32x1024xf32, #tpu.memory_space<vmem>> -> memref<32x1024xf32, #tpu.memory_space<vmem>>
    %dma_start3A_876 = arith.constant 0 : i32
    %dma_start3A_877 = tpu.memref_slice %arg8[%dma_start3A_871, %dma_start3A_876] : memref<3x32xi32, #tpu.memory_space<vmem>> -> memref<1x32xi32, #tpu.memory_space<vmem>>
    %dma_start3A_878 = tpu.memref_squeeze %dma_start3A_877 : memref<1x32xi32, #tpu.memory_space<vmem>> -> memref<32xi32, #tpu.memory_space<vmem>>
    %dma_start3A_879 = arith.constant 0 : i32
    %dma_start3A_880 = arith.constant 0 : i32
    %dma_start3A_881 = tpu.memref_slice %arg5[%dma_start3A_879, %dma_start3A_880] : memref<32768x1024xf32, #tpu.memory_space<hbm>> -> memref<32768x1024xf32, #tpu.memory_space<hbm>>
    tpu.enqueue_indirect_dma source(%dma_start3A_875 : memref<32x1024xf32, #tpu.memory_space<vmem>>) target(%dma_start3A_881 : memref<32768x1024xf32, #tpu.memory_space<hbm>>) offsets(%dma_start3A_878 : memref<32xi32, #tpu.memory_space<vmem>>) semaphore(%arg13 : memref<!tpu.dma_semaphore, #tpu.memory_space<semaphore_mem>>)
    %dma_wait3A_882 = arith.constant 0 : i32
    %dma_wait3A_883 = arith.constant 0 : i32
    %dma_wait3A_884 = arith.constant 0 : i32
    %dma_wait3A_885 = arith.constant 0 : i32
    %dma_wait3A_886 = tpu.memref_slice %arg6[%dma_wait3A_882, %dma_wait3A_884, %dma_wait3A_885] : memref<3x32x1024xf32, #tpu.memory_space<vmem>> -> memref<1x32x1024xf32, #tpu.memory_space<vmem>>
    %dma_wait3A_887 = tpu.memref_squeeze %dma_wait3A_886 : memref<1x32x1024xf32, #tpu.memory_space<vmem>> -> memref<32x1024xf32, #tpu.memory_space<vmem>>
    %dma_wait3A_888 = arith.constant 0 : i32
    %dma_wait3A_889 = tpu.memref_slice %arg7[%dma_wait3A_883, %dma_wait3A_888] : memref<3x32xi32, #tpu.memory_space<vmem>> -> memref<1x32xi32, #tpu.memory_space<vmem>>
    %dma_wait3A_890 = tpu.memref_squeeze %dma_wait3A_889 : memref<1x32xi32, #tpu.memory_space<vmem>> -> memref<32xi32, #tpu.memory_space<vmem>>
    %dma_wait3A_891 = arith.constant 0 : i32
    %dma_wait3A_892 = arith.constant 0 : i32
    %dma_wait3A_893 = tpu.memref_slice %arg5[%dma_wait3A_891, %dma_wait3A_892] : memref<32768x1024xf32, #tpu.memory_space<hbm>> -> memref<32768x1024xf32, #tpu.memory_space<hbm>>
    tpu.wait_indirect_dma semaphore(%arg12 : memref<!tpu.dma_semaphore, #tpu.memory_space<semaphore_mem>>) src(%dma_wait3A_887 : memref<32x1024xf32, #tpu.memory_space<vmem>>) dst(%dma_wait3A_893 : memref<32768x1024xf32, #tpu.memory_space<hbm>>)
    %dma_wait3A_894 = arith.constant 0 : i32
    %dma_wait3A_895 = arith.constant 0 : i32
    %dma_wait3A_896 = arith.constant 0 : i32
    %dma_wait3A_897 = arith.constant 0 : i32
    %dma_wait3A_898 = tpu.memref_slice %arg6[%dma_wait3A_894, %dma_wait3A_896, %dma_wait3A_897] : memref<3x32x1024xf32, #tpu.memory_space<vmem>> -> memref<1x32x1024xf32, #tpu.memory_space<vmem>>
    %dma_wait3A_899 = tpu.memref_squeeze %dma_wait3A_898 : memref<1x32x1024xf32, #tpu.memory_space<vmem>> -> memref<32x1024xf32, #tpu.memory_space<vmem>>
    %dma_wait3A_900 = arith.constant 0 : i32
    %dma_wait3A_901 = tpu.memref_slice %arg8[%dma_wait3A_895, %dma_wait3A_900] : memref<3x32xi32, #tpu.memory_space<vmem>> -> memref<1x32xi32, #tpu.memory_space<vmem>>
    %dma_wait3A_902 = tpu.memref_squeeze %dma_wait3A_901 : memref<1x32xi32, #tpu.memory_space<vmem>> -> memref<32xi32, #tpu.memory_space<vmem>>
    %dma_wait3A_903 = arith.constant 0 : i32
    %dma_wait3A_904 = arith.constant 0 : i32
    %dma_wait3A_905 = tpu.memref_slice %arg5[%dma_wait3A_903, %dma_wait3A_904] : memref<32768x1024xf32, #tpu.memory_space<hbm>> -> memref<32768x1024xf32, #tpu.memory_space<hbm>>
    tpu.wait_indirect_dma semaphore(%arg12 : memref<!tpu.dma_semaphore, #tpu.memory_space<semaphore_mem>>) src(%dma_wait3A_899 : memref<32x1024xf32, #tpu.memory_space<vmem>>) dst(%dma_wait3A_905 : memref<32768x1024xf32, #tpu.memory_space<hbm>>)
    %add3A_906 = arith.constant 288 : i32
    %add3A_907 = arith.addi %mul3A_2, %add3A_906 : i32
    %dma_start3A_908 = arith.constant 0 : i32
    %dma_start3A_909 = arith.constant 0 : i32
    %dma_start3A_910 = tpu.memref_slice %arg7[%dma_start3A_908, %dma_start3A_909] : memref<3x32xi32, #tpu.memory_space<vmem>> -> memref<1x32xi32, #tpu.memory_space<vmem>>
    %dma_start3A_911 = tpu.memref_squeeze %dma_start3A_910 : memref<1x32xi32, #tpu.memory_space<vmem>> -> memref<32xi32, #tpu.memory_space<vmem>>
    %dma_start3A_912 = tpu.memref_slice %arg3[%add3A_907] : memref<16384xi32, #tpu.memory_space<hbm>> -> memref<32xi32, #tpu.memory_space<hbm>>
    %dma_start3A_913 = arith.constant 0 : i32
    %dma_start3A_914 = tpu.memref_slice %arg7[%dma_start3A_908, %dma_start3A_913] : memref<3x32xi32, #tpu.memory_space<vmem>> -> memref<1x32xi32, #tpu.memory_space<vmem>>
    %dma_start3A_915 = tpu.memref_squeeze %dma_start3A_914 : memref<1x32xi32, #tpu.memory_space<vmem>> -> memref<32xi32, #tpu.memory_space<vmem>>
    %dma_start3A_916 = tpu.memref_slice %arg3[%add3A_907] : memref<16384xi32, #tpu.memory_space<hbm>> -> memref<32xi32, #tpu.memory_space<hbm>>
    tpu.enqueue_dma source(%dma_start3A_916 : memref<32xi32, #tpu.memory_space<hbm>>) target(%dma_start3A_915 : memref<32xi32, #tpu.memory_space<vmem>>) target_semaphore(%arg9 : memref<!tpu.dma_semaphore, #tpu.memory_space<semaphore_mem>>)
    %dma_start3A_917 = arith.constant 0 : i32
    %dma_start3A_918 = arith.constant 0 : i32
    %dma_start3A_919 = tpu.memref_slice %arg8[%dma_start3A_917, %dma_start3A_918] : memref<3x32xi32, #tpu.memory_space<vmem>> -> memref<1x32xi32, #tpu.memory_space<vmem>>
    %dma_start3A_920 = tpu.memref_squeeze %dma_start3A_919 : memref<1x32xi32, #tpu.memory_space<vmem>> -> memref<32xi32, #tpu.memory_space<vmem>>
    %dma_start3A_921 = tpu.memref_slice %arg4[%add3A_907] : memref<16384xi32, #tpu.memory_space<hbm>> -> memref<32xi32, #tpu.memory_space<hbm>>
    %dma_start3A_922 = arith.constant 0 : i32
    %dma_start3A_923 = tpu.memref_slice %arg8[%dma_start3A_917, %dma_start3A_922] : memref<3x32xi32, #tpu.memory_space<vmem>> -> memref<1x32xi32, #tpu.memory_space<vmem>>
    %dma_start3A_924 = tpu.memref_squeeze %dma_start3A_923 : memref<1x32xi32, #tpu.memory_space<vmem>> -> memref<32xi32, #tpu.memory_space<vmem>>
    %dma_start3A_925 = tpu.memref_slice %arg4[%add3A_907] : memref<16384xi32, #tpu.memory_space<hbm>> -> memref<32xi32, #tpu.memory_space<hbm>>
    tpu.enqueue_dma source(%dma_start3A_925 : memref<32xi32, #tpu.memory_space<hbm>>) target(%dma_start3A_924 : memref<32xi32, #tpu.memory_space<vmem>>) target_semaphore(%arg9 : memref<!tpu.dma_semaphore, #tpu.memory_space<semaphore_mem>>)
    %dma_start3A_926 = arith.constant 0 : i32
    %dma_start3A_927 = arith.constant 0 : i32
    %dma_start3A_928 = arith.constant 0 : i32
    %dma_start3A_929 = tpu.memref_slice %arg6[%dma_start3A_926, %dma_start3A_927, %dma_start3A_928] : memref<3x32x1024xf32, #tpu.memory_space<vmem>> -> memref<1x32x1024xf32, #tpu.memory_space<vmem>>
    %dma_start3A_930 = tpu.memref_squeeze %dma_start3A_929 : memref<1x32x1024xf32, #tpu.memory_space<vmem>> -> memref<32x1024xf32, #tpu.memory_space<vmem>>
    %dma_start3A_931 = arith.constant 0 : i32
    %dma_start3A_932 = tpu.memref_slice %arg2[%add3A_907, %dma_start3A_931] : memref<16384x1024xf32, #tpu.memory_space<hbm>> -> memref<32x1024xf32, #tpu.memory_space<hbm>>
    %dma_start3A_933 = arith.constant 0 : i32
    %dma_start3A_934 = arith.constant 0 : i32
    %dma_start3A_935 = tpu.memref_slice %arg6[%dma_start3A_926, %dma_start3A_933, %dma_start3A_934] : memref<3x32x1024xf32, #tpu.memory_space<vmem>> -> memref<1x32x1024xf32, #tpu.memory_space<vmem>>
    %dma_start3A_936 = tpu.memref_squeeze %dma_start3A_935 : memref<1x32x1024xf32, #tpu.memory_space<vmem>> -> memref<32x1024xf32, #tpu.memory_space<vmem>>
    %dma_start3A_937 = arith.constant 0 : i32
    %dma_start3A_938 = tpu.memref_slice %arg2[%add3A_907, %dma_start3A_937] : memref<16384x1024xf32, #tpu.memory_space<hbm>> -> memref<32x1024xf32, #tpu.memory_space<hbm>>
    tpu.enqueue_dma source(%dma_start3A_938 : memref<32x1024xf32, #tpu.memory_space<hbm>>) target(%dma_start3A_936 : memref<32x1024xf32, #tpu.memory_space<vmem>>) target_semaphore(%arg9 : memref<!tpu.dma_semaphore, #tpu.memory_space<semaphore_mem>>)
    %dma_wait3A_939 = arith.constant 2 : i32
    %dma_wait3A_940 = arith.constant 0 : i32
    %dma_wait3A_941 = tpu.memref_slice %arg7[%dma_wait3A_939, %dma_wait3A_940] : memref<3x32xi32, #tpu.memory_space<vmem>> -> memref<1x32xi32, #tpu.memory_space<vmem>>
    %dma_wait3A_942 = tpu.memref_squeeze %dma_wait3A_941 : memref<1x32xi32, #tpu.memory_space<vmem>> -> memref<32xi32, #tpu.memory_space<vmem>>
    %dma_wait3A_943 = tpu.memref_slice %arg3[%add3A_795] : memref<16384xi32, #tpu.memory_space<hbm>> -> memref<32xi32, #tpu.memory_space<hbm>>
    %dma_wait3A_944 = arith.constant 0 : i32
    %dma_wait3A_945 = tpu.memref_slice %arg7[%dma_wait3A_939, %dma_wait3A_944] : memref<3x32xi32, #tpu.memory_space<vmem>> -> memref<1x32xi32, #tpu.memory_space<vmem>>
    %dma_wait3A_946 = tpu.memref_squeeze %dma_wait3A_945 : memref<1x32xi32, #tpu.memory_space<vmem>> -> memref<32xi32, #tpu.memory_space<vmem>>
    %dma_wait3A_947 = tpu.memref_slice %arg3[%add3A_795] : memref<16384xi32, #tpu.memory_space<hbm>> -> memref<32xi32, #tpu.memory_space<hbm>>
    tpu.wait_dma2 semaphore(%arg11 : memref<!tpu.dma_semaphore, #tpu.memory_space<semaphore_mem>>) src(%dma_wait3A_947 : memref<32xi32, #tpu.memory_space<hbm>>) dst(%dma_wait3A_946 : memref<32xi32, #tpu.memory_space<vmem>>)
    %dma_wait3A_948 = arith.constant 2 : i32
    %dma_wait3A_949 = arith.constant 0 : i32
    %dma_wait3A_950 = tpu.memref_slice %arg8[%dma_wait3A_948, %dma_wait3A_949] : memref<3x32xi32, #tpu.memory_space<vmem>> -> memref<1x32xi32, #tpu.memory_space<vmem>>
    %dma_wait3A_951 = tpu.memref_squeeze %dma_wait3A_950 : memref<1x32xi32, #tpu.memory_space<vmem>> -> memref<32xi32, #tpu.memory_space<vmem>>
    %dma_wait3A_952 = tpu.memref_slice %arg4[%add3A_795] : memref<16384xi32, #tpu.memory_space<hbm>> -> memref<32xi32, #tpu.memory_space<hbm>>
    %dma_wait3A_953 = arith.constant 0 : i32
    %dma_wait3A_954 = tpu.memref_slice %arg8[%dma_wait3A_948, %dma_wait3A_953] : memref<3x32xi32, #tpu.memory_space<vmem>> -> memref<1x32xi32, #tpu.memory_space<vmem>>
    %dma_wait3A_955 = tpu.memref_squeeze %dma_wait3A_954 : memref<1x32xi32, #tpu.memory_space<vmem>> -> memref<32xi32, #tpu.memory_space<vmem>>
    %dma_wait3A_956 = tpu.memref_slice %arg4[%add3A_795] : memref<16384xi32, #tpu.memory_space<hbm>> -> memref<32xi32, #tpu.memory_space<hbm>>
    tpu.wait_dma2 semaphore(%arg11 : memref<!tpu.dma_semaphore, #tpu.memory_space<semaphore_mem>>) src(%dma_wait3A_956 : memref<32xi32, #tpu.memory_space<hbm>>) dst(%dma_wait3A_955 : memref<32xi32, #tpu.memory_space<vmem>>)
    %dma_wait3A_957 = arith.constant 2 : i32
    %dma_wait3A_958 = arith.constant 0 : i32
    %dma_wait3A_959 = arith.constant 0 : i32
    %dma_wait3A_960 = tpu.memref_slice %arg6[%dma_wait3A_957, %dma_wait3A_958, %dma_wait3A_959] : memref<3x32x1024xf32, #tpu.memory_space<vmem>> -> memref<1x32x1024xf32, #tpu.memory_space<vmem>>
    %dma_wait3A_961 = tpu.memref_squeeze %dma_wait3A_960 : memref<1x32x1024xf32, #tpu.memory_space<vmem>> -> memref<32x1024xf32, #tpu.memory_space<vmem>>
    %dma_wait3A_962 = arith.constant 0 : i32
    %dma_wait3A_963 = tpu.memref_slice %arg2[%add3A_795, %dma_wait3A_962] : memref<16384x1024xf32, #tpu.memory_space<hbm>> -> memref<32x1024xf32, #tpu.memory_space<hbm>>
    %dma_wait3A_964 = arith.constant 0 : i32
    %dma_wait3A_965 = arith.constant 0 : i32
    %dma_wait3A_966 = tpu.memref_slice %arg6[%dma_wait3A_957, %dma_wait3A_964, %dma_wait3A_965] : memref<3x32x1024xf32, #tpu.memory_space<vmem>> -> memref<1x32x1024xf32, #tpu.memory_space<vmem>>
    %dma_wait3A_967 = tpu.memref_squeeze %dma_wait3A_966 : memref<1x32x1024xf32, #tpu.memory_space<vmem>> -> memref<32x1024xf32, #tpu.memory_space<vmem>>
    %dma_wait3A_968 = arith.constant 0 : i32
    %dma_wait3A_969 = tpu.memref_slice %arg2[%add3A_795, %dma_wait3A_968] : memref<16384x1024xf32, #tpu.memory_space<hbm>> -> memref<32x1024xf32, #tpu.memory_space<hbm>>
    tpu.wait_dma2 semaphore(%arg11 : memref<!tpu.dma_semaphore, #tpu.memory_space<semaphore_mem>>) src(%dma_wait3A_969 : memref<32x1024xf32, #tpu.memory_space<hbm>>) dst(%dma_wait3A_967 : memref<32x1024xf32, #tpu.memory_space<vmem>>)
    %dma_start3A_970 = arith.constant 2 : i32
    %dma_start3A_971 = arith.constant 2 : i32
    %dma_start3A_972 = arith.constant 0 : i32
    %dma_start3A_973 = arith.constant 0 : i32
    %dma_start3A_974 = tpu.memref_slice %arg6[%dma_start3A_970, %dma_start3A_972, %dma_start3A_973] : memref<3x32x1024xf32, #tpu.memory_space<vmem>> -> memref<1x32x1024xf32, #tpu.memory_space<vmem>>
    %dma_start3A_975 = tpu.memref_squeeze %dma_start3A_974 : memref<1x32x1024xf32, #tpu.memory_space<vmem>> -> memref<32x1024xf32, #tpu.memory_space<vmem>>
    %dma_start3A_976 = arith.constant 0 : i32
    %dma_start3A_977 = tpu.memref_slice %arg7[%dma_start3A_971, %dma_start3A_976] : memref<3x32xi32, #tpu.memory_space<vmem>> -> memref<1x32xi32, #tpu.memory_space<vmem>>
    %dma_start3A_978 = tpu.memref_squeeze %dma_start3A_977 : memref<1x32xi32, #tpu.memory_space<vmem>> -> memref<32xi32, #tpu.memory_space<vmem>>
    %dma_start3A_979 = arith.constant 0 : i32
    %dma_start3A_980 = arith.constant 0 : i32
    %dma_start3A_981 = tpu.memref_slice %arg5[%dma_start3A_979, %dma_start3A_980] : memref<32768x1024xf32, #tpu.memory_space<hbm>> -> memref<32768x1024xf32, #tpu.memory_space<hbm>>
    tpu.enqueue_indirect_dma source(%dma_start3A_975 : memref<32x1024xf32, #tpu.memory_space<vmem>>) target(%dma_start3A_981 : memref<32768x1024xf32, #tpu.memory_space<hbm>>) offsets(%dma_start3A_978 : memref<32xi32, #tpu.memory_space<vmem>>) semaphore(%arg14 : memref<!tpu.dma_semaphore, #tpu.memory_space<semaphore_mem>>)
    %dma_start3A_982 = arith.constant 2 : i32
    %dma_start3A_983 = arith.constant 2 : i32
    %dma_start3A_984 = arith.constant 0 : i32
    %dma_start3A_985 = arith.constant 0 : i32
    %dma_start3A_986 = tpu.memref_slice %arg6[%dma_start3A_982, %dma_start3A_984, %dma_start3A_985] : memref<3x32x1024xf32, #tpu.memory_space<vmem>> -> memref<1x32x1024xf32, #tpu.memory_space<vmem>>
    %dma_start3A_987 = tpu.memref_squeeze %dma_start3A_986 : memref<1x32x1024xf32, #tpu.memory_space<vmem>> -> memref<32x1024xf32, #tpu.memory_space<vmem>>
    %dma_start3A_988 = arith.constant 0 : i32
    %dma_start3A_989 = tpu.memref_slice %arg8[%dma_start3A_983, %dma_start3A_988] : memref<3x32xi32, #tpu.memory_space<vmem>> -> memref<1x32xi32, #tpu.memory_space<vmem>>
    %dma_start3A_990 = tpu.memref_squeeze %dma_start3A_989 : memref<1x32xi32, #tpu.memory_space<vmem>> -> memref<32xi32, #tpu.memory_space<vmem>>
    %dma_start3A_991 = arith.constant 0 : i32
    %dma_start3A_992 = arith.constant 0 : i32
    %dma_start3A_993 = tpu.memref_slice %arg5[%dma_start3A_991, %dma_start3A_992] : memref<32768x1024xf32, #tpu.memory_space<hbm>> -> memref<32768x1024xf32, #tpu.memory_space<hbm>>
    tpu.enqueue_indirect_dma source(%dma_start3A_987 : memref<32x1024xf32, #tpu.memory_space<vmem>>) target(%dma_start3A_993 : memref<32768x1024xf32, #tpu.memory_space<hbm>>) offsets(%dma_start3A_990 : memref<32xi32, #tpu.memory_space<vmem>>) semaphore(%arg14 : memref<!tpu.dma_semaphore, #tpu.memory_space<semaphore_mem>>)
    %dma_wait3A_994 = arith.constant 1 : i32
    %dma_wait3A_995 = arith.constant 1 : i32
    %dma_wait3A_996 = arith.constant 0 : i32
    %dma_wait3A_997 = arith.constant 0 : i32
    %dma_wait3A_998 = tpu.memref_slice %arg6[%dma_wait3A_994, %dma_wait3A_996, %dma_wait3A_997] : memref<3x32x1024xf32, #tpu.memory_space<vmem>> -> memref<1x32x1024xf32, #tpu.memory_space<vmem>>
    %dma_wait3A_999 = tpu.memref_squeeze %dma_wait3A_998 : memref<1x32x1024xf32, #tpu.memory_space<vmem>> -> memref<32x1024xf32, #tpu.memory_space<vmem>>
    %dma_wait3A_1000 = arith.constant 0 : i32
    %dma_wait3A_1001 = tpu.memref_slice %arg7[%dma_wait3A_995, %dma_wait3A_1000] : memref<3x32xi32, #tpu.memory_space<vmem>> -> memref<1x32xi32, #tpu.memory_space<vmem>>
    %dma_wait3A_1002 = tpu.memref_squeeze %dma_wait3A_1001 : memref<1x32xi32, #tpu.memory_space<vmem>> -> memref<32xi32, #tpu.memory_space<vmem>>
    %dma_wait3A_1003 = arith.constant 0 : i32
    %dma_wait3A_1004 = arith.constant 0 : i32
    %dma_wait3A_1005 = tpu.memref_slice %arg5[%dma_wait3A_1003, %dma_wait3A_1004] : memref<32768x1024xf32, #tpu.memory_space<hbm>> -> memref<32768x1024xf32, #tpu.memory_space<hbm>>
    tpu.wait_indirect_dma semaphore(%arg13 : memref<!tpu.dma_semaphore, #tpu.memory_space<semaphore_mem>>) src(%dma_wait3A_999 : memref<32x1024xf32, #tpu.memory_space<vmem>>) dst(%dma_wait3A_1005 : memref<32768x1024xf32, #tpu.memory_space<hbm>>)
    %dma_wait3A_1006 = arith.constant 1 : i32
    %dma_wait3A_1007 = arith.constant 1 : i32
    %dma_wait3A_1008 = arith.constant 0 : i32
    %dma_wait3A_1009 = arith.constant 0 : i32
    %dma_wait3A_1010 = tpu.memref_slice %arg6[%dma_wait3A_1006, %dma_wait3A_1008, %dma_wait3A_1009] : memref<3x32x1024xf32, #tpu.memory_space<vmem>> -> memref<1x32x1024xf32, #tpu.memory_space<vmem>>
    %dma_wait3A_1011 = tpu.memref_squeeze %dma_wait3A_1010 : memref<1x32x1024xf32, #tpu.memory_space<vmem>> -> memref<32x1024xf32, #tpu.memory_space<vmem>>
    %dma_wait3A_1012 = arith.constant 0 : i32
    %dma_wait3A_1013 = tpu.memref_slice %arg8[%dma_wait3A_1007, %dma_wait3A_1012] : memref<3x32xi32, #tpu.memory_space<vmem>> -> memref<1x32xi32, #tpu.memory_space<vmem>>
    %dma_wait3A_1014 = tpu.memref_squeeze %dma_wait3A_1013 : memref<1x32xi32, #tpu.memory_space<vmem>> -> memref<32xi32, #tpu.memory_space<vmem>>
    %dma_wait3A_1015 = arith.constant 0 : i32
    %dma_wait3A_1016 = arith.constant 0 : i32
    %dma_wait3A_1017 = tpu.memref_slice %arg5[%dma_wait3A_1015, %dma_wait3A_1016] : memref<32768x1024xf32, #tpu.memory_space<hbm>> -> memref<32768x1024xf32, #tpu.memory_space<hbm>>
    tpu.wait_indirect_dma semaphore(%arg13 : memref<!tpu.dma_semaphore, #tpu.memory_space<semaphore_mem>>) src(%dma_wait3A_1011 : memref<32x1024xf32, #tpu.memory_space<vmem>>) dst(%dma_wait3A_1017 : memref<32768x1024xf32, #tpu.memory_space<hbm>>)
    %add3A_1018 = arith.constant 320 : i32
    %add3A_1019 = arith.addi %mul3A_2, %add3A_1018 : i32
    %dma_start3A_1020 = arith.constant 1 : i32
    %dma_start3A_1021 = arith.constant 0 : i32
    %dma_start3A_1022 = tpu.memref_slice %arg7[%dma_start3A_1020, %dma_start3A_1021] : memref<3x32xi32, #tpu.memory_space<vmem>> -> memref<1x32xi32, #tpu.memory_space<vmem>>
    %dma_start3A_1023 = tpu.memref_squeeze %dma_start3A_1022 : memref<1x32xi32, #tpu.memory_space<vmem>> -> memref<32xi32, #tpu.memory_space<vmem>>
    %dma_start3A_1024 = tpu.memref_slice %arg3[%add3A_1019] : memref<16384xi32, #tpu.memory_space<hbm>> -> memref<32xi32, #tpu.memory_space<hbm>>
    %dma_start3A_1025 = arith.constant 0 : i32
    %dma_start3A_1026 = tpu.memref_slice %arg7[%dma_start3A_1020, %dma_start3A_1025] : memref<3x32xi32, #tpu.memory_space<vmem>> -> memref<1x32xi32, #tpu.memory_space<vmem>>
    %dma_start3A_1027 = tpu.memref_squeeze %dma_start3A_1026 : memref<1x32xi32, #tpu.memory_space<vmem>> -> memref<32xi32, #tpu.memory_space<vmem>>
    %dma_start3A_1028 = tpu.memref_slice %arg3[%add3A_1019] : memref<16384xi32, #tpu.memory_space<hbm>> -> memref<32xi32, #tpu.memory_space<hbm>>
    tpu.enqueue_dma source(%dma_start3A_1028 : memref<32xi32, #tpu.memory_space<hbm>>) target(%dma_start3A_1027 : memref<32xi32, #tpu.memory_space<vmem>>) target_semaphore(%arg10 : memref<!tpu.dma_semaphore, #tpu.memory_space<semaphore_mem>>)
    %dma_start3A_1029 = arith.constant 1 : i32
    %dma_start3A_1030 = arith.constant 0 : i32
    %dma_start3A_1031 = tpu.memref_slice %arg8[%dma_start3A_1029, %dma_start3A_1030] : memref<3x32xi32, #tpu.memory_space<vmem>> -> memref<1x32xi32, #tpu.memory_space<vmem>>
    %dma_start3A_1032 = tpu.memref_squeeze %dma_start3A_1031 : memref<1x32xi32, #tpu.memory_space<vmem>> -> memref<32xi32, #tpu.memory_space<vmem>>
    %dma_start3A_1033 = tpu.memref_slice %arg4[%add3A_1019] : memref<16384xi32, #tpu.memory_space<hbm>> -> memref<32xi32, #tpu.memory_space<hbm>>
    %dma_start3A_1034 = arith.constant 0 : i32
    %dma_start3A_1035 = tpu.memref_slice %arg8[%dma_start3A_1029, %dma_start3A_1034] : memref<3x32xi32, #tpu.memory_space<vmem>> -> memref<1x32xi32, #tpu.memory_space<vmem>>
    %dma_start3A_1036 = tpu.memref_squeeze %dma_start3A_1035 : memref<1x32xi32, #tpu.memory_space<vmem>> -> memref<32xi32, #tpu.memory_space<vmem>>
    %dma_start3A_1037 = tpu.memref_slice %arg4[%add3A_1019] : memref<16384xi32, #tpu.memory_space<hbm>> -> memref<32xi32, #tpu.memory_space<hbm>>
    tpu.enqueue_dma source(%dma_start3A_1037 : memref<32xi32, #tpu.memory_space<hbm>>) target(%dma_start3A_1036 : memref<32xi32, #tpu.memory_space<vmem>>) target_semaphore(%arg10 : memref<!tpu.dma_semaphore, #tpu.memory_space<semaphore_mem>>)
    %dma_start3A_1038 = arith.constant 1 : i32
    %dma_start3A_1039 = arith.constant 0 : i32
    %dma_start3A_1040 = arith.constant 0 : i32
    %dma_start3A_1041 = tpu.memref_slice %arg6[%dma_start3A_1038, %dma_start3A_1039, %dma_start3A_1040] : memref<3x32x1024xf32, #tpu.memory_space<vmem>> -> memref<1x32x1024xf32, #tpu.memory_space<vmem>>
    %dma_start3A_1042 = tpu.memref_squeeze %dma_start3A_1041 : memref<1x32x1024xf32, #tpu.memory_space<vmem>> -> memref<32x1024xf32, #tpu.memory_space<vmem>>
    %dma_start3A_1043 = arith.constant 0 : i32
    %dma_start3A_1044 = tpu.memref_slice %arg2[%add3A_1019, %dma_start3A_1043] : memref<16384x1024xf32, #tpu.memory_space<hbm>> -> memref<32x1024xf32, #tpu.memory_space<hbm>>
    %dma_start3A_1045 = arith.constant 0 : i32
    %dma_start3A_1046 = arith.constant 0 : i32
    %dma_start3A_1047 = tpu.memref_slice %arg6[%dma_start3A_1038, %dma_start3A_1045, %dma_start3A_1046] : memref<3x32x1024xf32, #tpu.memory_space<vmem>> -> memref<1x32x1024xf32, #tpu.memory_space<vmem>>
    %dma_start3A_1048 = tpu.memref_squeeze %dma_start3A_1047 : memref<1x32x1024xf32, #tpu.memory_space<vmem>> -> memref<32x1024xf32, #tpu.memory_space<vmem>>
    %dma_start3A_1049 = arith.constant 0 : i32
    %dma_start3A_1050 = tpu.memref_slice %arg2[%add3A_1019, %dma_start3A_1049] : memref<16384x1024xf32, #tpu.memory_space<hbm>> -> memref<32x1024xf32, #tpu.memory_space<hbm>>
    tpu.enqueue_dma source(%dma_start3A_1050 : memref<32x1024xf32, #tpu.memory_space<hbm>>) target(%dma_start3A_1048 : memref<32x1024xf32, #tpu.memory_space<vmem>>) target_semaphore(%arg10 : memref<!tpu.dma_semaphore, #tpu.memory_space<semaphore_mem>>)
    %dma_wait3A_1051 = arith.constant 0 : i32
    %dma_wait3A_1052 = arith.constant 0 : i32
    %dma_wait3A_1053 = tpu.memref_slice %arg7[%dma_wait3A_1051, %dma_wait3A_1052] : memref<3x32xi32, #tpu.memory_space<vmem>> -> memref<1x32xi32, #tpu.memory_space<vmem>>
    %dma_wait3A_1054 = tpu.memref_squeeze %dma_wait3A_1053 : memref<1x32xi32, #tpu.memory_space<vmem>> -> memref<32xi32, #tpu.memory_space<vmem>>
    %dma_wait3A_1055 = tpu.memref_slice %arg3[%add3A_907] : memref<16384xi32, #tpu.memory_space<hbm>> -> memref<32xi32, #tpu.memory_space<hbm>>
    %dma_wait3A_1056 = arith.constant 0 : i32
    %dma_wait3A_1057 = tpu.memref_slice %arg7[%dma_wait3A_1051, %dma_wait3A_1056] : memref<3x32xi32, #tpu.memory_space<vmem>> -> memref<1x32xi32, #tpu.memory_space<vmem>>
    %dma_wait3A_1058 = tpu.memref_squeeze %dma_wait3A_1057 : memref<1x32xi32, #tpu.memory_space<vmem>> -> memref<32xi32, #tpu.memory_space<vmem>>
    %dma_wait3A_1059 = tpu.memref_slice %arg3[%add3A_907] : memref<16384xi32, #tpu.memory_space<hbm>> -> memref<32xi32, #tpu.memory_space<hbm>>
    tpu.wait_dma2 semaphore(%arg9 : memref<!tpu.dma_semaphore, #tpu.memory_space<semaphore_mem>>) src(%dma_wait3A_1059 : memref<32xi32, #tpu.memory_space<hbm>>) dst(%dma_wait3A_1058 : memref<32xi32, #tpu.memory_space<vmem>>)
    %dma_wait3A_1060 = arith.constant 0 : i32
    %dma_wait3A_1061 = arith.constant 0 : i32
    %dma_wait3A_1062 = tpu.memref_slice %arg8[%dma_wait3A_1060, %dma_wait3A_1061] : memref<3x32xi32, #tpu.memory_space<vmem>> -> memref<1x32xi32, #tpu.memory_space<vmem>>
    %dma_wait3A_1063 = tpu.memref_squeeze %dma_wait3A_1062 : memref<1x32xi32, #tpu.memory_space<vmem>> -> memref<32xi32, #tpu.memory_space<vmem>>
    %dma_wait3A_1064 = tpu.memref_slice %arg4[%add3A_907] : memref<16384xi32, #tpu.memory_space<hbm>> -> memref<32xi32, #tpu.memory_space<hbm>>
    %dma_wait3A_1065 = arith.constant 0 : i32
    %dma_wait3A_1066 = tpu.memref_slice %arg8[%dma_wait3A_1060, %dma_wait3A_1065] : memref<3x32xi32, #tpu.memory_space<vmem>> -> memref<1x32xi32, #tpu.memory_space<vmem>>
    %dma_wait3A_1067 = tpu.memref_squeeze %dma_wait3A_1066 : memref<1x32xi32, #tpu.memory_space<vmem>> -> memref<32xi32, #tpu.memory_space<vmem>>
    %dma_wait3A_1068 = tpu.memref_slice %arg4[%add3A_907] : memref<16384xi32, #tpu.memory_space<hbm>> -> memref<32xi32, #tpu.memory_space<hbm>>
    tpu.wait_dma2 semaphore(%arg9 : memref<!tpu.dma_semaphore, #tpu.memory_space<semaphore_mem>>) src(%dma_wait3A_1068 : memref<32xi32, #tpu.memory_space<hbm>>) dst(%dma_wait3A_1067 : memref<32xi32, #tpu.memory_space<vmem>>)
    %dma_wait3A_1069 = arith.constant 0 : i32
    %dma_wait3A_1070 = arith.constant 0 : i32
    %dma_wait3A_1071 = arith.constant 0 : i32
    %dma_wait3A_1072 = tpu.memref_slice %arg6[%dma_wait3A_1069, %dma_wait3A_1070, %dma_wait3A_1071] : memref<3x32x1024xf32, #tpu.memory_space<vmem>> -> memref<1x32x1024xf32, #tpu.memory_space<vmem>>
    %dma_wait3A_1073 = tpu.memref_squeeze %dma_wait3A_1072 : memref<1x32x1024xf32, #tpu.memory_space<vmem>> -> memref<32x1024xf32, #tpu.memory_space<vmem>>
    %dma_wait3A_1074 = arith.constant 0 : i32
    %dma_wait3A_1075 = tpu.memref_slice %arg2[%add3A_907, %dma_wait3A_1074] : memref<16384x1024xf32, #tpu.memory_space<hbm>> -> memref<32x1024xf32, #tpu.memory_space<hbm>>
    %dma_wait3A_1076 = arith.constant 0 : i32
    %dma_wait3A_1077 = arith.constant 0 : i32
    %dma_wait3A_1078 = tpu.memref_slice %arg6[%dma_wait3A_1069, %dma_wait3A_1076, %dma_wait3A_1077] : memref<3x32x1024xf32, #tpu.memory_space<vmem>> -> memref<1x32x1024xf32, #tpu.memory_space<vmem>>
    %dma_wait3A_1079 = tpu.memref_squeeze %dma_wait3A_1078 : memref<1x32x1024xf32, #tpu.memory_space<vmem>> -> memref<32x1024xf32, #tpu.memory_space<vmem>>
    %dma_wait3A_1080 = arith.constant 0 : i32
    %dma_wait3A_1081 = tpu.memref_slice %arg2[%add3A_907, %dma_wait3A_1080] : memref<16384x1024xf32, #tpu.memory_space<hbm>> -> memref<32x1024xf32, #tpu.memory_space<hbm>>
    tpu.wait_dma2 semaphore(%arg9 : memref<!tpu.dma_semaphore, #tpu.memory_space<semaphore_mem>>) src(%dma_wait3A_1081 : memref<32x1024xf32, #tpu.memory_space<hbm>>) dst(%dma_wait3A_1079 : memref<32x1024xf32, #tpu.memory_space<vmem>>)
    %dma_start3A_1082 = arith.constant 0 : i32
    %dma_start3A_1083 = arith.constant 0 : i32
    %dma_start3A_1084 = arith.constant 0 : i32
    %dma_start3A_1085 = arith.constant 0 : i32
    %dma_start3A_1086 = tpu.memref_slice %arg6[%dma_start3A_1082, %dma_start3A_1084, %dma_start3A_1085] : memref<3x32x1024xf32, #tpu.memory_space<vmem>> -> memref<1x32x1024xf32, #tpu.memory_space<vmem>>
    %dma_start3A_1087 = tpu.memref_squeeze %dma_start3A_1086 : memref<1x32x1024xf32, #tpu.memory_space<vmem>> -> memref<32x1024xf32, #tpu.memory_space<vmem>>
    %dma_start3A_1088 = arith.constant 0 : i32
    %dma_start3A_1089 = tpu.memref_slice %arg7[%dma_start3A_1083, %dma_start3A_1088] : memref<3x32xi32, #tpu.memory_space<vmem>> -> memref<1x32xi32, #tpu.memory_space<vmem>>
    %dma_start3A_1090 = tpu.memref_squeeze %dma_start3A_1089 : memref<1x32xi32, #tpu.memory_space<vmem>> -> memref<32xi32, #tpu.memory_space<vmem>>
    %dma_start3A_1091 = arith.constant 0 : i32
    %dma_start3A_1092 = arith.constant 0 : i32
    %dma_start3A_1093 = tpu.memref_slice %arg5[%dma_start3A_1091, %dma_start3A_1092] : memref<32768x1024xf32, #tpu.memory_space<hbm>> -> memref<32768x1024xf32, #tpu.memory_space<hbm>>
    tpu.enqueue_indirect_dma source(%dma_start3A_1087 : memref<32x1024xf32, #tpu.memory_space<vmem>>) target(%dma_start3A_1093 : memref<32768x1024xf32, #tpu.memory_space<hbm>>) offsets(%dma_start3A_1090 : memref<32xi32, #tpu.memory_space<vmem>>) semaphore(%arg12 : memref<!tpu.dma_semaphore, #tpu.memory_space<semaphore_mem>>)
    %dma_start3A_1094 = arith.constant 0 : i32
    %dma_start3A_1095 = arith.constant 0 : i32
    %dma_start3A_1096 = arith.constant 0 : i32
    %dma_start3A_1097 = arith.constant 0 : i32
    %dma_start3A_1098 = tpu.memref_slice %arg6[%dma_start3A_1094, %dma_start3A_1096, %dma_start3A_1097] : memref<3x32x1024xf32, #tpu.memory_space<vmem>> -> memref<1x32x1024xf32, #tpu.memory_space<vmem>>
    %dma_start3A_1099 = tpu.memref_squeeze %dma_start3A_1098 : memref<1x32x1024xf32, #tpu.memory_space<vmem>> -> memref<32x1024xf32, #tpu.memory_space<vmem>>
    %dma_start3A_1100 = arith.constant 0 : i32
    %dma_start3A_1101 = tpu.memref_slice %arg8[%dma_start3A_1095, %dma_start3A_1100] : memref<3x32xi32, #tpu.memory_space<vmem>> -> memref<1x32xi32, #tpu.memory_space<vmem>>
    %dma_start3A_1102 = tpu.memref_squeeze %dma_start3A_1101 : memref<1x32xi32, #tpu.memory_space<vmem>> -> memref<32xi32, #tpu.memory_space<vmem>>
    %dma_start3A_1103 = arith.constant 0 : i32
    %dma_start3A_1104 = arith.constant 0 : i32
    %dma_start3A_1105 = tpu.memref_slice %arg5[%dma_start3A_1103, %dma_start3A_1104] : memref<32768x1024xf32, #tpu.memory_space<hbm>> -> memref<32768x1024xf32, #tpu.memory_space<hbm>>
    tpu.enqueue_indirect_dma source(%dma_start3A_1099 : memref<32x1024xf32, #tpu.memory_space<vmem>>) target(%dma_start3A_1105 : memref<32768x1024xf32, #tpu.memory_space<hbm>>) offsets(%dma_start3A_1102 : memref<32xi32, #tpu.memory_space<vmem>>) semaphore(%arg12 : memref<!tpu.dma_semaphore, #tpu.memory_space<semaphore_mem>>)
    %dma_wait3A_1106 = arith.constant 2 : i32
    %dma_wait3A_1107 = arith.constant 2 : i32
    %dma_wait3A_1108 = arith.constant 0 : i32
    %dma_wait3A_1109 = arith.constant 0 : i32
    %dma_wait3A_1110 = tpu.memref_slice %arg6[%dma_wait3A_1106, %dma_wait3A_1108, %dma_wait3A_1109] : memref<3x32x1024xf32, #tpu.memory_space<vmem>> -> memref<1x32x1024xf32, #tpu.memory_space<vmem>>
    %dma_wait3A_1111 = tpu.memref_squeeze %dma_wait3A_1110 : memref<1x32x1024xf32, #tpu.memory_space<vmem>> -> memref<32x1024xf32, #tpu.memory_space<vmem>>
    %dma_wait3A_1112 = arith.constant 0 : i32
    %dma_wait3A_1113 = tpu.memref_slice %arg7[%dma_wait3A_1107, %dma_wait3A_1112] : memref<3x32xi32, #tpu.memory_space<vmem>> -> memref<1x32xi32, #tpu.memory_space<vmem>>
    %dma_wait3A_1114 = tpu.memref_squeeze %dma_wait3A_1113 : memref<1x32xi32, #tpu.memory_space<vmem>> -> memref<32xi32, #tpu.memory_space<vmem>>
    %dma_wait3A_1115 = arith.constant 0 : i32
    %dma_wait3A_1116 = arith.constant 0 : i32
    %dma_wait3A_1117 = tpu.memref_slice %arg5[%dma_wait3A_1115, %dma_wait3A_1116] : memref<32768x1024xf32, #tpu.memory_space<hbm>> -> memref<32768x1024xf32, #tpu.memory_space<hbm>>
    tpu.wait_indirect_dma semaphore(%arg14 : memref<!tpu.dma_semaphore, #tpu.memory_space<semaphore_mem>>) src(%dma_wait3A_1111 : memref<32x1024xf32, #tpu.memory_space<vmem>>) dst(%dma_wait3A_1117 : memref<32768x1024xf32, #tpu.memory_space<hbm>>)
    %dma_wait3A_1118 = arith.constant 2 : i32
    %dma_wait3A_1119 = arith.constant 2 : i32
    %dma_wait3A_1120 = arith.constant 0 : i32
    %dma_wait3A_1121 = arith.constant 0 : i32
    %dma_wait3A_1122 = tpu.memref_slice %arg6[%dma_wait3A_1118, %dma_wait3A_1120, %dma_wait3A_1121] : memref<3x32x1024xf32, #tpu.memory_space<vmem>> -> memref<1x32x1024xf32, #tpu.memory_space<vmem>>
    %dma_wait3A_1123 = tpu.memref_squeeze %dma_wait3A_1122 : memref<1x32x1024xf32, #tpu.memory_space<vmem>> -> memref<32x1024xf32, #tpu.memory_space<vmem>>
    %dma_wait3A_1124 = arith.constant 0 : i32
    %dma_wait3A_1125 = tpu.memref_slice %arg8[%dma_wait3A_1119, %dma_wait3A_1124] : memref<3x32xi32, #tpu.memory_space<vmem>> -> memref<1x32xi32, #tpu.memory_space<vmem>>
    %dma_wait3A_1126 = tpu.memref_squeeze %dma_wait3A_1125 : memref<1x32xi32, #tpu.memory_space<vmem>> -> memref<32xi32, #tpu.memory_space<vmem>>
    %dma_wait3A_1127 = arith.constant 0 : i32
    %dma_wait3A_1128 = arith.constant 0 : i32
    %dma_wait3A_1129 = tpu.memref_slice %arg5[%dma_wait3A_1127, %dma_wait3A_1128] : memref<32768x1024xf32, #tpu.memory_space<hbm>> -> memref<32768x1024xf32, #tpu.memory_space<hbm>>
    tpu.wait_indirect_dma semaphore(%arg14 : memref<!tpu.dma_semaphore, #tpu.memory_space<semaphore_mem>>) src(%dma_wait3A_1123 : memref<32x1024xf32, #tpu.memory_space<vmem>>) dst(%dma_wait3A_1129 : memref<32768x1024xf32, #tpu.memory_space<hbm>>)
    %add3A_1130 = arith.constant 352 : i32
    %add3A_1131 = arith.addi %mul3A_2, %add3A_1130 : i32
    %dma_start3A_1132 = arith.constant 2 : i32
    %dma_start3A_1133 = arith.constant 0 : i32
    %dma_start3A_1134 = tpu.memref_slice %arg7[%dma_start3A_1132, %dma_start3A_1133] : memref<3x32xi32, #tpu.memory_space<vmem>> -> memref<1x32xi32, #tpu.memory_space<vmem>>
    %dma_start3A_1135 = tpu.memref_squeeze %dma_start3A_1134 : memref<1x32xi32, #tpu.memory_space<vmem>> -> memref<32xi32, #tpu.memory_space<vmem>>
    %dma_start3A_1136 = tpu.memref_slice %arg3[%add3A_1131] : memref<16384xi32, #tpu.memory_space<hbm>> -> memref<32xi32, #tpu.memory_space<hbm>>
    %dma_start3A_1137 = arith.constant 0 : i32
    %dma_start3A_1138 = tpu.memref_slice %arg7[%dma_start3A_1132, %dma_start3A_1137] : memref<3x32xi32, #tpu.memory_space<vmem>> -> memref<1x32xi32, #tpu.memory_space<vmem>>
    %dma_start3A_1139 = tpu.memref_squeeze %dma_start3A_1138 : memref<1x32xi32, #tpu.memory_space<vmem>> -> memref<32xi32, #tpu.memory_space<vmem>>
    %dma_start3A_1140 = tpu.memref_slice %arg3[%add3A_1131] : memref<16384xi32, #tpu.memory_space<hbm>> -> memref<32xi32, #tpu.memory_space<hbm>>
    tpu.enqueue_dma source(%dma_start3A_1140 : memref<32xi32, #tpu.memory_space<hbm>>) target(%dma_start3A_1139 : memref<32xi32, #tpu.memory_space<vmem>>) target_semaphore(%arg11 : memref<!tpu.dma_semaphore, #tpu.memory_space<semaphore_mem>>)
    %dma_start3A_1141 = arith.constant 2 : i32
    %dma_start3A_1142 = arith.constant 0 : i32
    %dma_start3A_1143 = tpu.memref_slice %arg8[%dma_start3A_1141, %dma_start3A_1142] : memref<3x32xi32, #tpu.memory_space<vmem>> -> memref<1x32xi32, #tpu.memory_space<vmem>>
    %dma_start3A_1144 = tpu.memref_squeeze %dma_start3A_1143 : memref<1x32xi32, #tpu.memory_space<vmem>> -> memref<32xi32, #tpu.memory_space<vmem>>
    %dma_start3A_1145 = tpu.memref_slice %arg4[%add3A_1131] : memref<16384xi32, #tpu.memory_space<hbm>> -> memref<32xi32, #tpu.memory_space<hbm>>
    %dma_start3A_1146 = arith.constant 0 : i32
    %dma_start3A_1147 = tpu.memref_slice %arg8[%dma_start3A_1141, %dma_start3A_1146] : memref<3x32xi32, #tpu.memory_space<vmem>> -> memref<1x32xi32, #tpu.memory_space<vmem>>
    %dma_start3A_1148 = tpu.memref_squeeze %dma_start3A_1147 : memref<1x32xi32, #tpu.memory_space<vmem>> -> memref<32xi32, #tpu.memory_space<vmem>>
    %dma_start3A_1149 = tpu.memref_slice %arg4[%add3A_1131] : memref<16384xi32, #tpu.memory_space<hbm>> -> memref<32xi32, #tpu.memory_space<hbm>>
    tpu.enqueue_dma source(%dma_start3A_1149 : memref<32xi32, #tpu.memory_space<hbm>>) target(%dma_start3A_1148 : memref<32xi32, #tpu.memory_space<vmem>>) target_semaphore(%arg11 : memref<!tpu.dma_semaphore, #tpu.memory_space<semaphore_mem>>)
    %dma_start3A_1150 = arith.constant 2 : i32
    %dma_start3A_1151 = arith.constant 0 : i32
    %dma_start3A_1152 = arith.constant 0 : i32
    %dma_start3A_1153 = tpu.memref_slice %arg6[%dma_start3A_1150, %dma_start3A_1151, %dma_start3A_1152] : memref<3x32x1024xf32, #tpu.memory_space<vmem>> -> memref<1x32x1024xf32, #tpu.memory_space<vmem>>
    %dma_start3A_1154 = tpu.memref_squeeze %dma_start3A_1153 : memref<1x32x1024xf32, #tpu.memory_space<vmem>> -> memref<32x1024xf32, #tpu.memory_space<vmem>>
    %dma_start3A_1155 = arith.constant 0 : i32
    %dma_start3A_1156 = tpu.memref_slice %arg2[%add3A_1131, %dma_start3A_1155] : memref<16384x1024xf32, #tpu.memory_space<hbm>> -> memref<32x1024xf32, #tpu.memory_space<hbm>>
    %dma_start3A_1157 = arith.constant 0 : i32
    %dma_start3A_1158 = arith.constant 0 : i32
    %dma_start3A_1159 = tpu.memref_slice %arg6[%dma_start3A_1150, %dma_start3A_1157, %dma_start3A_1158] : memref<3x32x1024xf32, #tpu.memory_space<vmem>> -> memref<1x32x1024xf32, #tpu.memory_space<vmem>>
    %dma_start3A_1160 = tpu.memref_squeeze %dma_start3A_1159 : memref<1x32x1024xf32, #tpu.memory_space<vmem>> -> memref<32x1024xf32, #tpu.memory_space<vmem>>
    %dma_start3A_1161 = arith.constant 0 : i32
    %dma_start3A_1162 = tpu.memref_slice %arg2[%add3A_1131, %dma_start3A_1161] : memref<16384x1024xf32, #tpu.memory_space<hbm>> -> memref<32x1024xf32, #tpu.memory_space<hbm>>
    tpu.enqueue_dma source(%dma_start3A_1162 : memref<32x1024xf32, #tpu.memory_space<hbm>>) target(%dma_start3A_1160 : memref<32x1024xf32, #tpu.memory_space<vmem>>) target_semaphore(%arg11 : memref<!tpu.dma_semaphore, #tpu.memory_space<semaphore_mem>>)
    %dma_wait3A_1163 = arith.constant 1 : i32
    %dma_wait3A_1164 = arith.constant 0 : i32
    %dma_wait3A_1165 = tpu.memref_slice %arg7[%dma_wait3A_1163, %dma_wait3A_1164] : memref<3x32xi32, #tpu.memory_space<vmem>> -> memref<1x32xi32, #tpu.memory_space<vmem>>
    %dma_wait3A_1166 = tpu.memref_squeeze %dma_wait3A_1165 : memref<1x32xi32, #tpu.memory_space<vmem>> -> memref<32xi32, #tpu.memory_space<vmem>>
    %dma_wait3A_1167 = tpu.memref_slice %arg3[%add3A_1019] : memref<16384xi32, #tpu.memory_space<hbm>> -> memref<32xi32, #tpu.memory_space<hbm>>
    %dma_wait3A_1168 = arith.constant 0 : i32
    %dma_wait3A_1169 = tpu.memref_slice %arg7[%dma_wait3A_1163, %dma_wait3A_1168] : memref<3x32xi32, #tpu.memory_space<vmem>> -> memref<1x32xi32, #tpu.memory_space<vmem>>
    %dma_wait3A_1170 = tpu.memref_squeeze %dma_wait3A_1169 : memref<1x32xi32, #tpu.memory_space<vmem>> -> memref<32xi32, #tpu.memory_space<vmem>>
    %dma_wait3A_1171 = tpu.memref_slice %arg3[%add3A_1019] : memref<16384xi32, #tpu.memory_space<hbm>> -> memref<32xi32, #tpu.memory_space<hbm>>
    tpu.wait_dma2 semaphore(%arg10 : memref<!tpu.dma_semaphore, #tpu.memory_space<semaphore_mem>>) src(%dma_wait3A_1171 : memref<32xi32, #tpu.memory_space<hbm>>) dst(%dma_wait3A_1170 : memref<32xi32, #tpu.memory_space<vmem>>)
    %dma_wait3A_1172 = arith.constant 1 : i32
    %dma_wait3A_1173 = arith.constant 0 : i32
    %dma_wait3A_1174 = tpu.memref_slice %arg8[%dma_wait3A_1172, %dma_wait3A_1173] : memref<3x32xi32, #tpu.memory_space<vmem>> -> memref<1x32xi32, #tpu.memory_space<vmem>>
    %dma_wait3A_1175 = tpu.memref_squeeze %dma_wait3A_1174 : memref<1x32xi32, #tpu.memory_space<vmem>> -> memref<32xi32, #tpu.memory_space<vmem>>
    %dma_wait3A_1176 = tpu.memref_slice %arg4[%add3A_1019] : memref<16384xi32, #tpu.memory_space<hbm>> -> memref<32xi32, #tpu.memory_space<hbm>>
    %dma_wait3A_1177 = arith.constant 0 : i32
    %dma_wait3A_1178 = tpu.memref_slice %arg8[%dma_wait3A_1172, %dma_wait3A_1177] : memref<3x32xi32, #tpu.memory_space<vmem>> -> memref<1x32xi32, #tpu.memory_space<vmem>>
    %dma_wait3A_1179 = tpu.memref_squeeze %dma_wait3A_1178 : memref<1x32xi32, #tpu.memory_space<vmem>> -> memref<32xi32, #tpu.memory_space<vmem>>
    %dma_wait3A_1180 = tpu.memref_slice %arg4[%add3A_1019] : memref<16384xi32, #tpu.memory_space<hbm>> -> memref<32xi32, #tpu.memory_space<hbm>>
    tpu.wait_dma2 semaphore(%arg10 : memref<!tpu.dma_semaphore, #tpu.memory_space<semaphore_mem>>) src(%dma_wait3A_1180 : memref<32xi32, #tpu.memory_space<hbm>>) dst(%dma_wait3A_1179 : memref<32xi32, #tpu.memory_space<vmem>>)
    %dma_wait3A_1181 = arith.constant 1 : i32
    %dma_wait3A_1182 = arith.constant 0 : i32
    %dma_wait3A_1183 = arith.constant 0 : i32
    %dma_wait3A_1184 = tpu.memref_slice %arg6[%dma_wait3A_1181, %dma_wait3A_1182, %dma_wait3A_1183] : memref<3x32x1024xf32, #tpu.memory_space<vmem>> -> memref<1x32x1024xf32, #tpu.memory_space<vmem>>
    %dma_wait3A_1185 = tpu.memref_squeeze %dma_wait3A_1184 : memref<1x32x1024xf32, #tpu.memory_space<vmem>> -> memref<32x1024xf32, #tpu.memory_space<vmem>>
    %dma_wait3A_1186 = arith.constant 0 : i32
    %dma_wait3A_1187 = tpu.memref_slice %arg2[%add3A_1019, %dma_wait3A_1186] : memref<16384x1024xf32, #tpu.memory_space<hbm>> -> memref<32x1024xf32, #tpu.memory_space<hbm>>
    %dma_wait3A_1188 = arith.constant 0 : i32
    %dma_wait3A_1189 = arith.constant 0 : i32
    %dma_wait3A_1190 = tpu.memref_slice %arg6[%dma_wait3A_1181, %dma_wait3A_1188, %dma_wait3A_1189] : memref<3x32x1024xf32, #tpu.memory_space<vmem>> -> memref<1x32x1024xf32, #tpu.memory_space<vmem>>
    %dma_wait3A_1191 = tpu.memref_squeeze %dma_wait3A_1190 : memref<1x32x1024xf32, #tpu.memory_space<vmem>> -> memref<32x1024xf32, #tpu.memory_space<vmem>>
    %dma_wait3A_1192 = arith.constant 0 : i32
    %dma_wait3A_1193 = tpu.memref_slice %arg2[%add3A_1019, %dma_wait3A_1192] : memref<16384x1024xf32, #tpu.memory_space<hbm>> -> memref<32x1024xf32, #tpu.memory_space<hbm>>
    tpu.wait_dma2 semaphore(%arg10 : memref<!tpu.dma_semaphore, #tpu.memory_space<semaphore_mem>>) src(%dma_wait3A_1193 : memref<32x1024xf32, #tpu.memory_space<hbm>>) dst(%dma_wait3A_1191 : memref<32x1024xf32, #tpu.memory_space<vmem>>)
    %dma_start3A_1194 = arith.constant 1 : i32
    %dma_start3A_1195 = arith.constant 1 : i32
    %dma_start3A_1196 = arith.constant 0 : i32
    %dma_start3A_1197 = arith.constant 0 : i32
    %dma_start3A_1198 = tpu.memref_slice %arg6[%dma_start3A_1194, %dma_start3A_1196, %dma_start3A_1197] : memref<3x32x1024xf32, #tpu.memory_space<vmem>> -> memref<1x32x1024xf32, #tpu.memory_space<vmem>>
    %dma_start3A_1199 = tpu.memref_squeeze %dma_start3A_1198 : memref<1x32x1024xf32, #tpu.memory_space<vmem>> -> memref<32x1024xf32, #tpu.memory_space<vmem>>
    %dma_start3A_1200 = arith.constant 0 : i32
    %dma_start3A_1201 = tpu.memref_slice %arg7[%dma_start3A_1195, %dma_start3A_1200] : memref<3x32xi32, #tpu.memory_space<vmem>> -> memref<1x32xi32, #tpu.memory_space<vmem>>
    %dma_start3A_1202 = tpu.memref_squeeze %dma_start3A_1201 : memref<1x32xi32, #tpu.memory_space<vmem>> -> memref<32xi32, #tpu.memory_space<vmem>>
    %dma_start3A_1203 = arith.constant 0 : i32
    %dma_start3A_1204 = arith.constant 0 : i32
    %dma_start3A_1205 = tpu.memref_slice %arg5[%dma_start3A_1203, %dma_start3A_1204] : memref<32768x1024xf32, #tpu.memory_space<hbm>> -> memref<32768x1024xf32, #tpu.memory_space<hbm>>
    tpu.enqueue_indirect_dma source(%dma_start3A_1199 : memref<32x1024xf32, #tpu.memory_space<vmem>>) target(%dma_start3A_1205 : memref<32768x1024xf32, #tpu.memory_space<hbm>>) offsets(%dma_start3A_1202 : memref<32xi32, #tpu.memory_space<vmem>>) semaphore(%arg13 : memref<!tpu.dma_semaphore, #tpu.memory_space<semaphore_mem>>)
    %dma_start3A_1206 = arith.constant 1 : i32
    %dma_start3A_1207 = arith.constant 1 : i32
    %dma_start3A_1208 = arith.constant 0 : i32
    %dma_start3A_1209 = arith.constant 0 : i32
    %dma_start3A_1210 = tpu.memref_slice %arg6[%dma_start3A_1206, %dma_start3A_1208, %dma_start3A_1209] : memref<3x32x1024xf32, #tpu.memory_space<vmem>> -> memref<1x32x1024xf32, #tpu.memory_space<vmem>>
    %dma_start3A_1211 = tpu.memref_squeeze %dma_start3A_1210 : memref<1x32x1024xf32, #tpu.memory_space<vmem>> -> memref<32x1024xf32, #tpu.memory_space<vmem>>
    %dma_start3A_1212 = arith.constant 0 : i32
    %dma_start3A_1213 = tpu.memref_slice %arg8[%dma_start3A_1207, %dma_start3A_1212] : memref<3x32xi32, #tpu.memory_space<vmem>> -> memref<1x32xi32, #tpu.memory_space<vmem>>
    %dma_start3A_1214 = tpu.memref_squeeze %dma_start3A_1213 : memref<1x32xi32, #tpu.memory_space<vmem>> -> memref<32xi32, #tpu.memory_space<vmem>>
    %dma_start3A_1215 = arith.constant 0 : i32
    %dma_start3A_1216 = arith.constant 0 : i32
    %dma_start3A_1217 = tpu.memref_slice %arg5[%dma_start3A_1215, %dma_start3A_1216] : memref<32768x1024xf32, #tpu.memory_space<hbm>> -> memref<32768x1024xf32, #tpu.memory_space<hbm>>
    tpu.enqueue_indirect_dma source(%dma_start3A_1211 : memref<32x1024xf32, #tpu.memory_space<vmem>>) target(%dma_start3A_1217 : memref<32768x1024xf32, #tpu.memory_space<hbm>>) offsets(%dma_start3A_1214 : memref<32xi32, #tpu.memory_space<vmem>>) semaphore(%arg13 : memref<!tpu.dma_semaphore, #tpu.memory_space<semaphore_mem>>)
    %dma_wait3A_1218 = arith.constant 0 : i32
    %dma_wait3A_1219 = arith.constant 0 : i32
    %dma_wait3A_1220 = arith.constant 0 : i32
    %dma_wait3A_1221 = arith.constant 0 : i32
    %dma_wait3A_1222 = tpu.memref_slice %arg6[%dma_wait3A_1218, %dma_wait3A_1220, %dma_wait3A_1221] : memref<3x32x1024xf32, #tpu.memory_space<vmem>> -> memref<1x32x1024xf32, #tpu.memory_space<vmem>>
    %dma_wait3A_1223 = tpu.memref_squeeze %dma_wait3A_1222 : memref<1x32x1024xf32, #tpu.memory_space<vmem>> -> memref<32x1024xf32, #tpu.memory_space<vmem>>
    %dma_wait3A_1224 = arith.constant 0 : i32
    %dma_wait3A_1225 = tpu.memref_slice %arg7[%dma_wait3A_1219, %dma_wait3A_1224] : memref<3x32xi32, #tpu.memory_space<vmem>> -> memref<1x32xi32, #tpu.memory_space<vmem>>
    %dma_wait3A_1226 = tpu.memref_squeeze %dma_wait3A_1225 : memref<1x32xi32, #tpu.memory_space<vmem>> -> memref<32xi32, #tpu.memory_space<vmem>>
    %dma_wait3A_1227 = arith.constant 0 : i32
    %dma_wait3A_1228 = arith.constant 0 : i32
    %dma_wait3A_1229 = tpu.memref_slice %arg5[%dma_wait3A_1227, %dma_wait3A_1228] : memref<32768x1024xf32, #tpu.memory_space<hbm>> -> memref<32768x1024xf32, #tpu.memory_space<hbm>>
    tpu.wait_indirect_dma semaphore(%arg12 : memref<!tpu.dma_semaphore, #tpu.memory_space<semaphore_mem>>) src(%dma_wait3A_1223 : memref<32x1024xf32, #tpu.memory_space<vmem>>) dst(%dma_wait3A_1229 : memref<32768x1024xf32, #tpu.memory_space<hbm>>)
    %dma_wait3A_1230 = arith.constant 0 : i32
    %dma_wait3A_1231 = arith.constant 0 : i32
    %dma_wait3A_1232 = arith.constant 0 : i32
    %dma_wait3A_1233 = arith.constant 0 : i32
    %dma_wait3A_1234 = tpu.memref_slice %arg6[%dma_wait3A_1230, %dma_wait3A_1232, %dma_wait3A_1233] : memref<3x32x1024xf32, #tpu.memory_space<vmem>> -> memref<1x32x1024xf32, #tpu.memory_space<vmem>>
    %dma_wait3A_1235 = tpu.memref_squeeze %dma_wait3A_1234 : memref<1x32x1024xf32, #tpu.memory_space<vmem>> -> memref<32x1024xf32, #tpu.memory_space<vmem>>
    %dma_wait3A_1236 = arith.constant 0 : i32
    %dma_wait3A_1237 = tpu.memref_slice %arg8[%dma_wait3A_1231, %dma_wait3A_1236] : memref<3x32xi32, #tpu.memory_space<vmem>> -> memref<1x32xi32, #tpu.memory_space<vmem>>
    %dma_wait3A_1238 = tpu.memref_squeeze %dma_wait3A_1237 : memref<1x32xi32, #tpu.memory_space<vmem>> -> memref<32xi32, #tpu.memory_space<vmem>>
    %dma_wait3A_1239 = arith.constant 0 : i32
    %dma_wait3A_1240 = arith.constant 0 : i32
    %dma_wait3A_1241 = tpu.memref_slice %arg5[%dma_wait3A_1239, %dma_wait3A_1240] : memref<32768x1024xf32, #tpu.memory_space<hbm>> -> memref<32768x1024xf32, #tpu.memory_space<hbm>>
    tpu.wait_indirect_dma semaphore(%arg12 : memref<!tpu.dma_semaphore, #tpu.memory_space<semaphore_mem>>) src(%dma_wait3A_1235 : memref<32x1024xf32, #tpu.memory_space<vmem>>) dst(%dma_wait3A_1241 : memref<32768x1024xf32, #tpu.memory_space<hbm>>)
    %add3A_1242 = arith.constant 384 : i32
    %add3A_1243 = arith.addi %mul3A_2, %add3A_1242 : i32
    %dma_start3A_1244 = arith.constant 0 : i32
    %dma_start3A_1245 = arith.constant 0 : i32
    %dma_start3A_1246 = tpu.memref_slice %arg7[%dma_start3A_1244, %dma_start3A_1245] : memref<3x32xi32, #tpu.memory_space<vmem>> -> memref<1x32xi32, #tpu.memory_space<vmem>>
    %dma_start3A_1247 = tpu.memref_squeeze %dma_start3A_1246 : memref<1x32xi32, #tpu.memory_space<vmem>> -> memref<32xi32, #tpu.memory_space<vmem>>
    %dma_start3A_1248 = tpu.memref_slice %arg3[%add3A_1243] : memref<16384xi32, #tpu.memory_space<hbm>> -> memref<32xi32, #tpu.memory_space<hbm>>
    %dma_start3A_1249 = arith.constant 0 : i32
    %dma_start3A_1250 = tpu.memref_slice %arg7[%dma_start3A_1244, %dma_start3A_1249] : memref<3x32xi32, #tpu.memory_space<vmem>> -> memref<1x32xi32, #tpu.memory_space<vmem>>
    %dma_start3A_1251 = tpu.memref_squeeze %dma_start3A_1250 : memref<1x32xi32, #tpu.memory_space<vmem>> -> memref<32xi32, #tpu.memory_space<vmem>>
    %dma_start3A_1252 = tpu.memref_slice %arg3[%add3A_1243] : memref<16384xi32, #tpu.memory_space<hbm>> -> memref<32xi32, #tpu.memory_space<hbm>>
    tpu.enqueue_dma source(%dma_start3A_1252 : memref<32xi32, #tpu.memory_space<hbm>>) target(%dma_start3A_1251 : memref<32xi32, #tpu.memory_space<vmem>>) target_semaphore(%arg9 : memref<!tpu.dma_semaphore, #tpu.memory_space<semaphore_mem>>)
    %dma_start3A_1253 = arith.constant 0 : i32
    %dma_start3A_1254 = arith.constant 0 : i32
    %dma_start3A_1255 = tpu.memref_slice %arg8[%dma_start3A_1253, %dma_start3A_1254] : memref<3x32xi32, #tpu.memory_space<vmem>> -> memref<1x32xi32, #tpu.memory_space<vmem>>
    %dma_start3A_1256 = tpu.memref_squeeze %dma_start3A_1255 : memref<1x32xi32, #tpu.memory_space<vmem>> -> memref<32xi32, #tpu.memory_space<vmem>>
    %dma_start3A_1257 = tpu.memref_slice %arg4[%add3A_1243] : memref<16384xi32, #tpu.memory_space<hbm>> -> memref<32xi32, #tpu.memory_space<hbm>>
    %dma_start3A_1258 = arith.constant 0 : i32
    %dma_start3A_1259 = tpu.memref_slice %arg8[%dma_start3A_1253, %dma_start3A_1258] : memref<3x32xi32, #tpu.memory_space<vmem>> -> memref<1x32xi32, #tpu.memory_space<vmem>>
    %dma_start3A_1260 = tpu.memref_squeeze %dma_start3A_1259 : memref<1x32xi32, #tpu.memory_space<vmem>> -> memref<32xi32, #tpu.memory_space<vmem>>
    %dma_start3A_1261 = tpu.memref_slice %arg4[%add3A_1243] : memref<16384xi32, #tpu.memory_space<hbm>> -> memref<32xi32, #tpu.memory_space<hbm>>
    tpu.enqueue_dma source(%dma_start3A_1261 : memref<32xi32, #tpu.memory_space<hbm>>) target(%dma_start3A_1260 : memref<32xi32, #tpu.memory_space<vmem>>) target_semaphore(%arg9 : memref<!tpu.dma_semaphore, #tpu.memory_space<semaphore_mem>>)
    %dma_start3A_1262 = arith.constant 0 : i32
    %dma_start3A_1263 = arith.constant 0 : i32
    %dma_start3A_1264 = arith.constant 0 : i32
    %dma_start3A_1265 = tpu.memref_slice %arg6[%dma_start3A_1262, %dma_start3A_1263, %dma_start3A_1264] : memref<3x32x1024xf32, #tpu.memory_space<vmem>> -> memref<1x32x1024xf32, #tpu.memory_space<vmem>>
    %dma_start3A_1266 = tpu.memref_squeeze %dma_start3A_1265 : memref<1x32x1024xf32, #tpu.memory_space<vmem>> -> memref<32x1024xf32, #tpu.memory_space<vmem>>
    %dma_start3A_1267 = arith.constant 0 : i32
    %dma_start3A_1268 = tpu.memref_slice %arg2[%add3A_1243, %dma_start3A_1267] : memref<16384x1024xf32, #tpu.memory_space<hbm>> -> memref<32x1024xf32, #tpu.memory_space<hbm>>
    %dma_start3A_1269 = arith.constant 0 : i32
    %dma_start3A_1270 = arith.constant 0 : i32
    %dma_start3A_1271 = tpu.memref_slice %arg6[%dma_start3A_1262, %dma_start3A_1269, %dma_start3A_1270] : memref<3x32x1024xf32, #tpu.memory_space<vmem>> -> memref<1x32x1024xf32, #tpu.memory_space<vmem>>
    %dma_start3A_1272 = tpu.memref_squeeze %dma_start3A_1271 : memref<1x32x1024xf32, #tpu.memory_space<vmem>> -> memref<32x1024xf32, #tpu.memory_space<vmem>>
    %dma_start3A_1273 = arith.constant 0 : i32
    %dma_start3A_1274 = tpu.memref_slice %arg2[%add3A_1243, %dma_start3A_1273] : memref<16384x1024xf32, #tpu.memory_space<hbm>> -> memref<32x1024xf32, #tpu.memory_space<hbm>>
    tpu.enqueue_dma source(%dma_start3A_1274 : memref<32x1024xf32, #tpu.memory_space<hbm>>) target(%dma_start3A_1272 : memref<32x1024xf32, #tpu.memory_space<vmem>>) target_semaphore(%arg9 : memref<!tpu.dma_semaphore, #tpu.memory_space<semaphore_mem>>)
    %dma_wait3A_1275 = arith.constant 2 : i32
    %dma_wait3A_1276 = arith.constant 0 : i32
    %dma_wait3A_1277 = tpu.memref_slice %arg7[%dma_wait3A_1275, %dma_wait3A_1276] : memref<3x32xi32, #tpu.memory_space<vmem>> -> memref<1x32xi32, #tpu.memory_space<vmem>>
    %dma_wait3A_1278 = tpu.memref_squeeze %dma_wait3A_1277 : memref<1x32xi32, #tpu.memory_space<vmem>> -> memref<32xi32, #tpu.memory_space<vmem>>
    %dma_wait3A_1279 = tpu.memref_slice %arg3[%add3A_1131] : memref<16384xi32, #tpu.memory_space<hbm>> -> memref<32xi32, #tpu.memory_space<hbm>>
    %dma_wait3A_1280 = arith.constant 0 : i32
    %dma_wait3A_1281 = tpu.memref_slice %arg7[%dma_wait3A_1275, %dma_wait3A_1280] : memref<3x32xi32, #tpu.memory_space<vmem>> -> memref<1x32xi32, #tpu.memory_space<vmem>>
    %dma_wait3A_1282 = tpu.memref_squeeze %dma_wait3A_1281 : memref<1x32xi32, #tpu.memory_space<vmem>> -> memref<32xi32, #tpu.memory_space<vmem>>
    %dma_wait3A_1283 = tpu.memref_slice %arg3[%add3A_1131] : memref<16384xi32, #tpu.memory_space<hbm>> -> memref<32xi32, #tpu.memory_space<hbm>>
    tpu.wait_dma2 semaphore(%arg11 : memref<!tpu.dma_semaphore, #tpu.memory_space<semaphore_mem>>) src(%dma_wait3A_1283 : memref<32xi32, #tpu.memory_space<hbm>>) dst(%dma_wait3A_1282 : memref<32xi32, #tpu.memory_space<vmem>>)
    %dma_wait3A_1284 = arith.constant 2 : i32
    %dma_wait3A_1285 = arith.constant 0 : i32
    %dma_wait3A_1286 = tpu.memref_slice %arg8[%dma_wait3A_1284, %dma_wait3A_1285] : memref<3x32xi32, #tpu.memory_space<vmem>> -> memref<1x32xi32, #tpu.memory_space<vmem>>
    %dma_wait3A_1287 = tpu.memref_squeeze %dma_wait3A_1286 : memref<1x32xi32, #tpu.memory_space<vmem>> -> memref<32xi32, #tpu.memory_space<vmem>>
    %dma_wait3A_1288 = tpu.memref_slice %arg4[%add3A_1131] : memref<16384xi32, #tpu.memory_space<hbm>> -> memref<32xi32, #tpu.memory_space<hbm>>
    %dma_wait3A_1289 = arith.constant 0 : i32
    %dma_wait3A_1290 = tpu.memref_slice %arg8[%dma_wait3A_1284, %dma_wait3A_1289] : memref<3x32xi32, #tpu.memory_space<vmem>> -> memref<1x32xi32, #tpu.memory_space<vmem>>
    %dma_wait3A_1291 = tpu.memref_squeeze %dma_wait3A_1290 : memref<1x32xi32, #tpu.memory_space<vmem>> -> memref<32xi32, #tpu.memory_space<vmem>>
    %dma_wait3A_1292 = tpu.memref_slice %arg4[%add3A_1131] : memref<16384xi32, #tpu.memory_space<hbm>> -> memref<32xi32, #tpu.memory_space<hbm>>
    tpu.wait_dma2 semaphore(%arg11 : memref<!tpu.dma_semaphore, #tpu.memory_space<semaphore_mem>>) src(%dma_wait3A_1292 : memref<32xi32, #tpu.memory_space<hbm>>) dst(%dma_wait3A_1291 : memref<32xi32, #tpu.memory_space<vmem>>)
    %dma_wait3A_1293 = arith.constant 2 : i32
    %dma_wait3A_1294 = arith.constant 0 : i32
    %dma_wait3A_1295 = arith.constant 0 : i32
    %dma_wait3A_1296 = tpu.memref_slice %arg6[%dma_wait3A_1293, %dma_wait3A_1294, %dma_wait3A_1295] : memref<3x32x1024xf32, #tpu.memory_space<vmem>> -> memref<1x32x1024xf32, #tpu.memory_space<vmem>>
    %dma_wait3A_1297 = tpu.memref_squeeze %dma_wait3A_1296 : memref<1x32x1024xf32, #tpu.memory_space<vmem>> -> memref<32x1024xf32, #tpu.memory_space<vmem>>
    %dma_wait3A_1298 = arith.constant 0 : i32
    %dma_wait3A_1299 = tpu.memref_slice %arg2[%add3A_1131, %dma_wait3A_1298] : memref<16384x1024xf32, #tpu.memory_space<hbm>> -> memref<32x1024xf32, #tpu.memory_space<hbm>>
    %dma_wait3A_1300 = arith.constant 0 : i32
    %dma_wait3A_1301 = arith.constant 0 : i32
    %dma_wait3A_1302 = tpu.memref_slice %arg6[%dma_wait3A_1293, %dma_wait3A_1300, %dma_wait3A_1301] : memref<3x32x1024xf32, #tpu.memory_space<vmem>> -> memref<1x32x1024xf32, #tpu.memory_space<vmem>>
    %dma_wait3A_1303 = tpu.memref_squeeze %dma_wait3A_1302 : memref<1x32x1024xf32, #tpu.memory_space<vmem>> -> memref<32x1024xf32, #tpu.memory_space<vmem>>
    %dma_wait3A_1304 = arith.constant 0 : i32
    %dma_wait3A_1305 = tpu.memref_slice %arg2[%add3A_1131, %dma_wait3A_1304] : memref<16384x1024xf32, #tpu.memory_space<hbm>> -> memref<32x1024xf32, #tpu.memory_space<hbm>>
    tpu.wait_dma2 semaphore(%arg11 : memref<!tpu.dma_semaphore, #tpu.memory_space<semaphore_mem>>) src(%dma_wait3A_1305 : memref<32x1024xf32, #tpu.memory_space<hbm>>) dst(%dma_wait3A_1303 : memref<32x1024xf32, #tpu.memory_space<vmem>>)
    %dma_start3A_1306 = arith.constant 2 : i32
    %dma_start3A_1307 = arith.constant 2 : i32
    %dma_start3A_1308 = arith.constant 0 : i32
    %dma_start3A_1309 = arith.constant 0 : i32
    %dma_start3A_1310 = tpu.memref_slice %arg6[%dma_start3A_1306, %dma_start3A_1308, %dma_start3A_1309] : memref<3x32x1024xf32, #tpu.memory_space<vmem>> -> memref<1x32x1024xf32, #tpu.memory_space<vmem>>
    %dma_start3A_1311 = tpu.memref_squeeze %dma_start3A_1310 : memref<1x32x1024xf32, #tpu.memory_space<vmem>> -> memref<32x1024xf32, #tpu.memory_space<vmem>>
    %dma_start3A_1312 = arith.constant 0 : i32
    %dma_start3A_1313 = tpu.memref_slice %arg7[%dma_start3A_1307, %dma_start3A_1312] : memref<3x32xi32, #tpu.memory_space<vmem>> -> memref<1x32xi32, #tpu.memory_space<vmem>>
    %dma_start3A_1314 = tpu.memref_squeeze %dma_start3A_1313 : memref<1x32xi32, #tpu.memory_space<vmem>> -> memref<32xi32, #tpu.memory_space<vmem>>
    %dma_start3A_1315 = arith.constant 0 : i32
    %dma_start3A_1316 = arith.constant 0 : i32
    %dma_start3A_1317 = tpu.memref_slice %arg5[%dma_start3A_1315, %dma_start3A_1316] : memref<32768x1024xf32, #tpu.memory_space<hbm>> -> memref<32768x1024xf32, #tpu.memory_space<hbm>>
    tpu.enqueue_indirect_dma source(%dma_start3A_1311 : memref<32x1024xf32, #tpu.memory_space<vmem>>) target(%dma_start3A_1317 : memref<32768x1024xf32, #tpu.memory_space<hbm>>) offsets(%dma_start3A_1314 : memref<32xi32, #tpu.memory_space<vmem>>) semaphore(%arg14 : memref<!tpu.dma_semaphore, #tpu.memory_space<semaphore_mem>>)
    %dma_start3A_1318 = arith.constant 2 : i32
    %dma_start3A_1319 = arith.constant 2 : i32
    %dma_start3A_1320 = arith.constant 0 : i32
    %dma_start3A_1321 = arith.constant 0 : i32
    %dma_start3A_1322 = tpu.memref_slice %arg6[%dma_start3A_1318, %dma_start3A_1320, %dma_start3A_1321] : memref<3x32x1024xf32, #tpu.memory_space<vmem>> -> memref<1x32x1024xf32, #tpu.memory_space<vmem>>
    %dma_start3A_1323 = tpu.memref_squeeze %dma_start3A_1322 : memref<1x32x1024xf32, #tpu.memory_space<vmem>> -> memref<32x1024xf32, #tpu.memory_space<vmem>>
    %dma_start3A_1324 = arith.constant 0 : i32
    %dma_start3A_1325 = tpu.memref_slice %arg8[%dma_start3A_1319, %dma_start3A_1324] : memref<3x32xi32, #tpu.memory_space<vmem>> -> memref<1x32xi32, #tpu.memory_space<vmem>>
    %dma_start3A_1326 = tpu.memref_squeeze %dma_start3A_1325 : memref<1x32xi32, #tpu.memory_space<vmem>> -> memref<32xi32, #tpu.memory_space<vmem>>
    %dma_start3A_1327 = arith.constant 0 : i32
    %dma_start3A_1328 = arith.constant 0 : i32
    %dma_start3A_1329 = tpu.memref_slice %arg5[%dma_start3A_1327, %dma_start3A_1328] : memref<32768x1024xf32, #tpu.memory_space<hbm>> -> memref<32768x1024xf32, #tpu.memory_space<hbm>>
    tpu.enqueue_indirect_dma source(%dma_start3A_1323 : memref<32x1024xf32, #tpu.memory_space<vmem>>) target(%dma_start3A_1329 : memref<32768x1024xf32, #tpu.memory_space<hbm>>) offsets(%dma_start3A_1326 : memref<32xi32, #tpu.memory_space<vmem>>) semaphore(%arg14 : memref<!tpu.dma_semaphore, #tpu.memory_space<semaphore_mem>>)
    %dma_wait3A_1330 = arith.constant 1 : i32
    %dma_wait3A_1331 = arith.constant 1 : i32
    %dma_wait3A_1332 = arith.constant 0 : i32
    %dma_wait3A_1333 = arith.constant 0 : i32
    %dma_wait3A_1334 = tpu.memref_slice %arg6[%dma_wait3A_1330, %dma_wait3A_1332, %dma_wait3A_1333] : memref<3x32x1024xf32, #tpu.memory_space<vmem>> -> memref<1x32x1024xf32, #tpu.memory_space<vmem>>
    %dma_wait3A_1335 = tpu.memref_squeeze %dma_wait3A_1334 : memref<1x32x1024xf32, #tpu.memory_space<vmem>> -> memref<32x1024xf32, #tpu.memory_space<vmem>>
    %dma_wait3A_1336 = arith.constant 0 : i32
    %dma_wait3A_1337 = tpu.memref_slice %arg7[%dma_wait3A_1331, %dma_wait3A_1336] : memref<3x32xi32, #tpu.memory_space<vmem>> -> memref<1x32xi32, #tpu.memory_space<vmem>>
    %dma_wait3A_1338 = tpu.memref_squeeze %dma_wait3A_1337 : memref<1x32xi32, #tpu.memory_space<vmem>> -> memref<32xi32, #tpu.memory_space<vmem>>
    %dma_wait3A_1339 = arith.constant 0 : i32
    %dma_wait3A_1340 = arith.constant 0 : i32
    %dma_wait3A_1341 = tpu.memref_slice %arg5[%dma_wait3A_1339, %dma_wait3A_1340] : memref<32768x1024xf32, #tpu.memory_space<hbm>> -> memref<32768x1024xf32, #tpu.memory_space<hbm>>
    tpu.wait_indirect_dma semaphore(%arg13 : memref<!tpu.dma_semaphore, #tpu.memory_space<semaphore_mem>>) src(%dma_wait3A_1335 : memref<32x1024xf32, #tpu.memory_space<vmem>>) dst(%dma_wait3A_1341 : memref<32768x1024xf32, #tpu.memory_space<hbm>>)
    %dma_wait3A_1342 = arith.constant 1 : i32
    %dma_wait3A_1343 = arith.constant 1 : i32
    %dma_wait3A_1344 = arith.constant 0 : i32
    %dma_wait3A_1345 = arith.constant 0 : i32
    %dma_wait3A_1346 = tpu.memref_slice %arg6[%dma_wait3A_1342, %dma_wait3A_1344, %dma_wait3A_1345] : memref<3x32x1024xf32, #tpu.memory_space<vmem>> -> memref<1x32x1024xf32, #tpu.memory_space<vmem>>
    %dma_wait3A_1347 = tpu.memref_squeeze %dma_wait3A_1346 : memref<1x32x1024xf32, #tpu.memory_space<vmem>> -> memref<32x1024xf32, #tpu.memory_space<vmem>>
    %dma_wait3A_1348 = arith.constant 0 : i32
    %dma_wait3A_1349 = tpu.memref_slice %arg8[%dma_wait3A_1343, %dma_wait3A_1348] : memref<3x32xi32, #tpu.memory_space<vmem>> -> memref<1x32xi32, #tpu.memory_space<vmem>>
    %dma_wait3A_1350 = tpu.memref_squeeze %dma_wait3A_1349 : memref<1x32xi32, #tpu.memory_space<vmem>> -> memref<32xi32, #tpu.memory_space<vmem>>
    %dma_wait3A_1351 = arith.constant 0 : i32
    %dma_wait3A_1352 = arith.constant 0 : i32
    %dma_wait3A_1353 = tpu.memref_slice %arg5[%dma_wait3A_1351, %dma_wait3A_1352] : memref<32768x1024xf32, #tpu.memory_space<hbm>> -> memref<32768x1024xf32, #tpu.memory_space<hbm>>
    tpu.wait_indirect_dma semaphore(%arg13 : memref<!tpu.dma_semaphore, #tpu.memory_space<semaphore_mem>>) src(%dma_wait3A_1347 : memref<32x1024xf32, #tpu.memory_space<vmem>>) dst(%dma_wait3A_1353 : memref<32768x1024xf32, #tpu.memory_space<hbm>>)
    %add3A_1354 = arith.constant 416 : i32
    %add3A_1355 = arith.addi %mul3A_2, %add3A_1354 : i32
    %dma_start3A_1356 = arith.constant 1 : i32
    %dma_start3A_1357 = arith.constant 0 : i32
    %dma_start3A_1358 = tpu.memref_slice %arg7[%dma_start3A_1356, %dma_start3A_1357] : memref<3x32xi32, #tpu.memory_space<vmem>> -> memref<1x32xi32, #tpu.memory_space<vmem>>
    %dma_start3A_1359 = tpu.memref_squeeze %dma_start3A_1358 : memref<1x32xi32, #tpu.memory_space<vmem>> -> memref<32xi32, #tpu.memory_space<vmem>>
    %dma_start3A_1360 = tpu.memref_slice %arg3[%add3A_1355] : memref<16384xi32, #tpu.memory_space<hbm>> -> memref<32xi32, #tpu.memory_space<hbm>>
    %dma_start3A_1361 = arith.constant 0 : i32
    %dma_start3A_1362 = tpu.memref_slice %arg7[%dma_start3A_1356, %dma_start3A_1361] : memref<3x32xi32, #tpu.memory_space<vmem>> -> memref<1x32xi32, #tpu.memory_space<vmem>>
    %dma_start3A_1363 = tpu.memref_squeeze %dma_start3A_1362 : memref<1x32xi32, #tpu.memory_space<vmem>> -> memref<32xi32, #tpu.memory_space<vmem>>
    %dma_start3A_1364 = tpu.memref_slice %arg3[%add3A_1355] : memref<16384xi32, #tpu.memory_space<hbm>> -> memref<32xi32, #tpu.memory_space<hbm>>
    tpu.enqueue_dma source(%dma_start3A_1364 : memref<32xi32, #tpu.memory_space<hbm>>) target(%dma_start3A_1363 : memref<32xi32, #tpu.memory_space<vmem>>) target_semaphore(%arg10 : memref<!tpu.dma_semaphore, #tpu.memory_space<semaphore_mem>>)
    %dma_start3A_1365 = arith.constant 1 : i32
    %dma_start3A_1366 = arith.constant 0 : i32
    %dma_start3A_1367 = tpu.memref_slice %arg8[%dma_start3A_1365, %dma_start3A_1366] : memref<3x32xi32, #tpu.memory_space<vmem>> -> memref<1x32xi32, #tpu.memory_space<vmem>>
    %dma_start3A_1368 = tpu.memref_squeeze %dma_start3A_1367 : memref<1x32xi32, #tpu.memory_space<vmem>> -> memref<32xi32, #tpu.memory_space<vmem>>
    %dma_start3A_1369 = tpu.memref_slice %arg4[%add3A_1355] : memref<16384xi32, #tpu.memory_space<hbm>> -> memref<32xi32, #tpu.memory_space<hbm>>
    %dma_start3A_1370 = arith.constant 0 : i32
    %dma_start3A_1371 = tpu.memref_slice %arg8[%dma_start3A_1365, %dma_start3A_1370] : memref<3x32xi32, #tpu.memory_space<vmem>> -> memref<1x32xi32, #tpu.memory_space<vmem>>
    %dma_start3A_1372 = tpu.memref_squeeze %dma_start3A_1371 : memref<1x32xi32, #tpu.memory_space<vmem>> -> memref<32xi32, #tpu.memory_space<vmem>>
    %dma_start3A_1373 = tpu.memref_slice %arg4[%add3A_1355] : memref<16384xi32, #tpu.memory_space<hbm>> -> memref<32xi32, #tpu.memory_space<hbm>>
    tpu.enqueue_dma source(%dma_start3A_1373 : memref<32xi32, #tpu.memory_space<hbm>>) target(%dma_start3A_1372 : memref<32xi32, #tpu.memory_space<vmem>>) target_semaphore(%arg10 : memref<!tpu.dma_semaphore, #tpu.memory_space<semaphore_mem>>)
    %dma_start3A_1374 = arith.constant 1 : i32
    %dma_start3A_1375 = arith.constant 0 : i32
    %dma_start3A_1376 = arith.constant 0 : i32
    %dma_start3A_1377 = tpu.memref_slice %arg6[%dma_start3A_1374, %dma_start3A_1375, %dma_start3A_1376] : memref<3x32x1024xf32, #tpu.memory_space<vmem>> -> memref<1x32x1024xf32, #tpu.memory_space<vmem>>
    %dma_start3A_1378 = tpu.memref_squeeze %dma_start3A_1377 : memref<1x32x1024xf32, #tpu.memory_space<vmem>> -> memref<32x1024xf32, #tpu.memory_space<vmem>>
    %dma_start3A_1379 = arith.constant 0 : i32
    %dma_start3A_1380 = tpu.memref_slice %arg2[%add3A_1355, %dma_start3A_1379] : memref<16384x1024xf32, #tpu.memory_space<hbm>> -> memref<32x1024xf32, #tpu.memory_space<hbm>>
    %dma_start3A_1381 = arith.constant 0 : i32
    %dma_start3A_1382 = arith.constant 0 : i32
    %dma_start3A_1383 = tpu.memref_slice %arg6[%dma_start3A_1374, %dma_start3A_1381, %dma_start3A_1382] : memref<3x32x1024xf32, #tpu.memory_space<vmem>> -> memref<1x32x1024xf32, #tpu.memory_space<vmem>>
    %dma_start3A_1384 = tpu.memref_squeeze %dma_start3A_1383 : memref<1x32x1024xf32, #tpu.memory_space<vmem>> -> memref<32x1024xf32, #tpu.memory_space<vmem>>
    %dma_start3A_1385 = arith.constant 0 : i32
    %dma_start3A_1386 = tpu.memref_slice %arg2[%add3A_1355, %dma_start3A_1385] : memref<16384x1024xf32, #tpu.memory_space<hbm>> -> memref<32x1024xf32, #tpu.memory_space<hbm>>
    tpu.enqueue_dma source(%dma_start3A_1386 : memref<32x1024xf32, #tpu.memory_space<hbm>>) target(%dma_start3A_1384 : memref<32x1024xf32, #tpu.memory_space<vmem>>) target_semaphore(%arg10 : memref<!tpu.dma_semaphore, #tpu.memory_space<semaphore_mem>>)
    %dma_wait3A_1387 = arith.constant 0 : i32
    %dma_wait3A_1388 = arith.constant 0 : i32
    %dma_wait3A_1389 = tpu.memref_slice %arg7[%dma_wait3A_1387, %dma_wait3A_1388] : memref<3x32xi32, #tpu.memory_space<vmem>> -> memref<1x32xi32, #tpu.memory_space<vmem>>
    %dma_wait3A_1390 = tpu.memref_squeeze %dma_wait3A_1389 : memref<1x32xi32, #tpu.memory_space<vmem>> -> memref<32xi32, #tpu.memory_space<vmem>>
    %dma_wait3A_1391 = tpu.memref_slice %arg3[%add3A_1243] : memref<16384xi32, #tpu.memory_space<hbm>> -> memref<32xi32, #tpu.memory_space<hbm>>
    %dma_wait3A_1392 = arith.constant 0 : i32
    %dma_wait3A_1393 = tpu.memref_slice %arg7[%dma_wait3A_1387, %dma_wait3A_1392] : memref<3x32xi32, #tpu.memory_space<vmem>> -> memref<1x32xi32, #tpu.memory_space<vmem>>
    %dma_wait3A_1394 = tpu.memref_squeeze %dma_wait3A_1393 : memref<1x32xi32, #tpu.memory_space<vmem>> -> memref<32xi32, #tpu.memory_space<vmem>>
    %dma_wait3A_1395 = tpu.memref_slice %arg3[%add3A_1243] : memref<16384xi32, #tpu.memory_space<hbm>> -> memref<32xi32, #tpu.memory_space<hbm>>
    tpu.wait_dma2 semaphore(%arg9 : memref<!tpu.dma_semaphore, #tpu.memory_space<semaphore_mem>>) src(%dma_wait3A_1395 : memref<32xi32, #tpu.memory_space<hbm>>) dst(%dma_wait3A_1394 : memref<32xi32, #tpu.memory_space<vmem>>)
    %dma_wait3A_1396 = arith.constant 0 : i32
    %dma_wait3A_1397 = arith.constant 0 : i32
    %dma_wait3A_1398 = tpu.memref_slice %arg8[%dma_wait3A_1396, %dma_wait3A_1397] : memref<3x32xi32, #tpu.memory_space<vmem>> -> memref<1x32xi32, #tpu.memory_space<vmem>>
    %dma_wait3A_1399 = tpu.memref_squeeze %dma_wait3A_1398 : memref<1x32xi32, #tpu.memory_space<vmem>> -> memref<32xi32, #tpu.memory_space<vmem>>
    %dma_wait3A_1400 = tpu.memref_slice %arg4[%add3A_1243] : memref<16384xi32, #tpu.memory_space<hbm>> -> memref<32xi32, #tpu.memory_space<hbm>>
    %dma_wait3A_1401 = arith.constant 0 : i32
    %dma_wait3A_1402 = tpu.memref_slice %arg8[%dma_wait3A_1396, %dma_wait3A_1401] : memref<3x32xi32, #tpu.memory_space<vmem>> -> memref<1x32xi32, #tpu.memory_space<vmem>>
    %dma_wait3A_1403 = tpu.memref_squeeze %dma_wait3A_1402 : memref<1x32xi32, #tpu.memory_space<vmem>> -> memref<32xi32, #tpu.memory_space<vmem>>
    %dma_wait3A_1404 = tpu.memref_slice %arg4[%add3A_1243] : memref<16384xi32, #tpu.memory_space<hbm>> -> memref<32xi32, #tpu.memory_space<hbm>>
    tpu.wait_dma2 semaphore(%arg9 : memref<!tpu.dma_semaphore, #tpu.memory_space<semaphore_mem>>) src(%dma_wait3A_1404 : memref<32xi32, #tpu.memory_space<hbm>>) dst(%dma_wait3A_1403 : memref<32xi32, #tpu.memory_space<vmem>>)
    %dma_wait3A_1405 = arith.constant 0 : i32
    %dma_wait3A_1406 = arith.constant 0 : i32
    %dma_wait3A_1407 = arith.constant 0 : i32
    %dma_wait3A_1408 = tpu.memref_slice %arg6[%dma_wait3A_1405, %dma_wait3A_1406, %dma_wait3A_1407] : memref<3x32x1024xf32, #tpu.memory_space<vmem>> -> memref<1x32x1024xf32, #tpu.memory_space<vmem>>
    %dma_wait3A_1409 = tpu.memref_squeeze %dma_wait3A_1408 : memref<1x32x1024xf32, #tpu.memory_space<vmem>> -> memref<32x1024xf32, #tpu.memory_space<vmem>>
    %dma_wait3A_1410 = arith.constant 0 : i32
    %dma_wait3A_1411 = tpu.memref_slice %arg2[%add3A_1243, %dma_wait3A_1410] : memref<16384x1024xf32, #tpu.memory_space<hbm>> -> memref<32x1024xf32, #tpu.memory_space<hbm>>
    %dma_wait3A_1412 = arith.constant 0 : i32
    %dma_wait3A_1413 = arith.constant 0 : i32
    %dma_wait3A_1414 = tpu.memref_slice %arg6[%dma_wait3A_1405, %dma_wait3A_1412, %dma_wait3A_1413] : memref<3x32x1024xf32, #tpu.memory_space<vmem>> -> memref<1x32x1024xf32, #tpu.memory_space<vmem>>
    %dma_wait3A_1415 = tpu.memref_squeeze %dma_wait3A_1414 : memref<1x32x1024xf32, #tpu.memory_space<vmem>> -> memref<32x1024xf32, #tpu.memory_space<vmem>>
    %dma_wait3A_1416 = arith.constant 0 : i32
    %dma_wait3A_1417 = tpu.memref_slice %arg2[%add3A_1243, %dma_wait3A_1416] : memref<16384x1024xf32, #tpu.memory_space<hbm>> -> memref<32x1024xf32, #tpu.memory_space<hbm>>
    tpu.wait_dma2 semaphore(%arg9 : memref<!tpu.dma_semaphore, #tpu.memory_space<semaphore_mem>>) src(%dma_wait3A_1417 : memref<32x1024xf32, #tpu.memory_space<hbm>>) dst(%dma_wait3A_1415 : memref<32x1024xf32, #tpu.memory_space<vmem>>)
    %dma_start3A_1418 = arith.constant 0 : i32
    %dma_start3A_1419 = arith.constant 0 : i32
    %dma_start3A_1420 = arith.constant 0 : i32
    %dma_start3A_1421 = arith.constant 0 : i32
    %dma_start3A_1422 = tpu.memref_slice %arg6[%dma_start3A_1418, %dma_start3A_1420, %dma_start3A_1421] : memref<3x32x1024xf32, #tpu.memory_space<vmem>> -> memref<1x32x1024xf32, #tpu.memory_space<vmem>>
    %dma_start3A_1423 = tpu.memref_squeeze %dma_start3A_1422 : memref<1x32x1024xf32, #tpu.memory_space<vmem>> -> memref<32x1024xf32, #tpu.memory_space<vmem>>
    %dma_start3A_1424 = arith.constant 0 : i32
    %dma_start3A_1425 = tpu.memref_slice %arg7[%dma_start3A_1419, %dma_start3A_1424] : memref<3x32xi32, #tpu.memory_space<vmem>> -> memref<1x32xi32, #tpu.memory_space<vmem>>
    %dma_start3A_1426 = tpu.memref_squeeze %dma_start3A_1425 : memref<1x32xi32, #tpu.memory_space<vmem>> -> memref<32xi32, #tpu.memory_space<vmem>>
    %dma_start3A_1427 = arith.constant 0 : i32
    %dma_start3A_1428 = arith.constant 0 : i32
    %dma_start3A_1429 = tpu.memref_slice %arg5[%dma_start3A_1427, %dma_start3A_1428] : memref<32768x1024xf32, #tpu.memory_space<hbm>> -> memref<32768x1024xf32, #tpu.memory_space<hbm>>
    tpu.enqueue_indirect_dma source(%dma_start3A_1423 : memref<32x1024xf32, #tpu.memory_space<vmem>>) target(%dma_start3A_1429 : memref<32768x1024xf32, #tpu.memory_space<hbm>>) offsets(%dma_start3A_1426 : memref<32xi32, #tpu.memory_space<vmem>>) semaphore(%arg12 : memref<!tpu.dma_semaphore, #tpu.memory_space<semaphore_mem>>)
    %dma_start3A_1430 = arith.constant 0 : i32
    %dma_start3A_1431 = arith.constant 0 : i32
    %dma_start3A_1432 = arith.constant 0 : i32
    %dma_start3A_1433 = arith.constant 0 : i32
    %dma_start3A_1434 = tpu.memref_slice %arg6[%dma_start3A_1430, %dma_start3A_1432, %dma_start3A_1433] : memref<3x32x1024xf32, #tpu.memory_space<vmem>> -> memref<1x32x1024xf32, #tpu.memory_space<vmem>>
    %dma_start3A_1435 = tpu.memref_squeeze %dma_start3A_1434 : memref<1x32x1024xf32, #tpu.memory_space<vmem>> -> memref<32x1024xf32, #tpu.memory_space<vmem>>
    %dma_start3A_1436 = arith.constant 0 : i32
    %dma_start3A_1437 = tpu.memref_slice %arg8[%dma_start3A_1431, %dma_start3A_1436] : memref<3x32xi32, #tpu.memory_space<vmem>> -> memref<1x32xi32, #tpu.memory_space<vmem>>
    %dma_start3A_1438 = tpu.memref_squeeze %dma_start3A_1437 : memref<1x32xi32, #tpu.memory_space<vmem>> -> memref<32xi32, #tpu.memory_space<vmem>>
    %dma_start3A_1439 = arith.constant 0 : i32
    %dma_start3A_1440 = arith.constant 0 : i32
    %dma_start3A_1441 = tpu.memref_slice %arg5[%dma_start3A_1439, %dma_start3A_1440] : memref<32768x1024xf32, #tpu.memory_space<hbm>> -> memref<32768x1024xf32, #tpu.memory_space<hbm>>
    tpu.enqueue_indirect_dma source(%dma_start3A_1435 : memref<32x1024xf32, #tpu.memory_space<vmem>>) target(%dma_start3A_1441 : memref<32768x1024xf32, #tpu.memory_space<hbm>>) offsets(%dma_start3A_1438 : memref<32xi32, #tpu.memory_space<vmem>>) semaphore(%arg12 : memref<!tpu.dma_semaphore, #tpu.memory_space<semaphore_mem>>)
    %dma_wait3A_1442 = arith.constant 2 : i32
    %dma_wait3A_1443 = arith.constant 2 : i32
    %dma_wait3A_1444 = arith.constant 0 : i32
    %dma_wait3A_1445 = arith.constant 0 : i32
    %dma_wait3A_1446 = tpu.memref_slice %arg6[%dma_wait3A_1442, %dma_wait3A_1444, %dma_wait3A_1445] : memref<3x32x1024xf32, #tpu.memory_space<vmem>> -> memref<1x32x1024xf32, #tpu.memory_space<vmem>>
    %dma_wait3A_1447 = tpu.memref_squeeze %dma_wait3A_1446 : memref<1x32x1024xf32, #tpu.memory_space<vmem>> -> memref<32x1024xf32, #tpu.memory_space<vmem>>
    %dma_wait3A_1448 = arith.constant 0 : i32
    %dma_wait3A_1449 = tpu.memref_slice %arg7[%dma_wait3A_1443, %dma_wait3A_1448] : memref<3x32xi32, #tpu.memory_space<vmem>> -> memref<1x32xi32, #tpu.memory_space<vmem>>
    %dma_wait3A_1450 = tpu.memref_squeeze %dma_wait3A_1449 : memref<1x32xi32, #tpu.memory_space<vmem>> -> memref<32xi32, #tpu.memory_space<vmem>>
    %dma_wait3A_1451 = arith.constant 0 : i32
    %dma_wait3A_1452 = arith.constant 0 : i32
    %dma_wait3A_1453 = tpu.memref_slice %arg5[%dma_wait3A_1451, %dma_wait3A_1452] : memref<32768x1024xf32, #tpu.memory_space<hbm>> -> memref<32768x1024xf32, #tpu.memory_space<hbm>>
    tpu.wait_indirect_dma semaphore(%arg14 : memref<!tpu.dma_semaphore, #tpu.memory_space<semaphore_mem>>) src(%dma_wait3A_1447 : memref<32x1024xf32, #tpu.memory_space<vmem>>) dst(%dma_wait3A_1453 : memref<32768x1024xf32, #tpu.memory_space<hbm>>)
    %dma_wait3A_1454 = arith.constant 2 : i32
    %dma_wait3A_1455 = arith.constant 2 : i32
    %dma_wait3A_1456 = arith.constant 0 : i32
    %dma_wait3A_1457 = arith.constant 0 : i32
    %dma_wait3A_1458 = tpu.memref_slice %arg6[%dma_wait3A_1454, %dma_wait3A_1456, %dma_wait3A_1457] : memref<3x32x1024xf32, #tpu.memory_space<vmem>> -> memref<1x32x1024xf32, #tpu.memory_space<vmem>>
    %dma_wait3A_1459 = tpu.memref_squeeze %dma_wait3A_1458 : memref<1x32x1024xf32, #tpu.memory_space<vmem>> -> memref<32x1024xf32, #tpu.memory_space<vmem>>
    %dma_wait3A_1460 = arith.constant 0 : i32
    %dma_wait3A_1461 = tpu.memref_slice %arg8[%dma_wait3A_1455, %dma_wait3A_1460] : memref<3x32xi32, #tpu.memory_space<vmem>> -> memref<1x32xi32, #tpu.memory_space<vmem>>
    %dma_wait3A_1462 = tpu.memref_squeeze %dma_wait3A_1461 : memref<1x32xi32, #tpu.memory_space<vmem>> -> memref<32xi32, #tpu.memory_space<vmem>>
    %dma_wait3A_1463 = arith.constant 0 : i32
    %dma_wait3A_1464 = arith.constant 0 : i32
    %dma_wait3A_1465 = tpu.memref_slice %arg5[%dma_wait3A_1463, %dma_wait3A_1464] : memref<32768x1024xf32, #tpu.memory_space<hbm>> -> memref<32768x1024xf32, #tpu.memory_space<hbm>>
    tpu.wait_indirect_dma semaphore(%arg14 : memref<!tpu.dma_semaphore, #tpu.memory_space<semaphore_mem>>) src(%dma_wait3A_1459 : memref<32x1024xf32, #tpu.memory_space<vmem>>) dst(%dma_wait3A_1465 : memref<32768x1024xf32, #tpu.memory_space<hbm>>)
    %add3A_1466 = arith.constant 448 : i32
    %add3A_1467 = arith.addi %mul3A_2, %add3A_1466 : i32
    %dma_start3A_1468 = arith.constant 2 : i32
    %dma_start3A_1469 = arith.constant 0 : i32
    %dma_start3A_1470 = tpu.memref_slice %arg7[%dma_start3A_1468, %dma_start3A_1469] : memref<3x32xi32, #tpu.memory_space<vmem>> -> memref<1x32xi32, #tpu.memory_space<vmem>>
    %dma_start3A_1471 = tpu.memref_squeeze %dma_start3A_1470 : memref<1x32xi32, #tpu.memory_space<vmem>> -> memref<32xi32, #tpu.memory_space<vmem>>
    %dma_start3A_1472 = tpu.memref_slice %arg3[%add3A_1467] : memref<16384xi32, #tpu.memory_space<hbm>> -> memref<32xi32, #tpu.memory_space<hbm>>
    %dma_start3A_1473 = arith.constant 0 : i32
    %dma_start3A_1474 = tpu.memref_slice %arg7[%dma_start3A_1468, %dma_start3A_1473] : memref<3x32xi32, #tpu.memory_space<vmem>> -> memref<1x32xi32, #tpu.memory_space<vmem>>
    %dma_start3A_1475 = tpu.memref_squeeze %dma_start3A_1474 : memref<1x32xi32, #tpu.memory_space<vmem>> -> memref<32xi32, #tpu.memory_space<vmem>>
    %dma_start3A_1476 = tpu.memref_slice %arg3[%add3A_1467] : memref<16384xi32, #tpu.memory_space<hbm>> -> memref<32xi32, #tpu.memory_space<hbm>>
    tpu.enqueue_dma source(%dma_start3A_1476 : memref<32xi32, #tpu.memory_space<hbm>>) target(%dma_start3A_1475 : memref<32xi32, #tpu.memory_space<vmem>>) target_semaphore(%arg11 : memref<!tpu.dma_semaphore, #tpu.memory_space<semaphore_mem>>)
    %dma_start3A_1477 = arith.constant 2 : i32
    %dma_start3A_1478 = arith.constant 0 : i32
    %dma_start3A_1479 = tpu.memref_slice %arg8[%dma_start3A_1477, %dma_start3A_1478] : memref<3x32xi32, #tpu.memory_space<vmem>> -> memref<1x32xi32, #tpu.memory_space<vmem>>
    %dma_start3A_1480 = tpu.memref_squeeze %dma_start3A_1479 : memref<1x32xi32, #tpu.memory_space<vmem>> -> memref<32xi32, #tpu.memory_space<vmem>>
    %dma_start3A_1481 = tpu.memref_slice %arg4[%add3A_1467] : memref<16384xi32, #tpu.memory_space<hbm>> -> memref<32xi32, #tpu.memory_space<hbm>>
    %dma_start3A_1482 = arith.constant 0 : i32
    %dma_start3A_1483 = tpu.memref_slice %arg8[%dma_start3A_1477, %dma_start3A_1482] : memref<3x32xi32, #tpu.memory_space<vmem>> -> memref<1x32xi32, #tpu.memory_space<vmem>>
    %dma_start3A_1484 = tpu.memref_squeeze %dma_start3A_1483 : memref<1x32xi32, #tpu.memory_space<vmem>> -> memref<32xi32, #tpu.memory_space<vmem>>
    %dma_start3A_1485 = tpu.memref_slice %arg4[%add3A_1467] : memref<16384xi32, #tpu.memory_space<hbm>> -> memref<32xi32, #tpu.memory_space<hbm>>
    tpu.enqueue_dma source(%dma_start3A_1485 : memref<32xi32, #tpu.memory_space<hbm>>) target(%dma_start3A_1484 : memref<32xi32, #tpu.memory_space<vmem>>) target_semaphore(%arg11 : memref<!tpu.dma_semaphore, #tpu.memory_space<semaphore_mem>>)
    %dma_start3A_1486 = arith.constant 2 : i32
    %dma_start3A_1487 = arith.constant 0 : i32
    %dma_start3A_1488 = arith.constant 0 : i32
    %dma_start3A_1489 = tpu.memref_slice %arg6[%dma_start3A_1486, %dma_start3A_1487, %dma_start3A_1488] : memref<3x32x1024xf32, #tpu.memory_space<vmem>> -> memref<1x32x1024xf32, #tpu.memory_space<vmem>>
    %dma_start3A_1490 = tpu.memref_squeeze %dma_start3A_1489 : memref<1x32x1024xf32, #tpu.memory_space<vmem>> -> memref<32x1024xf32, #tpu.memory_space<vmem>>
    %dma_start3A_1491 = arith.constant 0 : i32
    %dma_start3A_1492 = tpu.memref_slice %arg2[%add3A_1467, %dma_start3A_1491] : memref<16384x1024xf32, #tpu.memory_space<hbm>> -> memref<32x1024xf32, #tpu.memory_space<hbm>>
    %dma_start3A_1493 = arith.constant 0 : i32
    %dma_start3A_1494 = arith.constant 0 : i32
    %dma_start3A_1495 = tpu.memref_slice %arg6[%dma_start3A_1486, %dma_start3A_1493, %dma_start3A_1494] : memref<3x32x1024xf32, #tpu.memory_space<vmem>> -> memref<1x32x1024xf32, #tpu.memory_space<vmem>>
    %dma_start3A_1496 = tpu.memref_squeeze %dma_start3A_1495 : memref<1x32x1024xf32, #tpu.memory_space<vmem>> -> memref<32x1024xf32, #tpu.memory_space<vmem>>
    %dma_start3A_1497 = arith.constant 0 : i32
    %dma_start3A_1498 = tpu.memref_slice %arg2[%add3A_1467, %dma_start3A_1497] : memref<16384x1024xf32, #tpu.memory_space<hbm>> -> memref<32x1024xf32, #tpu.memory_space<hbm>>
    tpu.enqueue_dma source(%dma_start3A_1498 : memref<32x1024xf32, #tpu.memory_space<hbm>>) target(%dma_start3A_1496 : memref<32x1024xf32, #tpu.memory_space<vmem>>) target_semaphore(%arg11 : memref<!tpu.dma_semaphore, #tpu.memory_space<semaphore_mem>>)
    %dma_wait3A_1499 = arith.constant 1 : i32
    %dma_wait3A_1500 = arith.constant 0 : i32
    %dma_wait3A_1501 = tpu.memref_slice %arg7[%dma_wait3A_1499, %dma_wait3A_1500] : memref<3x32xi32, #tpu.memory_space<vmem>> -> memref<1x32xi32, #tpu.memory_space<vmem>>
    %dma_wait3A_1502 = tpu.memref_squeeze %dma_wait3A_1501 : memref<1x32xi32, #tpu.memory_space<vmem>> -> memref<32xi32, #tpu.memory_space<vmem>>
    %dma_wait3A_1503 = tpu.memref_slice %arg3[%add3A_1355] : memref<16384xi32, #tpu.memory_space<hbm>> -> memref<32xi32, #tpu.memory_space<hbm>>
    %dma_wait3A_1504 = arith.constant 0 : i32
    %dma_wait3A_1505 = tpu.memref_slice %arg7[%dma_wait3A_1499, %dma_wait3A_1504] : memref<3x32xi32, #tpu.memory_space<vmem>> -> memref<1x32xi32, #tpu.memory_space<vmem>>
    %dma_wait3A_1506 = tpu.memref_squeeze %dma_wait3A_1505 : memref<1x32xi32, #tpu.memory_space<vmem>> -> memref<32xi32, #tpu.memory_space<vmem>>
    %dma_wait3A_1507 = tpu.memref_slice %arg3[%add3A_1355] : memref<16384xi32, #tpu.memory_space<hbm>> -> memref<32xi32, #tpu.memory_space<hbm>>
    tpu.wait_dma2 semaphore(%arg10 : memref<!tpu.dma_semaphore, #tpu.memory_space<semaphore_mem>>) src(%dma_wait3A_1507 : memref<32xi32, #tpu.memory_space<hbm>>) dst(%dma_wait3A_1506 : memref<32xi32, #tpu.memory_space<vmem>>)
    %dma_wait3A_1508 = arith.constant 1 : i32
    %dma_wait3A_1509 = arith.constant 0 : i32
    %dma_wait3A_1510 = tpu.memref_slice %arg8[%dma_wait3A_1508, %dma_wait3A_1509] : memref<3x32xi32, #tpu.memory_space<vmem>> -> memref<1x32xi32, #tpu.memory_space<vmem>>
    %dma_wait3A_1511 = tpu.memref_squeeze %dma_wait3A_1510 : memref<1x32xi32, #tpu.memory_space<vmem>> -> memref<32xi32, #tpu.memory_space<vmem>>
    %dma_wait3A_1512 = tpu.memref_slice %arg4[%add3A_1355] : memref<16384xi32, #tpu.memory_space<hbm>> -> memref<32xi32, #tpu.memory_space<hbm>>
    %dma_wait3A_1513 = arith.constant 0 : i32
    %dma_wait3A_1514 = tpu.memref_slice %arg8[%dma_wait3A_1508, %dma_wait3A_1513] : memref<3x32xi32, #tpu.memory_space<vmem>> -> memref<1x32xi32, #tpu.memory_space<vmem>>
    %dma_wait3A_1515 = tpu.memref_squeeze %dma_wait3A_1514 : memref<1x32xi32, #tpu.memory_space<vmem>> -> memref<32xi32, #tpu.memory_space<vmem>>
    %dma_wait3A_1516 = tpu.memref_slice %arg4[%add3A_1355] : memref<16384xi32, #tpu.memory_space<hbm>> -> memref<32xi32, #tpu.memory_space<hbm>>
    tpu.wait_dma2 semaphore(%arg10 : memref<!tpu.dma_semaphore, #tpu.memory_space<semaphore_mem>>) src(%dma_wait3A_1516 : memref<32xi32, #tpu.memory_space<hbm>>) dst(%dma_wait3A_1515 : memref<32xi32, #tpu.memory_space<vmem>>)
    %dma_wait3A_1517 = arith.constant 1 : i32
    %dma_wait3A_1518 = arith.constant 0 : i32
    %dma_wait3A_1519 = arith.constant 0 : i32
    %dma_wait3A_1520 = tpu.memref_slice %arg6[%dma_wait3A_1517, %dma_wait3A_1518, %dma_wait3A_1519] : memref<3x32x1024xf32, #tpu.memory_space<vmem>> -> memref<1x32x1024xf32, #tpu.memory_space<vmem>>
    %dma_wait3A_1521 = tpu.memref_squeeze %dma_wait3A_1520 : memref<1x32x1024xf32, #tpu.memory_space<vmem>> -> memref<32x1024xf32, #tpu.memory_space<vmem>>
    %dma_wait3A_1522 = arith.constant 0 : i32
    %dma_wait3A_1523 = tpu.memref_slice %arg2[%add3A_1355, %dma_wait3A_1522] : memref<16384x1024xf32, #tpu.memory_space<hbm>> -> memref<32x1024xf32, #tpu.memory_space<hbm>>
    %dma_wait3A_1524 = arith.constant 0 : i32
    %dma_wait3A_1525 = arith.constant 0 : i32
    %dma_wait3A_1526 = tpu.memref_slice %arg6[%dma_wait3A_1517, %dma_wait3A_1524, %dma_wait3A_1525] : memref<3x32x1024xf32, #tpu.memory_space<vmem>> -> memref<1x32x1024xf32, #tpu.memory_space<vmem>>
    %dma_wait3A_1527 = tpu.memref_squeeze %dma_wait3A_1526 : memref<1x32x1024xf32, #tpu.memory_space<vmem>> -> memref<32x1024xf32, #tpu.memory_space<vmem>>
    %dma_wait3A_1528 = arith.constant 0 : i32
    %dma_wait3A_1529 = tpu.memref_slice %arg2[%add3A_1355, %dma_wait3A_1528] : memref<16384x1024xf32, #tpu.memory_space<hbm>> -> memref<32x1024xf32, #tpu.memory_space<hbm>>
    tpu.wait_dma2 semaphore(%arg10 : memref<!tpu.dma_semaphore, #tpu.memory_space<semaphore_mem>>) src(%dma_wait3A_1529 : memref<32x1024xf32, #tpu.memory_space<hbm>>) dst(%dma_wait3A_1527 : memref<32x1024xf32, #tpu.memory_space<vmem>>)
    %dma_start3A_1530 = arith.constant 1 : i32
    %dma_start3A_1531 = arith.constant 1 : i32
    %dma_start3A_1532 = arith.constant 0 : i32
    %dma_start3A_1533 = arith.constant 0 : i32
    %dma_start3A_1534 = tpu.memref_slice %arg6[%dma_start3A_1530, %dma_start3A_1532, %dma_start3A_1533] : memref<3x32x1024xf32, #tpu.memory_space<vmem>> -> memref<1x32x1024xf32, #tpu.memory_space<vmem>>
    %dma_start3A_1535 = tpu.memref_squeeze %dma_start3A_1534 : memref<1x32x1024xf32, #tpu.memory_space<vmem>> -> memref<32x1024xf32, #tpu.memory_space<vmem>>
    %dma_start3A_1536 = arith.constant 0 : i32
    %dma_start3A_1537 = tpu.memref_slice %arg7[%dma_start3A_1531, %dma_start3A_1536] : memref<3x32xi32, #tpu.memory_space<vmem>> -> memref<1x32xi32, #tpu.memory_space<vmem>>
    %dma_start3A_1538 = tpu.memref_squeeze %dma_start3A_1537 : memref<1x32xi32, #tpu.memory_space<vmem>> -> memref<32xi32, #tpu.memory_space<vmem>>
    %dma_start3A_1539 = arith.constant 0 : i32
    %dma_start3A_1540 = arith.constant 0 : i32
    %dma_start3A_1541 = tpu.memref_slice %arg5[%dma_start3A_1539, %dma_start3A_1540] : memref<32768x1024xf32, #tpu.memory_space<hbm>> -> memref<32768x1024xf32, #tpu.memory_space<hbm>>
    tpu.enqueue_indirect_dma source(%dma_start3A_1535 : memref<32x1024xf32, #tpu.memory_space<vmem>>) target(%dma_start3A_1541 : memref<32768x1024xf32, #tpu.memory_space<hbm>>) offsets(%dma_start3A_1538 : memref<32xi32, #tpu.memory_space<vmem>>) semaphore(%arg13 : memref<!tpu.dma_semaphore, #tpu.memory_space<semaphore_mem>>)
    %dma_start3A_1542 = arith.constant 1 : i32
    %dma_start3A_1543 = arith.constant 1 : i32
    %dma_start3A_1544 = arith.constant 0 : i32
    %dma_start3A_1545 = arith.constant 0 : i32
    %dma_start3A_1546 = tpu.memref_slice %arg6[%dma_start3A_1542, %dma_start3A_1544, %dma_start3A_1545] : memref<3x32x1024xf32, #tpu.memory_space<vmem>> -> memref<1x32x1024xf32, #tpu.memory_space<vmem>>
    %dma_start3A_1547 = tpu.memref_squeeze %dma_start3A_1546 : memref<1x32x1024xf32, #tpu.memory_space<vmem>> -> memref<32x1024xf32, #tpu.memory_space<vmem>>
    %dma_start3A_1548 = arith.constant 0 : i32
    %dma_start3A_1549 = tpu.memref_slice %arg8[%dma_start3A_1543, %dma_start3A_1548] : memref<3x32xi32, #tpu.memory_space<vmem>> -> memref<1x32xi32, #tpu.memory_space<vmem>>
    %dma_start3A_1550 = tpu.memref_squeeze %dma_start3A_1549 : memref<1x32xi32, #tpu.memory_space<vmem>> -> memref<32xi32, #tpu.memory_space<vmem>>
    %dma_start3A_1551 = arith.constant 0 : i32
    %dma_start3A_1552 = arith.constant 0 : i32
    %dma_start3A_1553 = tpu.memref_slice %arg5[%dma_start3A_1551, %dma_start3A_1552] : memref<32768x1024xf32, #tpu.memory_space<hbm>> -> memref<32768x1024xf32, #tpu.memory_space<hbm>>
    tpu.enqueue_indirect_dma source(%dma_start3A_1547 : memref<32x1024xf32, #tpu.memory_space<vmem>>) target(%dma_start3A_1553 : memref<32768x1024xf32, #tpu.memory_space<hbm>>) offsets(%dma_start3A_1550 : memref<32xi32, #tpu.memory_space<vmem>>) semaphore(%arg13 : memref<!tpu.dma_semaphore, #tpu.memory_space<semaphore_mem>>)
    %dma_wait3A_1554 = arith.constant 0 : i32
    %dma_wait3A_1555 = arith.constant 0 : i32
    %dma_wait3A_1556 = arith.constant 0 : i32
    %dma_wait3A_1557 = arith.constant 0 : i32
    %dma_wait3A_1558 = tpu.memref_slice %arg6[%dma_wait3A_1554, %dma_wait3A_1556, %dma_wait3A_1557] : memref<3x32x1024xf32, #tpu.memory_space<vmem>> -> memref<1x32x1024xf32, #tpu.memory_space<vmem>>
    %dma_wait3A_1559 = tpu.memref_squeeze %dma_wait3A_1558 : memref<1x32x1024xf32, #tpu.memory_space<vmem>> -> memref<32x1024xf32, #tpu.memory_space<vmem>>
    %dma_wait3A_1560 = arith.constant 0 : i32
    %dma_wait3A_1561 = tpu.memref_slice %arg7[%dma_wait3A_1555, %dma_wait3A_1560] : memref<3x32xi32, #tpu.memory_space<vmem>> -> memref<1x32xi32, #tpu.memory_space<vmem>>
    %dma_wait3A_1562 = tpu.memref_squeeze %dma_wait3A_1561 : memref<1x32xi32, #tpu.memory_space<vmem>> -> memref<32xi32, #tpu.memory_space<vmem>>
    %dma_wait3A_1563 = arith.constant 0 : i32
    %dma_wait3A_1564 = arith.constant 0 : i32
    %dma_wait3A_1565 = tpu.memref_slice %arg5[%dma_wait3A_1563, %dma_wait3A_1564] : memref<32768x1024xf32, #tpu.memory_space<hbm>> -> memref<32768x1024xf32, #tpu.memory_space<hbm>>
    tpu.wait_indirect_dma semaphore(%arg12 : memref<!tpu.dma_semaphore, #tpu.memory_space<semaphore_mem>>) src(%dma_wait3A_1559 : memref<32x1024xf32, #tpu.memory_space<vmem>>) dst(%dma_wait3A_1565 : memref<32768x1024xf32, #tpu.memory_space<hbm>>)
    %dma_wait3A_1566 = arith.constant 0 : i32
    %dma_wait3A_1567 = arith.constant 0 : i32
    %dma_wait3A_1568 = arith.constant 0 : i32
    %dma_wait3A_1569 = arith.constant 0 : i32
    %dma_wait3A_1570 = tpu.memref_slice %arg6[%dma_wait3A_1566, %dma_wait3A_1568, %dma_wait3A_1569] : memref<3x32x1024xf32, #tpu.memory_space<vmem>> -> memref<1x32x1024xf32, #tpu.memory_space<vmem>>
    %dma_wait3A_1571 = tpu.memref_squeeze %dma_wait3A_1570 : memref<1x32x1024xf32, #tpu.memory_space<vmem>> -> memref<32x1024xf32, #tpu.memory_space<vmem>>
    %dma_wait3A_1572 = arith.constant 0 : i32
    %dma_wait3A_1573 = tpu.memref_slice %arg8[%dma_wait3A_1567, %dma_wait3A_1572] : memref<3x32xi32, #tpu.memory_space<vmem>> -> memref<1x32xi32, #tpu.memory_space<vmem>>
    %dma_wait3A_1574 = tpu.memref_squeeze %dma_wait3A_1573 : memref<1x32xi32, #tpu.memory_space<vmem>> -> memref<32xi32, #tpu.memory_space<vmem>>
    %dma_wait3A_1575 = arith.constant 0 : i32
    %dma_wait3A_1576 = arith.constant 0 : i32
    %dma_wait3A_1577 = tpu.memref_slice %arg5[%dma_wait3A_1575, %dma_wait3A_1576] : memref<32768x1024xf32, #tpu.memory_space<hbm>> -> memref<32768x1024xf32, #tpu.memory_space<hbm>>
    tpu.wait_indirect_dma semaphore(%arg12 : memref<!tpu.dma_semaphore, #tpu.memory_space<semaphore_mem>>) src(%dma_wait3A_1571 : memref<32x1024xf32, #tpu.memory_space<vmem>>) dst(%dma_wait3A_1577 : memref<32768x1024xf32, #tpu.memory_space<hbm>>)
    %add3A_1578 = arith.constant 480 : i32
    %add3A_1579 = arith.addi %mul3A_2, %add3A_1578 : i32
    %dma_start3A_1580 = arith.constant 0 : i32
    %dma_start3A_1581 = arith.constant 0 : i32
    %dma_start3A_1582 = tpu.memref_slice %arg7[%dma_start3A_1580, %dma_start3A_1581] : memref<3x32xi32, #tpu.memory_space<vmem>> -> memref<1x32xi32, #tpu.memory_space<vmem>>
    %dma_start3A_1583 = tpu.memref_squeeze %dma_start3A_1582 : memref<1x32xi32, #tpu.memory_space<vmem>> -> memref<32xi32, #tpu.memory_space<vmem>>
    %dma_start3A_1584 = tpu.memref_slice %arg3[%add3A_1579] : memref<16384xi32, #tpu.memory_space<hbm>> -> memref<32xi32, #tpu.memory_space<hbm>>
    %dma_start3A_1585 = arith.constant 0 : i32
    %dma_start3A_1586 = tpu.memref_slice %arg7[%dma_start3A_1580, %dma_start3A_1585] : memref<3x32xi32, #tpu.memory_space<vmem>> -> memref<1x32xi32, #tpu.memory_space<vmem>>
    %dma_start3A_1587 = tpu.memref_squeeze %dma_start3A_1586 : memref<1x32xi32, #tpu.memory_space<vmem>> -> memref<32xi32, #tpu.memory_space<vmem>>
    %dma_start3A_1588 = tpu.memref_slice %arg3[%add3A_1579] : memref<16384xi32, #tpu.memory_space<hbm>> -> memref<32xi32, #tpu.memory_space<hbm>>
    tpu.enqueue_dma source(%dma_start3A_1588 : memref<32xi32, #tpu.memory_space<hbm>>) target(%dma_start3A_1587 : memref<32xi32, #tpu.memory_space<vmem>>) target_semaphore(%arg9 : memref<!tpu.dma_semaphore, #tpu.memory_space<semaphore_mem>>)
    %dma_start3A_1589 = arith.constant 0 : i32
    %dma_start3A_1590 = arith.constant 0 : i32
    %dma_start3A_1591 = tpu.memref_slice %arg8[%dma_start3A_1589, %dma_start3A_1590] : memref<3x32xi32, #tpu.memory_space<vmem>> -> memref<1x32xi32, #tpu.memory_space<vmem>>
    %dma_start3A_1592 = tpu.memref_squeeze %dma_start3A_1591 : memref<1x32xi32, #tpu.memory_space<vmem>> -> memref<32xi32, #tpu.memory_space<vmem>>
    %dma_start3A_1593 = tpu.memref_slice %arg4[%add3A_1579] : memref<16384xi32, #tpu.memory_space<hbm>> -> memref<32xi32, #tpu.memory_space<hbm>>
    %dma_start3A_1594 = arith.constant 0 : i32
    %dma_start3A_1595 = tpu.memref_slice %arg8[%dma_start3A_1589, %dma_start3A_1594] : memref<3x32xi32, #tpu.memory_space<vmem>> -> memref<1x32xi32, #tpu.memory_space<vmem>>
    %dma_start3A_1596 = tpu.memref_squeeze %dma_start3A_1595 : memref<1x32xi32, #tpu.memory_space<vmem>> -> memref<32xi32, #tpu.memory_space<vmem>>
    %dma_start3A_1597 = tpu.memref_slice %arg4[%add3A_1579] : memref<16384xi32, #tpu.memory_space<hbm>> -> memref<32xi32, #tpu.memory_space<hbm>>
    tpu.enqueue_dma source(%dma_start3A_1597 : memref<32xi32, #tpu.memory_space<hbm>>) target(%dma_start3A_1596 : memref<32xi32, #tpu.memory_space<vmem>>) target_semaphore(%arg9 : memref<!tpu.dma_semaphore, #tpu.memory_space<semaphore_mem>>)
    %dma_start3A_1598 = arith.constant 0 : i32
    %dma_start3A_1599 = arith.constant 0 : i32
    %dma_start3A_1600 = arith.constant 0 : i32
    %dma_start3A_1601 = tpu.memref_slice %arg6[%dma_start3A_1598, %dma_start3A_1599, %dma_start3A_1600] : memref<3x32x1024xf32, #tpu.memory_space<vmem>> -> memref<1x32x1024xf32, #tpu.memory_space<vmem>>
    %dma_start3A_1602 = tpu.memref_squeeze %dma_start3A_1601 : memref<1x32x1024xf32, #tpu.memory_space<vmem>> -> memref<32x1024xf32, #tpu.memory_space<vmem>>
    %dma_start3A_1603 = arith.constant 0 : i32
    %dma_start3A_1604 = tpu.memref_slice %arg2[%add3A_1579, %dma_start3A_1603] : memref<16384x1024xf32, #tpu.memory_space<hbm>> -> memref<32x1024xf32, #tpu.memory_space<hbm>>
    %dma_start3A_1605 = arith.constant 0 : i32
    %dma_start3A_1606 = arith.constant 0 : i32
    %dma_start3A_1607 = tpu.memref_slice %arg6[%dma_start3A_1598, %dma_start3A_1605, %dma_start3A_1606] : memref<3x32x1024xf32, #tpu.memory_space<vmem>> -> memref<1x32x1024xf32, #tpu.memory_space<vmem>>
    %dma_start3A_1608 = tpu.memref_squeeze %dma_start3A_1607 : memref<1x32x1024xf32, #tpu.memory_space<vmem>> -> memref<32x1024xf32, #tpu.memory_space<vmem>>
    %dma_start3A_1609 = arith.constant 0 : i32
    %dma_start3A_1610 = tpu.memref_slice %arg2[%add3A_1579, %dma_start3A_1609] : memref<16384x1024xf32, #tpu.memory_space<hbm>> -> memref<32x1024xf32, #tpu.memory_space<hbm>>
    tpu.enqueue_dma source(%dma_start3A_1610 : memref<32x1024xf32, #tpu.memory_space<hbm>>) target(%dma_start3A_1608 : memref<32x1024xf32, #tpu.memory_space<vmem>>) target_semaphore(%arg9 : memref<!tpu.dma_semaphore, #tpu.memory_space<semaphore_mem>>)
    %dma_wait3A_1611 = arith.constant 2 : i32
    %dma_wait3A_1612 = arith.constant 0 : i32
    %dma_wait3A_1613 = tpu.memref_slice %arg7[%dma_wait3A_1611, %dma_wait3A_1612] : memref<3x32xi32, #tpu.memory_space<vmem>> -> memref<1x32xi32, #tpu.memory_space<vmem>>
    %dma_wait3A_1614 = tpu.memref_squeeze %dma_wait3A_1613 : memref<1x32xi32, #tpu.memory_space<vmem>> -> memref<32xi32, #tpu.memory_space<vmem>>
    %dma_wait3A_1615 = tpu.memref_slice %arg3[%add3A_1467] : memref<16384xi32, #tpu.memory_space<hbm>> -> memref<32xi32, #tpu.memory_space<hbm>>
    %dma_wait3A_1616 = arith.constant 0 : i32
    %dma_wait3A_1617 = tpu.memref_slice %arg7[%dma_wait3A_1611, %dma_wait3A_1616] : memref<3x32xi32, #tpu.memory_space<vmem>> -> memref<1x32xi32, #tpu.memory_space<vmem>>
    %dma_wait3A_1618 = tpu.memref_squeeze %dma_wait3A_1617 : memref<1x32xi32, #tpu.memory_space<vmem>> -> memref<32xi32, #tpu.memory_space<vmem>>
    %dma_wait3A_1619 = tpu.memref_slice %arg3[%add3A_1467] : memref<16384xi32, #tpu.memory_space<hbm>> -> memref<32xi32, #tpu.memory_space<hbm>>
    tpu.wait_dma2 semaphore(%arg11 : memref<!tpu.dma_semaphore, #tpu.memory_space<semaphore_mem>>) src(%dma_wait3A_1619 : memref<32xi32, #tpu.memory_space<hbm>>) dst(%dma_wait3A_1618 : memref<32xi32, #tpu.memory_space<vmem>>)
    %dma_wait3A_1620 = arith.constant 2 : i32
    %dma_wait3A_1621 = arith.constant 0 : i32
    %dma_wait3A_1622 = tpu.memref_slice %arg8[%dma_wait3A_1620, %dma_wait3A_1621] : memref<3x32xi32, #tpu.memory_space<vmem>> -> memref<1x32xi32, #tpu.memory_space<vmem>>
    %dma_wait3A_1623 = tpu.memref_squeeze %dma_wait3A_1622 : memref<1x32xi32, #tpu.memory_space<vmem>> -> memref<32xi32, #tpu.memory_space<vmem>>
    %dma_wait3A_1624 = tpu.memref_slice %arg4[%add3A_1467] : memref<16384xi32, #tpu.memory_space<hbm>> -> memref<32xi32, #tpu.memory_space<hbm>>
    %dma_wait3A_1625 = arith.constant 0 : i32
    %dma_wait3A_1626 = tpu.memref_slice %arg8[%dma_wait3A_1620, %dma_wait3A_1625] : memref<3x32xi32, #tpu.memory_space<vmem>> -> memref<1x32xi32, #tpu.memory_space<vmem>>
    %dma_wait3A_1627 = tpu.memref_squeeze %dma_wait3A_1626 : memref<1x32xi32, #tpu.memory_space<vmem>> -> memref<32xi32, #tpu.memory_space<vmem>>
    %dma_wait3A_1628 = tpu.memref_slice %arg4[%add3A_1467] : memref<16384xi32, #tpu.memory_space<hbm>> -> memref<32xi32, #tpu.memory_space<hbm>>
    tpu.wait_dma2 semaphore(%arg11 : memref<!tpu.dma_semaphore, #tpu.memory_space<semaphore_mem>>) src(%dma_wait3A_1628 : memref<32xi32, #tpu.memory_space<hbm>>) dst(%dma_wait3A_1627 : memref<32xi32, #tpu.memory_space<vmem>>)
    %dma_wait3A_1629 = arith.constant 2 : i32
    %dma_wait3A_1630 = arith.constant 0 : i32
    %dma_wait3A_1631 = arith.constant 0 : i32
    %dma_wait3A_1632 = tpu.memref_slice %arg6[%dma_wait3A_1629, %dma_wait3A_1630, %dma_wait3A_1631] : memref<3x32x1024xf32, #tpu.memory_space<vmem>> -> memref<1x32x1024xf32, #tpu.memory_space<vmem>>
    %dma_wait3A_1633 = tpu.memref_squeeze %dma_wait3A_1632 : memref<1x32x1024xf32, #tpu.memory_space<vmem>> -> memref<32x1024xf32, #tpu.memory_space<vmem>>
    %dma_wait3A_1634 = arith.constant 0 : i32
    %dma_wait3A_1635 = tpu.memref_slice %arg2[%add3A_1467, %dma_wait3A_1634] : memref<16384x1024xf32, #tpu.memory_space<hbm>> -> memref<32x1024xf32, #tpu.memory_space<hbm>>
    %dma_wait3A_1636 = arith.constant 0 : i32
    %dma_wait3A_1637 = arith.constant 0 : i32
    %dma_wait3A_1638 = tpu.memref_slice %arg6[%dma_wait3A_1629, %dma_wait3A_1636, %dma_wait3A_1637] : memref<3x32x1024xf32, #tpu.memory_space<vmem>> -> memref<1x32x1024xf32, #tpu.memory_space<vmem>>
    %dma_wait3A_1639 = tpu.memref_squeeze %dma_wait3A_1638 : memref<1x32x1024xf32, #tpu.memory_space<vmem>> -> memref<32x1024xf32, #tpu.memory_space<vmem>>
    %dma_wait3A_1640 = arith.constant 0 : i32
    %dma_wait3A_1641 = tpu.memref_slice %arg2[%add3A_1467, %dma_wait3A_1640] : memref<16384x1024xf32, #tpu.memory_space<hbm>> -> memref<32x1024xf32, #tpu.memory_space<hbm>>
    tpu.wait_dma2 semaphore(%arg11 : memref<!tpu.dma_semaphore, #tpu.memory_space<semaphore_mem>>) src(%dma_wait3A_1641 : memref<32x1024xf32, #tpu.memory_space<hbm>>) dst(%dma_wait3A_1639 : memref<32x1024xf32, #tpu.memory_space<vmem>>)
    %dma_start3A_1642 = arith.constant 2 : i32
    %dma_start3A_1643 = arith.constant 2 : i32
    %dma_start3A_1644 = arith.constant 0 : i32
    %dma_start3A_1645 = arith.constant 0 : i32
    %dma_start3A_1646 = tpu.memref_slice %arg6[%dma_start3A_1642, %dma_start3A_1644, %dma_start3A_1645] : memref<3x32x1024xf32, #tpu.memory_space<vmem>> -> memref<1x32x1024xf32, #tpu.memory_space<vmem>>
    %dma_start3A_1647 = tpu.memref_squeeze %dma_start3A_1646 : memref<1x32x1024xf32, #tpu.memory_space<vmem>> -> memref<32x1024xf32, #tpu.memory_space<vmem>>
    %dma_start3A_1648 = arith.constant 0 : i32
    %dma_start3A_1649 = tpu.memref_slice %arg7[%dma_start3A_1643, %dma_start3A_1648] : memref<3x32xi32, #tpu.memory_space<vmem>> -> memref<1x32xi32, #tpu.memory_space<vmem>>
    %dma_start3A_1650 = tpu.memref_squeeze %dma_start3A_1649 : memref<1x32xi32, #tpu.memory_space<vmem>> -> memref<32xi32, #tpu.memory_space<vmem>>
    %dma_start3A_1651 = arith.constant 0 : i32
    %dma_start3A_1652 = arith.constant 0 : i32
    %dma_start3A_1653 = tpu.memref_slice %arg5[%dma_start3A_1651, %dma_start3A_1652] : memref<32768x1024xf32, #tpu.memory_space<hbm>> -> memref<32768x1024xf32, #tpu.memory_space<hbm>>
    tpu.enqueue_indirect_dma source(%dma_start3A_1647 : memref<32x1024xf32, #tpu.memory_space<vmem>>) target(%dma_start3A_1653 : memref<32768x1024xf32, #tpu.memory_space<hbm>>) offsets(%dma_start3A_1650 : memref<32xi32, #tpu.memory_space<vmem>>) semaphore(%arg14 : memref<!tpu.dma_semaphore, #tpu.memory_space<semaphore_mem>>)
    %dma_start3A_1654 = arith.constant 2 : i32
    %dma_start3A_1655 = arith.constant 2 : i32
    %dma_start3A_1656 = arith.constant 0 : i32
    %dma_start3A_1657 = arith.constant 0 : i32
    %dma_start3A_1658 = tpu.memref_slice %arg6[%dma_start3A_1654, %dma_start3A_1656, %dma_start3A_1657] : memref<3x32x1024xf32, #tpu.memory_space<vmem>> -> memref<1x32x1024xf32, #tpu.memory_space<vmem>>
    %dma_start3A_1659 = tpu.memref_squeeze %dma_start3A_1658 : memref<1x32x1024xf32, #tpu.memory_space<vmem>> -> memref<32x1024xf32, #tpu.memory_space<vmem>>
    %dma_start3A_1660 = arith.constant 0 : i32
    %dma_start3A_1661 = tpu.memref_slice %arg8[%dma_start3A_1655, %dma_start3A_1660] : memref<3x32xi32, #tpu.memory_space<vmem>> -> memref<1x32xi32, #tpu.memory_space<vmem>>
    %dma_start3A_1662 = tpu.memref_squeeze %dma_start3A_1661 : memref<1x32xi32, #tpu.memory_space<vmem>> -> memref<32xi32, #tpu.memory_space<vmem>>
    %dma_start3A_1663 = arith.constant 0 : i32
    %dma_start3A_1664 = arith.constant 0 : i32
    %dma_start3A_1665 = tpu.memref_slice %arg5[%dma_start3A_1663, %dma_start3A_1664] : memref<32768x1024xf32, #tpu.memory_space<hbm>> -> memref<32768x1024xf32, #tpu.memory_space<hbm>>
    tpu.enqueue_indirect_dma source(%dma_start3A_1659 : memref<32x1024xf32, #tpu.memory_space<vmem>>) target(%dma_start3A_1665 : memref<32768x1024xf32, #tpu.memory_space<hbm>>) offsets(%dma_start3A_1662 : memref<32xi32, #tpu.memory_space<vmem>>) semaphore(%arg14 : memref<!tpu.dma_semaphore, #tpu.memory_space<semaphore_mem>>)
    %dma_wait3A_1666 = arith.constant 0 : i32
    %dma_wait3A_1667 = arith.constant 0 : i32
    %dma_wait3A_1668 = tpu.memref_slice %arg7[%dma_wait3A_1666, %dma_wait3A_1667] : memref<3x32xi32, #tpu.memory_space<vmem>> -> memref<1x32xi32, #tpu.memory_space<vmem>>
    %dma_wait3A_1669 = tpu.memref_squeeze %dma_wait3A_1668 : memref<1x32xi32, #tpu.memory_space<vmem>> -> memref<32xi32, #tpu.memory_space<vmem>>
    %dma_wait3A_1670 = tpu.memref_slice %arg3[%add3A_1579] : memref<16384xi32, #tpu.memory_space<hbm>> -> memref<32xi32, #tpu.memory_space<hbm>>
    %dma_wait3A_1671 = arith.constant 0 : i32
    %dma_wait3A_1672 = tpu.memref_slice %arg7[%dma_wait3A_1666, %dma_wait3A_1671] : memref<3x32xi32, #tpu.memory_space<vmem>> -> memref<1x32xi32, #tpu.memory_space<vmem>>
    %dma_wait3A_1673 = tpu.memref_squeeze %dma_wait3A_1672 : memref<1x32xi32, #tpu.memory_space<vmem>> -> memref<32xi32, #tpu.memory_space<vmem>>
    %dma_wait3A_1674 = tpu.memref_slice %arg3[%add3A_1579] : memref<16384xi32, #tpu.memory_space<hbm>> -> memref<32xi32, #tpu.memory_space<hbm>>
    tpu.wait_dma2 semaphore(%arg9 : memref<!tpu.dma_semaphore, #tpu.memory_space<semaphore_mem>>) src(%dma_wait3A_1674 : memref<32xi32, #tpu.memory_space<hbm>>) dst(%dma_wait3A_1673 : memref<32xi32, #tpu.memory_space<vmem>>)
    %dma_wait3A_1675 = arith.constant 0 : i32
    %dma_wait3A_1676 = arith.constant 0 : i32
    %dma_wait3A_1677 = tpu.memref_slice %arg8[%dma_wait3A_1675, %dma_wait3A_1676] : memref<3x32xi32, #tpu.memory_space<vmem>> -> memref<1x32xi32, #tpu.memory_space<vmem>>
    %dma_wait3A_1678 = tpu.memref_squeeze %dma_wait3A_1677 : memref<1x32xi32, #tpu.memory_space<vmem>> -> memref<32xi32, #tpu.memory_space<vmem>>
    %dma_wait3A_1679 = tpu.memref_slice %arg4[%add3A_1579] : memref<16384xi32, #tpu.memory_space<hbm>> -> memref<32xi32, #tpu.memory_space<hbm>>
    %dma_wait3A_1680 = arith.constant 0 : i32
    %dma_wait3A_1681 = tpu.memref_slice %arg8[%dma_wait3A_1675, %dma_wait3A_1680] : memref<3x32xi32, #tpu.memory_space<vmem>> -> memref<1x32xi32, #tpu.memory_space<vmem>>
    %dma_wait3A_1682 = tpu.memref_squeeze %dma_wait3A_1681 : memref<1x32xi32, #tpu.memory_space<vmem>> -> memref<32xi32, #tpu.memory_space<vmem>>
    %dma_wait3A_1683 = tpu.memref_slice %arg4[%add3A_1579] : memref<16384xi32, #tpu.memory_space<hbm>> -> memref<32xi32, #tpu.memory_space<hbm>>
    tpu.wait_dma2 semaphore(%arg9 : memref<!tpu.dma_semaphore, #tpu.memory_space<semaphore_mem>>) src(%dma_wait3A_1683 : memref<32xi32, #tpu.memory_space<hbm>>) dst(%dma_wait3A_1682 : memref<32xi32, #tpu.memory_space<vmem>>)
    %dma_wait3A_1684 = arith.constant 0 : i32
    %dma_wait3A_1685 = arith.constant 0 : i32
    %dma_wait3A_1686 = arith.constant 0 : i32
    %dma_wait3A_1687 = tpu.memref_slice %arg6[%dma_wait3A_1684, %dma_wait3A_1685, %dma_wait3A_1686] : memref<3x32x1024xf32, #tpu.memory_space<vmem>> -> memref<1x32x1024xf32, #tpu.memory_space<vmem>>
    %dma_wait3A_1688 = tpu.memref_squeeze %dma_wait3A_1687 : memref<1x32x1024xf32, #tpu.memory_space<vmem>> -> memref<32x1024xf32, #tpu.memory_space<vmem>>
    %dma_wait3A_1689 = arith.constant 0 : i32
    %dma_wait3A_1690 = tpu.memref_slice %arg2[%add3A_1579, %dma_wait3A_1689] : memref<16384x1024xf32, #tpu.memory_space<hbm>> -> memref<32x1024xf32, #tpu.memory_space<hbm>>
    %dma_wait3A_1691 = arith.constant 0 : i32
    %dma_wait3A_1692 = arith.constant 0 : i32
    %dma_wait3A_1693 = tpu.memref_slice %arg6[%dma_wait3A_1684, %dma_wait3A_1691, %dma_wait3A_1692] : memref<3x32x1024xf32, #tpu.memory_space<vmem>> -> memref<1x32x1024xf32, #tpu.memory_space<vmem>>
    %dma_wait3A_1694 = tpu.memref_squeeze %dma_wait3A_1693 : memref<1x32x1024xf32, #tpu.memory_space<vmem>> -> memref<32x1024xf32, #tpu.memory_space<vmem>>
    %dma_wait3A_1695 = arith.constant 0 : i32
    %dma_wait3A_1696 = tpu.memref_slice %arg2[%add3A_1579, %dma_wait3A_1695] : memref<16384x1024xf32, #tpu.memory_space<hbm>> -> memref<32x1024xf32, #tpu.memory_space<hbm>>
    tpu.wait_dma2 semaphore(%arg9 : memref<!tpu.dma_semaphore, #tpu.memory_space<semaphore_mem>>) src(%dma_wait3A_1696 : memref<32x1024xf32, #tpu.memory_space<hbm>>) dst(%dma_wait3A_1694 : memref<32x1024xf32, #tpu.memory_space<vmem>>)
    %dma_start3A_1697 = arith.constant 0 : i32
    %dma_start3A_1698 = arith.constant 0 : i32
    %dma_start3A_1699 = arith.constant 0 : i32
    %dma_start3A_1700 = arith.constant 0 : i32
    %dma_start3A_1701 = tpu.memref_slice %arg6[%dma_start3A_1697, %dma_start3A_1699, %dma_start3A_1700] : memref<3x32x1024xf32, #tpu.memory_space<vmem>> -> memref<1x32x1024xf32, #tpu.memory_space<vmem>>
    %dma_start3A_1702 = tpu.memref_squeeze %dma_start3A_1701 : memref<1x32x1024xf32, #tpu.memory_space<vmem>> -> memref<32x1024xf32, #tpu.memory_space<vmem>>
    %dma_start3A_1703 = arith.constant 0 : i32
    %dma_start3A_1704 = tpu.memref_slice %arg7[%dma_start3A_1698, %dma_start3A_1703] : memref<3x32xi32, #tpu.memory_space<vmem>> -> memref<1x32xi32, #tpu.memory_space<vmem>>
    %dma_start3A_1705 = tpu.memref_squeeze %dma_start3A_1704 : memref<1x32xi32, #tpu.memory_space<vmem>> -> memref<32xi32, #tpu.memory_space<vmem>>
    %dma_start3A_1706 = arith.constant 0 : i32
    %dma_start3A_1707 = arith.constant 0 : i32
    %dma_start3A_1708 = tpu.memref_slice %arg5[%dma_start3A_1706, %dma_start3A_1707] : memref<32768x1024xf32, #tpu.memory_space<hbm>> -> memref<32768x1024xf32, #tpu.memory_space<hbm>>
    tpu.enqueue_indirect_dma source(%dma_start3A_1702 : memref<32x1024xf32, #tpu.memory_space<vmem>>) target(%dma_start3A_1708 : memref<32768x1024xf32, #tpu.memory_space<hbm>>) offsets(%dma_start3A_1705 : memref<32xi32, #tpu.memory_space<vmem>>) semaphore(%arg12 : memref<!tpu.dma_semaphore, #tpu.memory_space<semaphore_mem>>)
    %dma_start3A_1709 = arith.constant 0 : i32
    %dma_start3A_1710 = arith.constant 0 : i32
    %dma_start3A_1711 = arith.constant 0 : i32
    %dma_start3A_1712 = arith.constant 0 : i32
    %dma_start3A_1713 = tpu.memref_slice %arg6[%dma_start3A_1709, %dma_start3A_1711, %dma_start3A_1712] : memref<3x32x1024xf32, #tpu.memory_space<vmem>> -> memref<1x32x1024xf32, #tpu.memory_space<vmem>>
    %dma_start3A_1714 = tpu.memref_squeeze %dma_start3A_1713 : memref<1x32x1024xf32, #tpu.memory_space<vmem>> -> memref<32x1024xf32, #tpu.memory_space<vmem>>
    %dma_start3A_1715 = arith.constant 0 : i32
    %dma_start3A_1716 = tpu.memref_slice %arg8[%dma_start3A_1710, %dma_start3A_1715] : memref<3x32xi32, #tpu.memory_space<vmem>> -> memref<1x32xi32, #tpu.memory_space<vmem>>
    %dma_start3A_1717 = tpu.memref_squeeze %dma_start3A_1716 : memref<1x32xi32, #tpu.memory_space<vmem>> -> memref<32xi32, #tpu.memory_space<vmem>>
    %dma_start3A_1718 = arith.constant 0 : i32
    %dma_start3A_1719 = arith.constant 0 : i32
    %dma_start3A_1720 = tpu.memref_slice %arg5[%dma_start3A_1718, %dma_start3A_1719] : memref<32768x1024xf32, #tpu.memory_space<hbm>> -> memref<32768x1024xf32, #tpu.memory_space<hbm>>
    tpu.enqueue_indirect_dma source(%dma_start3A_1714 : memref<32x1024xf32, #tpu.memory_space<vmem>>) target(%dma_start3A_1720 : memref<32768x1024xf32, #tpu.memory_space<hbm>>) offsets(%dma_start3A_1717 : memref<32xi32, #tpu.memory_space<vmem>>) semaphore(%arg12 : memref<!tpu.dma_semaphore, #tpu.memory_space<semaphore_mem>>)
    %dma_wait3A_1721 = arith.constant 1 : i32
    %dma_wait3A_1722 = arith.constant 1 : i32
    %dma_wait3A_1723 = arith.constant 0 : i32
    %dma_wait3A_1724 = arith.constant 0 : i32
    %dma_wait3A_1725 = tpu.memref_slice %arg6[%dma_wait3A_1721, %dma_wait3A_1723, %dma_wait3A_1724] : memref<3x32x1024xf32, #tpu.memory_space<vmem>> -> memref<1x32x1024xf32, #tpu.memory_space<vmem>>
    %dma_wait3A_1726 = tpu.memref_squeeze %dma_wait3A_1725 : memref<1x32x1024xf32, #tpu.memory_space<vmem>> -> memref<32x1024xf32, #tpu.memory_space<vmem>>
    %dma_wait3A_1727 = arith.constant 0 : i32
    %dma_wait3A_1728 = tpu.memref_slice %arg7[%dma_wait3A_1722, %dma_wait3A_1727] : memref<3x32xi32, #tpu.memory_space<vmem>> -> memref<1x32xi32, #tpu.memory_space<vmem>>
    %dma_wait3A_1729 = tpu.memref_squeeze %dma_wait3A_1728 : memref<1x32xi32, #tpu.memory_space<vmem>> -> memref<32xi32, #tpu.memory_space<vmem>>
    %dma_wait3A_1730 = arith.constant 0 : i32
    %dma_wait3A_1731 = arith.constant 0 : i32
    %dma_wait3A_1732 = tpu.memref_slice %arg5[%dma_wait3A_1730, %dma_wait3A_1731] : memref<32768x1024xf32, #tpu.memory_space<hbm>> -> memref<32768x1024xf32, #tpu.memory_space<hbm>>
    tpu.wait_indirect_dma semaphore(%arg13 : memref<!tpu.dma_semaphore, #tpu.memory_space<semaphore_mem>>) src(%dma_wait3A_1726 : memref<32x1024xf32, #tpu.memory_space<vmem>>) dst(%dma_wait3A_1732 : memref<32768x1024xf32, #tpu.memory_space<hbm>>)
    %dma_wait3A_1733 = arith.constant 1 : i32
    %dma_wait3A_1734 = arith.constant 1 : i32
    %dma_wait3A_1735 = arith.constant 0 : i32
    %dma_wait3A_1736 = arith.constant 0 : i32
    %dma_wait3A_1737 = tpu.memref_slice %arg6[%dma_wait3A_1733, %dma_wait3A_1735, %dma_wait3A_1736] : memref<3x32x1024xf32, #tpu.memory_space<vmem>> -> memref<1x32x1024xf32, #tpu.memory_space<vmem>>
    %dma_wait3A_1738 = tpu.memref_squeeze %dma_wait3A_1737 : memref<1x32x1024xf32, #tpu.memory_space<vmem>> -> memref<32x1024xf32, #tpu.memory_space<vmem>>
    %dma_wait3A_1739 = arith.constant 0 : i32
    %dma_wait3A_1740 = tpu.memref_slice %arg8[%dma_wait3A_1734, %dma_wait3A_1739] : memref<3x32xi32, #tpu.memory_space<vmem>> -> memref<1x32xi32, #tpu.memory_space<vmem>>
    %dma_wait3A_1741 = tpu.memref_squeeze %dma_wait3A_1740 : memref<1x32xi32, #tpu.memory_space<vmem>> -> memref<32xi32, #tpu.memory_space<vmem>>
    %dma_wait3A_1742 = arith.constant 0 : i32
    %dma_wait3A_1743 = arith.constant 0 : i32
    %dma_wait3A_1744 = tpu.memref_slice %arg5[%dma_wait3A_1742, %dma_wait3A_1743] : memref<32768x1024xf32, #tpu.memory_space<hbm>> -> memref<32768x1024xf32, #tpu.memory_space<hbm>>
    tpu.wait_indirect_dma semaphore(%arg13 : memref<!tpu.dma_semaphore, #tpu.memory_space<semaphore_mem>>) src(%dma_wait3A_1738 : memref<32x1024xf32, #tpu.memory_space<vmem>>) dst(%dma_wait3A_1744 : memref<32768x1024xf32, #tpu.memory_space<hbm>>)
    %dma_wait3A_1745 = arith.constant 2 : i32
    %dma_wait3A_1746 = arith.constant 2 : i32
    %dma_wait3A_1747 = arith.constant 0 : i32
    %dma_wait3A_1748 = arith.constant 0 : i32
    %dma_wait3A_1749 = tpu.memref_slice %arg6[%dma_wait3A_1745, %dma_wait3A_1747, %dma_wait3A_1748] : memref<3x32x1024xf32, #tpu.memory_space<vmem>> -> memref<1x32x1024xf32, #tpu.memory_space<vmem>>
    %dma_wait3A_1750 = tpu.memref_squeeze %dma_wait3A_1749 : memref<1x32x1024xf32, #tpu.memory_space<vmem>> -> memref<32x1024xf32, #tpu.memory_space<vmem>>
    %dma_wait3A_1751 = arith.constant 0 : i32
    %dma_wait3A_1752 = tpu.memref_slice %arg7[%dma_wait3A_1746, %dma_wait3A_1751] : memref<3x32xi32, #tpu.memory_space<vmem>> -> memref<1x32xi32, #tpu.memory_space<vmem>>
    %dma_wait3A_1753 = tpu.memref_squeeze %dma_wait3A_1752 : memref<1x32xi32, #tpu.memory_space<vmem>> -> memref<32xi32, #tpu.memory_space<vmem>>
    %dma_wait3A_1754 = arith.constant 0 : i32
    %dma_wait3A_1755 = arith.constant 0 : i32
    %dma_wait3A_1756 = tpu.memref_slice %arg5[%dma_wait3A_1754, %dma_wait3A_1755] : memref<32768x1024xf32, #tpu.memory_space<hbm>> -> memref<32768x1024xf32, #tpu.memory_space<hbm>>
    tpu.wait_indirect_dma semaphore(%arg14 : memref<!tpu.dma_semaphore, #tpu.memory_space<semaphore_mem>>) src(%dma_wait3A_1750 : memref<32x1024xf32, #tpu.memory_space<vmem>>) dst(%dma_wait3A_1756 : memref<32768x1024xf32, #tpu.memory_space<hbm>>)
    %dma_wait3A_1757 = arith.constant 2 : i32
    %dma_wait3A_1758 = arith.constant 2 : i32
    %dma_wait3A_1759 = arith.constant 0 : i32
    %dma_wait3A_1760 = arith.constant 0 : i32
    %dma_wait3A_1761 = tpu.memref_slice %arg6[%dma_wait3A_1757, %dma_wait3A_1759, %dma_wait3A_1760] : memref<3x32x1024xf32, #tpu.memory_space<vmem>> -> memref<1x32x1024xf32, #tpu.memory_space<vmem>>
    %dma_wait3A_1762 = tpu.memref_squeeze %dma_wait3A_1761 : memref<1x32x1024xf32, #tpu.memory_space<vmem>> -> memref<32x1024xf32, #tpu.memory_space<vmem>>
    %dma_wait3A_1763 = arith.constant 0 : i32
    %dma_wait3A_1764 = tpu.memref_slice %arg8[%dma_wait3A_1758, %dma_wait3A_1763] : memref<3x32xi32, #tpu.memory_space<vmem>> -> memref<1x32xi32, #tpu.memory_space<vmem>>
    %dma_wait3A_1765 = tpu.memref_squeeze %dma_wait3A_1764 : memref<1x32xi32, #tpu.memory_space<vmem>> -> memref<32xi32, #tpu.memory_space<vmem>>
    %dma_wait3A_1766 = arith.constant 0 : i32
    %dma_wait3A_1767 = arith.constant 0 : i32
    %dma_wait3A_1768 = tpu.memref_slice %arg5[%dma_wait3A_1766, %dma_wait3A_1767] : memref<32768x1024xf32, #tpu.memory_space<hbm>> -> memref<32768x1024xf32, #tpu.memory_space<hbm>>
    tpu.wait_indirect_dma semaphore(%arg14 : memref<!tpu.dma_semaphore, #tpu.memory_space<semaphore_mem>>) src(%dma_wait3A_1762 : memref<32x1024xf32, #tpu.memory_space<vmem>>) dst(%dma_wait3A_1768 : memref<32768x1024xf32, #tpu.memory_space<hbm>>)
    %dma_wait3A_1769 = arith.constant 0 : i32
    %dma_wait3A_1770 = arith.constant 0 : i32
    %dma_wait3A_1771 = arith.constant 0 : i32
    %dma_wait3A_1772 = arith.constant 0 : i32
    %dma_wait3A_1773 = tpu.memref_slice %arg6[%dma_wait3A_1769, %dma_wait3A_1771, %dma_wait3A_1772] : memref<3x32x1024xf32, #tpu.memory_space<vmem>> -> memref<1x32x1024xf32, #tpu.memory_space<vmem>>
    %dma_wait3A_1774 = tpu.memref_squeeze %dma_wait3A_1773 : memref<1x32x1024xf32, #tpu.memory_space<vmem>> -> memref<32x1024xf32, #tpu.memory_space<vmem>>
    %dma_wait3A_1775 = arith.constant 0 : i32
    %dma_wait3A_1776 = tpu.memref_slice %arg7[%dma_wait3A_1770, %dma_wait3A_1775] : memref<3x32xi32, #tpu.memory_space<vmem>> -> memref<1x32xi32, #tpu.memory_space<vmem>>
    %dma_wait3A_1777 = tpu.memref_squeeze %dma_wait3A_1776 : memref<1x32xi32, #tpu.memory_space<vmem>> -> memref<32xi32, #tpu.memory_space<vmem>>
    %dma_wait3A_1778 = arith.constant 0 : i32
    %dma_wait3A_1779 = arith.constant 0 : i32
    %dma_wait3A_1780 = tpu.memref_slice %arg5[%dma_wait3A_1778, %dma_wait3A_1779] : memref<32768x1024xf32, #tpu.memory_space<hbm>> -> memref<32768x1024xf32, #tpu.memory_space<hbm>>
    tpu.wait_indirect_dma semaphore(%arg12 : memref<!tpu.dma_semaphore, #tpu.memory_space<semaphore_mem>>) src(%dma_wait3A_1774 : memref<32x1024xf32, #tpu.memory_space<vmem>>) dst(%dma_wait3A_1780 : memref<32768x1024xf32, #tpu.memory_space<hbm>>)
    %dma_wait3A_1781 = arith.constant 0 : i32
    %dma_wait3A_1782 = arith.constant 0 : i32
    %dma_wait3A_1783 = arith.constant 0 : i32
    %dma_wait3A_1784 = arith.constant 0 : i32
    %dma_wait3A_1785 = tpu.memref_slice %arg6[%dma_wait3A_1781, %dma_wait3A_1783, %dma_wait3A_1784] : memref<3x32x1024xf32, #tpu.memory_space<vmem>> -> memref<1x32x1024xf32, #tpu.memory_space<vmem>>
    %dma_wait3A_1786 = tpu.memref_squeeze %dma_wait3A_1785 : memref<1x32x1024xf32, #tpu.memory_space<vmem>> -> memref<32x1024xf32, #tpu.memory_space<vmem>>
    %dma_wait3A_1787 = arith.constant 0 : i32
    %dma_wait3A_1788 = tpu.memref_slice %arg8[%dma_wait3A_1782, %dma_wait3A_1787] : memref<3x32xi32, #tpu.memory_space<vmem>> -> memref<1x32xi32, #tpu.memory_space<vmem>>
    %dma_wait3A_1789 = tpu.memref_squeeze %dma_wait3A_1788 : memref<1x32xi32, #tpu.memory_space<vmem>> -> memref<32xi32, #tpu.memory_space<vmem>>
    %dma_wait3A_1790 = arith.constant 0 : i32
    %dma_wait3A_1791 = arith.constant 0 : i32
    %dma_wait3A_1792 = tpu.memref_slice %arg5[%dma_wait3A_1790, %dma_wait3A_1791] : memref<32768x1024xf32, #tpu.memory_space<hbm>> -> memref<32768x1024xf32, #tpu.memory_space<hbm>>
    tpu.wait_indirect_dma semaphore(%arg12 : memref<!tpu.dma_semaphore, #tpu.memory_space<semaphore_mem>>) src(%dma_wait3A_1786 : memref<32x1024xf32, #tpu.memory_space<vmem>>) dst(%dma_wait3A_1792 : memref<32768x1024xf32, #tpu.memory_space<hbm>>)
    return
  }
}

module attributes {stable_mosaic.version = 14 : i64} {
  func.func @_positions_kernel(%arg0: i32, %arg1: memref<1x8192x2xi32, #tpu.memory_space<vmem>>, %arg2: memref<1x128x128xi32, #tpu.memory_space<vmem>>, %arg3: memref<1x1x64xi32, #tpu.memory_space<vmem>>) attributes {dimension_semantics = [#tpu.dimension_semantics<arbitrary>], iteration_bounds = array<i64: 2>, scalar_prefetch = 0 : i64, scratch_operands = 0 : i64, tpu.core_type = #tpu.core_type<tc>, window_params = [{transform_indices = @transform_0, window_bounds = array<i64: 1, 8192, 2>}, {transform_indices = @transform_1, window_bounds = array<i64: 1, 128, 128>}, {transform_indices = @transform_2, window_bounds = array<i64: 1, 1, 64>}]} {
    %get3A = arith.constant 0 : index
    %get3A_0 = arith.constant 0 : index
    %get3A_1 = arith.constant 0 : index
    %get3A_2 = vector.load %arg1[%get3A, %get3A_0, %get3A_1] : memref<1x8192x2xi32, #tpu.memory_space<vmem>>, vector<1x8192x2xi32>
    %get3A_3 = vector.shape_cast %get3A_2 : vector<1x8192x2xi32> to vector<8192x2xi32>
    %iota3A = tpu.iota {dimensions = array<i32: 0>} : vector<8192x64xi32>
    %jit3A = arith.constant 64 : i32
    %eq3A = arith.constant 0 : i32
    %eq3A_4 = arith.cmpi eq, %jit3A, %eq3A : i32
    %jit3A_5 = arith.constant 1 : i32
    %select_n3A = arith.select %eq3A_4, %jit3A_5, %jit3A : i32
    %rem3A = vector.broadcast %select_n3A : i32 to vector<8192x64xi32>
    %rem3A_6 = arith.remsi %iota3A, %rem3A : vector<8192x64xi32>
    %ne3A = arith.constant 0 : i32
    %ne3A_7 = vector.broadcast %ne3A : i32 to vector<8192x64xi32>
    %ne3A_8 = arith.cmpi ne, %rem3A_6, %ne3A_7 : vector<8192x64xi32>
    %lt3A = arith.constant 0 : i32
    %lt3A_9 = vector.broadcast %lt3A : i32 to vector<8192x64xi32>
    %lt3A_10 = arith.cmpi slt, %rem3A_6, %lt3A_9 : vector<8192x64xi32>
    %lt3A_11 = arith.constant 0 : i32
    %lt3A_12 = arith.cmpi slt, %select_n3A, %lt3A_11 : i32
    %ne3A_13 = vector.broadcast %lt3A_12 : i1 to vector<8192x64xi1>
    %ne3A_14 = vector.broadcast %ne3A_13 : vector<8192x64xi1> to vector<8192x64xi1>
    %ne3A_15 = arith.xori %lt3A_10, %ne3A_14 : vector<8192x64xi1>
    %and3A = arith.andi %ne3A_15, %ne3A_8 : vector<8192x64xi1>
    %add3A = vector.broadcast %select_n3A : i32 to vector<8192x64xi32>
    %add3A_16 = arith.addi %rem3A_6, %add3A : vector<8192x64xi32>
    %select_n3A_17 = arith.select %and3A, %add3A_16, %rem3A_6 : vector<8192x64xi1>, vector<8192x64xi32>
    %iota3A_18 = tpu.iota {dimensions = array<i32: 1>} : vector<8192x64xi32>
    %eq3A_19 = arith.cmpi eq, %select_n3A_17, %iota3A_18 : vector<8192x64xi32>
    %convert_element_type3A = arith.extui %eq3A_19 : vector<8192x64xi1> to vector<8192x64xi32>
    %convert_element_type3A_20 = arith.sitofp %convert_element_type3A : vector<8192x64xi32> to vector<8192x64xf32>
    %slice3A = vector.extract_strided_slice %get3A_3 {offsets = [0, 0], sizes = [8192, 1], strides = [1, 1]} : vector<8192x2xi32> to vector<8192x1xi32>
    %convert_element_type3A_21 = arith.sitofp %slice3A : vector<8192x1xi32> to vector<8192x1xf32>
    %slice3A_22 = vector.extract_strided_slice %get3A_3 {offsets = [0, 1], sizes = [8192, 1], strides = [1, 1]} : vector<8192x2xi32> to vector<8192x1xi32>
    %convert_element_type3A_23 = arith.sitofp %slice3A_22 : vector<8192x1xi32> to vector<8192x1xf32>
    %mul3A = vector.broadcast %convert_element_type3A_21 : vector<8192x1xf32> to vector<8192x64xf32>
    %mul3A_24 = arith.mulf %mul3A, %convert_element_type3A_20 : vector<8192x64xf32>
    %reshape3A = vector.shape_cast %mul3A_24 : vector<8192x64xf32> to vector<128x64x64xf32>
    %reduce_sum3A = arith.constant dense<0.000000e+00> : vector<128x64xf32>
    %reduce_sum3A_25 = vector.multi_reduction <add>, %reshape3A, %reduce_sum3A [1] : vector<128x64x64xf32> to vector<128x64xf32>
    %mul3A_26 = vector.broadcast %convert_element_type3A_23 : vector<8192x1xf32> to vector<8192x64xf32>
    %mul3A_27 = arith.mulf %mul3A_26, %convert_element_type3A_20 : vector<8192x64xf32>
    %reshape3A_28 = vector.shape_cast %mul3A_27 : vector<8192x64xf32> to vector<128x64x64xf32>
    %reduce_sum3A_29 = arith.constant dense<0.000000e+00> : vector<128x64xf32>
    %reduce_sum3A_30 = vector.multi_reduction <add>, %reshape3A_28, %reduce_sum3A_29 [1] : vector<128x64x64xf32> to vector<128x64xf32>
    %iota3A_31 = tpu.iota {dimensions = array<i32: 1>} : vector<64x128xi32>
    %iota3A_32 = tpu.iota {dimensions = array<i32: 0>} : vector<64x128xi32>
    %jit3A_33 = arith.constant 2 : i32
    %div3A = vector.broadcast %jit3A_33 : i32 to vector<64x128xi32>
    %div3A_34 = arith.divsi %iota3A_31, %div3A : vector<64x128xi32>
    %sign3A = arith.constant 0 : i32
    %sign3A_35 = vector.broadcast %sign3A : i32 to vector<64x128xi32>
    %sign3A_36 = arith.cmpi sgt, %iota3A_31, %sign3A_35 : vector<64x128xi32>
    %sign3A_37 = arith.extui %sign3A_36 : vector<64x128xi1> to vector<64x128xi32>
    %sign3A_38 = arith.constant 0 : i32
    %sign3A_39 = vector.broadcast %sign3A_38 : i32 to vector<64x128xi32>
    %sign3A_40 = arith.cmpi slt, %iota3A_31, %sign3A_39 : vector<64x128xi32>
    %sign3A_41 = arith.extui %sign3A_40 : vector<64x128xi1> to vector<64x128xi32>
    %sign3A_42 = arith.subi %sign3A_37, %sign3A_41 : vector<64x128xi32>
    %sign3A_43 = arith.constant 0 : i32
    %sign3A_44 = arith.cmpi sgt, %jit3A_33, %sign3A_43 : i32
    %sign3A_45 = arith.extui %sign3A_44 : i1 to i32
    %sign3A_46 = arith.constant 0 : i32
    %sign3A_47 = arith.cmpi slt, %jit3A_33, %sign3A_46 : i32
    %sign3A_48 = arith.extui %sign3A_47 : i1 to i32
    %sign3A_49 = arith.subi %sign3A_45, %sign3A_48 : i32
    %ne3A_50 = vector.broadcast %sign3A_49 : i32 to vector<64x128xi32>
    %ne3A_51 = arith.cmpi ne, %sign3A_42, %ne3A_50 : vector<64x128xi32>
    %rem3A_52 = vector.broadcast %jit3A_33 : i32 to vector<64x128xi32>
    %rem3A_53 = arith.remsi %iota3A_31, %rem3A_52 : vector<64x128xi32>
    %ne3A_54 = arith.constant 0 : i32
    %ne3A_55 = vector.broadcast %ne3A_54 : i32 to vector<64x128xi32>
    %ne3A_56 = arith.cmpi ne, %rem3A_53, %ne3A_55 : vector<64x128xi32>
    %and3A_57 = arith.andi %ne3A_51, %ne3A_56 : vector<64x128xi1>
    %sub3A = arith.constant 1 : i32
    %sub3A_58 = vector.broadcast %sub3A : i32 to vector<64x128xi32>
    %sub3A_59 = arith.subi %div3A_34, %sub3A_58 : vector<64x128xi32>
    %select_n3A_60 = arith.select %and3A_57, %sub3A_59, %div3A_34 : vector<64x128xi1>, vector<64x128xi32>
    %eq3A_61 = arith.cmpi eq, %select_n3A_60, %iota3A_32 : vector<64x128xi32>
    %jit3A_62 = arith.constant 2 : i32
    %eq3A_63 = arith.constant 0 : i32
    %eq3A_64 = arith.cmpi eq, %jit3A_62, %eq3A_63 : i32
    %jit3A_65 = arith.constant 1 : i32
    %select_n3A_66 = arith.select %eq3A_64, %jit3A_65, %jit3A_62 : i32
    %rem3A_67 = vector.broadcast %select_n3A_66 : i32 to vector<64x128xi32>
    %rem3A_68 = arith.remsi %iota3A_31, %rem3A_67 : vector<64x128xi32>
    %ne3A_69 = arith.constant 0 : i32
    %ne3A_70 = vector.broadcast %ne3A_69 : i32 to vector<64x128xi32>
    %ne3A_71 = arith.cmpi ne, %rem3A_68, %ne3A_70 : vector<64x128xi32>
    %lt3A_72 = arith.constant 0 : i32
    %lt3A_73 = vector.broadcast %lt3A_72 : i32 to vector<64x128xi32>
    %lt3A_74 = arith.cmpi slt, %rem3A_68, %lt3A_73 : vector<64x128xi32>
    %lt3A_75 = arith.constant 0 : i32
    %lt3A_76 = arith.cmpi slt, %select_n3A_66, %lt3A_75 : i32
    %ne3A_77 = vector.broadcast %lt3A_76 : i1 to vector<64x128xi1>
    %ne3A_78 = vector.broadcast %ne3A_77 : vector<64x128xi1> to vector<64x128xi1>
    %ne3A_79 = arith.xori %lt3A_74, %ne3A_78 : vector<64x128xi1>
    %and3A_80 = arith.andi %ne3A_79, %ne3A_71 : vector<64x128xi1>
    %add3A_81 = vector.broadcast %select_n3A_66 : i32 to vector<64x128xi32>
    %add3A_82 = arith.addi %rem3A_68, %add3A_81 : vector<64x128xi32>
    %select_n3A_83 = arith.select %and3A_80, %add3A_82, %rem3A_68 : vector<64x128xi1>, vector<64x128xi32>
    %eq3A_84 = arith.constant 0 : i32
    %eq3A_85 = vector.broadcast %eq3A_84 : i32 to vector<64x128xi32>
    %eq3A_86 = arith.cmpi eq, %select_n3A_83, %eq3A_85 : vector<64x128xi32>
    %and3A_87 = arith.andi %eq3A_61, %eq3A_86 : vector<64x128xi1>
    %convert_element_type3A_88 = arith.extui %and3A_87 : vector<64x128xi1> to vector<64x128xi32>
    %convert_element_type3A_89 = arith.sitofp %convert_element_type3A_88 : vector<64x128xi32> to vector<64x128xf32>
    %jit3A_90 = arith.constant 2 : i32
    %div3A_91 = vector.broadcast %jit3A_90 : i32 to vector<64x128xi32>
    %div3A_92 = arith.divsi %iota3A_31, %div3A_91 : vector<64x128xi32>
    %sign3A_93 = arith.constant 0 : i32
    %sign3A_94 = vector.broadcast %sign3A_93 : i32 to vector<64x128xi32>
    %sign3A_95 = arith.cmpi sgt, %iota3A_31, %sign3A_94 : vector<64x128xi32>
    %sign3A_96 = arith.extui %sign3A_95 : vector<64x128xi1> to vector<64x128xi32>
    %sign3A_97 = arith.constant 0 : i32
    %sign3A_98 = vector.broadcast %sign3A_97 : i32 to vector<64x128xi32>
    %sign3A_99 = arith.cmpi slt, %iota3A_31, %sign3A_98 : vector<64x128xi32>
    %sign3A_100 = arith.extui %sign3A_99 : vector<64x128xi1> to vector<64x128xi32>
    %sign3A_101 = arith.subi %sign3A_96, %sign3A_100 : vector<64x128xi32>
    %sign3A_102 = arith.constant 0 : i32
    %sign3A_103 = arith.cmpi sgt, %jit3A_90, %sign3A_102 : i32
    %sign3A_104 = arith.extui %sign3A_103 : i1 to i32
    %sign3A_105 = arith.constant 0 : i32
    %sign3A_106 = arith.cmpi slt, %jit3A_90, %sign3A_105 : i32
    %sign3A_107 = arith.extui %sign3A_106 : i1 to i32
    %sign3A_108 = arith.subi %sign3A_104, %sign3A_107 : i32
    %ne3A_109 = vector.broadcast %sign3A_108 : i32 to vector<64x128xi32>
    %ne3A_110 = arith.cmpi ne, %sign3A_101, %ne3A_109 : vector<64x128xi32>
    %rem3A_111 = vector.broadcast %jit3A_90 : i32 to vector<64x128xi32>
    %rem3A_112 = arith.remsi %iota3A_31, %rem3A_111 : vector<64x128xi32>
    %ne3A_113 = arith.constant 0 : i32
    %ne3A_114 = vector.broadcast %ne3A_113 : i32 to vector<64x128xi32>
    %ne3A_115 = arith.cmpi ne, %rem3A_112, %ne3A_114 : vector<64x128xi32>
    %and3A_116 = arith.andi %ne3A_110, %ne3A_115 : vector<64x128xi1>
    %sub3A_117 = arith.constant 1 : i32
    %sub3A_118 = vector.broadcast %sub3A_117 : i32 to vector<64x128xi32>
    %sub3A_119 = arith.subi %div3A_92, %sub3A_118 : vector<64x128xi32>
    %select_n3A_120 = arith.select %and3A_116, %sub3A_119, %div3A_92 : vector<64x128xi1>, vector<64x128xi32>
    %eq3A_121 = arith.cmpi eq, %select_n3A_120, %iota3A_32 : vector<64x128xi32>
    %jit3A_122 = arith.constant 2 : i32
    %eq3A_123 = arith.constant 0 : i32
    %eq3A_124 = arith.cmpi eq, %jit3A_122, %eq3A_123 : i32
    %jit3A_125 = arith.constant 1 : i32
    %select_n3A_126 = arith.select %eq3A_124, %jit3A_125, %jit3A_122 : i32
    %rem3A_127 = vector.broadcast %select_n3A_126 : i32 to vector<64x128xi32>
    %rem3A_128 = arith.remsi %iota3A_31, %rem3A_127 : vector<64x128xi32>
    %ne3A_129 = arith.constant 0 : i32
    %ne3A_130 = vector.broadcast %ne3A_129 : i32 to vector<64x128xi32>
    %ne3A_131 = arith.cmpi ne, %rem3A_128, %ne3A_130 : vector<64x128xi32>
    %lt3A_132 = arith.constant 0 : i32
    %lt3A_133 = vector.broadcast %lt3A_132 : i32 to vector<64x128xi32>
    %lt3A_134 = arith.cmpi slt, %rem3A_128, %lt3A_133 : vector<64x128xi32>
    %lt3A_135 = arith.constant 0 : i32
    %lt3A_136 = arith.cmpi slt, %select_n3A_126, %lt3A_135 : i32
    %ne3A_137 = vector.broadcast %lt3A_136 : i1 to vector<64x128xi1>
    %ne3A_138 = vector.broadcast %ne3A_137 : vector<64x128xi1> to vector<64x128xi1>
    %ne3A_139 = arith.xori %lt3A_134, %ne3A_138 : vector<64x128xi1>
    %and3A_140 = arith.andi %ne3A_139, %ne3A_131 : vector<64x128xi1>
    %add3A_141 = vector.broadcast %select_n3A_126 : i32 to vector<64x128xi32>
    %add3A_142 = arith.addi %rem3A_128, %add3A_141 : vector<64x128xi32>
    %select_n3A_143 = arith.select %and3A_140, %add3A_142, %rem3A_128 : vector<64x128xi1>, vector<64x128xi32>
    %eq3A_144 = arith.constant 1 : i32
    %eq3A_145 = vector.broadcast %eq3A_144 : i32 to vector<64x128xi32>
    %eq3A_146 = arith.cmpi eq, %select_n3A_143, %eq3A_145 : vector<64x128xi32>
    %and3A_147 = arith.andi %eq3A_121, %eq3A_146 : vector<64x128xi1>
    %convert_element_type3A_148 = arith.extui %and3A_147 : vector<64x128xi1> to vector<64x128xi32>
    %convert_element_type3A_149 = arith.sitofp %convert_element_type3A_148 : vector<64x128xi32> to vector<64x128xf32>
    %dot_general3A = arith.constant dense<0.000000e+00> : vector<128x128xf32>
    %dot_general3A_150 = tpu.matmul %reduce_sum3A_25, %convert_element_type3A_89, %dot_general3A {dimension_numbers = #tpu.dot_dimension_numbers<[1], [0], [0], [1], [0, 0, 1, 1], [], []>, transpose_lhs_hint = false} : vector<128x64xf32>, vector<64x128xf32>, vector<128x128xf32> -> vector<128x128xf32>
    %dot_general3A_151 = arith.constant dense<0.000000e+00> : vector<128x128xf32>
    %dot_general3A_152 = tpu.matmul %reduce_sum3A_30, %convert_element_type3A_149, %dot_general3A_151 {dimension_numbers = #tpu.dot_dimension_numbers<[1], [0], [0], [1], [0, 0, 1, 1], [], []>, transpose_lhs_hint = false} : vector<128x64xf32>, vector<64x128xf32>, vector<128x128xf32> -> vector<128x128xf32>
    %add3A_153 = arith.addf %dot_general3A_150, %dot_general3A_152 : vector<128x128xf32>
    %convert_element_type3A_154 = arith.fptosi %add3A_153 : vector<128x128xf32> to vector<128x128xi32>
    %iota3A_155 = tpu.iota {dimensions = array<i32: 0>} : vector<8192x128xi32>
    %jit3A_156 = arith.constant 64 : i32
    %eq3A_157 = arith.constant 0 : i32
    %eq3A_158 = arith.cmpi eq, %jit3A_156, %eq3A_157 : i32
    %jit3A_159 = arith.constant 1 : i32
    %select_n3A_160 = arith.select %eq3A_158, %jit3A_159, %jit3A_156 : i32
    %rem3A_161 = vector.broadcast %select_n3A_160 : i32 to vector<8192x128xi32>
    %rem3A_162 = arith.remsi %iota3A_155, %rem3A_161 : vector<8192x128xi32>
    %ne3A_163 = arith.constant 0 : i32
    %ne3A_164 = vector.broadcast %ne3A_163 : i32 to vector<8192x128xi32>
    %ne3A_165 = arith.cmpi ne, %rem3A_162, %ne3A_164 : vector<8192x128xi32>
    %lt3A_166 = arith.constant 0 : i32
    %lt3A_167 = vector.broadcast %lt3A_166 : i32 to vector<8192x128xi32>
    %lt3A_168 = arith.cmpi slt, %rem3A_162, %lt3A_167 : vector<8192x128xi32>
    %lt3A_169 = arith.constant 0 : i32
    %lt3A_170 = arith.cmpi slt, %select_n3A_160, %lt3A_169 : i32
    %ne3A_171 = vector.broadcast %lt3A_170 : i1 to vector<8192x128xi1>
    %ne3A_172 = vector.broadcast %ne3A_171 : vector<8192x128xi1> to vector<8192x128xi1>
    %ne3A_173 = arith.xori %lt3A_168, %ne3A_172 : vector<8192x128xi1>
    %and3A_174 = arith.andi %ne3A_173, %ne3A_165 : vector<8192x128xi1>
    %add3A_175 = vector.broadcast %select_n3A_160 : i32 to vector<8192x128xi32>
    %add3A_176 = arith.addi %rem3A_162, %add3A_175 : vector<8192x128xi32>
    %select_n3A_177 = arith.select %and3A_174, %add3A_176, %rem3A_162 : vector<8192x128xi1>, vector<8192x128xi32>
    %iota3A_178 = tpu.iota {dimensions = array<i32: 0>} : vector<8192x64xi32>
    %jit3A_179 = arith.constant 64 : i32
    %eq3A_180 = arith.constant 0 : i32
    %eq3A_181 = arith.cmpi eq, %jit3A_179, %eq3A_180 : i32
    %jit3A_182 = arith.constant 1 : i32
    %select_n3A_183 = arith.select %eq3A_181, %jit3A_182, %jit3A_179 : i32
    %rem3A_184 = vector.broadcast %select_n3A_183 : i32 to vector<8192x64xi32>
    %rem3A_185 = arith.remsi %iota3A_178, %rem3A_184 : vector<8192x64xi32>
    %ne3A_186 = arith.constant 0 : i32
    %ne3A_187 = vector.broadcast %ne3A_186 : i32 to vector<8192x64xi32>
    %ne3A_188 = arith.cmpi ne, %rem3A_185, %ne3A_187 : vector<8192x64xi32>
    %lt3A_189 = arith.constant 0 : i32
    %lt3A_190 = vector.broadcast %lt3A_189 : i32 to vector<8192x64xi32>
    %lt3A_191 = arith.cmpi slt, %rem3A_185, %lt3A_190 : vector<8192x64xi32>
    %lt3A_192 = arith.constant 0 : i32
    %lt3A_193 = arith.cmpi slt, %select_n3A_183, %lt3A_192 : i32
    %ne3A_194 = vector.broadcast %lt3A_193 : i1 to vector<8192x64xi1>
    %ne3A_195 = vector.broadcast %ne3A_194 : vector<8192x64xi1> to vector<8192x64xi1>
    %ne3A_196 = arith.xori %lt3A_191, %ne3A_195 : vector<8192x64xi1>
    %and3A_197 = arith.andi %ne3A_196, %ne3A_188 : vector<8192x64xi1>
    %add3A_198 = vector.broadcast %select_n3A_183 : i32 to vector<8192x64xi32>
    %add3A_199 = arith.addi %rem3A_185, %add3A_198 : vector<8192x64xi32>
    %select_n3A_200 = arith.select %and3A_197, %add3A_199, %rem3A_185 : vector<8192x64xi1>, vector<8192x64xi32>
    %iota3A_201 = tpu.iota {dimensions = array<i32: 1>} : vector<8192x64xi32>
    %eq3A_202 = arith.cmpi eq, %select_n3A_200, %iota3A_201 : vector<8192x64xi32>
    %convert_element_type3A_203 = arith.extui %eq3A_202 : vector<8192x64xi1> to vector<8192x64xi32>
    %convert_element_type3A_204 = arith.sitofp %convert_element_type3A_203 : vector<8192x64xi32> to vector<8192x64xf32>
    %iota3A_205 = tpu.iota {dimensions = array<i32: 0>} : vector<128x128xi32>
    %iota3A_206 = tpu.iota {dimensions = array<i32: 1>} : vector<128x128xi32>
    %lt3A_207 = arith.cmpi slt, %iota3A_205, %iota3A_206 : vector<128x128xi32>
    %convert_element_type3A_208 = arith.extui %lt3A_207 : vector<128x128xi1> to vector<128x128xi32>
    %convert_element_type3A_209 = arith.sitofp %convert_element_type3A_208 : vector<128x128xi32> to vector<128x128xf32>
    %lt3A_210 = arith.cmpi slt, %iota3A_206, %iota3A_205 : vector<128x128xi32>
    %convert_element_type3A_211 = arith.extui %lt3A_210 : vector<128x128xi1> to vector<128x128xi32>
    %convert_element_type3A_212 = arith.sitofp %convert_element_type3A_211 : vector<128x128xi32> to vector<128x128xf32>
    %iota3A_213 = tpu.iota {dimensions = array<i32: 0>} : vector<64x64xi32>
    %iota3A_214 = tpu.iota {dimensions = array<i32: 1>} : vector<64x64xi32>
    %lt3A_215 = arith.cmpi slt, %iota3A_213, %iota3A_214 : vector<64x64xi32>
    %convert_element_type3A_216 = arith.extui %lt3A_215 : vector<64x64xi1> to vector<64x64xi32>
    %convert_element_type3A_217 = arith.sitofp %convert_element_type3A_216 : vector<64x64xi32> to vector<64x64xf32>
    %convert_element_type3A_218 = arith.sitofp %convert_element_type3A_154 : vector<128x128xi32> to vector<128x128xf32>
    %broadcast_in_dim3A = vector.shape_cast %convert_element_type3A_218 : vector<128x128xf32> to vector<128x1x128xf32>
    %broadcast_in_dim3A_219 = vector.broadcast %broadcast_in_dim3A : vector<128x1x128xf32> to vector<128x64x128xf32>
    %reshape3A_220 = vector.shape_cast %broadcast_in_dim3A_219 : vector<128x64x128xf32> to vector<8192x128xf32>
    %convert_element_type3A_221 = arith.sitofp %select_n3A_177 : vector<8192x128xi32> to vector<8192x128xf32>
    %eq3A_222 = arith.cmpf oeq, %reshape3A_220, %convert_element_type3A_221 : vector<8192x128xf32>
    %convert_element_type3A_223 = arith.extui %eq3A_222 : vector<8192x128xi1> to vector<8192x128xi32>
    %convert_element_type3A_224 = arith.sitofp %convert_element_type3A_223 : vector<8192x128xi32> to vector<8192x128xf32>
    %dot_general3A_225 = arith.constant dense<0.000000e+00> : vector<8192x128xf32>
    %dot_general3A_226 = tpu.matmul %convert_element_type3A_224, %convert_element_type3A_209, %dot_general3A_225 {dimension_numbers = #tpu.dot_dimension_numbers<[1], [0], [0], [1], [0, 0, 1, 1], [], []>, transpose_lhs_hint = false} : vector<8192x128xf32>, vector<128x128xf32>, vector<8192x128xf32> -> vector<8192x128xf32>
    %reduce_sum3A_227 = arith.constant dense<0.000000e+00> : vector<8192xf32>
    %reduce_sum3A_228 = vector.multi_reduction <add>, %convert_element_type3A_224, %reduce_sum3A_227 [1] : vector<8192x128xf32> to vector<8192xf32>
    %broadcast_in_dim3A_229 = vector.shape_cast %reduce_sum3A_228 : vector<8192xf32> to vector<8192x1xf32>
    %mul3A_230 = vector.broadcast %broadcast_in_dim3A_229 : vector<8192x1xf32> to vector<8192x64xf32>
    %mul3A_231 = arith.mulf %mul3A_230, %convert_element_type3A_204 : vector<8192x64xf32>
    %reshape3A_232 = vector.shape_cast %mul3A_231 : vector<8192x64xf32> to vector<128x64x64xf32>
    %reduce_sum3A_233 = arith.constant dense<0.000000e+00> : vector<128x64xf32>
    %reduce_sum3A_234 = vector.multi_reduction <add>, %reshape3A_232, %reduce_sum3A_233 [1] : vector<128x64x64xf32> to vector<128x64xf32>
    %dot_general3A_235 = arith.constant dense<0.000000e+00> : vector<128x64xf32>
    %dot_general3A_236 = tpu.matmul %convert_element_type3A_212, %reduce_sum3A_234, %dot_general3A_235 {dimension_numbers = #tpu.dot_dimension_numbers<[1], [0], [0], [1], [0, 0, 1, 1], [], []>, transpose_lhs_hint = false} : vector<128x128xf32>, vector<128x64xf32>, vector<128x64xf32> -> vector<128x64xf32>
    %reduce_sum3A_237 = arith.constant dense<0.000000e+00> : vector<64xf32>
    %reduce_sum3A_238 = vector.multi_reduction <add>, %reduce_sum3A_234, %reduce_sum3A_237 [0] : vector<128x64xf32> to vector<64xf32>
    %broadcast_in_dim3A_239 = vector.shape_cast %reduce_sum3A_238 : vector<64xf32> to vector<1x64xf32>
    %dot_general3A_240 = arith.constant dense<0.000000e+00> : vector<1x64xf32>
    %dot_general3A_241 = tpu.matmul %broadcast_in_dim3A_239, %convert_element_type3A_217, %dot_general3A_240 {dimension_numbers = #tpu.dot_dimension_numbers<[1], [0], [0], [1], [0, 0, 1, 1], [], []>, precision = #tpu.contract_precision<fp32>, transpose_lhs_hint = false} : vector<1x64xf32>, vector<64x64xf32>, vector<1x64xf32> -> vector<1x64xf32>
    %add3A_242 = vector.broadcast %dot_general3A_241 : vector<1x64xf32> to vector<128x64xf32>
    %add3A_243 = arith.addf %dot_general3A_236, %add3A_242 : vector<128x64xf32>
    %broadcast_in_dim3A_244 = vector.shape_cast %add3A_243 : vector<128x64xf32> to vector<128x1x64xf32>
    %broadcast_in_dim3A_245 = vector.broadcast %broadcast_in_dim3A_244 : vector<128x1x64xf32> to vector<128x64x64xf32>
    %reshape3A_246 = vector.shape_cast %broadcast_in_dim3A_245 : vector<128x64x64xf32> to vector<8192x64xf32>
    %mul3A_247 = arith.mulf %reshape3A_246, %convert_element_type3A_204 : vector<8192x64xf32>
    %reduce_sum3A_248 = arith.constant dense<0.000000e+00> : vector<8192xf32>
    %reduce_sum3A_249 = vector.multi_reduction <add>, %mul3A_247, %reduce_sum3A_248 [1] : vector<8192x64xf32> to vector<8192xf32>
    %broadcast_in_dim3A_250 = vector.shape_cast %reduce_sum3A_249 : vector<8192xf32> to vector<8192x1xf32>
    %add3A_251 = vector.broadcast %broadcast_in_dim3A_250 : vector<8192x1xf32> to vector<8192x128xf32>
    %add3A_252 = arith.addf %dot_general3A_226, %add3A_251 : vector<8192x128xf32>
    %mul3A_253 = arith.mulf %convert_element_type3A_224, %add3A_252 : vector<8192x128xf32>
    %reshape3A_254 = vector.shape_cast %mul3A_253 : vector<8192x128xf32> to vector<128x64x128xf32>
    %reduce_sum3A_255 = arith.constant dense<0.000000e+00> : vector<128x128xf32>
    %reduce_sum3A_256 = vector.multi_reduction <add>, %reshape3A_254, %reduce_sum3A_255 [1] : vector<128x64x128xf32> to vector<128x128xf32>
    %add3A_257 = arith.addf %broadcast_in_dim3A_239, %dot_general3A_241 : vector<1x64xf32>
    %convert_element_type3A_258 = arith.fptosi %reduce_sum3A_256 : vector<128x128xf32> to vector<128x128xi32>
    %mul3A_259 = arith.constant 16384 : i32
    %mul3A_260 = arith.muli %arg0, %mul3A_259 : i32
    %add3A_261 = vector.broadcast %mul3A_260 : i32 to vector<128x128xi32>
    %add3A_262 = arith.addi %convert_element_type3A_258, %add3A_261 : vector<128x128xi32>
    %swap3A = arith.constant 0 : index
    %swap3A_263 = arith.constant 0 : index
    %swap3A_264 = arith.constant 0 : index
    %swap3A_265 = vector.load %arg2[%swap3A, %swap3A_263, %swap3A_264] : memref<1x128x128xi32, #tpu.memory_space<vmem>>, vector<1x128x128xi32>
    %swap3A_266 = vector.shape_cast %swap3A_265 : vector<1x128x128xi32> to vector<128x128xi32>
    %swap3A_267 = vector.shape_cast %add3A_262 : vector<128x128xi32> to vector<1x128x128xi32>
    tpu.vector_store %arg2[%swap3A, %swap3A_263, %swap3A_264], %swap3A_267 {strides = array<i32>} : memref<1x128x128xi32, #tpu.memory_space<vmem>>, vector<1x128x128xi32>,
    %convert_element_type3A_268 = arith.fptosi %add3A_257 : vector<1x64xf32> to vector<1x64xi32>
    %mul3A_269 = arith.constant 16384 : i32
    %mul3A_270 = arith.muli %arg0, %mul3A_269 : i32
    %add3A_271 = vector.broadcast %mul3A_270 : i32 to vector<1x64xi32>
    %add3A_272 = arith.addi %convert_element_type3A_268, %add3A_271 : vector<1x64xi32>
    %swap3A_273 = arith.constant 0 : index
    %swap3A_274 = arith.constant 0 : index
    %swap3A_275 = arith.constant 0 : index
    %swap3A_276 = vector.load %arg3[%swap3A_273, %swap3A_274, %swap3A_275] : memref<1x1x64xi32, #tpu.memory_space<vmem>>, vector<1x1x64xi32>
    %swap3A_277 = vector.shape_cast %swap3A_276 : vector<1x1x64xi32> to vector<1x64xi32>
    %swap3A_278 = vector.shape_cast %add3A_272 : vector<1x64xi32> to vector<1x1x64xi32>
    tpu.vector_store %arg3[%swap3A_273, %swap3A_274, %swap3A_275], %swap3A_278 {strides = array<i32>} : memref<1x1x64xi32, #tpu.memory_space<vmem>>, vector<1x1x64xi32>,
    return
  }
  func.func @transform_0(%arg0: i32) -> (i32, i32, i32) {
    %c0_i32 = arith.constant 0 : i32
    %c0_i32_0 = arith.constant 0 : i32
    %c0_i32_1 = arith.constant 0 : i32
    return %arg0, %c0_i32, %c0_i32_0 : i32, i32, i32
  }
  func.func @transform_1(%arg0: i32) -> (i32, i32, i32) {
    %c0_i32 = arith.constant 0 : i32
    %c0_i32_0 = arith.constant 0 : i32
    %c0_i32_1 = arith.constant 0 : i32
    return %arg0, %c0_i32, %c0_i32_0 : i32, i32, i32
  }
  func.func @transform_2(%arg0: i32) -> (i32, i32, i32) {
    %c0_i32 = arith.constant 0 : i32
    %c0_i32_0 = arith.constant 0 : i32
    %c0_i32_1 = arith.constant 0 : i32
    return %arg0, %c0_i32, %c0_i32_0 : i32, i32, i32
  }
}

</mosaic_0001>

<sc_bundles>
// kernel: kernel.4.cloned.1.call-start
scs
__scs_entry_jumppad:
0x0: {  	(pc) =	sbr.rel $0x88, $3  }
0x1: {  	(tag) =	ssettag $0x0;
	lr =	simm.s32 $0x1  }
0x2: {  	[smem:$0x3F9F] =	sst lr;
	_ =	strace $0xD0000000  }
0x3: {  	_ = 	snop  }
0x4: {  	_ = 	snop  }
0x5: {  	_ = 	snop  }
0x6: {  	_ = 	snop  }
0x7: {  	_ = 	snop  }
__scs_overlays_trampoline_lowered:
0x8: {  	[smem:$0x3FAE] =	sst s0  }
0x9: {  	[smem:$0x3FAF] =	sst s1  }
0xa: {  	[smem:$0x3FB0] =	sst s2  }
0xb: {  	[smem:$0x3FB1] =	sst s3  }
0xc: {  	[smem:$0x3FB2] =	sst s4  }
0xd: {  	[smem:$0x3FB3] =	sst s5  }
0xe: {  	[smem:$0x3FB4] =	sst s6  }
0xf: {  	[smem:$0x3FB5] =	sst s7  }
0x10: {  	[smem:$0x3FB6] =	sst s8  }
0x11: {  	[smem:$0x3FB7] =	sst s9;
	s0 =	simm.s32 @!p0 $0x0  }
0x12: {  	s1 =	sld [smem:$0x3F9D];
	s0 =	simm.s32 @p0 $0x1  }
0x13: {  	[smem:$0x3FB8] =	sst s0;
	s0 =	simm.s32 @!p1 $0x0  }
0x14: {  	s2 =	sld [smem:$0x3F9C];
	s0 =	simm.s32 @p1 $0x1  }
0x15: {  	[smem:$0x3FB9] =	sst s0;
	s0 =	simm.s32 @!p2 $0x0  }
0x16: {  	s3 =	sld [smem:$0x3FDB];
	s0 =	simm.s32 @p2 $0x1  }
0x17: {  	s4 =	simm.s32 $0x1BF5;
	[smem:$0x3FBB] =	sst s0  }
0x18: {  	s0 =	sld [smem:$0x3F9E];
	_ =	swait.ge [sflag:s4], $0x0  }
0x19: {  	s7 =	sld [smem:$0x3F9F]  }
0x1a: {  	s8 =	sadd.s32 $0xFFFFE003, lr  }
0x1b: {  	s9 =	sadd.s32 $0xFFFFFEF7, lr;
	s5 =	simm.s32 $0xFFFFFFFF;
	p2 =	slt.u32 s8, $0xFFFFF086  }
0x1c: {  	p1 =	slt.u32 s9, $0xF7A;
	s5 =	simm.s32 @!p2 $0x0  }
0x1d: {  	s5 =	simm.s32 @p1 $0x1;
	p0 =	seq.s32 s7, s2  }
0x1e: {  	s7 =	smul.u32 @!p0 $0xF7A, s2;
	p2 =	seq.s32 @!p0 s5, $0x0  }
0x1f: {  	s9 =	smul.u32 $0xF7A, s1;
	s8 =	simm.s32 @!p0 $0x1BF5;
	p2 =	por !p2, p0  }
0x20: {  	[sflag:s8] =	ssyncset.s32 @!p0 $0xFFFFF086;
	s6 =	sadd.s32 @!p0 s3, s7;
	s7 =	simm.s32 @!p0 $0x108  }
0x21: {  	s3 =	sadd.s32 s3, s9;
	s6 =	sadd.s32 @!p0 $0x88, s6;
	s7 =	simm.s32 @p2 $0x1082  }
0x22: {  	[simem:s7], [sflag:s8] =	dma.local @!p0 [hbm:s6], $0xF7A  }
0x23: {  	s9 =	sor.u32 $0xD0000000, s2;
	s6 =	simm.s32 $0x108;
	_ =	swait.ge @!p0 [sflag:s8], $0x0  }
0x24: {  	s3 =	sadd.s32 $0x88, s3;
	s6 =	simm.s32 @!p1 $0x1082;
	[sflag:s4] =	ssyncset.s32 $0xFFFFF086  }
0x25: {  	[simem:s6], [sflag:s4] =	dma.local [hbm:s3], $0xF7A  }
0x26: {  	[smem:$0x3F9F] =	sst s1;
	(tag) =	ssettag s2;
	_ =	strace s9  }
0x27: {  	s1 =	sld [smem:$0x3FAF]  }
0x28: {  	s2 =	sld [smem:$0x3FB0]  }
0x29: {  	s4 =	sld [smem:$0x3FB2]  }
0x2a: {  	p0 =	seq.s32 s5, $0x0;
	s5 =	sld [smem:$0x3FB3]  }
0x2b: {  	s6 =	sld [smem:$0x3FB4]  }
0x2c: {  	s7 =	sld [smem:$0x3FB5]  }
0x2d: {  	s3 =	simm.s32 $0x108;
	s8 =	sld [smem:$0x3FB6]  }
0x2e: {  	s3 =	simm.s32 @!p0 $0x1082;
	s9 =	sld [smem:$0x3FB7]  }
0x2f: {  	lr =	sadd.s32 s0, s3;
	s0 =	sld [smem:$0x3FAE]  }
0x30: {  	s3 =	sld [smem:$0x3FB1]  }
0x31: {  	[smem:$0x3FBA] =	sst s10  }
0x32: {  	s10 =	sld [smem:$0x3FB8];
	_ =	sdelay $0x3  }
0x33: {  	p0 =	seq.s32 s10, $0x1;
	s10 =	sld [smem:$0x3FBA];
	_ =	sdelay $0x3  }
0x34: {  	[smem:$0x3FBA] =	sst s10  }
0x35: {  	s10 =	sld [smem:$0x3FB9];
	_ =	sdelay $0x3  }
0x36: {  	p1 =	seq.s32 s10, $0x1;
	s10 =	sld [smem:$0x3FBA];
	_ =	sdelay $0x3  }
0x37: {  	[smem:$0x3FBA] =	sst s10  }
0x38: {  	s10 =	sld [smem:$0x3FBB]  }
0x39: {  	_ = 	snop;
	(pc) =	sbr.ind lr, $3  }
0x3a: {  	_ = 	snop  }
0x3b: {  	_ = 	snop  }
0x3c: {  	p2 =	seq.s32 s10, $0x1;
	s10 =	sld [smem:$0x3FBA]  }
0x3d: {  	_ =	shalt  }
0x3e: {  	_ =	shalt  }
0x3f: {  	_ =	shalt  }
0x40: {  	_ =	shalt  }
0x41: {  	_ =	shalt  }
0x42: {  	_ =	shalt  }
0x43: {  	_ =	shalt  }
0x44: {  	_ =	shalt  }
0x45: {  	_ =	shalt  }
0x46: {  	_ =	shalt  }
0x47: {  	_ =	shalt  }
0x48: {  	_ =	shalt  }
0x49: {  	_ =	shalt  }
0x4a: {  	_ =	shalt  }
0x4b: {  	_ =	shalt  }
0x4c: {  	_ =	shalt  }
0x4d: {  	_ =	shalt  }
0x4e: {  	_ =	shalt  }
0x4f: {  	_ =	shalt  }
0x50: {  	_ =	shalt  }
0x51: {  	_ =	shalt  }
0x52: {  	_ =	shalt  }
0x53: {  	_ =	shalt  }
0x54: {  	_ =	shalt  }
0x55: {  	_ =	shalt  }
0x56: {  	_ =	shalt  }
0x57: {  	_ =	shalt  }
0x58: {  	_ =	shalt  }
0x59: {  	_ =	shalt  }
0x5a: {  	_ =	shalt  }
0x5b: {  	_ =	shalt  }
0x5c: {  	_ =	shalt  }
0x5d: {  	_ =	shalt  }
0x5e: {  	_ =	shalt  }
0x5f: {  	_ =	shalt  }
0x60: {  	_ =	shalt  }
0x61: {  	_ =	shalt  }
0x62: {  	_ =	shalt  }
0x63: {  	_ =	shalt  }
0x64: {  	_ =	shalt  }
0x65: {  	_ =	shalt  }
0x66: {  	_ =	shalt  }
0x67: {  	_ =	shalt  }
0x68: {  	_ =	shalt  }
0x69: {  	_ =	shalt  }
0x6a: {  	_ =	shalt  }
0x6b: {  	_ =	shalt  }
0x6c: {  	_ =	shalt  }
0x6d: {  	_ =	shalt  }
0x6e: {  	_ =	shalt  }
0x6f: {  	_ =	shalt  }
0x70: {  	_ =	shalt  }
0x71: {  	_ =	shalt  }
0x72: {  	_ =	shalt  }
0x73: {  	_ =	shalt  }
0x74: {  	_ =	shalt  }
0x75: {  	_ =	shalt  }
0x76: {  	_ =	shalt  }
0x77: {  	_ =	shalt  }
0x78: {  	_ =	shalt  }
0x79: {  	_ =	shalt  }
0x7a: {  	_ =	shalt  }
0x7b: {  	_ =	shalt  }
0x7c: {  	_ =	shalt  }
0x7d: {  	_ =	shalt  }
0x7e: {  	_ =	shalt  }
0x7f: {  	_ =	shalt  }
0x80: {  	_ =	shalt  }
0x81: {  	_ =	shalt  }
0x82: {  	_ =	shalt  }
0x83: {  	_ =	shalt  }
0x84: {  	_ =	shalt  }
0x85: {  	_ =	shalt  }
0x86: {  	_ =	shalt  }
0x87: {  	_ =	shalt  }
.Lfunc_end0:
.L_simem_size_0:
called_computation_lowered:
.L_overlay_start_0:
0x88: {  	s2 =	sld [smem:$0x3FD9]  }
0x89: {  	s3 =	sld [smem:$0x3FFE];
	_ =	sdelay $0x1  }
0x8a: {  	s1 =	srdreg.scid  }
0x8b: {  	s0 =	sand.u32 $0x1, s1  }
0x8c: {  	s14 =	sshll.u32 s0, $0xA;
	s2 =	sadd.s32 s3, s2  }
0x8d: {  	s2 =	sadd.s32 s2, s14  }
0x8e: {  	[smem:$0x3FC6] =	sst s2  }
0x8f: {  	_ = 	snop  }
0x90: {  	s2 =	sld [smem:$0x3FD0];
	_ =	sdelay $0x2  }
0x91: {  	s4 =	simm.s32 $0xA;
	s5 =	simm.s32 $0x10;
	s15 =	sld [smem:$0x3FC9]  }
0x92: {  	[smem:s5], [sflag:s4] =	dma.local [hbm:s2], $0x1  }
0x93: {  	_ =	swait.eq [sflag:s4], $0x1  }
0x94: {  	[sflag:s4] =	ssyncset.done $0x0  }
0x95: {  	[sflag:s4] =	ssyncadd.s32 $0xFFFFFFFF  }
0x96: {  	s16 =	sld [smem:$0x10];
	(tm) =	ssettm $0x1  }
0x97: {  	s17 =	sld [smem:$0x3FFB];
	_ =	sdelay $0x3  }
0x98: {  	_ =	strace s17  }
0x99: {  	s4 =	sld [smem:$0x3FFC];
	_ =	sdelay $0x3  }
0x9a: {  	_ =	strace s4  }
0x9b: {  	s4 =	sld [smem:$0x3FFD];
	_ =	sdelay $0x3  }
0x9c: {  	_ =	strace s4  }
0x9d: {  	_ =	strace $0x8FFFFFFF  }
0x9e: {  	s18 =	sld [smem:$0x3FDB];
	_ =	sdelay $0x1  }
0x9f: {  	s19 =	simm.s32 $_scs_section_size  }
0xa0: {  	s6 =	simm.s32 $_size__tile_overlayer_lowered;
	s7 =	simm.s32 $_tile_overlayer_lowered  }
0xa1: {  	s22 =	simm.s32 $0x1BFF;
	s21 =	sshll.u32 s7, $0x1;
	s4 =	sadd.s32 s19, s18  }
0xa2: {  	s8 =	simm.s32 $0x0;
	s20 =	sshll.u32 s6, $0x1;
	s6 =	sadd.s32 s21, s4  }
0xa3: {  	[timem:s8], [sflag:s22] =	dma.local [hbm:s6], s20  }
0xa4: {  	_ =	swait.ge [sflag:s22], s20  }
0xa5: {  	s5 =	ssub.s32 $0x0, s20;
	[sflag:s22] =	ssyncset.done $0x0  }
0xa6: {  	[sflag:s22] =	ssyncadd.s32 s5;
	_ =	sdelay $0x1  }
0xa7: {  	s23 =	simm.s32 $0x1B8B  }
0xa8: {  	_ =	swait.ge [sflag:s23], $0x1  }
0xa9: {  	[sflag:s23] =	ssyncset.done $0x0  }
0xaa: {  	s25 =	simm.s32 $0x1B8E;
	s24 =	sld [smem:$0x3FFE];
	[sflag:s23] =	ssyncadd.s32 $0xFFFFFFFF  }
0xab: {  	s26 =	simm.s32 $execute0_lowered;
	[smem:$0x3FD2] =	sst s25  }
0xac: {  	s6 =	sshll.u32 s26, $0x1;
	_ =	strace $0x80000046;
	[dreg:$0x1] =	wrdreg $0xFFFFFFFF  }
0xad: {  	s28 =	simm.s32 $_size_execute0_lowered;
	s4 =	sadd.s32 s4, s6;
	[dreg:$0x0] =	wrdreg $0x0  }
0xae: {  	s6 =	sshll.u32 s28, $0x1;
	[dreg:$0x2] =	wrdreg s4  }
0xaf: {  	[dreg:$0x3] =	wrdreg s6  }
0xb0: {  	[dreg:$0x4] =	wrdreg $0xC0  }
0xb1: {  	_ =	task [dreg:s8], $0x5FFFF  }
0xb2: {  	[dreg:$0x1] =	wrdreg $0xFFFFFFFF  }
0xb3: {  	[dreg:$0x0] =	wrdreg $0x60  }
0xb4: {  	[dreg:$0x2] =	wrdreg s15  }
0xb5: {  	[dreg:$0x3] =	wrdreg s24  }
0xb6: {  	[dreg:$0x4] =	wrdreg s16  }
0xb7: {  	[dreg:$0x5] =	wrdreg $0x9  }
0xb8: {  	_ =	task.clear_ibuf [dreg:s8], $0x6FFFF;
	_ =	strace $0x90000046  }
0xb9: {  	s29 =	simm.s32 $0x9;
	_ =	strace $0x80000048  }
0xba: {  	_ =	swait.ge [sflag:s29], $0x1  }
0xbb: {  	[sflag:s29] =	ssyncadd.s32 $0xFFFFFFFF  }
0xbc: {  	_ =	strace $0x90000048  }
0xbd: {  	_ =	sfence  }
0xbe: {  	s30 =	sld [smem:$0x0];
	_ =	sdelay $0x2  }
0xbf: {  	s31 =	sshll.u32 s1, $0xD;
	s1 =	sshrl.u32 s1, $0x2  }
0xc0: {  	s3 =	sand.u32 $0x4000, s31;
	s1 =	sadd.s32 s1, s30  }
0xc1: {  	s0 =	sor.u32 s3, s0;
	s1 =	sshll.u32 s1, $0x11  }
0xc2: {  	s0 =	sor.u32 s1, s0  }
0xc3: {  	s0 =	sadd.s32 $0x8F2B, s0  }
0xc4: {  	[sflag:s0] =	ssyncadd.remote.s32 $0x1  }
0xc5: {  	_ =	sfence.sel $0xFFFF  }
0xc6: {  	[dreg:$0x0] =	wrdreg $0xFFFFFFFF;
	(pc) =	sbr.abs _section_cstart, $3  }
0xc7: {  	[dreg:$0x1] =	wrdreg $0xFFFFFFFF  }
0xc8: {  	_ =	task.clear_ibuf [dreg:s8], $0x2FFFF;
	_ =	strace $0x9FFFFFFF  }
0xc9: {  	(tm) =	ssettm $0x7FFFFFFF  }
tec
execute0_lowered:
.L_overlay_start_1:
0x0: {  	(tag) =	ssettag $0x1  }
0x1: {  	s0 =	rddreg [dreg:$0x0];
	s1 =	srdreg.scid  }
0x2: {  	s4 =	rddreg [dreg:$0x1];
	s3 =	stileid.u32;
	s6 =	sand.u32 $0x1, s1  }
0x3: {  	s2 =	rddreg [dreg:$0x2];
	s26 =	sshll.u32 s3, $0xA;
	s5 =	sshll.u32 s6, $0x9  }
0x4: {  	s3 =	simm.s32 $0x0;
	s1 =	sadd.s32 $0xE00, s4;
	s5 =	sor.u32 s5, s26  }
0x5: {  	s4 =	sadd.s32 $0x600, s4;
	[smem:$0x7FF] =	sst s3;
	s7 =	sshrl.u32 s5, $0x3  }
0x6: {  	_ =	strace $0x80000047;
	s28 =	sshll.u32 s5, $0x7;
	s8 =	sadd.s32 s1, s7  }
0x7: {  	s9 =	sor.u32 $0x20, s5;
	s7 =	sadd.s32 s4, s7;
	[dreg:$0x4] =	wrdreg s8  }
0x8: {  	s29 =	sadd.s32 s0, s28;
	s30 =	sshrl.u32 s9, $0x3;
	[dreg:$0x5] =	wrdreg s7  }
0x9: {  	s12 =	sor.u32 $0x40, s5;
	[dreg:$0x6] =	wrdreg s29;
	s31 =	sadd.s32 s1, s30  }
0xa: {  	s11 =	sshll.u32 s9, $0x7;
	s10 =	sadd.s32 s4, s30;
	[dreg:$0x7] =	wrdreg s31  }
0xb: {  	s14 =	sshrl.u32 s12, $0x3;
	s13 =	sadd.s32 s0, s11;
	[dreg:$0x8] =	wrdreg s10  }
0xc: {  	s18 =	sor.u32 $0x60, s5;
	s15 =	sadd.s32 s1, s14;
	[dreg:$0x9] =	wrdreg s13  }
0xd: {  	s17 =	sshll.u32 s12, $0x7;
	s16 =	sadd.s32 s4, s14;
	[dreg:$0xa] =	wrdreg s15  }
0xe: {  	s20 =	sshrl.u32 s18, $0x3;
	s19 =	sadd.s32 s0, s17;
	[dreg:$0xb] =	wrdreg s16  }
0xf: {  	s24 =	sor.u32 $0x80, s5;
	s21 =	sadd.s32 s1, s20;
	[dreg:$0xc] =	wrdreg s19  }
0x10: {  	s23 =	sshll.u32 s18, $0x7;
	s22 =	sadd.s32 s4, s20;
	[dreg:$0xd] =	wrdreg s21  }
0x11: {  	s26 =	sshrl.u32 s24, $0x3;
	s25 =	sadd.s32 s0, s23;
	[dreg:$0xe] =	wrdreg s22  }
0x12: {  	s28 =	sadd.s32 s1, s26;
	s29 =	sadd.s32 s4, s26;
	[dreg:$0xf] =	wrdreg s25  }
0x13: {  	s30 =	sshll.u32 s24, $0x7;
	[dreg:$0x10] =	wrdreg s28;
	s31 =	sor.u32 $0xA0, s5  }
0x14: {  	[dreg:$0x11] =	wrdreg s29;
	s10 =	sadd.s32 s0, s30;
	s11 =	sshrl.u32 s31, $0x3  }
0x15: {  	s15 =	sor.u32 $0xC0, s5;
	[dreg:$0x12] =	wrdreg s10;
	s12 =	sadd.s32 s1, s11  }
0x16: {  	s14 =	sshll.u32 s31, $0x7;
	s13 =	sadd.s32 s4, s11;
	[dreg:$0x13] =	wrdreg s12  }
0x17: {  	s17 =	sshrl.u32 s15, $0x3;
	s16 =	sadd.s32 s0, s14;
	[dreg:$0x14] =	wrdreg s13  }
0x18: {  	s21 =	sor.u32 $0xE0, s5;
	s18 =	sadd.s32 s1, s17;
	[dreg:$0x15] =	wrdreg s16  }
0x19: {  	s20 =	sshll.u32 s15, $0x7;
	s19 =	sadd.s32 s4, s17;
	[dreg:$0x16] =	wrdreg s18  }
0x1a: {  	s23 =	sshrl.u32 s21, $0x3;
	s22 =	sadd.s32 s0, s20;
	[dreg:$0x17] =	wrdreg s19  }
0x1b: {  	s28 =	sor.u32 $0x100, s5;
	s24 =	sadd.s32 s1, s23;
	[dreg:$0x18] =	wrdreg s22  }
0x1c: {  	s26 =	sshll.u32 s21, $0x7;
	s25 =	sadd.s32 s4, s23;
	[dreg:$0x19] =	wrdreg s24  }
0x1d: {  	s30 =	sshrl.u32 s28, $0x3;
	s29 =	sadd.s32 s0, s26;
	[dreg:$0x1a] =	wrdreg s25  }
0x1e: {  	s31 =	sadd.s32 s1, s30;
	s10 =	sadd.s32 s4, s30;
	[dreg:$0x1b] =	wrdreg s29  }
0x1f: {  	s11 =	sshll.u32 s28, $0x7;
	[dreg:$0x1c] =	wrdreg s31;
	s12 =	sor.u32 $0x120, s5  }
0x20: {  	[dreg:$0x1d] =	wrdreg s10;
	s13 =	sadd.s32 s0, s11;
	s14 =	sshrl.u32 s12, $0x3  }
0x21: {  	s18 =	sor.u32 $0x140, s5;
	[dreg:$0x1e] =	wrdreg s13;
	s15 =	sadd.s32 s1, s14  }
0x22: {  	s17 =	sshll.u32 s12, $0x7;
	s16 =	sadd.s32 s4, s14;
	[dreg:$0x1f] =	wrdreg s15  }
0x23: {  	s20 =	sshrl.u32 s18, $0x3;
	s19 =	sadd.s32 s0, s17;
	[smem:$0x7EA] =	sst s16  }
0x24: {  	s24 =	sor.u32 $0x160, s5;
	s21 =	sadd.s32 s1, s20;
	[smem:$0x7EB] =	sst s19  }
0x25: {  	s23 =	sshll.u32 s18, $0x7;
	s22 =	sadd.s32 s4, s20;
	[smem:$0x7EC] =	sst s21  }
0x26: {  	s26 =	sshrl.u32 s24, $0x3;
	s25 =	sadd.s32 s0, s23;
	[smem:$0x7ED] =	sst s22  }
0x27: {  	s31 =	sor.u32 $0x180, s5;
	s28 =	sadd.s32 s1, s26;
	[smem:$0x7EE] =	sst s25  }
0x28: {  	s30 =	sshll.u32 s24, $0x7;
	s29 =	sadd.s32 s4, s26;
	[smem:$0x7EF] =	sst s28  }
0x29: {  	s11 =	sshrl.u32 s31, $0x3;
	s10 =	sadd.s32 s0, s30;
	[smem:$0x7F0] =	sst s29  }
0x2a: {  	s6 =	ssub.s32 $0x2, s6;
	s12 =	sadd.s32 s1, s11;
	[smem:$0x7F1] =	sst s10  }
0x2b: {  	s13 =	sadd.s32 s4, s11;
	s14 =	sshll.u32 s31, $0x7;
	[smem:$0x7F2] =	sst s12  }
0x2c: {  	s15 =	sor.u32 $0x1A0, s5;
	[smem:$0x7F3] =	sst s13;
	s16 =	sadd.s32 s0, s14  }
0x2d: {  	s21 =	sor.u32 $0x1C0, s5;
	s10 =	sshrl.u32 s6, $0x1;
	s17 =	sshrl.u32 s15, $0x3  }
0x2e: {  	s5 =	sor.u32 $0x1E0, s5;
	[smem:$0x7F4] =	sst s16;
	s18 =	sadd.s32 s1, s17  }
0x2f: {  	s20 =	sshll.u32 s15, $0x7;
	s19 =	sadd.s32 s4, s17;
	[smem:$0x7F5] =	sst s18  }
0x30: {  	s23 =	sshrl.u32 s21, $0x3;
	s22 =	sadd.s32 s0, s20;
	[smem:$0x7F6] =	sst s19  }
0x31: {  	s26 =	sshll.u32 s21, $0x7;
	s24 =	sadd.s32 s1, s23;
	[smem:$0x7F7] =	sst s22  }
0x32: {  	s29 =	sshrl.u32 s5, $0x3;
	s25 =	sadd.s32 s4, s23;
	[smem:$0x7F8] =	sst s24  }
0x33: {  	s30 =	ssub.s32 s6, s10;
	s28 =	sadd.s32 s0, s26;
	[smem:$0x7F9] =	sst s25  }
0x34: {  	s5 =	sshll.u32 s5, $0x7;
	s1 =	sadd.s32 s1, s29;
	[smem:$0x7FA] =	sst s28  }
0x35: {  	v2 =	vlaneseq.u32;
	s6 =	sadd.s32 $0x300, s2;
	s31 =	sadd.s32 s4, s29;
	[smem:$0x7FB] =	sst s1  }
0x36: {  	vm0 =	vmmov $0xffff;
	v1 =	vshrl.u32 v2, $0x3;
	s4 =	sadd.s32 $0x100, s2;
	s0 =	sadd.s32 s0, s5;
	[smem:$0x7FC] =	sst s31  }
0x37: {  	v0 =	vand.u32 $0x7, v2;
	v2 =	vor.u32 $0x8, v2;
	v1 =	vmul.u32 $0x8, v1;
	s5 =	sadd.s32 $0x200, s2;
	s7 =	smax.u32 s30, $0x1;
	[smem:$0x7FD] =	sst s0  }
.LBB2_1:
0x38: {  	[smem:$0x7E9] =	sst s7  }
0x39: {  	s10 =	rddreg [dreg:$0x4];
	s17 =	simm.s32 $0x18000  }
0x3a: {  	[tilespmem:s17], [sflag:$0x1] =	stream.linear.gather [hbm4b:s10+s3], $0x20, $0x38;
	[tilespmem:$0x18400] =	vst v63  }
0x3b: {  	s11 =	rddreg [dreg:$0x5];
	s19 =	simm.s32 $0x18200  }
0x3c: {  	[tilespmem:s19], [sflag:$0x1] =	stream.linear.gather [hbm4b:s11+s3], $0x20, $0x38;
	[tilespmem:$0x18400] =	vst v63  }
0x3d: {  	s18 =	rddreg [dreg:$0x6]  }
0x3e: {  	[tilespmem:s3], [sflag:$0x1] =	stream.linear.gather [hbm4b:s18+s3], $0x8000, $0x38;
	[tilespmem:$0x18400] =	vst v63  }
0x3f: {  	s20 =	rddreg [dreg:$0x7];
	s1 =	simm.s32 $0x18080  }
0x40: {  	[tilespmem:s1], [sflag:$0x2] =	stream.linear.gather [hbm4b:s20+s3], $0x20, $0x38;
	[tilespmem:$0x18400] =	vst v63  }
0x41: {  	s21 =	rddreg [dreg:$0x8];
	s23 =	simm.s32 $0x18280  }
0x42: {  	[tilespmem:s23], [sflag:$0x2] =	stream.linear.gather [hbm4b:s21+s3], $0x20, $0x38;
	[tilespmem:$0x18400] =	vst v63  }
0x43: {  	s22 =	rddreg [dreg:$0x9];
	s26 =	simm.s32 $0x8000;
	s0 =	simm.s32 $0x1  }
0x44: {  	[tilespmem:s26], [sflag:$0x2] =	stream.linear.gather [hbm4b:s22+s3], $0x8000, $0x38;
	[tilespmem:$0x18400] =	vst v63  }
0x45: {  	_ =	swait.ge [sflag:s0], $0x20  }
0x46: {  	[sflag:s0] =	ssyncset.done $0x0  }
0x47: {  	[sflag:s0] =	ssyncadd.s32 $0xFFFFFFE0  }
0x48: {  	_ =	swait.ge [sflag:s0], $0x20  }
0x49: {  	[sflag:s0] =	ssyncset.done $0x0  }
0x4a: {  	[sflag:s0] =	ssyncadd.s32 $0xFFFFFFE0  }
0x4b: {  	_ =	swait.ge [sflag:s0], $0x8000  }
0x4c: {  	[sflag:s0] =	ssyncset.done $0x0  }
0x4d: {  	[sflag:s0] =	ssyncadd.s32 $0xFFFF8000  }
0x4e: {  	v3 =	vld [tilespmem:$0x18000];
	_ =	sdelay $0x4  }
0x4f: {  	v4 =	vshll.u32 v3, $0x3  }
0x50: {  	v3 =	vand.u32 $0x7, v3;
	v4 =	vand.u32 $0xFFFFFFC0, v4  }
0x51: {  	v3 =	vor.u32 v3, v4  }
0x52: {  	v4 =	vperm.xlane v3, v0;
	_ =	sdelay $0x1  }
0x53: {  	v4 =	vadd.s32 v1, v4;
	_ =	sdelay $0x4  }
0x54: {  	[hbm4b:s2+s3] =	stream.indirect_vreg.scatter [tilespmem:s3], [sflag:$0x4], $0x80, v4, vm0, $0xb8;
	[tilespmem:$0x18400] =	vst v63  }
0x55: {  	s28 =	simm.s32 $0x800;
	v3 =	vperm.xlane v3, v2  }
0x56: {  	[hbm4b:s4+s3] =	stream.indirect_vreg.scatter [tilespmem:s28], [sflag:$0x4], $0x80, v4, vm0, $0xb8;
	[tilespmem:$0x18400] =	vst v63  }
0x57: {  	s29 =	simm.s32 $0x1000;
	v3 =	vadd.s32 v1, v3  }
0x58: {  	[hbm4b:s5+s3] =	stream.indirect_vreg.scatter [tilespmem:s29], [sflag:$0x4], $0x80, v4, vm0, $0xb8;
	[tilespmem:$0x18400] =	vst v63  }
0x59: {  	s30 =	simm.s32 $0x1800  }
0x5a: {  	[hbm4b:s6+s3] =	stream.indirect_vreg.scatter [tilespmem:s30], [sflag:$0x4], $0x80, v4, vm0, $0xb8;
	[tilespmem:$0x18400] =	vst v63  }
0x5b: {  	s31 =	simm.s32 $0x2000  }
0x5c: {  	[hbm4b:s2+s3] =	stream.indirect_vreg.scatter [tilespmem:s31], [sflag:$0x4], $0x80, v3, vm0, $0xb8;
	[tilespmem:$0x18400] =	vst v63  }
0x5d: {  	s10 =	simm.s32 $0x2800  }
0x5e: {  	[hbm4b:s4+s3] =	stream.indirect_vreg.scatter [tilespmem:s10], [sflag:$0x4], $0x80, v3, vm0, $0xb8;
	[tilespmem:$0x18400] =	vst v63  }
0x5f: {  	s11 =	simm.s32 $0x3000  }
0x60: {  	[hbm4b:s5+s3] =	stream.indirect_vreg.scatter [tilespmem:s11], [sflag:$0x4], $0x80, v3, vm0, $0xb8;
	[tilespmem:$0x18400] =	vst v63  }
0x61: {  	s12 =	simm.s32 $0x3800  }
0x62: {  	[hbm4b:s6+s3] =	stream.indirect_vreg.scatter [tilespmem:s12], [sflag:$0x4], $0x80, v3, vm0, $0xb8;
	[tilespmem:$0x18400] =	vst v63  }
0x63: {  	v3 =	vld [tilespmem:$0x18010];
	_ =	sdelay $0x4  }
0x64: {  	v57 =	vshll.u32 v3, $0x3  }
0x65: {  	v3 =	vand.u32 $0x7, v3;
	v4 =	vand.u32 $0xFFFFFFC0, v57  }
0x66: {  	v3 =	vor.u32 v3, v4  }
0x67: {  	v4 =	vperm.xlane v3, v0;
	_ =	sdelay $0x1  }
0x68: {  	v4 =	vadd.s32 v1, v4;
	_ =	sdelay $0x3  }
0x69: {  	s13 =	simm.s32 $0x4000  }
0x6a: {  	[hbm4b:s2+s3] =	stream.indirect_vreg.scatter [tilespmem:s13], [sflag:$0x4], $0x80, v4, vm0, $0xb8;
	[tilespmem:$0x18400] =	vst v63  }
0x6b: {  	s17 =	simm.s32 $0x4800;
	v3 =	vperm.xlane v3, v2  }
0x6c: {  	[hbm4b:s4+s3] =	stream.indirect_vreg.scatter [tilespmem:s17], [sflag:$0x4], $0x80, v4, vm0, $0xb8;
	[tilespmem:$0x18400] =	vst v63  }
0x6d: {  	s19 =	simm.s32 $0x5000;
	v3 =	vadd.s32 v1, v3  }
0x6e: {  	[hbm4b:s5+s3] =	stream.indirect_vreg.scatter [tilespmem:s19], [sflag:$0x4], $0x80, v4, vm0, $0xb8;
	[tilespmem:$0x18400] =	vst v63  }
0x6f: {  	s23 =	simm.s32 $0x5800  }
0x70: {  	[hbm4b:s6+s3] =	stream.indirect_vreg.scatter [tilespmem:s23], [sflag:$0x4], $0x80, v4, vm0, $0xb8;
	[tilespmem:$0x18400] =	vst v63  }
0x71: {  	s28 =	simm.s32 $0x6000  }
0x72: {  	[hbm4b:s2+s3] =	stream.indirect_vreg.scatter [tilespmem:s28], [sflag:$0x4], $0x80, v3, vm0, $0xb8;
	[tilespmem:$0x18400] =	vst v63  }
0x73: {  	s30 =	simm.s32 $0x6800  }
0x74: {  	[hbm4b:s4+s3] =	stream.indirect_vreg.scatter [tilespmem:s30], [sflag:$0x4], $0x80, v3, vm0, $0xb8;
	[tilespmem:$0x18400] =	vst v63  }
0x75: {  	s8 =	simm.s32 $0x7000  }
0x76: {  	[hbm4b:s5+s3] =	stream.indirect_vreg.scatter [tilespmem:s8], [sflag:$0x4], $0x80, v3, vm0, $0xb8;
	[tilespmem:$0x18400] =	vst v63  }
0x77: {  	s12 =	simm.s32 $0x7800  }
0x78: {  	[hbm4b:s6+s3] =	stream.indirect_vreg.scatter [tilespmem:s12], [sflag:$0x4], $0x80, v3, vm0, $0xb8;
	[tilespmem:$0x18400] =	vst v63  }
0x79: {  	v3 =	vld [tilespmem:$0x18200];
	_ =	sdelay $0x4  }
0x7a: {  	v58 =	vshll.u32 v3, $0x3  }
0x7b: {  	v3 =	vand.u32 $0x7, v3;
	v4 =	vand.u32 $0xFFFFFFC0, v58  }
0x7c: {  	v3 =	vor.u32 v3, v4  }
0x7d: {  	v4 =	vperm.xlane v3, v0;
	_ =	sdelay $0x1  }
0x7e: {  	v4 =	vadd.s32 v1, v4;
	_ =	sdelay $0x4  }
0x7f: {  	[hbm4b:s2+s3] =	stream.indirect_vreg.scatter [tilespmem:s3], [sflag:$0x4], $0x80, v4, vm0, $0xb8;
	[tilespmem:$0x18400] =	vst v63  }
0x80: {  	s20 =	simm.s32 $0x800;
	v3 =	vperm.xlane v3, v2  }
0x81: {  	[hbm4b:s4+s3] =	stream.indirect_vreg.scatter [tilespmem:s20], [sflag:$0x4], $0x80, v4, vm0, $0xb8;
	[tilespmem:$0x18400] =	vst v63  }
0x82: {  	s14 =	simm.s32 $0x1000;
	v3 =	vadd.s32 v1, v3  }
0x83: {  	[hbm4b:s5+s3] =	stream.indirect_vreg.scatter [tilespmem:s14], [sflag:$0x4], $0x80, v4, vm0, $0xb8;
	[tilespmem:$0x18400] =	vst v63  }
0x84: {  	s15 =	simm.s32 $0x1800  }
0x85: {  	[hbm4b:s6+s3] =	stream.indirect_vreg.scatter [tilespmem:s15], [sflag:$0x4], $0x80, v4, vm0, $0xb8;
	[tilespmem:$0x18400] =	vst v63  }
0x86: {  	s0 =	simm.s32 $0x2000  }
0x87: {  	[hbm4b:s2+s3] =	stream.indirect_vreg.scatter [tilespmem:s0], [sflag:$0x4], $0x80, v3, vm0, $0xb8;
	[tilespmem:$0x18400] =	vst v63  }
0x88: {  	s9 =	simm.s32 $0x2800  }
0x89: {  	[hbm4b:s4+s3] =	stream.indirect_vreg.scatter [tilespmem:s9], [sflag:$0x4], $0x80, v3, vm0, $0xb8;
	[tilespmem:$0x18400] =	vst v63  }
0x8a: {  	s16 =	simm.s32 $0x3000  }
0x8b: {  	[hbm4b:s5+s3] =	stream.indirect_vreg.scatter [tilespmem:s16], [sflag:$0x4], $0x80, v3, vm0, $0xb8;
	[tilespmem:$0x18400] =	vst v63  }
0x8c: {  	s18 =	simm.s32 $0x3800  }
0x8d: {  	[hbm4b:s6+s3] =	stream.indirect_vreg.scatter [tilespmem:s18], [sflag:$0x4], $0x80, v3, vm0, $0xb8;
	[tilespmem:$0x18400] =	vst v63  }
0x8e: {  	v3 =	vld [tilespmem:$0x18210];
	_ =	sdelay $0x4  }
0x8f: {  	v59 =	vshll.u32 v3, $0x3  }
0x90: {  	v3 =	vand.u32 $0x7, v3;
	v4 =	vand.u32 $0xFFFFFFC0, v59  }
0x91: {  	v3 =	vor.u32 v3, v4  }
0x92: {  	v4 =	vperm.xlane v3, v0;
	_ =	sdelay $0x1  }
0x93: {  	v4 =	vadd.s32 v1, v4;
	_ =	sdelay $0x3  }
0x94: {  	s21 =	simm.s32 $0x4000  }
0x95: {  	[hbm4b:s2+s3] =	stream.indirect_vreg.scatter [tilespmem:s21], [sflag:$0x4], $0x80, v4, vm0, $0xb8;
	[tilespmem:$0x18400] =	vst v63  }
0x96: {  	s22 =	simm.s32 $0x4800;
	v3 =	vperm.xlane v3, v2  }
0x97: {  	[hbm4b:s4+s3] =	stream.indirect_vreg.scatter [tilespmem:s22], [sflag:$0x4], $0x80, v4, vm0, $0xb8;
	[tilespmem:$0x18400] =	vst v63  }
0x98: {  	s17 =	simm.s32 $0x5000;
	v3 =	vadd.s32 v1, v3  }
0x99: {  	[hbm4b:s5+s3] =	stream.indirect_vreg.scatter [tilespmem:s17], [sflag:$0x4], $0x80, v4, vm0, $0xb8;
	[tilespmem:$0x18400] =	vst v63  }
0x9a: {  	s26 =	simm.s32 $0x5800  }
0x9b: {  	[hbm4b:s6+s3] =	stream.indirect_vreg.scatter [tilespmem:s26], [sflag:$0x4], $0x80, v4, vm0, $0xb8;
	[tilespmem:$0x18400] =	vst v63  }
0x9c: {  	s29 =	simm.s32 $0x6000  }
0x9d: {  	[hbm4b:s2+s3] =	stream.indirect_vreg.scatter [tilespmem:s29], [sflag:$0x4], $0x80, v3, vm0, $0xb8;
	[tilespmem:$0x18400] =	vst v63  }
0x9e: {  	s31 =	simm.s32 $0x6800  }
0x9f: {  	[hbm4b:s4+s3] =	stream.indirect_vreg.scatter [tilespmem:s31], [sflag:$0x4], $0x80, v3, vm0, $0xb8;
	[tilespmem:$0x18400] =	vst v63  }
0xa0: {  	s23 =	simm.s32 $0x7000  }
0xa1: {  	[hbm4b:s5+s3] =	stream.indirect_vreg.scatter [tilespmem:s23], [sflag:$0x4], $0x80, v3, vm0, $0xb8;
	[tilespmem:$0x18400] =	vst v63  }
0xa2: {  	s13 =	simm.s32 $0x7800  }
0xa3: {  	[hbm4b:s6+s3] =	stream.indirect_vreg.scatter [tilespmem:s13], [sflag:$0x4], $0x80, v3, vm0, $0xb8;
	[tilespmem:$0x18400] =	vst v63  }
0xa4: {  	s19 =	rddreg [dreg:$0xa];
	s21 =	simm.s32 $0x18100  }
0xa5: {  	[tilespmem:s21], [sflag:$0x3] =	stream.linear.gather [hbm4b:s19+s3], $0x20, $0x38;
	[tilespmem:$0x18400] =	vst v63  }
0xa6: {  	s20 =	rddreg [dreg:$0xb];
	s23 =	simm.s32 $0x18300  }
0xa7: {  	[tilespmem:s23], [sflag:$0x3] =	stream.linear.gather [hbm4b:s20+s3], $0x20, $0x38;
	[tilespmem:$0x18400] =	vst v63  }
0xa8: {  	s22 =	rddreg [dreg:$0xc];
	s26 =	simm.s32 $0x10000;
	s13 =	simm.s32 $0x2  }
0xa9: {  	[tilespmem:s26], [sflag:$0x3] =	stream.linear.gather [hbm4b:s22+s3], $0x8000, $0x38;
	[tilespmem:$0x18400] =	vst v63  }
0xaa: {  	_ =	swait.ge [sflag:s13], $0x20  }
0xab: {  	[sflag:s13] =	ssyncset.done $0x0  }
0xac: {  	[sflag:s13] =	ssyncadd.s32 $0xFFFFFFE0  }
0xad: {  	_ =	swait.ge [sflag:s13], $0x20  }
0xae: {  	[sflag:s13] =	ssyncset.done $0x0  }
0xaf: {  	[sflag:s13] =	ssyncadd.s32 $0xFFFFFFE0  }
0xb0: {  	_ =	swait.ge [sflag:s13], $0x8000  }
0xb1: {  	[sflag:s13] =	ssyncset.done $0x0  }
0xb2: {  	[sflag:s13] =	ssyncadd.s32 $0xFFFF8000  }
0xb3: {  	v3 =	vld [tilespmem:$0x18080];
	_ =	sdelay $0x4  }
0xb4: {  	v60 =	vshll.u32 v3, $0x3  }
0xb5: {  	v3 =	vand.u32 $0x7, v3;
	v4 =	vand.u32 $0xFFFFFFC0, v60  }
0xb6: {  	v3 =	vor.u32 v3, v4  }
0xb7: {  	v4 =	vperm.xlane v3, v0;
	_ =	sdelay $0x1  }
0xb8: {  	v4 =	vadd.s32 v1, v4;
	_ =	sdelay $0x3  }
0xb9: {  	s1 =	simm.s32 $0x8000  }
0xba: {  	[hbm4b:s2+s3] =	stream.indirect_vreg.scatter [tilespmem:s1], [sflag:$0x5], $0x80, v4, vm0, $0xb8;
	[tilespmem:$0x18400] =	vst v63  }
0xbb: {  	s28 =	simm.s32 $0x8800;
	v3 =	vperm.xlane v3, v2  }
0xbc: {  	[hbm4b:s4+s3] =	stream.indirect_vreg.scatter [tilespmem:s28], [sflag:$0x5], $0x80, v4, vm0, $0xb8;
	[tilespmem:$0x18400] =	vst v63  }
0xbd: {  	s29 =	simm.s32 $0x9000;
	v3 =	vadd.s32 v1, v3  }
0xbe: {  	[hbm4b:s5+s3] =	stream.indirect_vreg.scatter [tilespmem:s29], [sflag:$0x5], $0x80, v4, vm0, $0xb8;
	[tilespmem:$0x18400] =	vst v63  }
0xbf: {  	s30 =	simm.s32 $0x9800  }
0xc0: {  	[hbm4b:s6+s3] =	stream.indirect_vreg.scatter [tilespmem:s30], [sflag:$0x5], $0x80, v4, vm0, $0xb8;
	[tilespmem:$0x18400] =	vst v63  }
0xc1: {  	s31 =	simm.s32 $0xA000  }
0xc2: {  	[hbm4b:s2+s3] =	stream.indirect_vreg.scatter [tilespmem:s31], [sflag:$0x5], $0x80, v3, vm0, $0xb8;
	[tilespmem:$0x18400] =	vst v63  }
0xc3: {  	s0 =	simm.s32 $0xA800  }
0xc4: {  	[hbm4b:s4+s3] =	stream.indirect_vreg.scatter [tilespmem:s0], [sflag:$0x5], $0x80, v3, vm0, $0xb8;
	[tilespmem:$0x18400] =	vst v63  }
0xc5: {  	s7 =	simm.s32 $0xB000  }
0xc6: {  	[hbm4b:s5+s3] =	stream.indirect_vreg.scatter [tilespmem:s7], [sflag:$0x5], $0x80, v3, vm0, $0xb8;
	[tilespmem:$0x18400] =	vst v63  }
0xc7: {  	s8 =	simm.s32 $0xB800  }
0xc8: {  	[hbm4b:s6+s3] =	stream.indirect_vreg.scatter [tilespmem:s8], [sflag:$0x5], $0x80, v3, vm0, $0xb8;
	[tilespmem:$0x18400] =	vst v63  }
0xc9: {  	v3 =	vld [tilespmem:$0x18090];
	_ =	sdelay $0x4  }
0xca: {  	v61 =	vshll.u32 v3, $0x3  }
0xcb: {  	v3 =	vand.u32 $0x7, v3;
	v4 =	vand.u32 $0xFFFFFFC0, v61  }
0xcc: {  	v3 =	vor.u32 v3, v4  }
0xcd: {  	v4 =	vperm.xlane v3, v0;
	_ =	sdelay $0x1  }
0xce: {  	v4 =	vadd.s32 v1, v4;
	_ =	sdelay $0x3  }
0xcf: {  	s9 =	simm.s32 $0xC000  }
0xd0: {  	[hbm4b:s2+s3] =	stream.indirect_vreg.scatter [tilespmem:s9], [sflag:$0x5], $0x80, v4, vm0, $0xb8;
	[tilespmem:$0x18400] =	vst v63  }
0xd1: {  	s14 =	simm.s32 $0xC800;
	v3 =	vperm.xlane v3, v2  }
0xd2: {  	[hbm4b:s4+s3] =	stream.indirect_vreg.scatter [tilespmem:s14], [sflag:$0x5], $0x80, v4, vm0, $0xb8;
	[tilespmem:$0x18400] =	vst v63  }
0xd3: {  	s18 =	simm.s32 $0xD000;
	v3 =	vadd.s32 v1, v3  }
0xd4: {  	[hbm4b:s5+s3] =	stream.indirect_vreg.scatter [tilespmem:s18], [sflag:$0x5], $0x80, v4, vm0, $0xb8;
	[tilespmem:$0x18400] =	vst v63  }
0xd5: {  	s19 =	simm.s32 $0xD800  }
0xd6: {  	[hbm4b:s6+s3] =	stream.indirect_vreg.scatter [tilespmem:s19], [sflag:$0x5], $0x80, v4, vm0, $0xb8;
	[tilespmem:$0x18400] =	vst v63  }
0xd7: {  	s21 =	simm.s32 $0xE000  }
0xd8: {  	[hbm4b:s2+s3] =	stream.indirect_vreg.scatter [tilespmem:s21], [sflag:$0x5], $0x80, v3, vm0, $0xb8;
	[tilespmem:$0x18400] =	vst v63  }
0xd9: {  	s22 =	simm.s32 $0xE800  }
0xda: {  	[hbm4b:s4+s3] =	stream.indirect_vreg.scatter [tilespmem:s22], [sflag:$0x5], $0x80, v3, vm0, $0xb8;
	[tilespmem:$0x18400] =	vst v63  }
0xdb: {  	s31 =	simm.s32 $0xF000  }
0xdc: {  	[hbm4b:s5+s3] =	stream.indirect_vreg.scatter [tilespmem:s31], [sflag:$0x5], $0x80, v3, vm0, $0xb8;
	[tilespmem:$0x18400] =	vst v63  }
0xdd: {  	s9 =	simm.s32 $0xF800  }
0xde: {  	[hbm4b:s6+s3] =	stream.indirect_vreg.scatter [tilespmem:s9], [sflag:$0x5], $0x80, v3, vm0, $0xb8;
	[tilespmem:$0x18400] =	vst v63  }
0xdf: {  	v3 =	vld [tilespmem:$0x18280];
	_ =	sdelay $0x4  }
0xe0: {  	v62 =	vshll.u32 v3, $0x3  }
0xe1: {  	v3 =	vand.u32 $0x7, v3;
	v4 =	vand.u32 $0xFFFFFFC0, v62  }
0xe2: {  	v3 =	vor.u32 v3, v4  }
0xe3: {  	v4 =	vperm.xlane v3, v0;
	_ =	sdelay $0x1  }
0xe4: {  	v4 =	vadd.s32 v1, v4;
	_ =	sdelay $0x4  }
0xe5: {  	[hbm4b:s2+s3] =	stream.indirect_vreg.scatter [tilespmem:s1], [sflag:$0x5], $0x80, v4, vm0, $0xb8;
	[tilespmem:$0x18400] =	vst v63  }
0xe6: {  	s26 =	simm.s32 $0x8800;
	v3 =	vperm.xlane v3, v2  }
0xe7: {  	[hbm4b:s4+s3] =	stream.indirect_vreg.scatter [tilespmem:s26], [sflag:$0x5], $0x80, v4, vm0, $0xb8;
	[tilespmem:$0x18400] =	vst v63  }
0xe8: {  	s20 =	simm.s32 $0x9000;
	v3 =	vadd.s32 v1, v3  }
0xe9: {  	[hbm4b:s5+s3] =	stream.indirect_vreg.scatter [tilespmem:s20], [sflag:$0x5], $0x80, v4, vm0, $0xb8;
	[tilespmem:$0x18400] =	vst v63  }
0xea: {  	s11 =	simm.s32 $0x9800  }
0xeb: {  	[hbm4b:s6+s3] =	stream.indirect_vreg.scatter [tilespmem:s11], [sflag:$0x5], $0x80, v4, vm0, $0xb8;
	[tilespmem:$0x18400] =	vst v63  }
0xec: {  	s29 =	simm.s32 $0xA000  }
0xed: {  	[hbm4b:s2+s3] =	stream.indirect_vreg.scatter [tilespmem:s29], [sflag:$0x5], $0x80, v3, vm0, $0xb8;
	[tilespmem:$0x18400] =	vst v63  }
0xee: {  	s12 =	simm.s32 $0xA800  }
0xef: {  	[hbm4b:s4+s3] =	stream.indirect_vreg.scatter [tilespmem:s12], [sflag:$0x5], $0x80, v3, vm0, $0xb8;
	[tilespmem:$0x18400] =	vst v63  }
0xf0: {  	s7 =	simm.s32 $0xB000  }
0xf1: {  	[hbm4b:s5+s3] =	stream.indirect_vreg.scatter [tilespmem:s7], [sflag:$0x5], $0x80, v3, vm0, $0xb8;
	[tilespmem:$0x18400] =	vst v63  }
0xf2: {  	s15 =	simm.s32 $0xB800  }
0xf3: {  	[hbm4b:s6+s3] =	stream.indirect_vreg.scatter [tilespmem:s15], [sflag:$0x5], $0x80, v3, vm0, $0xb8;
	[tilespmem:$0x18400] =	vst v63  }
0xf4: {  	v3 =	vld [tilespmem:$0x18290];
	_ =	sdelay $0x4  }
0xf5: {  	v63 =	vshll.u32 v3, $0x3  }
0xf6: {  	v3 =	vand.u32 $0x7, v3;
	v4 =	vand.u32 $0xFFFFFFC0, v63  }
0xf7: {  	v3 =	vor.u32 v3, v4  }
0xf8: {  	v4 =	vperm.xlane v3, v0;
	_ =	sdelay $0x1  }
0xf9: {  	v4 =	vadd.s32 v1, v4;
	_ =	sdelay $0x3  }
0xfa: {  	s28 =	simm.s32 $0xC000  }
0xfb: {  	[hbm4b:s2+s3] =	stream.indirect_vreg.scatter [tilespmem:s28], [sflag:$0x5], $0x80, v4, vm0, $0xb8;
	[tilespmem:$0x18400] =	vst v63  }
0xfc: {  	s30 =	simm.s32 $0xC800;
	v3 =	vperm.xlane v3, v2  }
0xfd: {  	[hbm4b:s4+s3] =	stream.indirect_vreg.scatter [tilespmem:s30], [sflag:$0x5], $0x80, v4, vm0, $0xb8;
	[tilespmem:$0x18400] =	vst v63  }
0xfe: {  	s14 =	simm.s32 $0xD000;
	v3 =	vadd.s32 v1, v3  }
0xff: {  	[hbm4b:s5+s3] =	stream.indirect_vreg.scatter [tilespmem:s14], [sflag:$0x5], $0x80, v4, vm0, $0xb8;
	[tilespmem:$0x18400] =	vst v63  }
0x100: {  	s18 =	simm.s32 $0xD800  }
0x101: {  	[hbm4b:s6+s3] =	stream.indirect_vreg.scatter [tilespmem:s18], [sflag:$0x5], $0x80, v4, vm0, $0xb8;
	[tilespmem:$0x18400] =	vst v63  }
0x102: {  	s21 =	simm.s32 $0xE000  }
0x103: {  	[hbm4b:s2+s3] =	stream.indirect_vreg.scatter [tilespmem:s21], [sflag:$0x5], $0x80, v3, vm0, $0xb8;
	[tilespmem:$0x18400] =	vst v63  }
0x104: {  	s23 =	simm.s32 $0xE800  }
0x105: {  	[hbm4b:s4+s3] =	stream.indirect_vreg.scatter [tilespmem:s23], [sflag:$0x5], $0x80, v3, vm0, $0xb8;
	[tilespmem:$0x18400] =	vst v63  }
0x106: {  	s0 =	simm.s32 $0xF000  }
0x107: {  	[hbm4b:s5+s3] =	stream.indirect_vreg.scatter [tilespmem:s0], [sflag:$0x5], $0x80, v3, vm0, $0xb8;
	[tilespmem:$0x18400] =	vst v63  }
0x108: {  	s19 =	simm.s32 $0xF800;
	s31 =	simm.s32 $0x4  }
0x109: {  	[hbm4b:s6+s3] =	stream.indirect_vreg.scatter [tilespmem:s19], [sflag:$0x5], $0x80, v3, vm0, $0xb8;
	[tilespmem:$0x18400] =	vst v63  }
0x10a: {  	_ =	swait.ge [sflag:s31], $0x8000  }
0x10b: {  	[sflag:s31] =	ssyncset.done $0x0  }
0x10c: {  	[sflag:s31] =	ssyncadd.s32 $0xFFFF8000  }
0x10d: {  	_ =	swait.ge [sflag:s31], $0x8000  }
0x10e: {  	[sflag:s31] =	ssyncset.done $0x0  }
0x10f: {  	s24 =	simm.s32 $0x18000;
	s1 =	rddreg [dreg:$0xd];
	[sflag:s31] =	ssyncadd.s32 $0xFFFF8000  }
0x110: {  	[tilespmem:s24], [sflag:$0x1] =	stream.linear.gather [hbm4b:s1+s3], $0x20, $0x38;
	[tilespmem:$0x18400] =	vst v63  }
0x111: {  	s25 =	simm.s32 $0x18200;
	s9 =	rddreg [dreg:$0xe]  }
0x112: {  	[tilespmem:s25], [sflag:$0x1] =	stream.linear.gather [hbm4b:s9+s3], $0x20, $0x38;
	[tilespmem:$0x18400] =	vst v63  }
0x113: {  	s15 =	simm.s32 $0x3;
	s12 =	rddreg [dreg:$0xf]  }
0x114: {  	[tilespmem:s3], [sflag:$0x1] =	stream.linear.gather [hbm4b:s12+s3], $0x8000, $0x38;
	[tilespmem:$0x18400] =	vst v63  }
0x115: {  	_ =	swait.ge [sflag:s15], $0x20  }
0x116: {  	[sflag:s15] =	ssyncset.done $0x0  }
0x117: {  	[sflag:s15] =	ssyncadd.s32 $0xFFFFFFE0  }
0x118: {  	_ =	swait.ge [sflag:s15], $0x20  }
0x119: {  	[sflag:s15] =	ssyncset.done $0x0  }
0x11a: {  	[sflag:s15] =	ssyncadd.s32 $0xFFFFFFE0  }
0x11b: {  	_ =	swait.ge [sflag:s15], $0x8000  }
0x11c: {  	[sflag:s15] =	ssyncset.done $0x0  }
0x11d: {  	[sflag:s15] =	ssyncadd.s32 $0xFFFF8000  }
0x11e: {  	v3 =	vld [tilespmem:$0x18100];
	_ =	sdelay $0x4  }
0x11f: {  	v8 =	vshll.u32 v3, $0x3  }
0x120: {  	v3 =	vand.u32 $0x7, v3;
	v4 =	vand.u32 $0xFFFFFFC0, v8  }
0x121: {  	v3 =	vor.u32 v3, v4  }
0x122: {  	v4 =	vperm.xlane v3, v0;
	_ =	sdelay $0x1  }
0x123: {  	v4 =	vadd.s32 v1, v4;
	_ =	sdelay $0x3  }
0x124: {  	s9 =	simm.s32 $0x10000  }
0x125: {  	[hbm4b:s2+s3] =	stream.indirect_vreg.scatter [tilespmem:s9], [sflag:$0x6], $0x80, v4, vm0, $0xb8;
	[tilespmem:$0x18400] =	vst v63  }
0x126: {  	s18 =	simm.s32 $0x10800;
	v3 =	vperm.xlane v3, v2  }
0x127: {  	[hbm4b:s4+s3] =	stream.indirect_vreg.scatter [tilespmem:s18], [sflag:$0x6], $0x80, v4, vm0, $0xb8;
	[tilespmem:$0x18400] =	vst v63  }
0x128: {  	s19 =	simm.s32 $0x11000;
	v3 =	vadd.s32 v1, v3  }
0x129: {  	[hbm4b:s5+s3] =	stream.indirect_vreg.scatter [tilespmem:s19], [sflag:$0x6], $0x80, v4, vm0, $0xb8;
	[tilespmem:$0x18400] =	vst v63  }
0x12a: {  	s20 =	simm.s32 $0x11800  }
0x12b: {  	[hbm4b:s6+s3] =	stream.indirect_vreg.scatter [tilespmem:s20], [sflag:$0x6], $0x80, v4, vm0, $0xb8;
	[tilespmem:$0x18400] =	vst v63  }
0x12c: {  	s21 =	simm.s32 $0x12000  }
0x12d: {  	[hbm4b:s2+s3] =	stream.indirect_vreg.scatter [tilespmem:s21], [sflag:$0x6], $0x80, v3, vm0, $0xb8;
	[tilespmem:$0x18400] =	vst v63  }
0x12e: {  	s22 =	simm.s32 $0x12800  }
0x12f: {  	[hbm4b:s4+s3] =	stream.indirect_vreg.scatter [tilespmem:s22], [sflag:$0x6], $0x80, v3, vm0, $0xb8;
	[tilespmem:$0x18400] =	vst v63  }
0x130: {  	s23 =	simm.s32 $0x13000  }
0x131: {  	[hbm4b:s5+s3] =	stream.indirect_vreg.scatter [tilespmem:s23], [sflag:$0x6], $0x80, v3, vm0, $0xb8;
	[tilespmem:$0x18400] =	vst v63  }
0x132: {  	s24 =	simm.s32 $0x13800  }
0x133: {  	[hbm4b:s6+s3] =	stream.indirect_vreg.scatter [tilespmem:s24], [sflag:$0x6], $0x80, v3, vm0, $0xb8;
	[tilespmem:$0x18400] =	vst v63  }
0x134: {  	v3 =	vld [tilespmem:$0x18110];
	_ =	sdelay $0x4  }
0x135: {  	v9 =	vshll.u32 v3, $0x3  }
0x136: {  	v3 =	vand.u32 $0x7, v3;
	v4 =	vand.u32 $0xFFFFFFC0, v9  }
0x137: {  	v3 =	vor.u32 v3, v4  }
0x138: {  	v4 =	vperm.xlane v3, v0;
	_ =	sdelay $0x1  }
0x139: {  	v4 =	vadd.s32 v1, v4;
	_ =	sdelay $0x3  }
0x13a: {  	s25 =	simm.s32 $0x14000  }
0x13b: {  	[hbm4b:s2+s3] =	stream.indirect_vreg.scatter [tilespmem:s25], [sflag:$0x6], $0x80, v4, vm0, $0xb8;
	[tilespmem:$0x18400] =	vst v63  }
0x13c: {  	s29 =	simm.s32 $0x14800;
	v3 =	vperm.xlane v3, v2  }
0x13d: {  	[hbm4b:s4+s3] =	stream.indirect_vreg.scatter [tilespmem:s29], [sflag:$0x6], $0x80, v4, vm0, $0xb8;
	[tilespmem:$0x18400] =	vst v63  }
0x13e: {  	s0 =	simm.s32 $0x15000;
	v3 =	vadd.s32 v1, v3  }
0x13f: {  	[hbm4b:s5+s3] =	stream.indirect_vreg.scatter [tilespmem:s0], [sflag:$0x6], $0x80, v4, vm0, $0xb8;
	[tilespmem:$0x18400] =	vst v63  }
0x140: {  	s1 =	simm.s32 $0x15800  }
0x141: {  	[hbm4b:s6+s3] =	stream.indirect_vreg.scatter [tilespmem:s1], [sflag:$0x6], $0x80, v4, vm0, $0xb8;
	[tilespmem:$0x18400] =	vst v63  }
0x142: {  	s12 =	simm.s32 $0x16000  }
0x143: {  	[hbm4b:s2+s3] =	stream.indirect_vreg.scatter [tilespmem:s12], [sflag:$0x6], $0x80, v3, vm0, $0xb8;
	[tilespmem:$0x18400] =	vst v63  }
0x144: {  	s19 =	simm.s32 $0x16800  }
0x145: {  	[hbm4b:s4+s3] =	stream.indirect_vreg.scatter [tilespmem:s19], [sflag:$0x6], $0x80, v3, vm0, $0xb8;
	[tilespmem:$0x18400] =	vst v63  }
0x146: {  	s20 =	simm.s32 $0x17000  }
0x147: {  	[hbm4b:s5+s3] =	stream.indirect_vreg.scatter [tilespmem:s20], [sflag:$0x6], $0x80, v3, vm0, $0xb8;
	[tilespmem:$0x18400] =	vst v63  }
0x148: {  	s29 =	simm.s32 $0x17800  }
0x149: {  	[hbm4b:s6+s3] =	stream.indirect_vreg.scatter [tilespmem:s29], [sflag:$0x6], $0x80, v3, vm0, $0xb8;
	[tilespmem:$0x18400] =	vst v63  }
0x14a: {  	v3 =	vld [tilespmem:$0x18300];
	_ =	sdelay $0x4  }
0x14b: {  	v10 =	vshll.u32 v3, $0x3  }
0x14c: {  	v3 =	vand.u32 $0x7, v3;
	v4 =	vand.u32 $0xFFFFFFC0, v10  }
0x14d: {  	v3 =	vor.u32 v3, v4  }
0x14e: {  	v4 =	vperm.xlane v3, v0;
	_ =	sdelay $0x1  }
0x14f: {  	v4 =	vadd.s32 v1, v4;
	_ =	sdelay $0x4  }
0x150: {  	[hbm4b:s2+s3] =	stream.indirect_vreg.scatter [tilespmem:s9], [sflag:$0x6], $0x80, v4, vm0, $0xb8;
	[tilespmem:$0x18400] =	vst v63  }
0x151: {  	s28 =	simm.s32 $0x10800;
	v3 =	vperm.xlane v3, v2  }
0x152: {  	[hbm4b:s4+s3] =	stream.indirect_vreg.scatter [tilespmem:s28], [sflag:$0x6], $0x80, v4, vm0, $0xb8;
	[tilespmem:$0x18400] =	vst v63  }
0x153: {  	s11 =	simm.s32 $0x11000;
	v3 =	vadd.s32 v1, v3  }
0x154: {  	[hbm4b:s5+s3] =	stream.indirect_vreg.scatter [tilespmem:s11], [sflag:$0x6], $0x80, v4, vm0, $0xb8;
	[tilespmem:$0x18400] =	vst v63  }
0x155: {  	s18 =	simm.s32 $0x11800  }
0x156: {  	[hbm4b:s6+s3] =	stream.indirect_vreg.scatter [tilespmem:s18], [sflag:$0x6], $0x80, v4, vm0, $0xb8;
	[tilespmem:$0x18400] =	vst v63  }
0x157: {  	s21 =	simm.s32 $0x12000  }
0x158: {  	[hbm4b:s2+s3] =	stream.indirect_vreg.scatter [tilespmem:s21], [sflag:$0x6], $0x80, v3, vm0, $0xb8;
	[tilespmem:$0x18400] =	vst v63  }
0x159: {  	s22 =	simm.s32 $0x12800  }
0x15a: {  	[hbm4b:s4+s3] =	stream.indirect_vreg.scatter [tilespmem:s22], [sflag:$0x6], $0x80, v3, vm0, $0xb8;
	[tilespmem:$0x18400] =	vst v63  }
0x15b: {  	s23 =	simm.s32 $0x13000  }
0x15c: {  	[hbm4b:s5+s3] =	stream.indirect_vreg.scatter [tilespmem:s23], [sflag:$0x6], $0x80, v3, vm0, $0xb8;
	[tilespmem:$0x18400] =	vst v63  }
0x15d: {  	s26 =	simm.s32 $0x13800  }
0x15e: {  	[hbm4b:s6+s3] =	stream.indirect_vreg.scatter [tilespmem:s26], [sflag:$0x6], $0x80, v3, vm0, $0xb8;
	[tilespmem:$0x18400] =	vst v63  }
0x15f: {  	v3 =	vld [tilespmem:$0x18310];
	_ =	sdelay $0x4  }
0x160: {  	v11 =	vshll.u32 v3, $0x3  }
0x161: {  	v3 =	vand.u32 $0x7, v3;
	v4 =	vand.u32 $0xFFFFFFC0, v11  }
0x162: {  	v3 =	vor.u32 v3, v4  }
0x163: {  	v4 =	vperm.xlane v3, v0;
	_ =	sdelay $0x1  }
0x164: {  	v4 =	vadd.s32 v1, v4;
	_ =	sdelay $0x3  }
0x165: {  	s30 =	simm.s32 $0x14000  }
0x166: {  	[hbm4b:s2+s3] =	stream.indirect_vreg.scatter [tilespmem:s30], [sflag:$0x6], $0x80, v4, vm0, $0xb8;
	[tilespmem:$0x18400] =	vst v63  }
0x167: {  	s15 =	simm.s32 $0x14800;
	v3 =	vperm.xlane v3, v2  }
0x168: {  	[hbm4b:s4+s3] =	stream.indirect_vreg.scatter [tilespmem:s15], [sflag:$0x6], $0x80, v4, vm0, $0xb8;
	[tilespmem:$0x18400] =	vst v63  }
0x169: {  	s24 =	simm.s32 $0x15000;
	v3 =	vadd.s32 v1, v3  }
0x16a: {  	[hbm4b:s5+s3] =	stream.indirect_vreg.scatter [tilespmem:s24], [sflag:$0x6], $0x80, v4, vm0, $0xb8;
	[tilespmem:$0x18400] =	vst v63  }
0x16b: {  	s25 =	simm.s32 $0x15800  }
0x16c: {  	[hbm4b:s6+s3] =	stream.indirect_vreg.scatter [tilespmem:s25], [sflag:$0x6], $0x80, v4, vm0, $0xb8;
	[tilespmem:$0x18400] =	vst v63  }
0x16d: {  	s1 =	simm.s32 $0x16000  }
0x16e: {  	[hbm4b:s2+s3] =	stream.indirect_vreg.scatter [tilespmem:s1], [sflag:$0x6], $0x80, v3, vm0, $0xb8;
	[tilespmem:$0x18400] =	vst v63  }
0x16f: {  	s12 =	simm.s32 $0x16800  }
0x170: {  	[hbm4b:s4+s3] =	stream.indirect_vreg.scatter [tilespmem:s12], [sflag:$0x6], $0x80, v3, vm0, $0xb8;
	[tilespmem:$0x18400] =	vst v63  }
0x171: {  	s20 =	simm.s32 $0x17000  }
0x172: {  	[hbm4b:s5+s3] =	stream.indirect_vreg.scatter [tilespmem:s20], [sflag:$0x6], $0x80, v3, vm0, $0xb8;
	[tilespmem:$0x18400] =	vst v63  }
0x173: {  	s0 =	simm.s32 $0x17800;
	s24 =	simm.s32 $0x5  }
0x174: {  	[hbm4b:s6+s3] =	stream.indirect_vreg.scatter [tilespmem:s0], [sflag:$0x6], $0x80, v3, vm0, $0xb8;
	[tilespmem:$0x18400] =	vst v63  }
0x175: {  	_ =	swait.ge [sflag:s24], $0x8000  }
0x176: {  	[sflag:s24] =	ssyncset.done $0x0  }
0x177: {  	[sflag:s24] =	ssyncadd.s32 $0xFFFF8000  }
0x178: {  	_ =	swait.ge [sflag:s24], $0x8000  }
0x179: {  	[sflag:s24] =	ssyncset.done $0x0  }
0x17a: {  	s28 =	simm.s32 $0x18080;
	s25 =	rddreg [dreg:$0x10];
	[sflag:s24] =	ssyncadd.s32 $0xFFFF8000  }
0x17b: {  	[tilespmem:s28], [sflag:$0x2] =	stream.linear.gather [hbm4b:s25+s3], $0x20, $0x38;
	[tilespmem:$0x18400] =	vst v63  }
0x17c: {  	s1 =	simm.s32 $0x18280;
	s26 =	rddreg [dreg:$0x11]  }
0x17d: {  	[tilespmem:s1], [sflag:$0x2] =	stream.linear.gather [hbm4b:s26+s3], $0x20, $0x38;
	[tilespmem:$0x18400] =	vst v63  }
0x17e: {  	s8 =	simm.s32 $0x8000;
	s9 =	simm.s32 $0x1;
	s29 =	rddreg [dreg:$0x12]  }
0x17f: {  	[tilespmem:s8], [sflag:$0x2] =	stream.linear.gather [hbm4b:s29+s3], $0x8000, $0x38;
	[tilespmem:$0x18400] =	vst v63  }
0x180: {  	_ =	swait.ge [sflag:s9], $0x20  }
0x181: {  	[sflag:s9] =	ssyncset.done $0x0  }
0x182: {  	[sflag:s9] =	ssyncadd.s32 $0xFFFFFFE0  }
0x183: {  	_ =	swait.ge [sflag:s9], $0x20  }
0x184: {  	[sflag:s9] =	ssyncset.done $0x0  }
0x185: {  	[sflag:s9] =	ssyncadd.s32 $0xFFFFFFE0  }
0x186: {  	_ =	swait.ge [sflag:s9], $0x8000  }
0x187: {  	[sflag:s9] =	ssyncset.done $0x0  }
0x188: {  	[sflag:s9] =	ssyncadd.s32 $0xFFFF8000  }
0x189: {  	v3 =	vld [tilespmem:$0x18000];
	_ =	sdelay $0x4  }
0x18a: {  	v12 =	vshll.u32 v3, $0x3  }
0x18b: {  	v3 =	vand.u32 $0x7, v3;
	v4 =	vand.u32 $0xFFFFFFC0, v12  }
0x18c: {  	v3 =	vor.u32 v3, v4  }
0x18d: {  	v4 =	vperm.xlane v3, v0;
	_ =	sdelay $0x1  }
0x18e: {  	v4 =	vadd.s32 v1, v4;
	_ =	sdelay $0x4  }
0x18f: {  	[hbm4b:s2+s3] =	stream.indirect_vreg.scatter [tilespmem:s3], [sflag:$0x4], $0x80, v4, vm0, $0xb8;
	[tilespmem:$0x18400] =	vst v63  }
0x190: {  	s10 =	simm.s32 $0x800;
	v3 =	vperm.xlane v3, v2  }
0x191: {  	[hbm4b:s4+s3] =	stream.indirect_vreg.scatter [tilespmem:s10], [sflag:$0x4], $0x80, v4, vm0, $0xb8;
	[tilespmem:$0x18400] =	vst v63  }
0x192: {  	s11 =	simm.s32 $0x1000;
	v3 =	vadd.s32 v1, v3  }
0x193: {  	[hbm4b:s5+s3] =	stream.indirect_vreg.scatter [tilespmem:s11], [sflag:$0x4], $0x80, v4, vm0, $0xb8;
	[tilespmem:$0x18400] =	vst v63  }
0x194: {  	s12 =	simm.s32 $0x1800  }
0x195: {  	[hbm4b:s6+s3] =	stream.indirect_vreg.scatter [tilespmem:s12], [sflag:$0x4], $0x80, v4, vm0, $0xb8;
	[tilespmem:$0x18400] =	vst v63  }
0x196: {  	s21 =	simm.s32 $0x2000  }
0x197: {  	[hbm4b:s2+s3] =	stream.indirect_vreg.scatter [tilespmem:s21], [sflag:$0x4], $0x80, v3, vm0, $0xb8;
	[tilespmem:$0x18400] =	vst v63  }
0x198: {  	s22 =	simm.s32 $0x2800  }
0x199: {  	[hbm4b:s4+s3] =	stream.indirect_vreg.scatter [tilespmem:s22], [sflag:$0x4], $0x80, v3, vm0, $0xb8;
	[tilespmem:$0x18400] =	vst v63  }
0x19a: {  	_ = 	snop  }
0x19b: {  	[hbm4b:s5+s3] =	stream.indirect_vreg.scatter [tilespmem:s16], [sflag:$0x4], $0x80, v3, vm0, $0xb8;
	[tilespmem:$0x18400] =	vst v63  }
0x19c: {  	s23 =	simm.s32 $0x3800  }
0x19d: {  	[hbm4b:s6+s3] =	stream.indirect_vreg.scatter [tilespmem:s23], [sflag:$0x4], $0x80, v3, vm0, $0xb8;
	[tilespmem:$0x18400] =	vst v63  }
0x19e: {  	v3 =	vld [tilespmem:$0x18010];
	_ =	sdelay $0x4  }
0x19f: {  	v13 =	vshll.u32 v3, $0x3  }
0x1a0: {  	v3 =	vand.u32 $0x7, v3;
	v4 =	vand.u32 $0xFFFFFFC0, v13  }
0x1a1: {  	v3 =	vor.u32 v3, v4  }
0x1a2: {  	v4 =	vperm.xlane v3, v0;
	_ =	sdelay $0x1  }
0x1a3: {  	v4 =	vadd.s32 v1, v4;
	_ =	sdelay $0x3  }
0x1a4: {  	s24 =	simm.s32 $0x4000  }
0x1a5: {  	[hbm4b:s2+s3] =	stream.indirect_vreg.scatter [tilespmem:s24], [sflag:$0x4], $0x80, v4, vm0, $0xb8;
	[tilespmem:$0x18400] =	vst v63  }
0x1a6: {  	s25 =	simm.s32 $0x4800;
	v3 =	vperm.xlane v3, v2  }
0x1a7: {  	[hbm4b:s4+s3] =	stream.indirect_vreg.scatter [tilespmem:s25], [sflag:$0x4], $0x80, v4, vm0, $0xb8;
	[tilespmem:$0x18400] =	vst v63  }
0x1a8: {  	v3 =	vadd.s32 v1, v3  }
0x1a9: {  	[hbm4b:s5+s3] =	stream.indirect_vreg.scatter [tilespmem:s17], [sflag:$0x4], $0x80, v4, vm0, $0xb8;
	[tilespmem:$0x18400] =	vst v63  }
0x1aa: {  	s26 =	simm.s32 $0x5800  }
0x1ab: {  	[hbm4b:s6+s3] =	stream.indirect_vreg.scatter [tilespmem:s26], [sflag:$0x4], $0x80, v4, vm0, $0xb8;
	[tilespmem:$0x18400] =	vst v63  }
0x1ac: {  	s28 =	simm.s32 $0x6000  }
0x1ad: {  	[hbm4b:s2+s3] =	stream.indirect_vreg.scatter [tilespmem:s28], [sflag:$0x4], $0x80, v3, vm0, $0xb8;
	[tilespmem:$0x18400] =	vst v63  }
0x1ae: {  	s29 =	simm.s32 $0x6800  }
0x1af: {  	[hbm4b:s4+s3] =	stream.indirect_vreg.scatter [tilespmem:s29], [sflag:$0x4], $0x80, v3, vm0, $0xb8;
	[tilespmem:$0x18400] =	vst v63  }
0x1b0: {  	s0 =	simm.s32 $0x7000  }
0x1b1: {  	[hbm4b:s5+s3] =	stream.indirect_vreg.scatter [tilespmem:s0], [sflag:$0x4], $0x80, v3, vm0, $0xb8;
	[tilespmem:$0x18400] =	vst v63  }
0x1b2: {  	s1 =	simm.s32 $0x7800  }
0x1b3: {  	[hbm4b:s6+s3] =	stream.indirect_vreg.scatter [tilespmem:s1], [sflag:$0x4], $0x80, v3, vm0, $0xb8;
	[tilespmem:$0x18400] =	vst v63  }
0x1b4: {  	v3 =	vld [tilespmem:$0x18200];
	_ =	sdelay $0x4  }
0x1b5: {  	v14 =	vshll.u32 v3, $0x3  }
0x1b6: {  	v3 =	vand.u32 $0x7, v3;
	v4 =	vand.u32 $0xFFFFFFC0, v14  }
0x1b7: {  	v3 =	vor.u32 v3, v4  }
0x1b8: {  	v4 =	vperm.xlane v3, v0;
	_ =	sdelay $0x1  }
0x1b9: {  	v4 =	vadd.s32 v1, v4;
	_ =	sdelay $0x4  }
0x1ba: {  	[hbm4b:s2+s3] =	stream.indirect_vreg.scatter [tilespmem:s3], [sflag:$0x4], $0x80, v4, vm0, $0xb8;
	[tilespmem:$0x18400] =	vst v63  }
0x1bb: {  	v3 =	vperm.xlane v3, v2  }
0x1bc: {  	[hbm4b:s4+s3] =	stream.indirect_vreg.scatter [tilespmem:s10], [sflag:$0x4], $0x80, v4, vm0, $0xb8;
	[tilespmem:$0x18400] =	vst v63  }
0x1bd: {  	v3 =	vadd.s32 v1, v3  }
0x1be: {  	[hbm4b:s5+s3] =	stream.indirect_vreg.scatter [tilespmem:s11], [sflag:$0x4], $0x80, v4, vm0, $0xb8;
	[tilespmem:$0x18400] =	vst v63  }
0x1bf: {  	_ = 	snop  }
0x1c0: {  	[hbm4b:s6+s3] =	stream.indirect_vreg.scatter [tilespmem:s12], [sflag:$0x4], $0x80, v4, vm0, $0xb8;
	[tilespmem:$0x18400] =	vst v63  }
0x1c1: {  	_ = 	snop  }
0x1c2: {  	[hbm4b:s2+s3] =	stream.indirect_vreg.scatter [tilespmem:s21], [sflag:$0x4], $0x80, v3, vm0, $0xb8;
	[tilespmem:$0x18400] =	vst v63  }
0x1c3: {  	_ = 	snop  }
0x1c4: {  	[hbm4b:s4+s3] =	stream.indirect_vreg.scatter [tilespmem:s22], [sflag:$0x4], $0x80, v3, vm0, $0xb8;
	[tilespmem:$0x18400] =	vst v63  }
0x1c5: {  	_ = 	snop  }
0x1c6: {  	[hbm4b:s5+s3] =	stream.indirect_vreg.scatter [tilespmem:s16], [sflag:$0x4], $0x80, v3, vm0, $0xb8;
	[tilespmem:$0x18400] =	vst v63  }
0x1c7: {  	_ = 	snop  }
0x1c8: {  	[hbm4b:s6+s3] =	stream.indirect_vreg.scatter [tilespmem:s23], [sflag:$0x4], $0x80, v3, vm0, $0xb8;
	[tilespmem:$0x18400] =	vst v63  }
0x1c9: {  	v3 =	vld [tilespmem:$0x18210];
	_ =	sdelay $0x4  }
0x1ca: {  	v15 =	vshll.u32 v3, $0x3  }
0x1cb: {  	v3 =	vand.u32 $0x7, v3;
	v4 =	vand.u32 $0xFFFFFFC0, v15  }
0x1cc: {  	v3 =	vor.u32 v3, v4  }
0x1cd: {  	v4 =	vperm.xlane v3, v0;
	_ =	sdelay $0x1  }
0x1ce: {  	v4 =	vadd.s32 v1, v4;
	_ =	sdelay $0x4  }
0x1cf: {  	[hbm4b:s2+s3] =	stream.indirect_vreg.scatter [tilespmem:s24], [sflag:$0x4], $0x80, v4, vm0, $0xb8;
	[tilespmem:$0x18400] =	vst v63  }
0x1d0: {  	v3 =	vperm.xlane v3, v2  }
0x1d1: {  	[hbm4b:s4+s3] =	stream.indirect_vreg.scatter [tilespmem:s25], [sflag:$0x4], $0x80, v4, vm0, $0xb8;
	[tilespmem:$0x18400] =	vst v63  }
0x1d2: {  	v3 =	vadd.s32 v1, v3  }
0x1d3: {  	[hbm4b:s5+s3] =	stream.indirect_vreg.scatter [tilespmem:s17], [sflag:$0x4], $0x80, v4, vm0, $0xb8;
	[tilespmem:$0x18400] =	vst v63  }
0x1d4: {  	_ = 	snop  }
0x1d5: {  	[hbm4b:s6+s3] =	stream.indirect_vreg.scatter [tilespmem:s26], [sflag:$0x4], $0x80, v4, vm0, $0xb8;
	[tilespmem:$0x18400] =	vst v63  }
0x1d6: {  	_ = 	snop  }
0x1d7: {  	[hbm4b:s2+s3] =	stream.indirect_vreg.scatter [tilespmem:s28], [sflag:$0x4], $0x80, v3, vm0, $0xb8;
	[tilespmem:$0x18400] =	vst v63  }
0x1d8: {  	_ = 	snop  }
0x1d9: {  	[hbm4b:s4+s3] =	stream.indirect_vreg.scatter [tilespmem:s29], [sflag:$0x4], $0x80, v3, vm0, $0xb8;
	[tilespmem:$0x18400] =	vst v63  }
0x1da: {  	_ = 	snop  }
0x1db: {  	[hbm4b:s5+s3] =	stream.indirect_vreg.scatter [tilespmem:s0], [sflag:$0x4], $0x80, v3, vm0, $0xb8;
	[tilespmem:$0x18400] =	vst v63  }
0x1dc: {  	s22 =	simm.s32 $0x6  }
0x1dd: {  	[hbm4b:s6+s3] =	stream.indirect_vreg.scatter [tilespmem:s1], [sflag:$0x4], $0x80, v3, vm0, $0xb8;
	[tilespmem:$0x18400] =	vst v63  }
0x1de: {  	_ =	swait.ge [sflag:s22], $0x8000  }
0x1df: {  	[sflag:s22] =	ssyncset.done $0x0  }
0x1e0: {  	[sflag:s22] =	ssyncadd.s32 $0xFFFF8000  }
0x1e1: {  	_ =	swait.ge [sflag:s22], $0x8000  }
0x1e2: {  	[sflag:s22] =	ssyncset.done $0x0  }
0x1e3: {  	s25 =	simm.s32 $0x18100;
	s23 =	rddreg [dreg:$0x13];
	[sflag:s22] =	ssyncadd.s32 $0xFFFF8000  }
0x1e4: {  	[tilespmem:s25], [sflag:$0x3] =	stream.linear.gather [hbm4b:s23+s3], $0x20, $0x38;
	[tilespmem:$0x18400] =	vst v63  }
0x1e5: {  	s1 =	simm.s32 $0x18300;
	s24 =	rddreg [dreg:$0x14]  }
0x1e6: {  	[tilespmem:s1], [sflag:$0x3] =	stream.linear.gather [hbm4b:s24+s3], $0x20, $0x38;
	[tilespmem:$0x18400] =	vst v63  }
0x1e7: {  	s19 =	simm.s32 $0x10000;
	s26 =	rddreg [dreg:$0x15]  }
0x1e8: {  	[tilespmem:s19], [sflag:$0x3] =	stream.linear.gather [hbm4b:s26+s3], $0x8000, $0x38;
	[tilespmem:$0x18400] =	vst v63  }
0x1e9: {  	_ =	swait.ge [sflag:s13], $0x20  }
0x1ea: {  	[sflag:s13] =	ssyncset.done $0x0  }
0x1eb: {  	[sflag:s13] =	ssyncadd.s32 $0xFFFFFFE0  }
0x1ec: {  	_ =	swait.ge [sflag:s13], $0x20  }
0x1ed: {  	[sflag:s13] =	ssyncset.done $0x0  }
0x1ee: {  	[sflag:s13] =	ssyncadd.s32 $0xFFFFFFE0  }
0x1ef: {  	_ =	swait.ge [sflag:s13], $0x8000  }
0x1f0: {  	[sflag:s13] =	ssyncset.done $0x0  }
0x1f1: {  	[sflag:s13] =	ssyncadd.s32 $0xFFFF8000  }
0x1f2: {  	v3 =	vld [tilespmem:$0x18080];
	_ =	sdelay $0x4  }
0x1f3: {  	v16 =	vshll.u32 v3, $0x3  }
0x1f4: {  	v3 =	vand.u32 $0x7, v3;
	v4 =	vand.u32 $0xFFFFFFC0, v16  }
0x1f5: {  	v3 =	vor.u32 v3, v4  }
0x1f6: {  	v4 =	vperm.xlane v3, v0;
	_ =	sdelay $0x1  }
0x1f7: {  	v4 =	vadd.s32 v1, v4;
	_ =	sdelay $0x4  }
0x1f8: {  	[hbm4b:s2+s3] =	stream.indirect_vreg.scatter [tilespmem:s8], [sflag:$0x5], $0x80, v4, vm0, $0xb8;
	[tilespmem:$0x18400] =	vst v63  }
0x1f9: {  	s28 =	simm.s32 $0x8800;
	v3 =	vperm.xlane v3, v2  }
0x1fa: {  	[hbm4b:s4+s3] =	stream.indirect_vreg.scatter [tilespmem:s28], [sflag:$0x5], $0x80, v4, vm0, $0xb8;
	[tilespmem:$0x18400] =	vst v63  }
0x1fb: {  	s10 =	simm.s32 $0x9000;
	v3 =	vadd.s32 v1, v3  }
0x1fc: {  	[hbm4b:s5+s3] =	stream.indirect_vreg.scatter [tilespmem:s10], [sflag:$0x5], $0x80, v4, vm0, $0xb8;
	[tilespmem:$0x18400] =	vst v63  }
0x1fd: {  	s12 =	simm.s32 $0x9800  }
0x1fe: {  	[hbm4b:s6+s3] =	stream.indirect_vreg.scatter [tilespmem:s12], [sflag:$0x5], $0x80, v4, vm0, $0xb8;
	[tilespmem:$0x18400] =	vst v63  }
0x1ff: {  	s15 =	simm.s32 $0xA000  }
0x200: {  	[hbm4b:s2+s3] =	stream.indirect_vreg.scatter [tilespmem:s15], [sflag:$0x5], $0x80, v3, vm0, $0xb8;
	[tilespmem:$0x18400] =	vst v63  }
0x201: {  	s23 =	simm.s32 $0xA800  }
0x202: {  	[hbm4b:s4+s3] =	stream.indirect_vreg.scatter [tilespmem:s23], [sflag:$0x5], $0x80, v3, vm0, $0xb8;
	[tilespmem:$0x18400] =	vst v63  }
0x203: {  	_ = 	snop  }
0x204: {  	[hbm4b:s5+s3] =	stream.indirect_vreg.scatter [tilespmem:s7], [sflag:$0x5], $0x80, v3, vm0, $0xb8;
	[tilespmem:$0x18400] =	vst v63  }
0x205: {  	s24 =	simm.s32 $0xB800  }
0x206: {  	[hbm4b:s6+s3] =	stream.indirect_vreg.scatter [tilespmem:s24], [sflag:$0x5], $0x80, v3, vm0, $0xb8;
	[tilespmem:$0x18400] =	vst v63  }
0x207: {  	v3 =	vld [tilespmem:$0x18090];
	_ =	sdelay $0x4  }
0x208: {  	v17 =	vshll.u32 v3, $0x3  }
0x209: {  	v3 =	vand.u32 $0x7, v3;
	v4 =	vand.u32 $0xFFFFFFC0, v17  }
0x20a: {  	v3 =	vor.u32 v3, v4  }
0x20b: {  	v4 =	vperm.xlane v3, v0;
	_ =	sdelay $0x1  }
0x20c: {  	v4 =	vadd.s32 v1, v4;
	_ =	sdelay $0x3  }
0x20d: {  	s11 =	simm.s32 $0xC000  }
0x20e: {  	[hbm4b:s2+s3] =	stream.indirect_vreg.scatter [tilespmem:s11], [sflag:$0x5], $0x80, v4, vm0, $0xb8;
	[tilespmem:$0x18400] =	vst v63  }
0x20f: {  	s16 =	simm.s32 $0xC800;
	v3 =	vperm.xlane v3, v2  }
0x210: {  	[hbm4b:s4+s3] =	stream.indirect_vreg.scatter [tilespmem:s16], [sflag:$0x5], $0x80, v4, vm0, $0xb8;
	[tilespmem:$0x18400] =	vst v63  }
0x211: {  	v3 =	vadd.s32 v1, v3  }
0x212: {  	[hbm4b:s5+s3] =	stream.indirect_vreg.scatter [tilespmem:s14], [sflag:$0x5], $0x80, v4, vm0, $0xb8;
	[tilespmem:$0x18400] =	vst v63  }
0x213: {  	s17 =	simm.s32 $0xD800  }
0x214: {  	[hbm4b:s6+s3] =	stream.indirect_vreg.scatter [tilespmem:s17], [sflag:$0x5], $0x80, v4, vm0, $0xb8;
	[tilespmem:$0x18400] =	vst v63  }
0x215: {  	s18 =	simm.s32 $0xE000  }
0x216: {  	[hbm4b:s2+s3] =	stream.indirect_vreg.scatter [tilespmem:s18], [sflag:$0x5], $0x80, v3, vm0, $0xb8;
	[tilespmem:$0x18400] =	vst v63  }
0x217: {  	s25 =	simm.s32 $0xE800  }
0x218: {  	[hbm4b:s4+s3] =	stream.indirect_vreg.scatter [tilespmem:s25], [sflag:$0x5], $0x80, v3, vm0, $0xb8;
	[tilespmem:$0x18400] =	vst v63  }
0x219: {  	s0 =	simm.s32 $0xF000  }
0x21a: {  	[hbm4b:s5+s3] =	stream.indirect_vreg.scatter [tilespmem:s0], [sflag:$0x5], $0x80, v3, vm0, $0xb8;
	[tilespmem:$0x18400] =	vst v63  }
0x21b: {  	s9 =	simm.s32 $0xF800  }
0x21c: {  	[hbm4b:s6+s3] =	stream.indirect_vreg.scatter [tilespmem:s9], [sflag:$0x5], $0x80, v3, vm0, $0xb8;
	[tilespmem:$0x18400] =	vst v63  }
0x21d: {  	v3 =	vld [tilespmem:$0x18280];
	_ =	sdelay $0x4  }
0x21e: {  	v18 =	vshll.u32 v3, $0x3  }
0x21f: {  	v3 =	vand.u32 $0x7, v3;
	v4 =	vand.u32 $0xFFFFFFC0, v18  }
0x220: {  	v3 =	vor.u32 v3, v4  }
0x221: {  	v4 =	vperm.xlane v3, v0;
	_ =	sdelay $0x1  }
0x222: {  	v4 =	vadd.s32 v1, v4;
	_ =	sdelay $0x4  }
0x223: {  	[hbm4b:s2+s3] =	stream.indirect_vreg.scatter [tilespmem:s8], [sflag:$0x5], $0x80, v4, vm0, $0xb8;
	[tilespmem:$0x18400] =	vst v63  }
0x224: {  	v3 =	vperm.xlane v3, v2  }
0x225: {  	[hbm4b:s4+s3] =	stream.indirect_vreg.scatter [tilespmem:s28], [sflag:$0x5], $0x80, v4, vm0, $0xb8;
	[tilespmem:$0x18400] =	vst v63  }
0x226: {  	v3 =	vadd.s32 v1, v3  }
0x227: {  	[hbm4b:s5+s3] =	stream.indirect_vreg.scatter [tilespmem:s10], [sflag:$0x5], $0x80, v4, vm0, $0xb8;
	[tilespmem:$0x18400] =	vst v63  }
0x228: {  	_ = 	snop  }
0x229: {  	[hbm4b:s6+s3] =	stream.indirect_vreg.scatter [tilespmem:s12], [sflag:$0x5], $0x80, v4, vm0, $0xb8;
	[tilespmem:$0x18400] =	vst v63  }
0x22a: {  	_ = 	snop  }
0x22b: {  	[hbm4b:s2+s3] =	stream.indirect_vreg.scatter [tilespmem:s15], [sflag:$0x5], $0x80, v3, vm0, $0xb8;
	[tilespmem:$0x18400] =	vst v63  }
0x22c: {  	_ = 	snop  }
0x22d: {  	[hbm4b:s4+s3] =	stream.indirect_vreg.scatter [tilespmem:s23], [sflag:$0x5], $0x80, v3, vm0, $0xb8;
	[tilespmem:$0x18400] =	vst v63  }
0x22e: {  	_ = 	snop  }
0x22f: {  	[hbm4b:s5+s3] =	stream.indirect_vreg.scatter [tilespmem:s7], [sflag:$0x5], $0x80, v3, vm0, $0xb8;
	[tilespmem:$0x18400] =	vst v63  }
0x230: {  	_ = 	snop  }
0x231: {  	[hbm4b:s6+s3] =	stream.indirect_vreg.scatter [tilespmem:s24], [sflag:$0x5], $0x80, v3, vm0, $0xb8;
	[tilespmem:$0x18400] =	vst v63  }
0x232: {  	v3 =	vld [tilespmem:$0x18290];
	_ =	sdelay $0x4  }
0x233: {  	v19 =	vshll.u32 v3, $0x3  }
0x234: {  	v3 =	vand.u32 $0x7, v3;
	v4 =	vand.u32 $0xFFFFFFC0, v19  }
0x235: {  	v3 =	vor.u32 v3, v4  }
0x236: {  	v4 =	vperm.xlane v3, v0;
	_ =	sdelay $0x1  }
0x237: {  	v4 =	vadd.s32 v1, v4;
	_ =	sdelay $0x4  }
0x238: {  	[hbm4b:s2+s3] =	stream.indirect_vreg.scatter [tilespmem:s11], [sflag:$0x5], $0x80, v4, vm0, $0xb8;
	[tilespmem:$0x18400] =	vst v63  }
0x239: {  	v3 =	vperm.xlane v3, v2  }
0x23a: {  	[hbm4b:s4+s3] =	stream.indirect_vreg.scatter [tilespmem:s16], [sflag:$0x5], $0x80, v4, vm0, $0xb8;
	[tilespmem:$0x18400] =	vst v63  }
0x23b: {  	v3 =	vadd.s32 v1, v3  }
0x23c: {  	[hbm4b:s5+s3] =	stream.indirect_vreg.scatter [tilespmem:s14], [sflag:$0x5], $0x80, v4, vm0, $0xb8;
	[tilespmem:$0x18400] =	vst v63  }
0x23d: {  	_ = 	snop  }
0x23e: {  	[hbm4b:s6+s3] =	stream.indirect_vreg.scatter [tilespmem:s17], [sflag:$0x5], $0x80, v4, vm0, $0xb8;
	[tilespmem:$0x18400] =	vst v63  }
0x23f: {  	_ = 	snop  }
0x240: {  	[hbm4b:s2+s3] =	stream.indirect_vreg.scatter [tilespmem:s18], [sflag:$0x5], $0x80, v3, vm0, $0xb8;
	[tilespmem:$0x18400] =	vst v63  }
0x241: {  	_ = 	snop  }
0x242: {  	[hbm4b:s4+s3] =	stream.indirect_vreg.scatter [tilespmem:s25], [sflag:$0x5], $0x80, v3, vm0, $0xb8;
	[tilespmem:$0x18400] =	vst v63  }
0x243: {  	_ = 	snop  }
0x244: {  	[hbm4b:s5+s3] =	stream.indirect_vreg.scatter [tilespmem:s0], [sflag:$0x5], $0x80, v3, vm0, $0xb8;
	[tilespmem:$0x18400] =	vst v63  }
0x245: {  	s22 =	simm.s32 $0x4  }
0x246: {  	[hbm4b:s6+s3] =	stream.indirect_vreg.scatter [tilespmem:s9], [sflag:$0x5], $0x80, v3, vm0, $0xb8;
	[tilespmem:$0x18400] =	vst v63  }
0x247: {  	_ =	swait.ge [sflag:s22], $0x8000  }
0x248: {  	[sflag:s22] =	ssyncset.done $0x0  }
0x249: {  	[sflag:s22] =	ssyncadd.s32 $0xFFFF8000  }
0x24a: {  	_ =	swait.ge [sflag:s22], $0x8000  }
0x24b: {  	[sflag:s22] =	ssyncset.done $0x0  }
0x24c: {  	s31 =	simm.s32 $0x18000;
	s25 =	rddreg [dreg:$0x16];
	[sflag:s22] =	ssyncadd.s32 $0xFFFF8000  }
0x24d: {  	[tilespmem:s31], [sflag:$0x1] =	stream.linear.gather [hbm4b:s25+s3], $0x20, $0x38;
	[tilespmem:$0x18400] =	vst v63  }
0x24e: {  	s29 =	rddreg [dreg:$0x17];
	s31 =	simm.s32 $0x18200  }
0x24f: {  	[tilespmem:s31], [sflag:$0x1] =	stream.linear.gather [hbm4b:s29+s3], $0x20, $0x38;
	[tilespmem:$0x18400] =	vst v63  }
0x250: {  	s7 =	simm.s32 $0x3;
	s0 =	rddreg [dreg:$0x18]  }
0x251: {  	[tilespmem:s3], [sflag:$0x1] =	stream.linear.gather [hbm4b:s0+s3], $0x8000, $0x38;
	[tilespmem:$0x18400] =	vst v63  }
0x252: {  	_ =	swait.ge [sflag:s7], $0x20  }
0x253: {  	[sflag:s7] =	ssyncset.done $0x0  }
0x254: {  	[sflag:s7] =	ssyncadd.s32 $0xFFFFFFE0  }
0x255: {  	_ =	swait.ge [sflag:s7], $0x20  }
0x256: {  	[sflag:s7] =	ssyncset.done $0x0  }
0x257: {  	[sflag:s7] =	ssyncadd.s32 $0xFFFFFFE0  }
0x258: {  	_ =	swait.ge [sflag:s7], $0x8000  }
0x259: {  	[sflag:s7] =	ssyncset.done $0x0  }
0x25a: {  	[sflag:s7] =	ssyncadd.s32 $0xFFFF8000  }
0x25b: {  	v3 =	vld [tilespmem:$0x18100];
	_ =	sdelay $0x4  }
0x25c: {  	v20 =	vshll.u32 v3, $0x3  }
0x25d: {  	v3 =	vand.u32 $0x7, v3;
	v4 =	vand.u32 $0xFFFFFFC0, v20  }
0x25e: {  	v3 =	vor.u32 v3, v4  }
0x25f: {  	v4 =	vperm.xlane v3, v0;
	_ =	sdelay $0x1  }
0x260: {  	v4 =	vadd.s32 v1, v4;
	_ =	sdelay $0x4  }
0x261: {  	[hbm4b:s2+s3] =	stream.indirect_vreg.scatter [tilespmem:s19], [sflag:$0x6], $0x80, v4, vm0, $0xb8;
	[tilespmem:$0x18400] =	vst v63  }
0x262: {  	s25 =	simm.s32 $0x10800;
	v3 =	vperm.xlane v3, v2  }
0x263: {  	[hbm4b:s4+s3] =	stream.indirect_vreg.scatter [tilespmem:s25], [sflag:$0x6], $0x80, v4, vm0, $0xb8;
	[tilespmem:$0x18400] =	vst v63  }
0x264: {  	s7 =	simm.s32 $0x11000;
	v3 =	vadd.s32 v1, v3  }
0x265: {  	[hbm4b:s5+s3] =	stream.indirect_vreg.scatter [tilespmem:s7], [sflag:$0x6], $0x80, v4, vm0, $0xb8;
	[tilespmem:$0x18400] =	vst v63  }
0x266: {  	s10 =	simm.s32 $0x11800  }
0x267: {  	[hbm4b:s6+s3] =	stream.indirect_vreg.scatter [tilespmem:s10], [sflag:$0x6], $0x80, v4, vm0, $0xb8;
	[tilespmem:$0x18400] =	vst v63  }
0x268: {  	s11 =	simm.s32 $0x12000  }
0x269: {  	[hbm4b:s2+s3] =	stream.indirect_vreg.scatter [tilespmem:s11], [sflag:$0x6], $0x80, v3, vm0, $0xb8;
	[tilespmem:$0x18400] =	vst v63  }
0x26a: {  	s14 =	simm.s32 $0x12800  }
0x26b: {  	[hbm4b:s4+s3] =	stream.indirect_vreg.scatter [tilespmem:s14], [sflag:$0x6], $0x80, v3, vm0, $0xb8;
	[tilespmem:$0x18400] =	vst v63  }
0x26c: {  	s16 =	simm.s32 $0x13000  }
0x26d: {  	[hbm4b:s5+s3] =	stream.indirect_vreg.scatter [tilespmem:s16], [sflag:$0x6], $0x80, v3, vm0, $0xb8;
	[tilespmem:$0x18400] =	vst v63  }
0x26e: {  	s21 =	simm.s32 $0x13800  }
0x26f: {  	[hbm4b:s6+s3] =	stream.indirect_vreg.scatter [tilespmem:s21], [sflag:$0x6], $0x80, v3, vm0, $0xb8;
	[tilespmem:$0x18400] =	vst v63  }
0x270: {  	v3 =	vld [tilespmem:$0x18110];
	_ =	sdelay $0x4  }
0x271: {  	v21 =	vshll.u32 v3, $0x3  }
0x272: {  	v3 =	vand.u32 $0x7, v3;
	v4 =	vand.u32 $0xFFFFFFC0, v21  }
0x273: {  	v3 =	vor.u32 v3, v4  }
0x274: {  	v4 =	vperm.xlane v3, v0;
	_ =	sdelay $0x1  }
0x275: {  	v4 =	vadd.s32 v1, v4;
	_ =	sdelay $0x4  }
0x276: {  	[hbm4b:s2+s3] =	stream.indirect_vreg.scatter [tilespmem:s30], [sflag:$0x6], $0x80, v4, vm0, $0xb8;
	[tilespmem:$0x18400] =	vst v63  }
0x277: {  	s15 =	simm.s32 $0x14800;
	v3 =	vperm.xlane v3, v2  }
0x278: {  	[hbm4b:s4+s3] =	stream.indirect_vreg.scatter [tilespmem:s15], [sflag:$0x6], $0x80, v4, vm0, $0xb8;
	[tilespmem:$0x18400] =	vst v63  }
0x279: {  	s17 =	simm.s32 $0x15000;
	v3 =	vadd.s32 v1, v3  }
0x27a: {  	[hbm4b:s5+s3] =	stream.indirect_vreg.scatter [tilespmem:s17], [sflag:$0x6], $0x80, v4, vm0, $0xb8;
	[tilespmem:$0x18400] =	vst v63  }
0x27b: {  	s18 =	simm.s32 $0x15800  }
0x27c: {  	[hbm4b:s6+s3] =	stream.indirect_vreg.scatter [tilespmem:s18], [sflag:$0x6], $0x80, v4, vm0, $0xb8;
	[tilespmem:$0x18400] =	vst v63  }
0x27d: {  	s12 =	simm.s32 $0x16000  }
0x27e: {  	[hbm4b:s2+s3] =	stream.indirect_vreg.scatter [tilespmem:s12], [sflag:$0x6], $0x80, v3, vm0, $0xb8;
	[tilespmem:$0x18400] =	vst v63  }
0x27f: {  	s9 =	simm.s32 $0x16800  }
0x280: {  	[hbm4b:s4+s3] =	stream.indirect_vreg.scatter [tilespmem:s9], [sflag:$0x6], $0x80, v3, vm0, $0xb8;
	[tilespmem:$0x18400] =	vst v63  }
0x281: {  	s22 =	simm.s32 $0x17000  }
0x282: {  	[hbm4b:s5+s3] =	stream.indirect_vreg.scatter [tilespmem:s22], [sflag:$0x6], $0x80, v3, vm0, $0xb8;
	[tilespmem:$0x18400] =	vst v63  }
0x283: {  	s0 =	simm.s32 $0x17800  }
0x284: {  	[hbm4b:s6+s3] =	stream.indirect_vreg.scatter [tilespmem:s0], [sflag:$0x6], $0x80, v3, vm0, $0xb8;
	[tilespmem:$0x18400] =	vst v63  }
0x285: {  	v3 =	vld [tilespmem:$0x18300];
	_ =	sdelay $0x4  }
0x286: {  	v22 =	vshll.u32 v3, $0x3  }
0x287: {  	v3 =	vand.u32 $0x7, v3;
	v4 =	vand.u32 $0xFFFFFFC0, v22  }
0x288: {  	v3 =	vor.u32 v3, v4  }
0x289: {  	v4 =	vperm.xlane v3, v0;
	_ =	sdelay $0x1  }
0x28a: {  	v4 =	vadd.s32 v1, v4;
	_ =	sdelay $0x4  }
0x28b: {  	[hbm4b:s2+s3] =	stream.indirect_vreg.scatter [tilespmem:s19], [sflag:$0x6], $0x80, v4, vm0, $0xb8;
	[tilespmem:$0x18400] =	vst v63  }
0x28c: {  	v3 =	vperm.xlane v3, v2  }
0x28d: {  	[hbm4b:s4+s3] =	stream.indirect_vreg.scatter [tilespmem:s25], [sflag:$0x6], $0x80, v4, vm0, $0xb8;
	[tilespmem:$0x18400] =	vst v63  }
0x28e: {  	v3 =	vadd.s32 v1, v3  }
0x28f: {  	[hbm4b:s5+s3] =	stream.indirect_vreg.scatter [tilespmem:s7], [sflag:$0x6], $0x80, v4, vm0, $0xb8;
	[tilespmem:$0x18400] =	vst v63  }
0x290: {  	_ = 	snop  }
0x291: {  	[hbm4b:s6+s3] =	stream.indirect_vreg.scatter [tilespmem:s10], [sflag:$0x6], $0x80, v4, vm0, $0xb8;
	[tilespmem:$0x18400] =	vst v63  }
0x292: {  	_ = 	snop  }
0x293: {  	[hbm4b:s2+s3] =	stream.indirect_vreg.scatter [tilespmem:s11], [sflag:$0x6], $0x80, v3, vm0, $0xb8;
	[tilespmem:$0x18400] =	vst v63  }
0x294: {  	_ = 	snop  }
0x295: {  	[hbm4b:s4+s3] =	stream.indirect_vreg.scatter [tilespmem:s14], [sflag:$0x6], $0x80, v3, vm0, $0xb8;
	[tilespmem:$0x18400] =	vst v63  }
0x296: {  	_ = 	snop  }
0x297: {  	[hbm4b:s5+s3] =	stream.indirect_vreg.scatter [tilespmem:s16], [sflag:$0x6], $0x80, v3, vm0, $0xb8;
	[tilespmem:$0x18400] =	vst v63  }
0x298: {  	_ = 	snop  }
0x299: {  	[hbm4b:s6+s3] =	stream.indirect_vreg.scatter [tilespmem:s21], [sflag:$0x6], $0x80, v3, vm0, $0xb8;
	[tilespmem:$0x18400] =	vst v63  }
0x29a: {  	v3 =	vld [tilespmem:$0x18310];
	_ =	sdelay $0x4  }
0x29b: {  	v23 =	vshll.u32 v3, $0x3  }
0x29c: {  	v3 =	vand.u32 $0x7, v3;
	v4 =	vand.u32 $0xFFFFFFC0, v23  }
0x29d: {  	v3 =	vor.u32 v3, v4  }
0x29e: {  	v4 =	vperm.xlane v3, v0;
	_ =	sdelay $0x1  }
0x29f: {  	v4 =	vadd.s32 v1, v4;
	_ =	sdelay $0x4  }
0x2a0: {  	[hbm4b:s2+s3] =	stream.indirect_vreg.scatter [tilespmem:s30], [sflag:$0x6], $0x80, v4, vm0, $0xb8;
	[tilespmem:$0x18400] =	vst v63  }
0x2a1: {  	v3 =	vperm.xlane v3, v2  }
0x2a2: {  	[hbm4b:s4+s3] =	stream.indirect_vreg.scatter [tilespmem:s15], [sflag:$0x6], $0x80, v4, vm0, $0xb8;
	[tilespmem:$0x18400] =	vst v63  }
0x2a3: {  	v3 =	vadd.s32 v1, v3  }
0x2a4: {  	[hbm4b:s5+s3] =	stream.indirect_vreg.scatter [tilespmem:s17], [sflag:$0x6], $0x80, v4, vm0, $0xb8;
	[tilespmem:$0x18400] =	vst v63  }
0x2a5: {  	_ = 	snop  }
0x2a6: {  	[hbm4b:s6+s3] =	stream.indirect_vreg.scatter [tilespmem:s18], [sflag:$0x6], $0x80, v4, vm0, $0xb8;
	[tilespmem:$0x18400] =	vst v63  }
0x2a7: {  	_ = 	snop  }
0x2a8: {  	[hbm4b:s2+s3] =	stream.indirect_vreg.scatter [tilespmem:s12], [sflag:$0x6], $0x80, v3, vm0, $0xb8;
	[tilespmem:$0x18400] =	vst v63  }
0x2a9: {  	_ = 	snop  }
0x2aa: {  	[hbm4b:s4+s3] =	stream.indirect_vreg.scatter [tilespmem:s9], [sflag:$0x6], $0x80, v3, vm0, $0xb8;
	[tilespmem:$0x18400] =	vst v63  }
0x2ab: {  	_ = 	snop  }
0x2ac: {  	[hbm4b:s5+s3] =	stream.indirect_vreg.scatter [tilespmem:s22], [sflag:$0x6], $0x80, v3, vm0, $0xb8;
	[tilespmem:$0x18400] =	vst v63  }
0x2ad: {  	s11 =	simm.s32 $0x5  }
0x2ae: {  	[hbm4b:s6+s3] =	stream.indirect_vreg.scatter [tilespmem:s0], [sflag:$0x6], $0x80, v3, vm0, $0xb8;
	[tilespmem:$0x18400] =	vst v63  }
0x2af: {  	_ =	swait.ge [sflag:s11], $0x8000  }
0x2b0: {  	[sflag:s11] =	ssyncset.done $0x0  }
0x2b1: {  	[sflag:s11] =	ssyncadd.s32 $0xFFFF8000  }
0x2b2: {  	_ =	swait.ge [sflag:s11], $0x8000  }
0x2b3: {  	[sflag:s11] =	ssyncset.done $0x0  }
0x2b4: {  	s15 =	simm.s32 $0x18080;
	s12 =	rddreg [dreg:$0x19];
	[sflag:s11] =	ssyncadd.s32 $0xFFFF8000  }
0x2b5: {  	[tilespmem:s15], [sflag:$0x2] =	stream.linear.gather [hbm4b:s12+s3], $0x20, $0x38;
	[tilespmem:$0x18400] =	vst v63  }
0x2b6: {  	s18 =	simm.s32 $0x18280;
	s14 =	rddreg [dreg:$0x1a]  }
0x2b7: {  	[tilespmem:s18], [sflag:$0x2] =	stream.linear.gather [hbm4b:s14+s3], $0x20, $0x38;
	[tilespmem:$0x18400] =	vst v63  }
0x2b8: {  	s21 =	simm.s32 $0x1;
	s17 =	rddreg [dreg:$0x1b]  }
0x2b9: {  	[tilespmem:s8], [sflag:$0x2] =	stream.linear.gather [hbm4b:s17+s3], $0x8000, $0x38;
	[tilespmem:$0x18400] =	vst v63  }
0x2ba: {  	_ =	swait.ge [sflag:s21], $0x20  }
0x2bb: {  	[sflag:s21] =	ssyncset.done $0x0  }
0x2bc: {  	[sflag:s21] =	ssyncadd.s32 $0xFFFFFFE0  }
0x2bd: {  	_ =	swait.ge [sflag:s21], $0x20  }
0x2be: {  	[sflag:s21] =	ssyncset.done $0x0  }
0x2bf: {  	[sflag:s21] =	ssyncadd.s32 $0xFFFFFFE0  }
0x2c0: {  	_ =	swait.ge [sflag:s21], $0x8000  }
0x2c1: {  	[sflag:s21] =	ssyncset.done $0x0  }
0x2c2: {  	[sflag:s21] =	ssyncadd.s32 $0xFFFF8000  }
0x2c3: {  	v3 =	vld [tilespmem:$0x18000];
	_ =	sdelay $0x4  }
0x2c4: {  	v24 =	vshll.u32 v3, $0x3  }
0x2c5: {  	v3 =	vand.u32 $0x7, v3;
	v4 =	vand.u32 $0xFFFFFFC0, v24  }
0x2c6: {  	v3 =	vor.u32 v3, v4  }
0x2c7: {  	v4 =	vperm.xlane v3, v0;
	_ =	sdelay $0x1  }
0x2c8: {  	v4 =	vadd.s32 v1, v4;
	_ =	sdelay $0x4  }
0x2c9: {  	[hbm4b:s2+s3] =	stream.indirect_vreg.scatter [tilespmem:s3], [sflag:$0x4], $0x80, v4, vm0, $0xb8;
	[tilespmem:$0x18400] =	vst v63  }
0x2ca: {  	s15 =	simm.s32 $0x800;
	v3 =	vperm.xlane v3, v2  }
0x2cb: {  	[hbm4b:s4+s3] =	stream.indirect_vreg.scatter [tilespmem:s15], [sflag:$0x4], $0x80, v4, vm0, $0xb8;
	[tilespmem:$0x18400] =	vst v63  }
0x2cc: {  	s9 =	simm.s32 $0x1000;
	v3 =	vadd.s32 v1, v3  }
0x2cd: {  	[hbm4b:s5+s3] =	stream.indirect_vreg.scatter [tilespmem:s9], [sflag:$0x4], $0x80, v4, vm0, $0xb8;
	[tilespmem:$0x18400] =	vst v63  }
0x2ce: {  	s12 =	simm.s32 $0x1800  }
0x2cf: {  	[hbm4b:s6+s3] =	stream.indirect_vreg.scatter [tilespmem:s12], [sflag:$0x4], $0x80, v4, vm0, $0xb8;
	[tilespmem:$0x18400] =	vst v63  }
0x2d0: {  	s0 =	simm.s32 $0x2000  }
0x2d1: {  	[hbm4b:s2+s3] =	stream.indirect_vreg.scatter [tilespmem:s0], [sflag:$0x4], $0x80, v3, vm0, $0xb8;
	[tilespmem:$0x18400] =	vst v63  }
0x2d2: {  	s8 =	simm.s32 $0x2800  }
0x2d3: {  	[hbm4b:s4+s3] =	stream.indirect_vreg.scatter [tilespmem:s8], [sflag:$0x4], $0x80, v3, vm0, $0xb8;
	[tilespmem:$0x18400] =	vst v63  }
0x2d4: {  	s10 =	simm.s32 $0x3000  }
0x2d5: {  	[hbm4b:s5+s3] =	stream.indirect_vreg.scatter [tilespmem:s10], [sflag:$0x4], $0x80, v3, vm0, $0xb8;
	[tilespmem:$0x18400] =	vst v63  }
0x2d6: {  	s17 =	simm.s32 $0x3800  }
0x2d7: {  	[hbm4b:s6+s3] =	stream.indirect_vreg.scatter [tilespmem:s17], [sflag:$0x4], $0x80, v3, vm0, $0xb8;
	[tilespmem:$0x18400] =	vst v63  }
0x2d8: {  	v3 =	vld [tilespmem:$0x18010];
	_ =	sdelay $0x4  }
0x2d9: {  	v25 =	vshll.u32 v3, $0x3  }
0x2da: {  	v3 =	vand.u32 $0x7, v3;
	v4 =	vand.u32 $0xFFFFFFC0, v25  }
0x2db: {  	v3 =	vor.u32 v3, v4  }
0x2dc: {  	v4 =	vperm.xlane v3, v0;
	_ =	sdelay $0x1  }
0x2dd: {  	v4 =	vadd.s32 v1, v4;
	_ =	sdelay $0x3  }
0x2de: {  	s18 =	simm.s32 $0x4000  }
0x2df: {  	[hbm4b:s2+s3] =	stream.indirect_vreg.scatter [tilespmem:s18], [sflag:$0x4], $0x80, v4, vm0, $0xb8;
	[tilespmem:$0x18400] =	vst v63  }
0x2e0: {  	s21 =	simm.s32 $0x4800;
	v3 =	vperm.xlane v3, v2  }
0x2e1: {  	[hbm4b:s4+s3] =	stream.indirect_vreg.scatter [tilespmem:s21], [sflag:$0x4], $0x80, v4, vm0, $0xb8;
	[tilespmem:$0x18400] =	vst v63  }
0x2e2: {  	s11 =	simm.s32 $0x5000;
	v3 =	vadd.s32 v1, v3  }
0x2e3: {  	[hbm4b:s5+s3] =	stream.indirect_vreg.scatter [tilespmem:s11], [sflag:$0x4], $0x80, v4, vm0, $0xb8;
	[tilespmem:$0x18400] =	vst v63  }
0x2e4: {  	s7 =	simm.s32 $0x5800  }
0x2e5: {  	[hbm4b:s6+s3] =	stream.indirect_vreg.scatter [tilespmem:s7], [sflag:$0x4], $0x80, v4, vm0, $0xb8;
	[tilespmem:$0x18400] =	vst v63  }
0x2e6: {  	s14 =	simm.s32 $0x6000  }
0x2e7: {  	[hbm4b:s2+s3] =	stream.indirect_vreg.scatter [tilespmem:s14], [sflag:$0x4], $0x80, v3, vm0, $0xb8;
	[tilespmem:$0x18400] =	vst v63  }
0x2e8: {  	s20 =	simm.s32 $0x6800  }
0x2e9: {  	[hbm4b:s4+s3] =	stream.indirect_vreg.scatter [tilespmem:s20], [sflag:$0x4], $0x80, v3, vm0, $0xb8;
	[tilespmem:$0x18400] =	vst v63  }
0x2ea: {  	s22 =	simm.s32 $0x7000  }
0x2eb: {  	[hbm4b:s5+s3] =	stream.indirect_vreg.scatter [tilespmem:s22], [sflag:$0x4], $0x80, v3, vm0, $0xb8;
	[tilespmem:$0x18400] =	vst v63  }
0x2ec: {  	s29 =	simm.s32 $0x7800  }
0x2ed: {  	[hbm4b:s6+s3] =	stream.indirect_vreg.scatter [tilespmem:s29], [sflag:$0x4], $0x80, v3, vm0, $0xb8;
	[tilespmem:$0x18400] =	vst v63  }
0x2ee: {  	v3 =	vld [tilespmem:$0x18200];
	_ =	sdelay $0x4  }
0x2ef: {  	v26 =	vshll.u32 v3, $0x3  }
0x2f0: {  	v3 =	vand.u32 $0x7, v3;
	v4 =	vand.u32 $0xFFFFFFC0, v26  }
0x2f1: {  	v3 =	vor.u32 v3, v4  }
0x2f2: {  	v4 =	vperm.xlane v3, v0;
	_ =	sdelay $0x1  }
0x2f3: {  	v4 =	vadd.s32 v1, v4;
	_ =	sdelay $0x4  }
0x2f4: {  	[hbm4b:s2+s3] =	stream.indirect_vreg.scatter [tilespmem:s3], [sflag:$0x4], $0x80, v4, vm0, $0xb8;
	[tilespmem:$0x18400] =	vst v63  }
0x2f5: {  	v3 =	vperm.xlane v3, v2  }
0x2f6: {  	[hbm4b:s4+s3] =	stream.indirect_vreg.scatter [tilespmem:s15], [sflag:$0x4], $0x80, v4, vm0, $0xb8;
	[tilespmem:$0x18400] =	vst v63  }
0x2f7: {  	v3 =	vadd.s32 v1, v3  }
0x2f8: {  	[hbm4b:s5+s3] =	stream.indirect_vreg.scatter [tilespmem:s9], [sflag:$0x4], $0x80, v4, vm0, $0xb8;
	[tilespmem:$0x18400] =	vst v63  }
0x2f9: {  	_ = 	snop  }
0x2fa: {  	[hbm4b:s6+s3] =	stream.indirect_vreg.scatter [tilespmem:s12], [sflag:$0x4], $0x80, v4, vm0, $0xb8;
	[tilespmem:$0x18400] =	vst v63  }
0x2fb: {  	_ = 	snop  }
0x2fc: {  	[hbm4b:s2+s3] =	stream.indirect_vreg.scatter [tilespmem:s0], [sflag:$0x4], $0x80, v3, vm0, $0xb8;
	[tilespmem:$0x18400] =	vst v63  }
0x2fd: {  	_ = 	snop  }
0x2fe: {  	[hbm4b:s4+s3] =	stream.indirect_vreg.scatter [tilespmem:s8], [sflag:$0x4], $0x80, v3, vm0, $0xb8;
	[tilespmem:$0x18400] =	vst v63  }
0x2ff: {  	_ = 	snop  }
0x300: {  	[hbm4b:s5+s3] =	stream.indirect_vreg.scatter [tilespmem:s10], [sflag:$0x4], $0x80, v3, vm0, $0xb8;
	[tilespmem:$0x18400] =	vst v63  }
0x301: {  	_ = 	snop  }
0x302: {  	[hbm4b:s6+s3] =	stream.indirect_vreg.scatter [tilespmem:s17], [sflag:$0x4], $0x80, v3, vm0, $0xb8;
	[tilespmem:$0x18400] =	vst v63  }
0x303: {  	v3 =	vld [tilespmem:$0x18210];
	_ =	sdelay $0x4  }
0x304: {  	v27 =	vshll.u32 v3, $0x3  }
0x305: {  	v3 =	vand.u32 $0x7, v3;
	v4 =	vand.u32 $0xFFFFFFC0, v27  }
0x306: {  	v3 =	vor.u32 v3, v4  }
0x307: {  	v4 =	vperm.xlane v3, v0;
	_ =	sdelay $0x1  }
0x308: {  	v4 =	vadd.s32 v1, v4;
	_ =	sdelay $0x4  }
0x309: {  	[hbm4b:s2+s3] =	stream.indirect_vreg.scatter [tilespmem:s18], [sflag:$0x4], $0x80, v4, vm0, $0xb8;
	[tilespmem:$0x18400] =	vst v63  }
0x30a: {  	v3 =	vperm.xlane v3, v2  }
0x30b: {  	[hbm4b:s4+s3] =	stream.indirect_vreg.scatter [tilespmem:s21], [sflag:$0x4], $0x80, v4, vm0, $0xb8;
	[tilespmem:$0x18400] =	vst v63  }
0x30c: {  	v3 =	vadd.s32 v1, v3  }
0x30d: {  	[hbm4b:s5+s3] =	stream.indirect_vreg.scatter [tilespmem:s11], [sflag:$0x4], $0x80, v4, vm0, $0xb8;
	[tilespmem:$0x18400] =	vst v63  }
0x30e: {  	_ = 	snop  }
0x30f: {  	[hbm4b:s6+s3] =	stream.indirect_vreg.scatter [tilespmem:s7], [sflag:$0x4], $0x80, v4, vm0, $0xb8;
	[tilespmem:$0x18400] =	vst v63  }
0x310: {  	_ = 	snop  }
0x311: {  	[hbm4b:s2+s3] =	stream.indirect_vreg.scatter [tilespmem:s14], [sflag:$0x4], $0x80, v3, vm0, $0xb8;
	[tilespmem:$0x18400] =	vst v63  }
0x312: {  	_ = 	snop  }
0x313: {  	[hbm4b:s4+s3] =	stream.indirect_vreg.scatter [tilespmem:s20], [sflag:$0x4], $0x80, v3, vm0, $0xb8;
	[tilespmem:$0x18400] =	vst v63  }
0x314: {  	_ = 	snop  }
0x315: {  	[hbm4b:s5+s3] =	stream.indirect_vreg.scatter [tilespmem:s22], [sflag:$0x4], $0x80, v3, vm0, $0xb8;
	[tilespmem:$0x18400] =	vst v63  }
0x316: {  	s22 =	simm.s32 $0x6  }
0x317: {  	[hbm4b:s6+s3] =	stream.indirect_vreg.scatter [tilespmem:s29], [sflag:$0x4], $0x80, v3, vm0, $0xb8;
	[tilespmem:$0x18400] =	vst v63  }
0x318: {  	_ =	swait.ge [sflag:s22], $0x8000  }
0x319: {  	[sflag:s22] =	ssyncset.done $0x0  }
0x31a: {  	[sflag:s22] =	ssyncadd.s32 $0xFFFF8000  }
0x31b: {  	_ =	swait.ge [sflag:s22], $0x8000  }
0x31c: {  	[sflag:s22] =	ssyncset.done $0x0  }
0x31d: {  	s8 =	simm.s32 $0x18100;
	s29 =	rddreg [dreg:$0x1c];
	[sflag:s22] =	ssyncadd.s32 $0xFFFF8000  }
0x31e: {  	[tilespmem:s8], [sflag:$0x3] =	stream.linear.gather [hbm4b:s29+s3], $0x20, $0x38;
	[tilespmem:$0x18400] =	vst v63  }
0x31f: {  	s7 =	rddreg [dreg:$0x1d]  }
0x320: {  	[tilespmem:s1], [sflag:$0x3] =	stream.linear.gather [hbm4b:s7+s3], $0x20, $0x38;
	[tilespmem:$0x18400] =	vst v63  }
0x321: {  	s9 =	rddreg [dreg:$0x1e]  }
0x322: {  	[tilespmem:s19], [sflag:$0x3] =	stream.linear.gather [hbm4b:s9+s3], $0x8000, $0x38;
	[tilespmem:$0x18400] =	vst v63  }
0x323: {  	_ =	swait.ge [sflag:s13], $0x20  }
0x324: {  	[sflag:s13] =	ssyncset.done $0x0  }
0x325: {  	[sflag:s13] =	ssyncadd.s32 $0xFFFFFFE0  }
0x326: {  	_ =	swait.ge [sflag:s13], $0x20  }
0x327: {  	[sflag:s13] =	ssyncset.done $0x0  }
0x328: {  	[sflag:s13] =	ssyncadd.s32 $0xFFFFFFE0  }
0x329: {  	_ =	swait.ge [sflag:s13], $0x8000  }
0x32a: {  	[sflag:s13] =	ssyncset.done $0x0  }
0x32b: {  	[sflag:s13] =	ssyncadd.s32 $0xFFFF8000  }
0x32c: {  	v3 =	vld [tilespmem:$0x18080];
	_ =	sdelay $0x4  }
0x32d: {  	v28 =	vshll.u32 v3, $0x3  }
0x32e: {  	v3 =	vand.u32 $0x7, v3;
	v4 =	vand.u32 $0xFFFFFFC0, v28  }
0x32f: {  	v3 =	vor.u32 v3, v4  }
0x330: {  	v4 =	vperm.xlane v3, v0;
	_ =	sdelay $0x1  }
0x331: {  	v4 =	vadd.s32 v1, v4;
	_ =	sdelay $0x3  }
0x332: {  	s11 =	simm.s32 $0x8000  }
0x333: {  	[hbm4b:s2+s3] =	stream.indirect_vreg.scatter [tilespmem:s11], [sflag:$0x5], $0x80, v4, vm0, $0xb8;
	[tilespmem:$0x18400] =	vst v63  }
0x334: {  	s28 =	simm.s32 $0x8800;
	v3 =	vperm.xlane v3, v2  }
0x335: {  	[hbm4b:s4+s3] =	stream.indirect_vreg.scatter [tilespmem:s28], [sflag:$0x5], $0x80, v4, vm0, $0xb8;
	[tilespmem:$0x18400] =	vst v63  }
0x336: {  	s26 =	simm.s32 $0x9000;
	v3 =	vadd.s32 v1, v3  }
0x337: {  	[hbm4b:s5+s3] =	stream.indirect_vreg.scatter [tilespmem:s26], [sflag:$0x5], $0x80, v4, vm0, $0xb8;
	[tilespmem:$0x18400] =	vst v63  }
0x338: {  	s18 =	simm.s32 $0x9800  }
0x339: {  	[hbm4b:s6+s3] =	stream.indirect_vreg.scatter [tilespmem:s18], [sflag:$0x5], $0x80, v4, vm0, $0xb8;
	[tilespmem:$0x18400] =	vst v63  }
0x33a: {  	s29 =	simm.s32 $0xA000  }
0x33b: {  	[hbm4b:s2+s3] =	stream.indirect_vreg.scatter [tilespmem:s29], [sflag:$0x5], $0x80, v3, vm0, $0xb8;
	[tilespmem:$0x18400] =	vst v63  }
0x33c: {  	s0 =	simm.s32 $0xA800  }
0x33d: {  	[hbm4b:s4+s3] =	stream.indirect_vreg.scatter [tilespmem:s0], [sflag:$0x5], $0x80, v3, vm0, $0xb8;
	[tilespmem:$0x18400] =	vst v63  }
0x33e: {  	s1 =	simm.s32 $0xB000  }
0x33f: {  	[hbm4b:s5+s3] =	stream.indirect_vreg.scatter [tilespmem:s1], [sflag:$0x5], $0x80, v3, vm0, $0xb8;
	[tilespmem:$0x18400] =	vst v63  }
0x340: {  	s10 =	simm.s32 $0xB800  }
0x341: {  	[hbm4b:s6+s3] =	stream.indirect_vreg.scatter [tilespmem:s10], [sflag:$0x5], $0x80, v3, vm0, $0xb8;
	[tilespmem:$0x18400] =	vst v63  }
0x342: {  	v3 =	vld [tilespmem:$0x18090];
	_ =	sdelay $0x4  }
0x343: {  	v29 =	vshll.u32 v3, $0x3  }
0x344: {  	v3 =	vand.u32 $0x7, v3;
	v4 =	vand.u32 $0xFFFFFFC0, v29  }
0x345: {  	v3 =	vor.u32 v3, v4  }
0x346: {  	v4 =	vperm.xlane v3, v0;
	_ =	sdelay $0x1  }
0x347: {  	v4 =	vadd.s32 v1, v4;
	_ =	sdelay $0x3  }
0x348: {  	s14 =	simm.s32 $0xC000  }
0x349: {  	[hbm4b:s2+s3] =	stream.indirect_vreg.scatter [tilespmem:s14], [sflag:$0x5], $0x80, v4, vm0, $0xb8;
	[tilespmem:$0x18400] =	vst v63  }
0x34a: {  	s23 =	simm.s32 $0xC800;
	v3 =	vperm.xlane v3, v2  }
0x34b: {  	[hbm4b:s4+s3] =	stream.indirect_vreg.scatter [tilespmem:s23], [sflag:$0x5], $0x80, v4, vm0, $0xb8;
	[tilespmem:$0x18400] =	vst v63  }
0x34c: {  	s17 =	simm.s32 $0xD000;
	v3 =	vadd.s32 v1, v3  }
0x34d: {  	[hbm4b:s5+s3] =	stream.indirect_vreg.scatter [tilespmem:s17], [sflag:$0x5], $0x80, v4, vm0, $0xb8;
	[tilespmem:$0x18400] =	vst v63  }
0x34e: {  	s19 =	simm.s32 $0xD800  }
0x34f: {  	[hbm4b:s6+s3] =	stream.indirect_vreg.scatter [tilespmem:s19], [sflag:$0x5], $0x80, v4, vm0, $0xb8;
	[tilespmem:$0x18400] =	vst v63  }
0x350: {  	s20 =	simm.s32 $0xE000  }
0x351: {  	[hbm4b:s2+s3] =	stream.indirect_vreg.scatter [tilespmem:s20], [sflag:$0x5], $0x80, v3, vm0, $0xb8;
	[tilespmem:$0x18400] =	vst v63  }
0x352: {  	s21 =	simm.s32 $0xE800  }
0x353: {  	[hbm4b:s4+s3] =	stream.indirect_vreg.scatter [tilespmem:s21], [sflag:$0x5], $0x80, v3, vm0, $0xb8;
	[tilespmem:$0x18400] =	vst v63  }
0x354: {  	s22 =	simm.s32 $0xF000  }
0x355: {  	[hbm4b:s5+s3] =	stream.indirect_vreg.scatter [tilespmem:s22], [sflag:$0x5], $0x80, v3, vm0, $0xb8;
	[tilespmem:$0x18400] =	vst v63  }
0x356: {  	s24 =	simm.s32 $0xF800  }
0x357: {  	[hbm4b:s6+s3] =	stream.indirect_vreg.scatter [tilespmem:s24], [sflag:$0x5], $0x80, v3, vm0, $0xb8;
	[tilespmem:$0x18400] =	vst v63  }
0x358: {  	v3 =	vld [tilespmem:$0x18280];
	_ =	sdelay $0x4  }
0x359: {  	v30 =	vshll.u32 v3, $0x3  }
0x35a: {  	v3 =	vand.u32 $0x7, v3;
	v4 =	vand.u32 $0xFFFFFFC0, v30  }
0x35b: {  	v3 =	vor.u32 v3, v4  }
0x35c: {  	v4 =	vperm.xlane v3, v0;
	_ =	sdelay $0x1  }
0x35d: {  	v4 =	vadd.s32 v1, v4;
	_ =	sdelay $0x4  }
0x35e: {  	[hbm4b:s2+s3] =	stream.indirect_vreg.scatter [tilespmem:s11], [sflag:$0x5], $0x80, v4, vm0, $0xb8;
	[tilespmem:$0x18400] =	vst v63  }
0x35f: {  	v3 =	vperm.xlane v3, v2  }
0x360: {  	[hbm4b:s4+s3] =	stream.indirect_vreg.scatter [tilespmem:s28], [sflag:$0x5], $0x80, v4, vm0, $0xb8;
	[tilespmem:$0x18400] =	vst v63  }
0x361: {  	v3 =	vadd.s32 v1, v3  }
0x362: {  	[hbm4b:s5+s3] =	stream.indirect_vreg.scatter [tilespmem:s26], [sflag:$0x5], $0x80, v4, vm0, $0xb8;
	[tilespmem:$0x18400] =	vst v63  }
0x363: {  	_ = 	snop  }
0x364: {  	[hbm4b:s6+s3] =	stream.indirect_vreg.scatter [tilespmem:s18], [sflag:$0x5], $0x80, v4, vm0, $0xb8;
	[tilespmem:$0x18400] =	vst v63  }
0x365: {  	_ = 	snop  }
0x366: {  	[hbm4b:s2+s3] =	stream.indirect_vreg.scatter [tilespmem:s29], [sflag:$0x5], $0x80, v3, vm0, $0xb8;
	[tilespmem:$0x18400] =	vst v63  }
0x367: {  	_ = 	snop  }
0x368: {  	[hbm4b:s4+s3] =	stream.indirect_vreg.scatter [tilespmem:s0], [sflag:$0x5], $0x80, v3, vm0, $0xb8;
	[tilespmem:$0x18400] =	vst v63  }
0x369: {  	_ = 	snop  }
0x36a: {  	[hbm4b:s5+s3] =	stream.indirect_vreg.scatter [tilespmem:s1], [sflag:$0x5], $0x80, v3, vm0, $0xb8;
	[tilespmem:$0x18400] =	vst v63  }
0x36b: {  	_ = 	snop  }
0x36c: {  	[hbm4b:s6+s3] =	stream.indirect_vreg.scatter [tilespmem:s10], [sflag:$0x5], $0x80, v3, vm0, $0xb8;
	[tilespmem:$0x18400] =	vst v63  }
0x36d: {  	v3 =	vld [tilespmem:$0x18290];
	_ =	sdelay $0x4  }
0x36e: {  	v31 =	vshll.u32 v3, $0x3  }
0x36f: {  	v3 =	vand.u32 $0x7, v3;
	v4 =	vand.u32 $0xFFFFFFC0, v31  }
0x370: {  	v3 =	vor.u32 v3, v4  }
0x371: {  	v4 =	vperm.xlane v3, v0;
	_ =	sdelay $0x1  }
0x372: {  	v4 =	vadd.s32 v1, v4;
	_ =	sdelay $0x4  }
0x373: {  	[hbm4b:s2+s3] =	stream.indirect_vreg.scatter [tilespmem:s14], [sflag:$0x5], $0x80, v4, vm0, $0xb8;
	[tilespmem:$0x18400] =	vst v63  }
0x374: {  	v3 =	vperm.xlane v3, v2  }
0x375: {  	[hbm4b:s4+s3] =	stream.indirect_vreg.scatter [tilespmem:s23], [sflag:$0x5], $0x80, v4, vm0, $0xb8;
	[tilespmem:$0x18400] =	vst v63  }
0x376: {  	v3 =	vadd.s32 v1, v3  }
0x377: {  	[hbm4b:s5+s3] =	stream.indirect_vreg.scatter [tilespmem:s17], [sflag:$0x5], $0x80, v4, vm0, $0xb8;
	[tilespmem:$0x18400] =	vst v63  }
0x378: {  	_ = 	snop  }
0x379: {  	[hbm4b:s6+s3] =	stream.indirect_vreg.scatter [tilespmem:s19], [sflag:$0x5], $0x80, v4, vm0, $0xb8;
	[tilespmem:$0x18400] =	vst v63  }
0x37a: {  	_ = 	snop  }
0x37b: {  	[hbm4b:s2+s3] =	stream.indirect_vreg.scatter [tilespmem:s20], [sflag:$0x5], $0x80, v3, vm0, $0xb8;
	[tilespmem:$0x18400] =	vst v63  }
0x37c: {  	_ = 	snop  }
0x37d: {  	[hbm4b:s4+s3] =	stream.indirect_vreg.scatter [tilespmem:s21], [sflag:$0x5], $0x80, v3, vm0, $0xb8;
	[tilespmem:$0x18400] =	vst v63  }
0x37e: {  	_ = 	snop  }
0x37f: {  	[hbm4b:s5+s3] =	stream.indirect_vreg.scatter [tilespmem:s22], [sflag:$0x5], $0x80, v3, vm0, $0xb8;
	[tilespmem:$0x18400] =	vst v63  }
0x380: {  	s29 =	simm.s32 $0x4  }
0x381: {  	[hbm4b:s6+s3] =	stream.indirect_vreg.scatter [tilespmem:s24], [sflag:$0x5], $0x80, v3, vm0, $0xb8;
	[tilespmem:$0x18400] =	vst v63  }
0x382: {  	_ =	swait.ge [sflag:s29], $0x8000  }
0x383: {  	[sflag:s29] =	ssyncset.done $0x0  }
0x384: {  	[sflag:s29] =	ssyncadd.s32 $0xFFFF8000  }
0x385: {  	_ =	swait.ge [sflag:s29], $0x8000  }
0x386: {  	s1 =	rddreg [dreg:$0x1f];
	[sflag:s29] =	ssyncset.done $0x0  }
0x387: {  	s14 =	simm.s32 $0x18000;
	s7 =	sld [smem:$0x7EA];
	[sflag:s29] =	ssyncadd.s32 $0xFFFF8000  }
0x388: {  	[tilespmem:s14], [sflag:$0x1] =	stream.linear.gather [hbm4b:s1+s3], $0x20, $0x38;
	[tilespmem:$0x18400] =	vst v63  }
0x389: {  	s9 =	sld [smem:$0x7EB]  }
0x38a: {  	[tilespmem:s31], [sflag:$0x1] =	stream.linear.gather [hbm4b:s7+s3], $0x20, $0x38;
	[tilespmem:$0x18400] =	vst v63  }
0x38b: {  	s10 =	simm.s32 $0x3  }
0x38c: {  	[tilespmem:s3], [sflag:$0x1] =	stream.linear.gather [hbm4b:s9+s3], $0x8000, $0x38;
	[tilespmem:$0x18400] =	vst v63  }
0x38d: {  	_ =	swait.ge [sflag:s10], $0x20  }
0x38e: {  	[sflag:s10] =	ssyncset.done $0x0  }
0x38f: {  	[sflag:s10] =	ssyncadd.s32 $0xFFFFFFE0  }
0x390: {  	_ =	swait.ge [sflag:s10], $0x20  }
0x391: {  	[sflag:s10] =	ssyncset.done $0x0  }
0x392: {  	[sflag:s10] =	ssyncadd.s32 $0xFFFFFFE0  }
0x393: {  	_ =	swait.ge [sflag:s10], $0x8000  }
0x394: {  	[sflag:s10] =	ssyncset.done $0x0  }
0x395: {  	[sflag:s10] =	ssyncadd.s32 $0xFFFF8000  }
0x396: {  	v3 =	vld [tilespmem:$0x18100];
	_ =	sdelay $0x4  }
0x397: {  	v32 =	vshll.u32 v3, $0x3  }
0x398: {  	v3 =	vand.u32 $0x7, v3;
	v4 =	vand.u32 $0xFFFFFFC0, v32  }
0x399: {  	v3 =	vor.u32 v3, v4  }
0x39a: {  	v4 =	vperm.xlane v3, v0;
	_ =	sdelay $0x1  }
0x39b: {  	v4 =	vadd.s32 v1, v4;
	_ =	sdelay $0x3  }
0x39c: {  	s11 =	simm.s32 $0x10000  }
0x39d: {  	[hbm4b:s2+s3] =	stream.indirect_vreg.scatter [tilespmem:s11], [sflag:$0x6], $0x80, v4, vm0, $0xb8;
	[tilespmem:$0x18400] =	vst v63  }
0x39e: {  	s17 =	simm.s32 $0x10800;
	v3 =	vperm.xlane v3, v2  }
0x39f: {  	[hbm4b:s4+s3] =	stream.indirect_vreg.scatter [tilespmem:s17], [sflag:$0x6], $0x80, v4, vm0, $0xb8;
	[tilespmem:$0x18400] =	vst v63  }
0x3a0: {  	s20 =	simm.s32 $0x11000;
	v3 =	vadd.s32 v1, v3  }
0x3a1: {  	[hbm4b:s5+s3] =	stream.indirect_vreg.scatter [tilespmem:s20], [sflag:$0x6], $0x80, v4, vm0, $0xb8;
	[tilespmem:$0x18400] =	vst v63  }
0x3a2: {  	s21 =	simm.s32 $0x11800  }
0x3a3: {  	[hbm4b:s6+s3] =	stream.indirect_vreg.scatter [tilespmem:s21], [sflag:$0x6], $0x80, v4, vm0, $0xb8;
	[tilespmem:$0x18400] =	vst v63  }
0x3a4: {  	s31 =	simm.s32 $0x12000  }
0x3a5: {  	[hbm4b:s2+s3] =	stream.indirect_vreg.scatter [tilespmem:s31], [sflag:$0x6], $0x80, v3, vm0, $0xb8;
	[tilespmem:$0x18400] =	vst v63  }
0x3a6: {  	s1 =	simm.s32 $0x12800  }
0x3a7: {  	[hbm4b:s4+s3] =	stream.indirect_vreg.scatter [tilespmem:s1], [sflag:$0x6], $0x80, v3, vm0, $0xb8;
	[tilespmem:$0x18400] =	vst v63  }
0x3a8: {  	s7 =	simm.s32 $0x13000  }
0x3a9: {  	[hbm4b:s5+s3] =	stream.indirect_vreg.scatter [tilespmem:s7], [sflag:$0x6], $0x80, v3, vm0, $0xb8;
	[tilespmem:$0x18400] =	vst v63  }
0x3aa: {  	s16 =	simm.s32 $0x13800  }
0x3ab: {  	[hbm4b:s6+s3] =	stream.indirect_vreg.scatter [tilespmem:s16], [sflag:$0x6], $0x80, v3, vm0, $0xb8;
	[tilespmem:$0x18400] =	vst v63  }
0x3ac: {  	v3 =	vld [tilespmem:$0x18110];
	_ =	sdelay $0x4  }
0x3ad: {  	v33 =	vshll.u32 v3, $0x3  }
0x3ae: {  	v3 =	vand.u32 $0x7, v3;
	v4 =	vand.u32 $0xFFFFFFC0, v33  }
0x3af: {  	v3 =	vor.u32 v3, v4  }
0x3b0: {  	v4 =	vperm.xlane v3, v0;
	_ =	sdelay $0x1  }
0x3b1: {  	v4 =	vadd.s32 v1, v4;
	_ =	sdelay $0x3  }
0x3b2: {  	s18 =	simm.s32 $0x14000  }
0x3b3: {  	[hbm4b:s2+s3] =	stream.indirect_vreg.scatter [tilespmem:s18], [sflag:$0x6], $0x80, v4, vm0, $0xb8;
	[tilespmem:$0x18400] =	vst v63  }
0x3b4: {  	s25 =	simm.s32 $0x14800;
	v3 =	vperm.xlane v3, v2  }
0x3b5: {  	[hbm4b:s4+s3] =	stream.indirect_vreg.scatter [tilespmem:s25], [sflag:$0x6], $0x80, v4, vm0, $0xb8;
	[tilespmem:$0x18400] =	vst v63  }
0x3b6: {  	s19 =	simm.s32 $0x15000;
	v3 =	vadd.s32 v1, v3  }
0x3b7: {  	[hbm4b:s5+s3] =	stream.indirect_vreg.scatter [tilespmem:s19], [sflag:$0x6], $0x80, v4, vm0, $0xb8;
	[tilespmem:$0x18400] =	vst v63  }
0x3b8: {  	s22 =	simm.s32 $0x15800  }
0x3b9: {  	[hbm4b:s6+s3] =	stream.indirect_vreg.scatter [tilespmem:s22], [sflag:$0x6], $0x80, v4, vm0, $0xb8;
	[tilespmem:$0x18400] =	vst v63  }
0x3ba: {  	s30 =	simm.s32 $0x16000  }
0x3bb: {  	[hbm4b:s2+s3] =	stream.indirect_vreg.scatter [tilespmem:s30], [sflag:$0x6], $0x80, v3, vm0, $0xb8;
	[tilespmem:$0x18400] =	vst v63  }
0x3bc: {  	s23 =	simm.s32 $0x16800  }
0x3bd: {  	[hbm4b:s4+s3] =	stream.indirect_vreg.scatter [tilespmem:s23], [sflag:$0x6], $0x80, v3, vm0, $0xb8;
	[tilespmem:$0x18400] =	vst v63  }
0x3be: {  	s24 =	simm.s32 $0x17000  }
0x3bf: {  	[hbm4b:s5+s3] =	stream.indirect_vreg.scatter [tilespmem:s24], [sflag:$0x6], $0x80, v3, vm0, $0xb8;
	[tilespmem:$0x18400] =	vst v63  }
0x3c0: {  	s26 =	simm.s32 $0x17800  }
0x3c1: {  	[hbm4b:s6+s3] =	stream.indirect_vreg.scatter [tilespmem:s26], [sflag:$0x6], $0x80, v3, vm0, $0xb8;
	[tilespmem:$0x18400] =	vst v63  }
0x3c2: {  	v3 =	vld [tilespmem:$0x18300];
	_ =	sdelay $0x4  }
0x3c3: {  	v34 =	vshll.u32 v3, $0x3  }
0x3c4: {  	v3 =	vand.u32 $0x7, v3;
	v4 =	vand.u32 $0xFFFFFFC0, v34  }
0x3c5: {  	v3 =	vor.u32 v3, v4  }
0x3c6: {  	v4 =	vperm.xlane v3, v0;
	_ =	sdelay $0x1  }
0x3c7: {  	v4 =	vadd.s32 v1, v4;
	_ =	sdelay $0x4  }
0x3c8: {  	[hbm4b:s2+s3] =	stream.indirect_vreg.scatter [tilespmem:s11], [sflag:$0x6], $0x80, v4, vm0, $0xb8;
	[tilespmem:$0x18400] =	vst v63  }
0x3c9: {  	v3 =	vperm.xlane v3, v2  }
0x3ca: {  	[hbm4b:s4+s3] =	stream.indirect_vreg.scatter [tilespmem:s17], [sflag:$0x6], $0x80, v4, vm0, $0xb8;
	[tilespmem:$0x18400] =	vst v63  }
0x3cb: {  	v3 =	vadd.s32 v1, v3  }
0x3cc: {  	[hbm4b:s5+s3] =	stream.indirect_vreg.scatter [tilespmem:s20], [sflag:$0x6], $0x80, v4, vm0, $0xb8;
	[tilespmem:$0x18400] =	vst v63  }
0x3cd: {  	_ = 	snop  }
0x3ce: {  	[hbm4b:s6+s3] =	stream.indirect_vreg.scatter [tilespmem:s21], [sflag:$0x6], $0x80, v4, vm0, $0xb8;
	[tilespmem:$0x18400] =	vst v63  }
0x3cf: {  	_ = 	snop  }
0x3d0: {  	[hbm4b:s2+s3] =	stream.indirect_vreg.scatter [tilespmem:s31], [sflag:$0x6], $0x80, v3, vm0, $0xb8;
	[tilespmem:$0x18400] =	vst v63  }
0x3d1: {  	_ = 	snop  }
0x3d2: {  	[hbm4b:s4+s3] =	stream.indirect_vreg.scatter [tilespmem:s1], [sflag:$0x6], $0x80, v3, vm0, $0xb8;
	[tilespmem:$0x18400] =	vst v63  }
0x3d3: {  	_ = 	snop  }
0x3d4: {  	[hbm4b:s5+s3] =	stream.indirect_vreg.scatter [tilespmem:s7], [sflag:$0x6], $0x80, v3, vm0, $0xb8;
	[tilespmem:$0x18400] =	vst v63  }
0x3d5: {  	_ = 	snop  }
0x3d6: {  	[hbm4b:s6+s3] =	stream.indirect_vreg.scatter [tilespmem:s16], [sflag:$0x6], $0x80, v3, vm0, $0xb8;
	[tilespmem:$0x18400] =	vst v63  }
0x3d7: {  	v3 =	vld [tilespmem:$0x18310];
	_ =	sdelay $0x4  }
0x3d8: {  	v35 =	vshll.u32 v3, $0x3  }
0x3d9: {  	v3 =	vand.u32 $0x7, v3;
	v4 =	vand.u32 $0xFFFFFFC0, v35  }
0x3da: {  	v3 =	vor.u32 v3, v4  }
0x3db: {  	v4 =	vperm.xlane v3, v0;
	_ =	sdelay $0x1  }
0x3dc: {  	v4 =	vadd.s32 v1, v4;
	_ =	sdelay $0x4  }
0x3dd: {  	[hbm4b:s2+s3] =	stream.indirect_vreg.scatter [tilespmem:s18], [sflag:$0x6], $0x80, v4, vm0, $0xb8;
	[tilespmem:$0x18400] =	vst v63  }
0x3de: {  	v3 =	vperm.xlane v3, v2  }
0x3df: {  	[hbm4b:s4+s3] =	stream.indirect_vreg.scatter [tilespmem:s25], [sflag:$0x6], $0x80, v4, vm0, $0xb8;
	[tilespmem:$0x18400] =	vst v63  }
0x3e0: {  	v3 =	vadd.s32 v1, v3  }
0x3e1: {  	[hbm4b:s5+s3] =	stream.indirect_vreg.scatter [tilespmem:s19], [sflag:$0x6], $0x80, v4, vm0, $0xb8;
	[tilespmem:$0x18400] =	vst v63  }
0x3e2: {  	_ = 	snop  }
0x3e3: {  	[hbm4b:s6+s3] =	stream.indirect_vreg.scatter [tilespmem:s22], [sflag:$0x6], $0x80, v4, vm0, $0xb8;
	[tilespmem:$0x18400] =	vst v63  }
0x3e4: {  	_ = 	snop  }
0x3e5: {  	[hbm4b:s2+s3] =	stream.indirect_vreg.scatter [tilespmem:s30], [sflag:$0x6], $0x80, v3, vm0, $0xb8;
	[tilespmem:$0x18400] =	vst v63  }
0x3e6: {  	_ = 	snop  }
0x3e7: {  	[hbm4b:s4+s3] =	stream.indirect_vreg.scatter [tilespmem:s23], [sflag:$0x6], $0x80, v3, vm0, $0xb8;
	[tilespmem:$0x18400] =	vst v63  }
0x3e8: {  	_ = 	snop  }
0x3e9: {  	[hbm4b:s5+s3] =	stream.indirect_vreg.scatter [tilespmem:s24], [sflag:$0x6], $0x80, v3, vm0, $0xb8;
	[tilespmem:$0x18400] =	vst v63  }
0x3ea: {  	s29 =	simm.s32 $0x5  }
0x3eb: {  	[hbm4b:s6+s3] =	stream.indirect_vreg.scatter [tilespmem:s26], [sflag:$0x6], $0x80, v3, vm0, $0xb8;
	[tilespmem:$0x18400] =	vst v63  }
0x3ec: {  	_ =	swait.ge [sflag:s29], $0x8000  }
0x3ed: {  	[sflag:s29] =	ssyncset.done $0x0  }
0x3ee: {  	[sflag:s29] =	ssyncadd.s32 $0xFFFF8000  }
0x3ef: {  	_ =	swait.ge [sflag:s29], $0x8000  }
0x3f0: {  	s30 =	sld [smem:$0x7EC]  }
0x3f1: {  	[sflag:s29] =	ssyncset.done $0x0  }
0x3f2: {  	s1 =	simm.s32 $0x18080;
	s31 =	sld [smem:$0x7ED];
	[sflag:s29] =	ssyncadd.s32 $0xFFFF8000  }
0x3f3: {  	[tilespmem:s1], [sflag:$0x2] =	stream.linear.gather [hbm4b:s30+s3], $0x20, $0x38;
	[tilespmem:$0x18400] =	vst v63  }
0x3f4: {  	s16 =	simm.s32 $0x18280;
	s7 =	sld [smem:$0x7EE]  }
0x3f5: {  	[tilespmem:s16], [sflag:$0x2] =	stream.linear.gather [hbm4b:s31+s3], $0x20, $0x38;
	[tilespmem:$0x18400] =	vst v63  }
0x3f6: {  	s12 =	simm.s32 $0x8000;
	s17 =	simm.s32 $0x1  }
0x3f7: {  	[tilespmem:s12], [sflag:$0x2] =	stream.linear.gather [hbm4b:s7+s3], $0x8000, $0x38;
	[tilespmem:$0x18400] =	vst v63  }
0x3f8: {  	_ =	swait.ge [sflag:s17], $0x20  }
0x3f9: {  	[sflag:s17] =	ssyncset.done $0x0  }
0x3fa: {  	[sflag:s17] =	ssyncadd.s32 $0xFFFFFFE0  }
0x3fb: {  	_ =	swait.ge [sflag:s17], $0x20  }
0x3fc: {  	[sflag:s17] =	ssyncset.done $0x0  }
0x3fd: {  	[sflag:s17] =	ssyncadd.s32 $0xFFFFFFE0  }
0x3fe: {  	_ =	swait.ge [sflag:s17], $0x8000  }
0x3ff: {  	[sflag:s17] =	ssyncset.done $0x0  }
0x400: {  	[sflag:s17] =	ssyncadd.s32 $0xFFFF8000  }
0x401: {  	v3 =	vld [tilespmem:$0x18000];
	_ =	sdelay $0x4  }
0x402: {  	v36 =	vshll.u32 v3, $0x3  }
0x403: {  	v3 =	vand.u32 $0x7, v3;
	v4 =	vand.u32 $0xFFFFFFC0, v36  }
0x404: {  	v3 =	vor.u32 v3, v4  }
0x405: {  	v4 =	vperm.xlane v3, v0;
	_ =	sdelay $0x1  }
0x406: {  	v4 =	vadd.s32 v1, v4;
	_ =	sdelay $0x4  }
0x407: {  	[hbm4b:s2+s3] =	stream.indirect_vreg.scatter [tilespmem:s3], [sflag:$0x4], $0x80, v4, vm0, $0xb8;
	[tilespmem:$0x18400] =	vst v63  }
0x408: {  	s18 =	simm.s32 $0x800;
	v3 =	vperm.xlane v3, v2  }
0x409: {  	[hbm4b:s4+s3] =	stream.indirect_vreg.scatter [tilespmem:s18], [sflag:$0x4], $0x80, v4, vm0, $0xb8;
	[tilespmem:$0x18400] =	vst v63  }
0x40a: {  	s15 =	simm.s32 $0x1000;
	v3 =	vadd.s32 v1, v3  }
0x40b: {  	[hbm4b:s5+s3] =	stream.indirect_vreg.scatter [tilespmem:s15], [sflag:$0x4], $0x80, v4, vm0, $0xb8;
	[tilespmem:$0x18400] =	vst v63  }
0x40c: {  	s20 =	simm.s32 $0x1800  }
0x40d: {  	[hbm4b:s6+s3] =	stream.indirect_vreg.scatter [tilespmem:s20], [sflag:$0x4], $0x80, v4, vm0, $0xb8;
	[tilespmem:$0x18400] =	vst v63  }
0x40e: {  	s22 =	simm.s32 $0x2000  }
0x40f: {  	[hbm4b:s2+s3] =	stream.indirect_vreg.scatter [tilespmem:s22], [sflag:$0x4], $0x80, v3, vm0, $0xb8;
	[tilespmem:$0x18400] =	vst v63  }
0x410: {  	s23 =	simm.s32 $0x2800  }
0x411: {  	[hbm4b:s4+s3] =	stream.indirect_vreg.scatter [tilespmem:s23], [sflag:$0x4], $0x80, v3, vm0, $0xb8;
	[tilespmem:$0x18400] =	vst v63  }
0x412: {  	s24 =	simm.s32 $0x3000  }
0x413: {  	[hbm4b:s5+s3] =	stream.indirect_vreg.scatter [tilespmem:s24], [sflag:$0x4], $0x80, v3, vm0, $0xb8;
	[tilespmem:$0x18400] =	vst v63  }
0x414: {  	s30 =	simm.s32 $0x3800  }
0x415: {  	[hbm4b:s6+s3] =	stream.indirect_vreg.scatter [tilespmem:s30], [sflag:$0x4], $0x80, v3, vm0, $0xb8;
	[tilespmem:$0x18400] =	vst v63  }
0x416: {  	v3 =	vld [tilespmem:$0x18010];
	_ =	sdelay $0x4  }
0x417: {  	v37 =	vshll.u32 v3, $0x3  }
0x418: {  	v3 =	vand.u32 $0x7, v3;
	v4 =	vand.u32 $0xFFFFFFC0, v37  }
0x419: {  	v3 =	vor.u32 v3, v4  }
0x41a: {  	v4 =	vperm.xlane v3, v0;
	_ =	sdelay $0x1  }
0x41b: {  	v4 =	vadd.s32 v1, v4;
	_ =	sdelay $0x3  }
0x41c: {  	s31 =	simm.s32 $0x4000  }
0x41d: {  	[hbm4b:s2+s3] =	stream.indirect_vreg.scatter [tilespmem:s31], [sflag:$0x4], $0x80, v4, vm0, $0xb8;
	[tilespmem:$0x18400] =	vst v63  }
0x41e: {  	s1 =	simm.s32 $0x4800;
	v3 =	vperm.xlane v3, v2  }
0x41f: {  	[hbm4b:s4+s3] =	stream.indirect_vreg.scatter [tilespmem:s1], [sflag:$0x4], $0x80, v4, vm0, $0xb8;
	[tilespmem:$0x18400] =	vst v63  }
0x420: {  	s7 =	simm.s32 $0x5000;
	v3 =	vadd.s32 v1, v3  }
0x421: {  	[hbm4b:s5+s3] =	stream.indirect_vreg.scatter [tilespmem:s7], [sflag:$0x4], $0x80, v4, vm0, $0xb8;
	[tilespmem:$0x18400] =	vst v63  }
0x422: {  	s12 =	simm.s32 $0x5800  }
0x423: {  	[hbm4b:s6+s3] =	stream.indirect_vreg.scatter [tilespmem:s12], [sflag:$0x4], $0x80, v4, vm0, $0xb8;
	[tilespmem:$0x18400] =	vst v63  }
0x424: {  	s19 =	simm.s32 $0x6000  }
0x425: {  	[hbm4b:s2+s3] =	stream.indirect_vreg.scatter [tilespmem:s19], [sflag:$0x4], $0x80, v3, vm0, $0xb8;
	[tilespmem:$0x18400] =	vst v63  }
0x426: {  	s25 =	simm.s32 $0x6800  }
0x427: {  	[hbm4b:s4+s3] =	stream.indirect_vreg.scatter [tilespmem:s25], [sflag:$0x4], $0x80, v3, vm0, $0xb8;
	[tilespmem:$0x18400] =	vst v63  }
0x428: {  	s26 =	simm.s32 $0x7000  }
0x429: {  	[hbm4b:s5+s3] =	stream.indirect_vreg.scatter [tilespmem:s26], [sflag:$0x4], $0x80, v3, vm0, $0xb8;
	[tilespmem:$0x18400] =	vst v63  }
0x42a: {  	s29 =	simm.s32 $0x7800  }
0x42b: {  	[hbm4b:s6+s3] =	stream.indirect_vreg.scatter [tilespmem:s29], [sflag:$0x4], $0x80, v3, vm0, $0xb8;
	[tilespmem:$0x18400] =	vst v63  }
0x42c: {  	v3 =	vld [tilespmem:$0x18200];
	_ =	sdelay $0x4  }
0x42d: {  	v38 =	vshll.u32 v3, $0x3  }
0x42e: {  	v3 =	vand.u32 $0x7, v3;
	v4 =	vand.u32 $0xFFFFFFC0, v38  }
0x42f: {  	v3 =	vor.u32 v3, v4  }
0x430: {  	v4 =	vperm.xlane v3, v0;
	_ =	sdelay $0x1  }
0x431: {  	v4 =	vadd.s32 v1, v4;
	_ =	sdelay $0x4  }
0x432: {  	[hbm4b:s2+s3] =	stream.indirect_vreg.scatter [tilespmem:s3], [sflag:$0x4], $0x80, v4, vm0, $0xb8;
	[tilespmem:$0x18400] =	vst v63  }
0x433: {  	v3 =	vperm.xlane v3, v2  }
0x434: {  	[hbm4b:s4+s3] =	stream.indirect_vreg.scatter [tilespmem:s18], [sflag:$0x4], $0x80, v4, vm0, $0xb8;
	[tilespmem:$0x18400] =	vst v63  }
0x435: {  	v3 =	vadd.s32 v1, v3  }
0x436: {  	[hbm4b:s5+s3] =	stream.indirect_vreg.scatter [tilespmem:s15], [sflag:$0x4], $0x80, v4, vm0, $0xb8;
	[tilespmem:$0x18400] =	vst v63  }
0x437: {  	_ = 	snop  }
0x438: {  	[hbm4b:s6+s3] =	stream.indirect_vreg.scatter [tilespmem:s20], [sflag:$0x4], $0x80, v4, vm0, $0xb8;
	[tilespmem:$0x18400] =	vst v63  }
0x439: {  	_ = 	snop  }
0x43a: {  	[hbm4b:s2+s3] =	stream.indirect_vreg.scatter [tilespmem:s22], [sflag:$0x4], $0x80, v3, vm0, $0xb8;
	[tilespmem:$0x18400] =	vst v63  }
0x43b: {  	_ = 	snop  }
0x43c: {  	[hbm4b:s4+s3] =	stream.indirect_vreg.scatter [tilespmem:s23], [sflag:$0x4], $0x80, v3, vm0, $0xb8;
	[tilespmem:$0x18400] =	vst v63  }
0x43d: {  	_ = 	snop  }
0x43e: {  	[hbm4b:s5+s3] =	stream.indirect_vreg.scatter [tilespmem:s24], [sflag:$0x4], $0x80, v3, vm0, $0xb8;
	[tilespmem:$0x18400] =	vst v63  }
0x43f: {  	_ = 	snop  }
0x440: {  	[hbm4b:s6+s3] =	stream.indirect_vreg.scatter [tilespmem:s30], [sflag:$0x4], $0x80, v3, vm0, $0xb8;
	[tilespmem:$0x18400] =	vst v63  }
0x441: {  	v3 =	vld [tilespmem:$0x18210];
	_ =	sdelay $0x4  }
0x442: {  	v39 =	vshll.u32 v3, $0x3  }
0x443: {  	v3 =	vand.u32 $0x7, v3;
	v4 =	vand.u32 $0xFFFFFFC0, v39  }
0x444: {  	v3 =	vor.u32 v3, v4  }
0x445: {  	v4 =	vperm.xlane v3, v0;
	_ =	sdelay $0x1  }
0x446: {  	v4 =	vadd.s32 v1, v4;
	_ =	sdelay $0x4  }
0x447: {  	[hbm4b:s2+s3] =	stream.indirect_vreg.scatter [tilespmem:s31], [sflag:$0x4], $0x80, v4, vm0, $0xb8;
	[tilespmem:$0x18400] =	vst v63  }
0x448: {  	v3 =	vperm.xlane v3, v2  }
0x449: {  	[hbm4b:s4+s3] =	stream.indirect_vreg.scatter [tilespmem:s1], [sflag:$0x4], $0x80, v4, vm0, $0xb8;
	[tilespmem:$0x18400] =	vst v63  }
0x44a: {  	v3 =	vadd.s32 v1, v3  }
0x44b: {  	[hbm4b:s5+s3] =	stream.indirect_vreg.scatter [tilespmem:s7], [sflag:$0x4], $0x80, v4, vm0, $0xb8;
	[tilespmem:$0x18400] =	vst v63  }
0x44c: {  	_ = 	snop  }
0x44d: {  	[hbm4b:s6+s3] =	stream.indirect_vreg.scatter [tilespmem:s12], [sflag:$0x4], $0x80, v4, vm0, $0xb8;
	[tilespmem:$0x18400] =	vst v63  }
0x44e: {  	_ = 	snop  }
0x44f: {  	[hbm4b:s2+s3] =	stream.indirect_vreg.scatter [tilespmem:s19], [sflag:$0x4], $0x80, v3, vm0, $0xb8;
	[tilespmem:$0x18400] =	vst v63  }
0x450: {  	_ = 	snop  }
0x451: {  	[hbm4b:s4+s3] =	stream.indirect_vreg.scatter [tilespmem:s25], [sflag:$0x4], $0x80, v3, vm0, $0xb8;
	[tilespmem:$0x18400] =	vst v63  }
0x452: {  	_ = 	snop  }
0x453: {  	[hbm4b:s5+s3] =	stream.indirect_vreg.scatter [tilespmem:s26], [sflag:$0x4], $0x80, v3, vm0, $0xb8;
	[tilespmem:$0x18400] =	vst v63  }
0x454: {  	s30 =	simm.s32 $0x6  }
0x455: {  	[hbm4b:s6+s3] =	stream.indirect_vreg.scatter [tilespmem:s29], [sflag:$0x4], $0x80, v3, vm0, $0xb8;
	[tilespmem:$0x18400] =	vst v63  }
0x456: {  	_ =	swait.ge [sflag:s30], $0x8000  }
0x457: {  	[sflag:s30] =	ssyncset.done $0x0  }
0x458: {  	[sflag:s30] =	ssyncadd.s32 $0xFFFF8000  }
0x459: {  	_ =	swait.ge [sflag:s30], $0x8000  }
0x45a: {  	s31 =	sld [smem:$0x7EF]  }
0x45b: {  	[sflag:s30] =	ssyncset.done $0x0  }
0x45c: {  	s0 =	sld [smem:$0x7F0];
	[sflag:s30] =	ssyncadd.s32 $0xFFFF8000  }
0x45d: {  	[tilespmem:s8], [sflag:$0x3] =	stream.linear.gather [hbm4b:s31+s3], $0x20, $0x38;
	[tilespmem:$0x18400] =	vst v63  }
0x45e: {  	s1 =	sld [smem:$0x7F1];
	s8 =	simm.s32 $0x18300  }
0x45f: {  	[tilespmem:s8], [sflag:$0x3] =	stream.linear.gather [hbm4b:s0+s3], $0x20, $0x38;
	[tilespmem:$0x18400] =	vst v63  }
0x460: {  	s9 =	simm.s32 $0x10000  }
0x461: {  	[tilespmem:s9], [sflag:$0x3] =	stream.linear.gather [hbm4b:s1+s3], $0x8000, $0x38;
	[tilespmem:$0x18400] =	vst v63  }
0x462: {  	_ =	swait.ge [sflag:s13], $0x20  }
0x463: {  	[sflag:s13] =	ssyncset.done $0x0  }
0x464: {  	[sflag:s13] =	ssyncadd.s32 $0xFFFFFFE0  }
0x465: {  	_ =	swait.ge [sflag:s13], $0x20  }
0x466: {  	[sflag:s13] =	ssyncset.done $0x0  }
0x467: {  	[sflag:s13] =	ssyncadd.s32 $0xFFFFFFE0  }
0x468: {  	_ =	swait.ge [sflag:s13], $0x8000  }
0x469: {  	[sflag:s13] =	ssyncset.done $0x0  }
0x46a: {  	[sflag:s13] =	ssyncadd.s32 $0xFFFF8000  }
0x46b: {  	v3 =	vld [tilespmem:$0x18080];
	_ =	sdelay $0x4  }
0x46c: {  	v40 =	vshll.u32 v3, $0x3  }
0x46d: {  	v3 =	vand.u32 $0x7, v3;
	v4 =	vand.u32 $0xFFFFFFC0, v40  }
0x46e: {  	v3 =	vor.u32 v3, v4  }
0x46f: {  	v4 =	vperm.xlane v3, v0;
	_ =	sdelay $0x1  }
0x470: {  	v4 =	vadd.s32 v1, v4;
	_ =	sdelay $0x3  }
0x471: {  	s9 =	simm.s32 $0x8000  }
0x472: {  	[hbm4b:s2+s3] =	stream.indirect_vreg.scatter [tilespmem:s9], [sflag:$0x5], $0x80, v4, vm0, $0xb8;
	[tilespmem:$0x18400] =	vst v63  }
0x473: {  	s10 =	simm.s32 $0x8800;
	v3 =	vperm.xlane v3, v2  }
0x474: {  	[hbm4b:s4+s3] =	stream.indirect_vreg.scatter [tilespmem:s10], [sflag:$0x5], $0x80, v4, vm0, $0xb8;
	[tilespmem:$0x18400] =	vst v63  }
0x475: {  	s11 =	simm.s32 $0x9000;
	v3 =	vadd.s32 v1, v3  }
0x476: {  	[hbm4b:s5+s3] =	stream.indirect_vreg.scatter [tilespmem:s11], [sflag:$0x5], $0x80, v4, vm0, $0xb8;
	[tilespmem:$0x18400] =	vst v63  }
0x477: {  	s20 =	simm.s32 $0x9800  }
0x478: {  	[hbm4b:s6+s3] =	stream.indirect_vreg.scatter [tilespmem:s20], [sflag:$0x5], $0x80, v4, vm0, $0xb8;
	[tilespmem:$0x18400] =	vst v63  }
0x479: {  	s21 =	simm.s32 $0xA000  }
0x47a: {  	[hbm4b:s2+s3] =	stream.indirect_vreg.scatter [tilespmem:s21], [sflag:$0x5], $0x80, v3, vm0, $0xb8;
	[tilespmem:$0x18400] =	vst v63  }
0x47b: {  	s22 =	simm.s32 $0xA800  }
0x47c: {  	[hbm4b:s4+s3] =	stream.indirect_vreg.scatter [tilespmem:s22], [sflag:$0x5], $0x80, v3, vm0, $0xb8;
	[tilespmem:$0x18400] =	vst v63  }
0x47d: {  	s25 =	simm.s32 $0xB000  }
0x47e: {  	[hbm4b:s5+s3] =	stream.indirect_vreg.scatter [tilespmem:s25], [sflag:$0x5], $0x80, v3, vm0, $0xb8;
	[tilespmem:$0x18400] =	vst v63  }
0x47f: {  	s0 =	simm.s32 $0xB800  }
0x480: {  	[hbm4b:s6+s3] =	stream.indirect_vreg.scatter [tilespmem:s0], [sflag:$0x5], $0x80, v3, vm0, $0xb8;
	[tilespmem:$0x18400] =	vst v63  }
0x481: {  	v3 =	vld [tilespmem:$0x18090];
	_ =	sdelay $0x4  }
0x482: {  	v41 =	vshll.u32 v3, $0x3  }
0x483: {  	v3 =	vand.u32 $0x7, v3;
	v4 =	vand.u32 $0xFFFFFFC0, v41  }
0x484: {  	v3 =	vor.u32 v3, v4  }
0x485: {  	v4 =	vperm.xlane v3, v0;
	_ =	sdelay $0x1  }
0x486: {  	v4 =	vadd.s32 v1, v4;
	_ =	sdelay $0x3  }
0x487: {  	s1 =	simm.s32 $0xC000  }
0x488: {  	[hbm4b:s2+s3] =	stream.indirect_vreg.scatter [tilespmem:s1], [sflag:$0x5], $0x80, v4, vm0, $0xb8;
	[tilespmem:$0x18400] =	vst v63  }
0x489: {  	s16 =	simm.s32 $0xC800;
	v3 =	vperm.xlane v3, v2  }
0x48a: {  	[hbm4b:s4+s3] =	stream.indirect_vreg.scatter [tilespmem:s16], [sflag:$0x5], $0x80, v4, vm0, $0xb8;
	[tilespmem:$0x18400] =	vst v63  }
0x48b: {  	s17 =	simm.s32 $0xD000;
	v3 =	vadd.s32 v1, v3  }
0x48c: {  	[hbm4b:s5+s3] =	stream.indirect_vreg.scatter [tilespmem:s17], [sflag:$0x5], $0x80, v4, vm0, $0xb8;
	[tilespmem:$0x18400] =	vst v63  }
0x48d: {  	s18 =	simm.s32 $0xD800  }
0x48e: {  	[hbm4b:s6+s3] =	stream.indirect_vreg.scatter [tilespmem:s18], [sflag:$0x5], $0x80, v4, vm0, $0xb8;
	[tilespmem:$0x18400] =	vst v63  }
0x48f: {  	s19 =	simm.s32 $0xE000  }
0x490: {  	[hbm4b:s2+s3] =	stream.indirect_vreg.scatter [tilespmem:s19], [sflag:$0x5], $0x80, v3, vm0, $0xb8;
	[tilespmem:$0x18400] =	vst v63  }
0x491: {  	s26 =	simm.s32 $0xE800  }
0x492: {  	[hbm4b:s4+s3] =	stream.indirect_vreg.scatter [tilespmem:s26], [sflag:$0x5], $0x80, v3, vm0, $0xb8;
	[tilespmem:$0x18400] =	vst v63  }
0x493: {  	s31 =	simm.s32 $0xF000  }
0x494: {  	[hbm4b:s5+s3] =	stream.indirect_vreg.scatter [tilespmem:s31], [sflag:$0x5], $0x80, v3, vm0, $0xb8;
	[tilespmem:$0x18400] =	vst v63  }
0x495: {  	s8 =	simm.s32 $0xF800  }
0x496: {  	[hbm4b:s6+s3] =	stream.indirect_vreg.scatter [tilespmem:s8], [sflag:$0x5], $0x80, v3, vm0, $0xb8;
	[tilespmem:$0x18400] =	vst v63  }
0x497: {  	v3 =	vld [tilespmem:$0x18280];
	_ =	sdelay $0x4  }
0x498: {  	v42 =	vshll.u32 v3, $0x3  }
0x499: {  	v3 =	vand.u32 $0x7, v3;
	v4 =	vand.u32 $0xFFFFFFC0, v42  }
0x49a: {  	v3 =	vor.u32 v3, v4  }
0x49b: {  	v4 =	vperm.xlane v3, v0;
	_ =	sdelay $0x1  }
0x49c: {  	v4 =	vadd.s32 v1, v4;
	_ =	sdelay $0x4  }
0x49d: {  	[hbm4b:s2+s3] =	stream.indirect_vreg.scatter [tilespmem:s9], [sflag:$0x5], $0x80, v4, vm0, $0xb8;
	[tilespmem:$0x18400] =	vst v63  }
0x49e: {  	v3 =	vperm.xlane v3, v2  }
0x49f: {  	[hbm4b:s4+s3] =	stream.indirect_vreg.scatter [tilespmem:s10], [sflag:$0x5], $0x80, v4, vm0, $0xb8;
	[tilespmem:$0x18400] =	vst v63  }
0x4a0: {  	v3 =	vadd.s32 v1, v3  }
0x4a1: {  	[hbm4b:s5+s3] =	stream.indirect_vreg.scatter [tilespmem:s11], [sflag:$0x5], $0x80, v4, vm0, $0xb8;
	[tilespmem:$0x18400] =	vst v63  }
0x4a2: {  	_ = 	snop  }
0x4a3: {  	[hbm4b:s6+s3] =	stream.indirect_vreg.scatter [tilespmem:s20], [sflag:$0x5], $0x80, v4, vm0, $0xb8;
	[tilespmem:$0x18400] =	vst v63  }
0x4a4: {  	_ = 	snop  }
0x4a5: {  	[hbm4b:s2+s3] =	stream.indirect_vreg.scatter [tilespmem:s21], [sflag:$0x5], $0x80, v3, vm0, $0xb8;
	[tilespmem:$0x18400] =	vst v63  }
0x4a6: {  	_ = 	snop  }
0x4a7: {  	[hbm4b:s4+s3] =	stream.indirect_vreg.scatter [tilespmem:s22], [sflag:$0x5], $0x80, v3, vm0, $0xb8;
	[tilespmem:$0x18400] =	vst v63  }
0x4a8: {  	_ = 	snop  }
0x4a9: {  	[hbm4b:s5+s3] =	stream.indirect_vreg.scatter [tilespmem:s25], [sflag:$0x5], $0x80, v3, vm0, $0xb8;
	[tilespmem:$0x18400] =	vst v63  }
0x4aa: {  	_ = 	snop  }
0x4ab: {  	[hbm4b:s6+s3] =	stream.indirect_vreg.scatter [tilespmem:s0], [sflag:$0x5], $0x80, v3, vm0, $0xb8;
	[tilespmem:$0x18400] =	vst v63  }
0x4ac: {  	v3 =	vld [tilespmem:$0x18290];
	_ =	sdelay $0x4  }
0x4ad: {  	v43 =	vshll.u32 v3, $0x3  }
0x4ae: {  	v3 =	vand.u32 $0x7, v3;
	v4 =	vand.u32 $0xFFFFFFC0, v43  }
0x4af: {  	v3 =	vor.u32 v3, v4  }
0x4b0: {  	v4 =	vperm.xlane v3, v0;
	_ =	sdelay $0x1  }
0x4b1: {  	v4 =	vadd.s32 v1, v4;
	_ =	sdelay $0x4  }
0x4b2: {  	[hbm4b:s2+s3] =	stream.indirect_vreg.scatter [tilespmem:s1], [sflag:$0x5], $0x80, v4, vm0, $0xb8;
	[tilespmem:$0x18400] =	vst v63  }
0x4b3: {  	v3 =	vperm.xlane v3, v2  }
0x4b4: {  	[hbm4b:s4+s3] =	stream.indirect_vreg.scatter [tilespmem:s16], [sflag:$0x5], $0x80, v4, vm0, $0xb8;
	[tilespmem:$0x18400] =	vst v63  }
0x4b5: {  	v3 =	vadd.s32 v1, v3  }
0x4b6: {  	[hbm4b:s5+s3] =	stream.indirect_vreg.scatter [tilespmem:s17], [sflag:$0x5], $0x80, v4, vm0, $0xb8;
	[tilespmem:$0x18400] =	vst v63  }
0x4b7: {  	_ = 	snop  }
0x4b8: {  	[hbm4b:s6+s3] =	stream.indirect_vreg.scatter [tilespmem:s18], [sflag:$0x5], $0x80, v4, vm0, $0xb8;
	[tilespmem:$0x18400] =	vst v63  }
0x4b9: {  	_ = 	snop  }
0x4ba: {  	[hbm4b:s2+s3] =	stream.indirect_vreg.scatter [tilespmem:s19], [sflag:$0x5], $0x80, v3, vm0, $0xb8;
	[tilespmem:$0x18400] =	vst v63  }
0x4bb: {  	_ = 	snop  }
0x4bc: {  	[hbm4b:s4+s3] =	stream.indirect_vreg.scatter [tilespmem:s26], [sflag:$0x5], $0x80, v3, vm0, $0xb8;
	[tilespmem:$0x18400] =	vst v63  }
0x4bd: {  	_ = 	snop  }
0x4be: {  	[hbm4b:s5+s3] =	stream.indirect_vreg.scatter [tilespmem:s31], [sflag:$0x5], $0x80, v3, vm0, $0xb8;
	[tilespmem:$0x18400] =	vst v63  }
0x4bf: {  	s11 =	simm.s32 $0x4  }
0x4c0: {  	[hbm4b:s6+s3] =	stream.indirect_vreg.scatter [tilespmem:s8], [sflag:$0x5], $0x80, v3, vm0, $0xb8;
	[tilespmem:$0x18400] =	vst v63  }
0x4c1: {  	_ =	swait.ge [sflag:s11], $0x8000  }
0x4c2: {  	[sflag:s11] =	ssyncset.done $0x0  }
0x4c3: {  	[sflag:s11] =	ssyncadd.s32 $0xFFFF8000  }
0x4c4: {  	_ =	swait.ge [sflag:s11], $0x8000  }
0x4c5: {  	s12 =	sld [smem:$0x7F2]  }
0x4c6: {  	[sflag:s11] =	ssyncset.done $0x0  }
0x4c7: {  	s15 =	sld [smem:$0x7F3];
	[sflag:s11] =	ssyncadd.s32 $0xFFFF8000  }
0x4c8: {  	[tilespmem:s14], [sflag:$0x1] =	stream.linear.gather [hbm4b:s12+s3], $0x20, $0x38;
	[tilespmem:$0x18400] =	vst v63  }
0x4c9: {  	s17 =	simm.s32 $0x18200;
	s16 =	sld [smem:$0x7F4]  }
0x4ca: {  	[tilespmem:s17], [sflag:$0x1] =	stream.linear.gather [hbm4b:s15+s3], $0x20, $0x38;
	[tilespmem:$0x18400] =	vst v63  }
0x4cb: {  	s18 =	simm.s32 $0x3  }
0x4cc: {  	[tilespmem:s3], [sflag:$0x1] =	stream.linear.gather [hbm4b:s16+s3], $0x8000, $0x38;
	[tilespmem:$0x18400] =	vst v63  }
0x4cd: {  	_ =	swait.ge [sflag:s18], $0x20  }
0x4ce: {  	[sflag:s18] =	ssyncset.done $0x0  }
0x4cf: {  	[sflag:s18] =	ssyncadd.s32 $0xFFFFFFE0  }
0x4d0: {  	_ =	swait.ge [sflag:s18], $0x20  }
0x4d1: {  	[sflag:s18] =	ssyncset.done $0x0  }
0x4d2: {  	[sflag:s18] =	ssyncadd.s32 $0xFFFFFFE0  }
0x4d3: {  	_ =	swait.ge [sflag:s18], $0x8000  }
0x4d4: {  	[sflag:s18] =	ssyncset.done $0x0  }
0x4d5: {  	[sflag:s18] =	ssyncadd.s32 $0xFFFF8000  }
0x4d6: {  	v3 =	vld [tilespmem:$0x18100];
	_ =	sdelay $0x4  }
0x4d7: {  	v44 =	vshll.u32 v3, $0x3  }
0x4d8: {  	v3 =	vand.u32 $0x7, v3;
	v4 =	vand.u32 $0xFFFFFFC0, v44  }
0x4d9: {  	v3 =	vor.u32 v3, v4  }
0x4da: {  	v4 =	vperm.xlane v3, v0;
	_ =	sdelay $0x1  }
0x4db: {  	v4 =	vadd.s32 v1, v4;
	_ =	sdelay $0x3  }
0x4dc: {  	s19 =	simm.s32 $0x10000  }
0x4dd: {  	[hbm4b:s2+s3] =	stream.indirect_vreg.scatter [tilespmem:s19], [sflag:$0x6], $0x80, v4, vm0, $0xb8;
	[tilespmem:$0x18400] =	vst v63  }
0x4de: {  	s20 =	simm.s32 $0x10800;
	v3 =	vperm.xlane v3, v2  }
0x4df: {  	[hbm4b:s4+s3] =	stream.indirect_vreg.scatter [tilespmem:s20], [sflag:$0x6], $0x80, v4, vm0, $0xb8;
	[tilespmem:$0x18400] =	vst v63  }
0x4e0: {  	s25 =	simm.s32 $0x11000;
	v3 =	vadd.s32 v1, v3  }
0x4e1: {  	[hbm4b:s5+s3] =	stream.indirect_vreg.scatter [tilespmem:s25], [sflag:$0x6], $0x80, v4, vm0, $0xb8;
	[tilespmem:$0x18400] =	vst v63  }
0x4e2: {  	s26 =	simm.s32 $0x11800  }
0x4e3: {  	[hbm4b:s6+s3] =	stream.indirect_vreg.scatter [tilespmem:s26], [sflag:$0x6], $0x80, v4, vm0, $0xb8;
	[tilespmem:$0x18400] =	vst v63  }
0x4e4: {  	s0 =	simm.s32 $0x12000  }
0x4e5: {  	[hbm4b:s2+s3] =	stream.indirect_vreg.scatter [tilespmem:s0], [sflag:$0x6], $0x80, v3, vm0, $0xb8;
	[tilespmem:$0x18400] =	vst v63  }
0x4e6: {  	s7 =	simm.s32 $0x12800  }
0x4e7: {  	[hbm4b:s4+s3] =	stream.indirect_vreg.scatter [tilespmem:s7], [sflag:$0x6], $0x80, v3, vm0, $0xb8;
	[tilespmem:$0x18400] =	vst v63  }
0x4e8: {  	s8 =	simm.s32 $0x13000  }
0x4e9: {  	[hbm4b:s5+s3] =	stream.indirect_vreg.scatter [tilespmem:s8], [sflag:$0x6], $0x80, v3, vm0, $0xb8;
	[tilespmem:$0x18400] =	vst v63  }
0x4ea: {  	s10 =	simm.s32 $0x13800  }
0x4eb: {  	[hbm4b:s6+s3] =	stream.indirect_vreg.scatter [tilespmem:s10], [sflag:$0x6], $0x80, v3, vm0, $0xb8;
	[tilespmem:$0x18400] =	vst v63  }
0x4ec: {  	v3 =	vld [tilespmem:$0x18110];
	_ =	sdelay $0x4  }
0x4ed: {  	v45 =	vshll.u32 v3, $0x3  }
0x4ee: {  	v3 =	vand.u32 $0x7, v3;
	v4 =	vand.u32 $0xFFFFFFC0, v45  }
0x4ef: {  	v3 =	vor.u32 v3, v4  }
0x4f0: {  	v4 =	vperm.xlane v3, v0;
	_ =	sdelay $0x1  }
0x4f1: {  	v4 =	vadd.s32 v1, v4;
	_ =	sdelay $0x3  }
0x4f2: {  	s11 =	simm.s32 $0x14000  }
0x4f3: {  	[hbm4b:s2+s3] =	stream.indirect_vreg.scatter [tilespmem:s11], [sflag:$0x6], $0x80, v4, vm0, $0xb8;
	[tilespmem:$0x18400] =	vst v63  }
0x4f4: {  	s12 =	simm.s32 $0x14800;
	v3 =	vperm.xlane v3, v2  }
0x4f5: {  	[hbm4b:s4+s3] =	stream.indirect_vreg.scatter [tilespmem:s12], [sflag:$0x6], $0x80, v4, vm0, $0xb8;
	[tilespmem:$0x18400] =	vst v63  }
0x4f6: {  	s15 =	simm.s32 $0x15000;
	v3 =	vadd.s32 v1, v3  }
0x4f7: {  	[hbm4b:s5+s3] =	stream.indirect_vreg.scatter [tilespmem:s15], [sflag:$0x6], $0x80, v4, vm0, $0xb8;
	[tilespmem:$0x18400] =	vst v63  }
0x4f8: {  	s16 =	simm.s32 $0x15800  }
0x4f9: {  	[hbm4b:s6+s3] =	stream.indirect_vreg.scatter [tilespmem:s16], [sflag:$0x6], $0x80, v4, vm0, $0xb8;
	[tilespmem:$0x18400] =	vst v63  }
0x4fa: {  	s17 =	simm.s32 $0x16000  }
0x4fb: {  	[hbm4b:s2+s3] =	stream.indirect_vreg.scatter [tilespmem:s17], [sflag:$0x6], $0x80, v3, vm0, $0xb8;
	[tilespmem:$0x18400] =	vst v63  }
0x4fc: {  	s18 =	simm.s32 $0x16800  }
0x4fd: {  	[hbm4b:s4+s3] =	stream.indirect_vreg.scatter [tilespmem:s18], [sflag:$0x6], $0x80, v3, vm0, $0xb8;
	[tilespmem:$0x18400] =	vst v63  }
0x4fe: {  	s22 =	simm.s32 $0x17000  }
0x4ff: {  	[hbm4b:s5+s3] =	stream.indirect_vreg.scatter [tilespmem:s22], [sflag:$0x6], $0x80, v3, vm0, $0xb8;
	[tilespmem:$0x18400] =	vst v63  }
0x500: {  	s23 =	simm.s32 $0x17800  }
0x501: {  	[hbm4b:s6+s3] =	stream.indirect_vreg.scatter [tilespmem:s23], [sflag:$0x6], $0x80, v3, vm0, $0xb8;
	[tilespmem:$0x18400] =	vst v63  }
0x502: {  	v3 =	vld [tilespmem:$0x18300];
	_ =	sdelay $0x4  }
0x503: {  	v46 =	vshll.u32 v3, $0x3  }
0x504: {  	v3 =	vand.u32 $0x7, v3;
	v4 =	vand.u32 $0xFFFFFFC0, v46  }
0x505: {  	v3 =	vor.u32 v3, v4  }
0x506: {  	v4 =	vperm.xlane v3, v0;
	_ =	sdelay $0x1  }
0x507: {  	v4 =	vadd.s32 v1, v4;
	_ =	sdelay $0x4  }
0x508: {  	[hbm4b:s2+s3] =	stream.indirect_vreg.scatter [tilespmem:s19], [sflag:$0x6], $0x80, v4, vm0, $0xb8;
	[tilespmem:$0x18400] =	vst v63  }
0x509: {  	v3 =	vperm.xlane v3, v2  }
0x50a: {  	[hbm4b:s4+s3] =	stream.indirect_vreg.scatter [tilespmem:s20], [sflag:$0x6], $0x80, v4, vm0, $0xb8;
	[tilespmem:$0x18400] =	vst v63  }
0x50b: {  	v3 =	vadd.s32 v1, v3  }
0x50c: {  	[hbm4b:s5+s3] =	stream.indirect_vreg.scatter [tilespmem:s25], [sflag:$0x6], $0x80, v4, vm0, $0xb8;
	[tilespmem:$0x18400] =	vst v63  }
0x50d: {  	_ = 	snop  }
0x50e: {  	[hbm4b:s6+s3] =	stream.indirect_vreg.scatter [tilespmem:s26], [sflag:$0x6], $0x80, v4, vm0, $0xb8;
	[tilespmem:$0x18400] =	vst v63  }
0x50f: {  	_ = 	snop  }
0x510: {  	[hbm4b:s2+s3] =	stream.indirect_vreg.scatter [tilespmem:s0], [sflag:$0x6], $0x80, v3, vm0, $0xb8;
	[tilespmem:$0x18400] =	vst v63  }
0x511: {  	_ = 	snop  }
0x512: {  	[hbm4b:s4+s3] =	stream.indirect_vreg.scatter [tilespmem:s7], [sflag:$0x6], $0x80, v3, vm0, $0xb8;
	[tilespmem:$0x18400] =	vst v63  }
0x513: {  	_ = 	snop  }
0x514: {  	[hbm4b:s5+s3] =	stream.indirect_vreg.scatter [tilespmem:s8], [sflag:$0x6], $0x80, v3, vm0, $0xb8;
	[tilespmem:$0x18400] =	vst v63  }
0x515: {  	_ = 	snop  }
0x516: {  	[hbm4b:s6+s3] =	stream.indirect_vreg.scatter [tilespmem:s10], [sflag:$0x6], $0x80, v3, vm0, $0xb8;
	[tilespmem:$0x18400] =	vst v63  }
0x517: {  	v3 =	vld [tilespmem:$0x18310];
	_ =	sdelay $0x4  }
0x518: {  	v47 =	vshll.u32 v3, $0x3  }
0x519: {  	v3 =	vand.u32 $0x7, v3;
	v4 =	vand.u32 $0xFFFFFFC0, v47  }
0x51a: {  	v3 =	vor.u32 v3, v4  }
0x51b: {  	v4 =	vperm.xlane v3, v0;
	_ =	sdelay $0x1  }
0x51c: {  	v4 =	vadd.s32 v1, v4;
	_ =	sdelay $0x4  }
0x51d: {  	[hbm4b:s2+s3] =	stream.indirect_vreg.scatter [tilespmem:s11], [sflag:$0x6], $0x80, v4, vm0, $0xb8;
	[tilespmem:$0x18400] =	vst v63  }
0x51e: {  	v3 =	vperm.xlane v3, v2  }
0x51f: {  	[hbm4b:s4+s3] =	stream.indirect_vreg.scatter [tilespmem:s12], [sflag:$0x6], $0x80, v4, vm0, $0xb8;
	[tilespmem:$0x18400] =	vst v63  }
0x520: {  	v3 =	vadd.s32 v1, v3  }
0x521: {  	[hbm4b:s5+s3] =	stream.indirect_vreg.scatter [tilespmem:s15], [sflag:$0x6], $0x80, v4, vm0, $0xb8;
	[tilespmem:$0x18400] =	vst v63  }
0x522: {  	_ = 	snop  }
0x523: {  	[hbm4b:s6+s3] =	stream.indirect_vreg.scatter [tilespmem:s16], [sflag:$0x6], $0x80, v4, vm0, $0xb8;
	[tilespmem:$0x18400] =	vst v63  }
0x524: {  	_ = 	snop  }
0x525: {  	[hbm4b:s2+s3] =	stream.indirect_vreg.scatter [tilespmem:s17], [sflag:$0x6], $0x80, v3, vm0, $0xb8;
	[tilespmem:$0x18400] =	vst v63  }
0x526: {  	_ = 	snop  }
0x527: {  	[hbm4b:s4+s3] =	stream.indirect_vreg.scatter [tilespmem:s18], [sflag:$0x6], $0x80, v3, vm0, $0xb8;
	[tilespmem:$0x18400] =	vst v63  }
0x528: {  	_ = 	snop  }
0x529: {  	[hbm4b:s5+s3] =	stream.indirect_vreg.scatter [tilespmem:s22], [sflag:$0x6], $0x80, v3, vm0, $0xb8;
	[tilespmem:$0x18400] =	vst v63  }
0x52a: {  	s26 =	simm.s32 $0x5  }
0x52b: {  	[hbm4b:s6+s3] =	stream.indirect_vreg.scatter [tilespmem:s23], [sflag:$0x6], $0x80, v3, vm0, $0xb8;
	[tilespmem:$0x18400] =	vst v63  }
0x52c: {  	_ =	swait.ge [sflag:s26], $0x8000  }
0x52d: {  	[sflag:s26] =	ssyncset.done $0x0  }
0x52e: {  	[sflag:s26] =	ssyncadd.s32 $0xFFFF8000  }
0x52f: {  	_ =	swait.ge [sflag:s26], $0x8000  }
0x530: {  	s29 =	sld [smem:$0x7F5]  }
0x531: {  	[sflag:s26] =	ssyncset.done $0x0  }
0x532: {  	s1 =	simm.s32 $0x18080;
	s30 =	sld [smem:$0x7F6];
	[sflag:s26] =	ssyncadd.s32 $0xFFFF8000  }
0x533: {  	[tilespmem:s1], [sflag:$0x2] =	stream.linear.gather [hbm4b:s29+s3], $0x20, $0x38;
	[tilespmem:$0x18400] =	vst v63  }
0x534: {  	s8 =	simm.s32 $0x18280;
	s7 =	sld [smem:$0x7F7]  }
0x535: {  	[tilespmem:s8], [sflag:$0x2] =	stream.linear.gather [hbm4b:s30+s3], $0x20, $0x38;
	[tilespmem:$0x18400] =	vst v63  }
0x536: {  	s28 =	simm.s32 $0x1;
	s24 =	simm.s32 $0x8000  }
0x537: {  	[tilespmem:s24], [sflag:$0x2] =	stream.linear.gather [hbm4b:s7+s3], $0x8000, $0x38;
	[tilespmem:$0x18400] =	vst v63  }
0x538: {  	_ =	swait.ge [sflag:s28], $0x20  }
0x539: {  	[sflag:s28] =	ssyncset.done $0x0  }
0x53a: {  	[sflag:s28] =	ssyncadd.s32 $0xFFFFFFE0  }
0x53b: {  	_ =	swait.ge [sflag:s28], $0x20  }
0x53c: {  	[sflag:s28] =	ssyncset.done $0x0  }
0x53d: {  	[sflag:s28] =	ssyncadd.s32 $0xFFFFFFE0  }
0x53e: {  	_ =	swait.ge [sflag:s28], $0x8000  }
0x53f: {  	[sflag:s28] =	ssyncset.done $0x0  }
0x540: {  	[sflag:s28] =	ssyncadd.s32 $0xFFFF8000  }
0x541: {  	v3 =	vld [tilespmem:$0x18000];
	_ =	sdelay $0x4  }
0x542: {  	v48 =	vshll.u32 v3, $0x3  }
0x543: {  	v3 =	vand.u32 $0x7, v3;
	v4 =	vand.u32 $0xFFFFFFC0, v48  }
0x544: {  	v3 =	vor.u32 v3, v4  }
0x545: {  	v4 =	vperm.xlane v3, v0;
	_ =	sdelay $0x1  }
0x546: {  	v4 =	vadd.s32 v1, v4;
	_ =	sdelay $0x4  }
0x547: {  	[hbm4b:s2+s3] =	stream.indirect_vreg.scatter [tilespmem:s3], [sflag:$0x4], $0x80, v4, vm0, $0xb8;
	[tilespmem:$0x18400] =	vst v63  }
0x548: {  	s12 =	simm.s32 $0x800;
	v3 =	vperm.xlane v3, v2  }
0x549: {  	[hbm4b:s4+s3] =	stream.indirect_vreg.scatter [tilespmem:s12], [sflag:$0x4], $0x80, v4, vm0, $0xb8;
	[tilespmem:$0x18400] =	vst v63  }
0x54a: {  	s18 =	simm.s32 $0x1000;
	v3 =	vadd.s32 v1, v3  }
0x54b: {  	[hbm4b:s5+s3] =	stream.indirect_vreg.scatter [tilespmem:s18], [sflag:$0x4], $0x80, v4, vm0, $0xb8;
	[tilespmem:$0x18400] =	vst v63  }
0x54c: {  	s19 =	simm.s32 $0x1800  }
0x54d: {  	[hbm4b:s6+s3] =	stream.indirect_vreg.scatter [tilespmem:s19], [sflag:$0x4], $0x80, v4, vm0, $0xb8;
	[tilespmem:$0x18400] =	vst v63  }
0x54e: {  	s20 =	simm.s32 $0x2000  }
0x54f: {  	[hbm4b:s2+s3] =	stream.indirect_vreg.scatter [tilespmem:s20], [sflag:$0x4], $0x80, v3, vm0, $0xb8;
	[tilespmem:$0x18400] =	vst v63  }
0x550: {  	s21 =	simm.s32 $0x2800  }
0x551: {  	[hbm4b:s4+s3] =	stream.indirect_vreg.scatter [tilespmem:s21], [sflag:$0x4], $0x80, v3, vm0, $0xb8;
	[tilespmem:$0x18400] =	vst v63  }
0x552: {  	s22 =	simm.s32 $0x3000  }
0x553: {  	[hbm4b:s5+s3] =	stream.indirect_vreg.scatter [tilespmem:s22], [sflag:$0x4], $0x80, v3, vm0, $0xb8;
	[tilespmem:$0x18400] =	vst v63  }
0x554: {  	s23 =	simm.s32 $0x3800  }
0x555: {  	[hbm4b:s6+s3] =	stream.indirect_vreg.scatter [tilespmem:s23], [sflag:$0x4], $0x80, v3, vm0, $0xb8;
	[tilespmem:$0x18400] =	vst v63  }
0x556: {  	v3 =	vld [tilespmem:$0x18010];
	_ =	sdelay $0x4  }
0x557: {  	v49 =	vshll.u32 v3, $0x3  }
0x558: {  	v3 =	vand.u32 $0x7, v3;
	v4 =	vand.u32 $0xFFFFFFC0, v49  }
0x559: {  	v3 =	vor.u32 v3, v4  }
0x55a: {  	v4 =	vperm.xlane v3, v0;
	_ =	sdelay $0x1  }
0x55b: {  	v4 =	vadd.s32 v1, v4;
	_ =	sdelay $0x3  }
0x55c: {  	s25 =	simm.s32 $0x4000  }
0x55d: {  	[hbm4b:s2+s3] =	stream.indirect_vreg.scatter [tilespmem:s25], [sflag:$0x4], $0x80, v4, vm0, $0xb8;
	[tilespmem:$0x18400] =	vst v63  }
0x55e: {  	s26 =	simm.s32 $0x4800;
	v3 =	vperm.xlane v3, v2  }
0x55f: {  	[hbm4b:s4+s3] =	stream.indirect_vreg.scatter [tilespmem:s26], [sflag:$0x4], $0x80, v4, vm0, $0xb8;
	[tilespmem:$0x18400] =	vst v63  }
0x560: {  	s30 =	simm.s32 $0x5000;
	v3 =	vadd.s32 v1, v3  }
0x561: {  	[hbm4b:s5+s3] =	stream.indirect_vreg.scatter [tilespmem:s30], [sflag:$0x4], $0x80, v4, vm0, $0xb8;
	[tilespmem:$0x18400] =	vst v63  }
0x562: {  	s0 =	simm.s32 $0x5800  }
0x563: {  	[hbm4b:s6+s3] =	stream.indirect_vreg.scatter [tilespmem:s0], [sflag:$0x4], $0x80, v4, vm0, $0xb8;
	[tilespmem:$0x18400] =	vst v63  }
0x564: {  	s14 =	simm.s32 $0x6000  }
0x565: {  	[hbm4b:s2+s3] =	stream.indirect_vreg.scatter [tilespmem:s14], [sflag:$0x4], $0x80, v3, vm0, $0xb8;
	[tilespmem:$0x18400] =	vst v63  }
0x566: {  	s15 =	simm.s32 $0x6800  }
0x567: {  	[hbm4b:s4+s3] =	stream.indirect_vreg.scatter [tilespmem:s15], [sflag:$0x4], $0x80, v3, vm0, $0xb8;
	[tilespmem:$0x18400] =	vst v63  }
0x568: {  	s16 =	simm.s32 $0x7000  }
0x569: {  	[hbm4b:s5+s3] =	stream.indirect_vreg.scatter [tilespmem:s16], [sflag:$0x4], $0x80, v3, vm0, $0xb8;
	[tilespmem:$0x18400] =	vst v63  }
0x56a: {  	s17 =	simm.s32 $0x7800  }
0x56b: {  	[hbm4b:s6+s3] =	stream.indirect_vreg.scatter [tilespmem:s17], [sflag:$0x4], $0x80, v3, vm0, $0xb8;
	[tilespmem:$0x18400] =	vst v63  }
0x56c: {  	v3 =	vld [tilespmem:$0x18200];
	_ =	sdelay $0x4  }
0x56d: {  	v50 =	vshll.u32 v3, $0x3  }
0x56e: {  	v3 =	vand.u32 $0x7, v3;
	v4 =	vand.u32 $0xFFFFFFC0, v50  }
0x56f: {  	v3 =	vor.u32 v3, v4  }
0x570: {  	v4 =	vperm.xlane v3, v0;
	_ =	sdelay $0x1  }
0x571: {  	v4 =	vadd.s32 v1, v4;
	_ =	sdelay $0x4  }
0x572: {  	[hbm4b:s2+s3] =	stream.indirect_vreg.scatter [tilespmem:s3], [sflag:$0x4], $0x80, v4, vm0, $0xb8;
	[tilespmem:$0x18400] =	vst v63  }
0x573: {  	v3 =	vperm.xlane v3, v2  }
0x574: {  	[hbm4b:s4+s3] =	stream.indirect_vreg.scatter [tilespmem:s12], [sflag:$0x4], $0x80, v4, vm0, $0xb8;
	[tilespmem:$0x18400] =	vst v63  }
0x575: {  	v3 =	vadd.s32 v1, v3  }
0x576: {  	[hbm4b:s5+s3] =	stream.indirect_vreg.scatter [tilespmem:s18], [sflag:$0x4], $0x80, v4, vm0, $0xb8;
	[tilespmem:$0x18400] =	vst v63  }
0x577: {  	_ = 	snop  }
0x578: {  	[hbm4b:s6+s3] =	stream.indirect_vreg.scatter [tilespmem:s19], [sflag:$0x4], $0x80, v4, vm0, $0xb8;
	[tilespmem:$0x18400] =	vst v63  }
0x579: {  	_ = 	snop  }
0x57a: {  	[hbm4b:s2+s3] =	stream.indirect_vreg.scatter [tilespmem:s20], [sflag:$0x4], $0x80, v3, vm0, $0xb8;
	[tilespmem:$0x18400] =	vst v63  }
0x57b: {  	_ = 	snop  }
0x57c: {  	[hbm4b:s4+s3] =	stream.indirect_vreg.scatter [tilespmem:s21], [sflag:$0x4], $0x80, v3, vm0, $0xb8;
	[tilespmem:$0x18400] =	vst v63  }
0x57d: {  	_ = 	snop  }
0x57e: {  	[hbm4b:s5+s3] =	stream.indirect_vreg.scatter [tilespmem:s22], [sflag:$0x4], $0x80, v3, vm0, $0xb8;
	[tilespmem:$0x18400] =	vst v63  }
0x57f: {  	_ = 	snop  }
0x580: {  	[hbm4b:s6+s3] =	stream.indirect_vreg.scatter [tilespmem:s23], [sflag:$0x4], $0x80, v3, vm0, $0xb8;
	[tilespmem:$0x18400] =	vst v63  }
0x581: {  	v3 =	vld [tilespmem:$0x18210];
	_ =	sdelay $0x4  }
0x582: {  	v51 =	vshll.u32 v3, $0x3  }
0x583: {  	v3 =	vand.u32 $0x7, v3;
	v4 =	vand.u32 $0xFFFFFFC0, v51  }
0x584: {  	v3 =	vor.u32 v3, v4  }
0x585: {  	v4 =	vperm.xlane v3, v0;
	_ =	sdelay $0x1  }
0x586: {  	v4 =	vadd.s32 v1, v4;
	_ =	sdelay $0x4  }
0x587: {  	[hbm4b:s2+s3] =	stream.indirect_vreg.scatter [tilespmem:s25], [sflag:$0x4], $0x80, v4, vm0, $0xb8;
	[tilespmem:$0x18400] =	vst v63  }
0x588: {  	v3 =	vperm.xlane v3, v2  }
0x589: {  	[hbm4b:s4+s3] =	stream.indirect_vreg.scatter [tilespmem:s26], [sflag:$0x4], $0x80, v4, vm0, $0xb8;
	[tilespmem:$0x18400] =	vst v63  }
0x58a: {  	v3 =	vadd.s32 v1, v3  }
0x58b: {  	[hbm4b:s5+s3] =	stream.indirect_vreg.scatter [tilespmem:s30], [sflag:$0x4], $0x80, v4, vm0, $0xb8;
	[tilespmem:$0x18400] =	vst v63  }
0x58c: {  	_ = 	snop  }
0x58d: {  	[hbm4b:s6+s3] =	stream.indirect_vreg.scatter [tilespmem:s0], [sflag:$0x4], $0x80, v4, vm0, $0xb8;
	[tilespmem:$0x18400] =	vst v63  }
0x58e: {  	_ = 	snop  }
0x58f: {  	[hbm4b:s2+s3] =	stream.indirect_vreg.scatter [tilespmem:s14], [sflag:$0x4], $0x80, v3, vm0, $0xb8;
	[tilespmem:$0x18400] =	vst v63  }
0x590: {  	_ = 	snop  }
0x591: {  	[hbm4b:s4+s3] =	stream.indirect_vreg.scatter [tilespmem:s15], [sflag:$0x4], $0x80, v3, vm0, $0xb8;
	[tilespmem:$0x18400] =	vst v63  }
0x592: {  	_ = 	snop  }
0x593: {  	[hbm4b:s5+s3] =	stream.indirect_vreg.scatter [tilespmem:s16], [sflag:$0x4], $0x80, v3, vm0, $0xb8;
	[tilespmem:$0x18400] =	vst v63  }
0x594: {  	s19 =	simm.s32 $0x6  }
0x595: {  	[hbm4b:s6+s3] =	stream.indirect_vreg.scatter [tilespmem:s17], [sflag:$0x4], $0x80, v3, vm0, $0xb8;
	[tilespmem:$0x18400] =	vst v63  }
0x596: {  	_ =	swait.ge [sflag:s19], $0x8000  }
0x597: {  	[sflag:s19] =	ssyncset.done $0x0  }
0x598: {  	[sflag:s19] =	ssyncadd.s32 $0xFFFF8000  }
0x599: {  	_ =	swait.ge [sflag:s19], $0x8000  }
0x59a: {  	s20 =	sld [smem:$0x7F8]  }
0x59b: {  	[sflag:s19] =	ssyncset.done $0x0  }
0x59c: {  	s7 =	simm.s32 $0x18100;
	s1 =	sld [smem:$0x7F9];
	[sflag:s19] =	ssyncadd.s32 $0xFFFF8000  }
0x59d: {  	[tilespmem:s7], [sflag:$0x3] =	stream.linear.gather [hbm4b:s20+s3], $0x20, $0x38;
	[tilespmem:$0x18400] =	vst v63  }
0x59e: {  	s12 =	simm.s32 $0x18300;
	s8 =	sld [smem:$0x7FA]  }
0x59f: {  	[tilespmem:s12], [sflag:$0x3] =	stream.linear.gather [hbm4b:s1+s3], $0x20, $0x38;
	[tilespmem:$0x18400] =	vst v63  }
0x5a0: {  	s9 =	simm.s32 $0x10000  }
0x5a1: {  	[tilespmem:s9], [sflag:$0x3] =	stream.linear.gather [hbm4b:s8+s3], $0x8000, $0x38;
	[tilespmem:$0x18400] =	vst v63  }
0x5a2: {  	_ =	swait.ge [sflag:s13], $0x20  }
0x5a3: {  	[sflag:s13] =	ssyncset.done $0x0  }
0x5a4: {  	[sflag:s13] =	ssyncadd.s32 $0xFFFFFFE0  }
0x5a5: {  	_ =	swait.ge [sflag:s13], $0x20  }
0x5a6: {  	[sflag:s13] =	ssyncset.done $0x0  }
0x5a7: {  	[sflag:s13] =	ssyncadd.s32 $0xFFFFFFE0  }
0x5a8: {  	_ =	swait.ge [sflag:s13], $0x8000  }
0x5a9: {  	[sflag:s13] =	ssyncset.done $0x0  }
0x5aa: {  	[sflag:s13] =	ssyncadd.s32 $0xFFFF8000  }
0x5ab: {  	v3 =	vld [tilespmem:$0x18080];
	_ =	sdelay $0x4  }
0x5ac: {  	v52 =	vshll.u32 v3, $0x3  }
0x5ad: {  	v3 =	vand.u32 $0x7, v3;
	v4 =	vand.u32 $0xFFFFFFC0, v52  }
0x5ae: {  	v3 =	vor.u32 v3, v4  }
0x5af: {  	v4 =	vperm.xlane v3, v0;
	_ =	sdelay $0x1  }
0x5b0: {  	v4 =	vadd.s32 v1, v4;
	_ =	sdelay $0x3  }
0x5b1: {  	s10 =	simm.s32 $0x8000  }
0x5b2: {  	[hbm4b:s2+s3] =	stream.indirect_vreg.scatter [tilespmem:s10], [sflag:$0x5], $0x80, v4, vm0, $0xb8;
	[tilespmem:$0x18400] =	vst v63  }
0x5b3: {  	s13 =	simm.s32 $0x8800;
	v3 =	vperm.xlane v3, v2  }
0x5b4: {  	[hbm4b:s4+s3] =	stream.indirect_vreg.scatter [tilespmem:s13], [sflag:$0x5], $0x80, v4, vm0, $0xb8;
	[tilespmem:$0x18400] =	vst v63  }
0x5b5: {  	s15 =	simm.s32 $0x9000;
	v3 =	vadd.s32 v1, v3  }
0x5b6: {  	[hbm4b:s5+s3] =	stream.indirect_vreg.scatter [tilespmem:s15], [sflag:$0x5], $0x80, v4, vm0, $0xb8;
	[tilespmem:$0x18400] =	vst v63  }
0x5b7: {  	s9 =	simm.s32 $0x9800  }
0x5b8: {  	[hbm4b:s6+s3] =	stream.indirect_vreg.scatter [tilespmem:s9], [sflag:$0x5], $0x80, v4, vm0, $0xb8;
	[tilespmem:$0x18400] =	vst v63  }
0x5b9: {  	s11 =	simm.s32 $0xA000  }
0x5ba: {  	[hbm4b:s2+s3] =	stream.indirect_vreg.scatter [tilespmem:s11], [sflag:$0x5], $0x80, v3, vm0, $0xb8;
	[tilespmem:$0x18400] =	vst v63  }
0x5bb: {  	s12 =	simm.s32 $0xA800  }
0x5bc: {  	[hbm4b:s4+s3] =	stream.indirect_vreg.scatter [tilespmem:s12], [sflag:$0x5], $0x80, v3, vm0, $0xb8;
	[tilespmem:$0x18400] =	vst v63  }
0x5bd: {  	s7 =	simm.s32 $0xB000  }
0x5be: {  	[hbm4b:s5+s3] =	stream.indirect_vreg.scatter [tilespmem:s7], [sflag:$0x5], $0x80, v3, vm0, $0xb8;
	[tilespmem:$0x18400] =	vst v63  }
0x5bf: {  	s8 =	simm.s32 $0xB800  }
0x5c0: {  	[hbm4b:s6+s3] =	stream.indirect_vreg.scatter [tilespmem:s8], [sflag:$0x5], $0x80, v3, vm0, $0xb8;
	[tilespmem:$0x18400] =	vst v63  }
0x5c1: {  	v3 =	vld [tilespmem:$0x18090];
	_ =	sdelay $0x4  }
0x5c2: {  	v53 =	vshll.u32 v3, $0x3  }
0x5c3: {  	v3 =	vand.u32 $0x7, v3;
	v4 =	vand.u32 $0xFFFFFFC0, v53  }
0x5c4: {  	v3 =	vor.u32 v3, v4  }
0x5c5: {  	v4 =	vperm.xlane v3, v0;
	_ =	sdelay $0x1  }
0x5c6: {  	v4 =	vadd.s32 v1, v4;
	_ =	sdelay $0x3  }
0x5c7: {  	s0 =	simm.s32 $0xC000  }
0x5c8: {  	[hbm4b:s2+s3] =	stream.indirect_vreg.scatter [tilespmem:s0], [sflag:$0x5], $0x80, v4, vm0, $0xb8;
	[tilespmem:$0x18400] =	vst v63  }
0x5c9: {  	s14 =	simm.s32 $0xC800;
	v3 =	vperm.xlane v3, v2  }
0x5ca: {  	[hbm4b:s4+s3] =	stream.indirect_vreg.scatter [tilespmem:s14], [sflag:$0x5], $0x80, v4, vm0, $0xb8;
	[tilespmem:$0x18400] =	vst v63  }
0x5cb: {  	s16 =	simm.s32 $0xD000;
	v3 =	vadd.s32 v1, v3  }
0x5cc: {  	[hbm4b:s5+s3] =	stream.indirect_vreg.scatter [tilespmem:s16], [sflag:$0x5], $0x80, v4, vm0, $0xb8;
	[tilespmem:$0x18400] =	vst v63  }
0x5cd: {  	s17 =	simm.s32 $0xD800  }
0x5ce: {  	[hbm4b:s6+s3] =	stream.indirect_vreg.scatter [tilespmem:s17], [sflag:$0x5], $0x80, v4, vm0, $0xb8;
	[tilespmem:$0x18400] =	vst v63  }
0x5cf: {  	s18 =	simm.s32 $0xE000  }
0x5d0: {  	[hbm4b:s2+s3] =	stream.indirect_vreg.scatter [tilespmem:s18], [sflag:$0x5], $0x80, v3, vm0, $0xb8;
	[tilespmem:$0x18400] =	vst v63  }
0x5d1: {  	s19 =	simm.s32 $0xE800  }
0x5d2: {  	[hbm4b:s4+s3] =	stream.indirect_vreg.scatter [tilespmem:s19], [sflag:$0x5], $0x80, v3, vm0, $0xb8;
	[tilespmem:$0x18400] =	vst v63  }
0x5d3: {  	s1 =	simm.s32 $0xF000  }
0x5d4: {  	[hbm4b:s5+s3] =	stream.indirect_vreg.scatter [tilespmem:s1], [sflag:$0x5], $0x80, v3, vm0, $0xb8;
	[tilespmem:$0x18400] =	vst v63  }
0x5d5: {  	s20 =	simm.s32 $0xF800  }
0x5d6: {  	[hbm4b:s6+s3] =	stream.indirect_vreg.scatter [tilespmem:s20], [sflag:$0x5], $0x80, v3, vm0, $0xb8;
	[tilespmem:$0x18400] =	vst v63  }
0x5d7: {  	v3 =	vld [tilespmem:$0x18280];
	_ =	sdelay $0x4  }
0x5d8: {  	v54 =	vshll.u32 v3, $0x3  }
0x5d9: {  	v3 =	vand.u32 $0x7, v3;
	v4 =	vand.u32 $0xFFFFFFC0, v54  }
0x5da: {  	v3 =	vor.u32 v3, v4  }
0x5db: {  	v4 =	vperm.xlane v3, v0;
	_ =	sdelay $0x1  }
0x5dc: {  	v4 =	vadd.s32 v1, v4;
	_ =	sdelay $0x4  }
0x5dd: {  	[hbm4b:s2+s3] =	stream.indirect_vreg.scatter [tilespmem:s10], [sflag:$0x5], $0x80, v4, vm0, $0xb8;
	[tilespmem:$0x18400] =	vst v63  }
0x5de: {  	v3 =	vperm.xlane v3, v2  }
0x5df: {  	[hbm4b:s4+s3] =	stream.indirect_vreg.scatter [tilespmem:s13], [sflag:$0x5], $0x80, v4, vm0, $0xb8;
	[tilespmem:$0x18400] =	vst v63  }
0x5e0: {  	v3 =	vadd.s32 v1, v3  }
0x5e1: {  	[hbm4b:s5+s3] =	stream.indirect_vreg.scatter [tilespmem:s15], [sflag:$0x5], $0x80, v4, vm0, $0xb8;
	[tilespmem:$0x18400] =	vst v63  }
0x5e2: {  	_ = 	snop  }
0x5e3: {  	[hbm4b:s6+s3] =	stream.indirect_vreg.scatter [tilespmem:s9], [sflag:$0x5], $0x80, v4, vm0, $0xb8;
	[tilespmem:$0x18400] =	vst v63  }
0x5e4: {  	_ = 	snop  }
0x5e5: {  	[hbm4b:s2+s3] =	stream.indirect_vreg.scatter [tilespmem:s11], [sflag:$0x5], $0x80, v3, vm0, $0xb8;
	[tilespmem:$0x18400] =	vst v63  }
0x5e6: {  	_ = 	snop  }
0x5e7: {  	[hbm4b:s4+s3] =	stream.indirect_vreg.scatter [tilespmem:s12], [sflag:$0x5], $0x80, v3, vm0, $0xb8;
	[tilespmem:$0x18400] =	vst v63  }
0x5e8: {  	_ = 	snop  }
0x5e9: {  	[hbm4b:s5+s3] =	stream.indirect_vreg.scatter [tilespmem:s7], [sflag:$0x5], $0x80, v3, vm0, $0xb8;
	[tilespmem:$0x18400] =	vst v63  }
0x5ea: {  	_ = 	snop  }
0x5eb: {  	[hbm4b:s6+s3] =	stream.indirect_vreg.scatter [tilespmem:s8], [sflag:$0x5], $0x80, v3, vm0, $0xb8;
	[tilespmem:$0x18400] =	vst v63  }
0x5ec: {  	v3 =	vld [tilespmem:$0x18290];
	_ =	sdelay $0x4  }
0x5ed: {  	v55 =	vshll.u32 v3, $0x3  }
0x5ee: {  	v3 =	vand.u32 $0x7, v3;
	v4 =	vand.u32 $0xFFFFFFC0, v55  }
0x5ef: {  	v3 =	vor.u32 v3, v4  }
0x5f0: {  	v4 =	vperm.xlane v3, v0;
	_ =	sdelay $0x1  }
0x5f1: {  	v4 =	vadd.s32 v1, v4;
	_ =	sdelay $0x4  }
0x5f2: {  	[hbm4b:s2+s3] =	stream.indirect_vreg.scatter [tilespmem:s0], [sflag:$0x5], $0x80, v4, vm0, $0xb8;
	[tilespmem:$0x18400] =	vst v63  }
0x5f3: {  	v3 =	vperm.xlane v3, v2  }
0x5f4: {  	[hbm4b:s4+s3] =	stream.indirect_vreg.scatter [tilespmem:s14], [sflag:$0x5], $0x80, v4, vm0, $0xb8;
	[tilespmem:$0x18400] =	vst v63  }
0x5f5: {  	v3 =	vadd.s32 v1, v3  }
0x5f6: {  	[hbm4b:s5+s3] =	stream.indirect_vreg.scatter [tilespmem:s16], [sflag:$0x5], $0x80, v4, vm0, $0xb8;
	[tilespmem:$0x18400] =	vst v63  }
0x5f7: {  	_ = 	snop  }
0x5f8: {  	[hbm4b:s6+s3] =	stream.indirect_vreg.scatter [tilespmem:s17], [sflag:$0x5], $0x80, v4, vm0, $0xb8;
	[tilespmem:$0x18400] =	vst v63  }
0x5f9: {  	_ = 	snop  }
0x5fa: {  	[hbm4b:s2+s3] =	stream.indirect_vreg.scatter [tilespmem:s18], [sflag:$0x5], $0x80, v3, vm0, $0xb8;
	[tilespmem:$0x18400] =	vst v63  }
0x5fb: {  	_ = 	snop  }
0x5fc: {  	[hbm4b:s4+s3] =	stream.indirect_vreg.scatter [tilespmem:s19], [sflag:$0x5], $0x80, v3, vm0, $0xb8;
	[tilespmem:$0x18400] =	vst v63  }
0x5fd: {  	_ = 	snop  }
0x5fe: {  	[hbm4b:s5+s3] =	stream.indirect_vreg.scatter [tilespmem:s1], [sflag:$0x5], $0x80, v3, vm0, $0xb8;
	[tilespmem:$0x18400] =	vst v63  }
0x5ff: {  	_ = 	snop  }
0x600: {  	[hbm4b:s6+s3] =	stream.indirect_vreg.scatter [tilespmem:s20], [sflag:$0x5], $0x80, v3, vm0, $0xb8;
	[tilespmem:$0x18400] =	vst v63  }
0x601: {  	s20 =	simm.s32 $0x4  }
0x602: {  	_ =	swait.ge [sflag:s20], $0x8000  }
0x603: {  	[sflag:s20] =	ssyncset.done $0x0  }
0x604: {  	[sflag:s20] =	ssyncadd.s32 $0xFFFF8000  }
0x605: {  	_ =	swait.ge [sflag:s20], $0x8000  }
0x606: {  	s30 =	sld [smem:$0x7FB]  }
0x607: {  	[sflag:s20] =	ssyncset.done $0x0  }
0x608: {  	s7 =	simm.s32 $0x18000;
	s1 =	sld [smem:$0x7FC];
	[sflag:s20] =	ssyncadd.s32 $0xFFFF8000  }
0x609: {  	[tilespmem:s7], [sflag:$0x1] =	stream.linear.gather [hbm4b:s30+s3], $0x20, $0x38;
	[tilespmem:$0x18400] =	vst v63  }
0x60a: {  	s9 =	simm.s32 $0x18200;
	s8 =	sld [smem:$0x7FD]  }
0x60b: {  	[tilespmem:s9], [sflag:$0x1] =	stream.linear.gather [hbm4b:s1+s3], $0x20, $0x38;
	[tilespmem:$0x18400] =	vst v63  }
0x60c: {  	s10 =	simm.s32 $0x3  }
0x60d: {  	[tilespmem:s3], [sflag:$0x1] =	stream.linear.gather [hbm4b:s8+s3], $0x8000, $0x38;
	[tilespmem:$0x18400] =	vst v63  }
0x60e: {  	_ =	swait.ge [sflag:s10], $0x20  }
0x60f: {  	[sflag:s10] =	ssyncset.done $0x0  }
0x610: {  	[sflag:s10] =	ssyncadd.s32 $0xFFFFFFE0  }
0x611: {  	_ =	swait.ge [sflag:s10], $0x20  }
0x612: {  	[sflag:s10] =	ssyncset.done $0x0  }
0x613: {  	[sflag:s10] =	ssyncadd.s32 $0xFFFFFFE0  }
0x614: {  	_ =	swait.ge [sflag:s10], $0x8000  }
0x615: {  	[sflag:s10] =	ssyncset.done $0x0  }
0x616: {  	[sflag:s10] =	ssyncadd.s32 $0xFFFF8000  }
0x617: {  	v3 =	vld [tilespmem:$0x18100];
	_ =	sdelay $0x4  }
0x618: {  	v56 =	vshll.u32 v3, $0x3  }
0x619: {  	v3 =	vand.u32 $0x7, v3;
	v4 =	vand.u32 $0xFFFFFFC0, v56  }
0x61a: {  	v3 =	vor.u32 v3, v4  }
0x61b: {  	v4 =	vperm.xlane v3, v0;
	_ =	sdelay $0x1  }
0x61c: {  	v4 =	vadd.s32 v1, v4;
	_ =	sdelay $0x3  }
0x61d: {  	s9 =	simm.s32 $0x10000  }
0x61e: {  	[hbm4b:s2+s3] =	stream.indirect_vreg.scatter [tilespmem:s9], [sflag:$0x6], $0x80, v4, vm0, $0xb8;
	[tilespmem:$0x18400] =	vst v63  }
0x61f: {  	s30 =	simm.s32 $0x10800;
	v3 =	vperm.xlane v3, v2  }
0x620: {  	[hbm4b:s4+s3] =	stream.indirect_vreg.scatter [tilespmem:s30], [sflag:$0x6], $0x80, v4, vm0, $0xb8;
	[tilespmem:$0x18400] =	vst v63  }
0x621: {  	s12 =	simm.s32 $0x11000;
	v3 =	vadd.s32 v1, v3  }
0x622: {  	[hbm4b:s5+s3] =	stream.indirect_vreg.scatter [tilespmem:s12], [sflag:$0x6], $0x80, v4, vm0, $0xb8;
	[tilespmem:$0x18400] =	vst v63  }
0x623: {  	s14 =	simm.s32 $0x11800  }
0x624: {  	[hbm4b:s6+s3] =	stream.indirect_vreg.scatter [tilespmem:s14], [sflag:$0x6], $0x80, v4, vm0, $0xb8;
	[tilespmem:$0x18400] =	vst v63  }
0x625: {  	s16 =	simm.s32 $0x12000  }
0x626: {  	[hbm4b:s2+s3] =	stream.indirect_vreg.scatter [tilespmem:s16], [sflag:$0x6], $0x80, v3, vm0, $0xb8;
	[tilespmem:$0x18400] =	vst v63  }
0x627: {  	s17 =	simm.s32 $0x12800  }
0x628: {  	[hbm4b:s4+s3] =	stream.indirect_vreg.scatter [tilespmem:s17], [sflag:$0x6], $0x80, v3, vm0, $0xb8;
	[tilespmem:$0x18400] =	vst v63  }
0x629: {  	s18 =	simm.s32 $0x13000  }
0x62a: {  	[hbm4b:s5+s3] =	stream.indirect_vreg.scatter [tilespmem:s18], [sflag:$0x6], $0x80, v3, vm0, $0xb8;
	[tilespmem:$0x18400] =	vst v63  }
0x62b: {  	s0 =	simm.s32 $0x13800  }
0x62c: {  	[hbm4b:s6+s3] =	stream.indirect_vreg.scatter [tilespmem:s0], [sflag:$0x6], $0x80, v3, vm0, $0xb8;
	[tilespmem:$0x18400] =	vst v63  }
0x62d: {  	v3 =	vld [tilespmem:$0x18110];
	_ =	sdelay $0x4  }
0x62e: {  	v57 =	vshll.u32 v3, $0x3  }
0x62f: {  	v3 =	vand.u32 $0x7, v3;
	v4 =	vand.u32 $0xFFFFFFC0, v57  }
0x630: {  	v3 =	vor.u32 v3, v4  }
0x631: {  	v4 =	vperm.xlane v3, v0;
	_ =	sdelay $0x1  }
0x632: {  	v4 =	vadd.s32 v1, v4;
	_ =	sdelay $0x3  }
0x633: {  	s7 =	simm.s32 $0x14000  }
0x634: {  	[hbm4b:s2+s3] =	stream.indirect_vreg.scatter [tilespmem:s7], [sflag:$0x6], $0x80, v4, vm0, $0xb8;
	[tilespmem:$0x18400] =	vst v63  }
0x635: {  	s1 =	simm.s32 $0x14800;
	v3 =	vperm.xlane v3, v2  }
0x636: {  	[hbm4b:s4+s3] =	stream.indirect_vreg.scatter [tilespmem:s1], [sflag:$0x6], $0x80, v4, vm0, $0xb8;
	[tilespmem:$0x18400] =	vst v63  }
0x637: {  	s19 =	simm.s32 $0x15000;
	v3 =	vadd.s32 v1, v3  }
0x638: {  	[hbm4b:s5+s3] =	stream.indirect_vreg.scatter [tilespmem:s19], [sflag:$0x6], $0x80, v4, vm0, $0xb8;
	[tilespmem:$0x18400] =	vst v63  }
0x639: {  	s8 =	simm.s32 $0x15800  }
0x63a: {  	[hbm4b:s6+s3] =	stream.indirect_vreg.scatter [tilespmem:s8], [sflag:$0x6], $0x80, v4, vm0, $0xb8;
	[tilespmem:$0x18400] =	vst v63  }
0x63b: {  	s11 =	simm.s32 $0x16000  }
0x63c: {  	[hbm4b:s2+s3] =	stream.indirect_vreg.scatter [tilespmem:s11], [sflag:$0x6], $0x80, v3, vm0, $0xb8;
	[tilespmem:$0x18400] =	vst v63  }
0x63d: {  	s13 =	simm.s32 $0x16800  }
0x63e: {  	[hbm4b:s4+s3] =	stream.indirect_vreg.scatter [tilespmem:s13], [sflag:$0x6], $0x80, v3, vm0, $0xb8;
	[tilespmem:$0x18400] =	vst v63  }
0x63f: {  	s15 =	simm.s32 $0x17000  }
0x640: {  	[hbm4b:s5+s3] =	stream.indirect_vreg.scatter [tilespmem:s15], [sflag:$0x6], $0x80, v3, vm0, $0xb8;
	[tilespmem:$0x18400] =	vst v63  }
0x641: {  	s10 =	simm.s32 $0x17800  }
0x642: {  	[hbm4b:s6+s3] =	stream.indirect_vreg.scatter [tilespmem:s10], [sflag:$0x6], $0x80, v3, vm0, $0xb8;
	[tilespmem:$0x18400] =	vst v63  }
0x643: {  	v3 =	vld [tilespmem:$0x18300];
	_ =	sdelay $0x4  }
0x644: {  	v58 =	vshll.u32 v3, $0x3  }
0x645: {  	v3 =	vand.u32 $0x7, v3;
	v4 =	vand.u32 $0xFFFFFFC0, v58  }
0x646: {  	v3 =	vor.u32 v3, v4  }
0x647: {  	v4 =	vperm.xlane v3, v0;
	_ =	sdelay $0x1  }
0x648: {  	v4 =	vadd.s32 v1, v4;
	_ =	sdelay $0x4  }
0x649: {  	[hbm4b:s2+s3] =	stream.indirect_vreg.scatter [tilespmem:s9], [sflag:$0x6], $0x80, v4, vm0, $0xb8;
	[tilespmem:$0x18400] =	vst v63  }
0x64a: {  	v3 =	vperm.xlane v3, v2  }
0x64b: {  	[hbm4b:s4+s3] =	stream.indirect_vreg.scatter [tilespmem:s30], [sflag:$0x6], $0x80, v4, vm0, $0xb8;
	[tilespmem:$0x18400] =	vst v63  }
0x64c: {  	v3 =	vadd.s32 v1, v3  }
0x64d: {  	[hbm4b:s5+s3] =	stream.indirect_vreg.scatter [tilespmem:s12], [sflag:$0x6], $0x80, v4, vm0, $0xb8;
	[tilespmem:$0x18400] =	vst v63  }
0x64e: {  	_ = 	snop  }
0x64f: {  	[hbm4b:s6+s3] =	stream.indirect_vreg.scatter [tilespmem:s14], [sflag:$0x6], $0x80, v4, vm0, $0xb8;
	[tilespmem:$0x18400] =	vst v63  }
0x650: {  	_ = 	snop  }
0x651: {  	[hbm4b:s2+s3] =	stream.indirect_vreg.scatter [tilespmem:s16], [sflag:$0x6], $0x80, v3, vm0, $0xb8;
	[tilespmem:$0x18400] =	vst v63  }
0x652: {  	_ = 	snop  }
0x653: {  	[hbm4b:s4+s3] =	stream.indirect_vreg.scatter [tilespmem:s17], [sflag:$0x6], $0x80, v3, vm0, $0xb8;
	[tilespmem:$0x18400] =	vst v63  }
0x654: {  	_ = 	snop  }
0x655: {  	[hbm4b:s5+s3] =	stream.indirect_vreg.scatter [tilespmem:s18], [sflag:$0x6], $0x80, v3, vm0, $0xb8;
	[tilespmem:$0x18400] =	vst v63  }
0x656: {  	_ = 	snop  }
0x657: {  	[hbm4b:s6+s3] =	stream.indirect_vreg.scatter [tilespmem:s0], [sflag:$0x6], $0x80, v3, vm0, $0xb8;
	[tilespmem:$0x18400] =	vst v63  }
0x658: {  	v3 =	vld [tilespmem:$0x18310];
	_ =	sdelay $0x4  }
0x659: {  	v59 =	vshll.u32 v3, $0x3  }
0x65a: {  	v3 =	vand.u32 $0x7, v3;
	v4 =	vand.u32 $0xFFFFFFC0, v59  }
0x65b: {  	v3 =	vor.u32 v3, v4  }
0x65c: {  	v4 =	vperm.xlane v3, v0;
	_ =	sdelay $0x1  }
0x65d: {  	v4 =	vadd.s32 v1, v4;
	_ =	sdelay $0x4  }
0x65e: {  	[hbm4b:s2+s3] =	stream.indirect_vreg.scatter [tilespmem:s7], [sflag:$0x6], $0x80, v4, vm0, $0xb8;
	[tilespmem:$0x18400] =	vst v63  }
0x65f: {  	v3 =	vperm.xlane v3, v2  }
0x660: {  	[hbm4b:s4+s3] =	stream.indirect_vreg.scatter [tilespmem:s1], [sflag:$0x6], $0x80, v4, vm0, $0xb8;
	[tilespmem:$0x18400] =	vst v63  }
0x661: {  	v3 =	vadd.s32 v1, v3  }
0x662: {  	[hbm4b:s5+s3] =	stream.indirect_vreg.scatter [tilespmem:s19], [sflag:$0x6], $0x80, v4, vm0, $0xb8;
	[tilespmem:$0x18400] =	vst v63  }
0x663: {  	_ = 	snop  }
0x664: {  	[hbm4b:s6+s3] =	stream.indirect_vreg.scatter [tilespmem:s8], [sflag:$0x6], $0x80, v4, vm0, $0xb8;
	[tilespmem:$0x18400] =	vst v63  }
0x665: {  	_ = 	snop  }
0x666: {  	[hbm4b:s2+s3] =	stream.indirect_vreg.scatter [tilespmem:s11], [sflag:$0x6], $0x80, v3, vm0, $0xb8;
	[tilespmem:$0x18400] =	vst v63  }
0x667: {  	_ = 	snop  }
0x668: {  	[hbm4b:s4+s3] =	stream.indirect_vreg.scatter [tilespmem:s13], [sflag:$0x6], $0x80, v3, vm0, $0xb8;
	[tilespmem:$0x18400] =	vst v63  }
0x669: {  	_ = 	snop  }
0x66a: {  	[hbm4b:s5+s3] =	stream.indirect_vreg.scatter [tilespmem:s15], [sflag:$0x6], $0x80, v3, vm0, $0xb8;
	[tilespmem:$0x18400] =	vst v63  }
0x66b: {  	_ = 	snop  }
0x66c: {  	[hbm4b:s6+s3] =	stream.indirect_vreg.scatter [tilespmem:s10], [sflag:$0x6], $0x80, v3, vm0, $0xb8;
	[tilespmem:$0x18400] =	vst v63  }
0x66d: {  	_ =	swait.ge [sflag:s28], $0x20  }
0x66e: {  	[sflag:s28] =	ssyncset.done $0x0  }
0x66f: {  	[sflag:s28] =	ssyncadd.s32 $0xFFFFFFE0  }
0x670: {  	_ =	swait.ge [sflag:s28], $0x20  }
0x671: {  	[sflag:s28] =	ssyncset.done $0x0  }
0x672: {  	[sflag:s28] =	ssyncadd.s32 $0xFFFFFFE0  }
0x673: {  	_ =	swait.ge [sflag:s28], $0x8000  }
0x674: {  	[sflag:s28] =	ssyncset.done $0x0  }
0x675: {  	[sflag:s28] =	ssyncadd.s32 $0xFFFF8000  }
0x676: {  	v3 =	vld [tilespmem:$0x18000];
	_ =	sdelay $0x4  }
0x677: {  	v60 =	vshll.u32 v3, $0x3  }
0x678: {  	v3 =	vand.u32 $0x7, v3;
	v4 =	vand.u32 $0xFFFFFFC0, v60  }
0x679: {  	v3 =	vor.u32 v3, v4  }
0x67a: {  	v4 =	vperm.xlane v3, v0;
	_ =	sdelay $0x1  }
0x67b: {  	v4 =	vadd.s32 v1, v4;
	_ =	sdelay $0x4  }
0x67c: {  	[hbm4b:s2+s3] =	stream.indirect_vreg.scatter [tilespmem:s3], [sflag:$0x4], $0x80, v4, vm0, $0xb8;
	[tilespmem:$0x18400] =	vst v63  }
0x67d: {  	s11 =	simm.s32 $0x800;
	v3 =	vperm.xlane v3, v2  }
0x67e: {  	[hbm4b:s4+s3] =	stream.indirect_vreg.scatter [tilespmem:s11], [sflag:$0x4], $0x80, v4, vm0, $0xb8;
	[tilespmem:$0x18400] =	vst v63  }
0x67f: {  	s12 =	simm.s32 $0x1000;
	v3 =	vadd.s32 v1, v3  }
0x680: {  	[hbm4b:s5+s3] =	stream.indirect_vreg.scatter [tilespmem:s12], [sflag:$0x4], $0x80, v4, vm0, $0xb8;
	[tilespmem:$0x18400] =	vst v63  }
0x681: {  	s14 =	simm.s32 $0x1800  }
0x682: {  	[hbm4b:s6+s3] =	stream.indirect_vreg.scatter [tilespmem:s14], [sflag:$0x4], $0x80, v4, vm0, $0xb8;
	[tilespmem:$0x18400] =	vst v63  }
0x683: {  	s15 =	simm.s32 $0x2000  }
0x684: {  	[hbm4b:s2+s3] =	stream.indirect_vreg.scatter [tilespmem:s15], [sflag:$0x4], $0x80, v3, vm0, $0xb8;
	[tilespmem:$0x18400] =	vst v63  }
0x685: {  	s24 =	simm.s32 $0x2800  }
0x686: {  	[hbm4b:s4+s3] =	stream.indirect_vreg.scatter [tilespmem:s24], [sflag:$0x4], $0x80, v3, vm0, $0xb8;
	[tilespmem:$0x18400] =	vst v63  }
0x687: {  	s16 =	simm.s32 $0x3000  }
0x688: {  	[hbm4b:s5+s3] =	stream.indirect_vreg.scatter [tilespmem:s16], [sflag:$0x4], $0x80, v3, vm0, $0xb8;
	[tilespmem:$0x18400] =	vst v63  }
0x689: {  	s22 =	simm.s32 $0x3800  }
0x68a: {  	[hbm4b:s6+s3] =	stream.indirect_vreg.scatter [tilespmem:s22], [sflag:$0x4], $0x80, v3, vm0, $0xb8;
	[tilespmem:$0x18400] =	vst v63  }
0x68b: {  	v3 =	vld [tilespmem:$0x18010];
	_ =	sdelay $0x4  }
0x68c: {  	v61 =	vshll.u32 v3, $0x3  }
0x68d: {  	v3 =	vand.u32 $0x7, v3;
	v4 =	vand.u32 $0xFFFFFFC0, v61  }
0x68e: {  	v3 =	vor.u32 v3, v4  }
0x68f: {  	v4 =	vperm.xlane v3, v0;
	_ =	sdelay $0x1  }
0x690: {  	v4 =	vadd.s32 v1, v4;
	_ =	sdelay $0x3  }
0x691: {  	s23 =	simm.s32 $0x4000  }
0x692: {  	[hbm4b:s2+s3] =	stream.indirect_vreg.scatter [tilespmem:s23], [sflag:$0x4], $0x80, v4, vm0, $0xb8;
	[tilespmem:$0x18400] =	vst v63  }
0x693: {  	s25 =	simm.s32 $0x4800;
	v3 =	vperm.xlane v3, v2  }
0x694: {  	[hbm4b:s4+s3] =	stream.indirect_vreg.scatter [tilespmem:s25], [sflag:$0x4], $0x80, v4, vm0, $0xb8;
	[tilespmem:$0x18400] =	vst v63  }
0x695: {  	s17 =	simm.s32 $0x5000;
	v3 =	vadd.s32 v1, v3  }
0x696: {  	[hbm4b:s5+s3] =	stream.indirect_vreg.scatter [tilespmem:s17], [sflag:$0x4], $0x80, v4, vm0, $0xb8;
	[tilespmem:$0x18400] =	vst v63  }
0x697: {  	s18 =	simm.s32 $0x5800  }
0x698: {  	[hbm4b:s6+s3] =	stream.indirect_vreg.scatter [tilespmem:s18], [sflag:$0x4], $0x80, v4, vm0, $0xb8;
	[tilespmem:$0x18400] =	vst v63  }
0x699: {  	s19 =	simm.s32 $0x6000  }
0x69a: {  	[hbm4b:s2+s3] =	stream.indirect_vreg.scatter [tilespmem:s19], [sflag:$0x4], $0x80, v3, vm0, $0xb8;
	[tilespmem:$0x18400] =	vst v63  }
0x69b: {  	s28 =	simm.s32 $0x6800  }
0x69c: {  	[hbm4b:s4+s3] =	stream.indirect_vreg.scatter [tilespmem:s28], [sflag:$0x4], $0x80, v3, vm0, $0xb8;
	[tilespmem:$0x18400] =	vst v63  }
0x69d: {  	s26 =	simm.s32 $0x7000  }
0x69e: {  	[hbm4b:s5+s3] =	stream.indirect_vreg.scatter [tilespmem:s26], [sflag:$0x4], $0x80, v3, vm0, $0xb8;
	[tilespmem:$0x18400] =	vst v63  }
0x69f: {  	s29 =	simm.s32 $0x7800  }
0x6a0: {  	[hbm4b:s6+s3] =	stream.indirect_vreg.scatter [tilespmem:s29], [sflag:$0x4], $0x80, v3, vm0, $0xb8;
	[tilespmem:$0x18400] =	vst v63  }
0x6a1: {  	v3 =	vld [tilespmem:$0x18200];
	_ =	sdelay $0x4  }
0x6a2: {  	v62 =	vshll.u32 v3, $0x3  }
0x6a3: {  	v3 =	vand.u32 $0x7, v3;
	v4 =	vand.u32 $0xFFFFFFC0, v62  }
0x6a4: {  	v3 =	vor.u32 v3, v4  }
0x6a5: {  	v4 =	vperm.xlane v3, v0;
	_ =	sdelay $0x1  }
0x6a6: {  	v4 =	vadd.s32 v1, v4;
	_ =	sdelay $0x4  }
0x6a7: {  	[hbm4b:s2+s3] =	stream.indirect_vreg.scatter [tilespmem:s3], [sflag:$0x4], $0x80, v4, vm0, $0xb8;
	[tilespmem:$0x18400] =	vst v63  }
0x6a8: {  	v3 =	vperm.xlane v3, v2  }
0x6a9: {  	[hbm4b:s4+s3] =	stream.indirect_vreg.scatter [tilespmem:s11], [sflag:$0x4], $0x80, v4, vm0, $0xb8;
	[tilespmem:$0x18400] =	vst v63  }
0x6aa: {  	v3 =	vadd.s32 v1, v3  }
0x6ab: {  	[hbm4b:s5+s3] =	stream.indirect_vreg.scatter [tilespmem:s12], [sflag:$0x4], $0x80, v4, vm0, $0xb8;
	[tilespmem:$0x18400] =	vst v63  }
0x6ac: {  	_ = 	snop  }
0x6ad: {  	[hbm4b:s6+s3] =	stream.indirect_vreg.scatter [tilespmem:s14], [sflag:$0x4], $0x80, v4, vm0, $0xb8;
	[tilespmem:$0x18400] =	vst v63  }
0x6ae: {  	_ = 	snop  }
0x6af: {  	[hbm4b:s2+s3] =	stream.indirect_vreg.scatter [tilespmem:s15], [sflag:$0x4], $0x80, v3, vm0, $0xb8;
	[tilespmem:$0x18400] =	vst v63  }
0x6b0: {  	_ = 	snop  }
0x6b1: {  	[hbm4b:s4+s3] =	stream.indirect_vreg.scatter [tilespmem:s24], [sflag:$0x4], $0x80, v3, vm0, $0xb8;
	[tilespmem:$0x18400] =	vst v63  }
0x6b2: {  	_ = 	snop  }
0x6b3: {  	[hbm4b:s5+s3] =	stream.indirect_vreg.scatter [tilespmem:s16], [sflag:$0x4], $0x80, v3, vm0, $0xb8;
	[tilespmem:$0x18400] =	vst v63  }
0x6b4: {  	_ = 	snop  }
0x6b5: {  	[hbm4b:s6+s3] =	stream.indirect_vreg.scatter [tilespmem:s22], [sflag:$0x4], $0x80, v3, vm0, $0xb8;
	[tilespmem:$0x18400] =	vst v63  }
0x6b6: {  	v3 =	vld [tilespmem:$0x18210];
	_ =	sdelay $0x4  }
0x6b7: {  	v63 =	vshll.u32 v3, $0x3  }
0x6b8: {  	v3 =	vand.u32 $0x7, v3;
	v4 =	vand.u32 $0xFFFFFFC0, v63  }
0x6b9: {  	v3 =	vor.u32 v3, v4  }
0x6ba: {  	v4 =	vperm.xlane v3, v0;
	_ =	sdelay $0x1  }
0x6bb: {  	v4 =	vadd.s32 v1, v4;
	_ =	sdelay $0x4  }
0x6bc: {  	[hbm4b:s2+s3] =	stream.indirect_vreg.scatter [tilespmem:s23], [sflag:$0x4], $0x80, v4, vm0, $0xb8;
	[tilespmem:$0x18400] =	vst v63  }
0x6bd: {  	v3 =	vperm.xlane v3, v2  }
0x6be: {  	[hbm4b:s4+s3] =	stream.indirect_vreg.scatter [tilespmem:s25], [sflag:$0x4], $0x80, v4, vm0, $0xb8;
	[tilespmem:$0x18400] =	vst v63  }
0x6bf: {  	v3 =	vadd.s32 v1, v3  }
0x6c0: {  	[hbm4b:s5+s3] =	stream.indirect_vreg.scatter [tilespmem:s17], [sflag:$0x4], $0x80, v4, vm0, $0xb8;
	[tilespmem:$0x18400] =	vst v63  }
0x6c1: {  	_ = 	snop  }
0x6c2: {  	[hbm4b:s6+s3] =	stream.indirect_vreg.scatter [tilespmem:s18], [sflag:$0x4], $0x80, v4, vm0, $0xb8;
	[tilespmem:$0x18400] =	vst v63  }
0x6c3: {  	_ = 	snop  }
0x6c4: {  	[hbm4b:s2+s3] =	stream.indirect_vreg.scatter [tilespmem:s19], [sflag:$0x4], $0x80, v3, vm0, $0xb8;
	[tilespmem:$0x18400] =	vst v63  }
0x6c5: {  	_ = 	snop  }
0x6c6: {  	[hbm4b:s4+s3] =	stream.indirect_vreg.scatter [tilespmem:s28], [sflag:$0x4], $0x80, v3, vm0, $0xb8;
	[tilespmem:$0x18400] =	vst v63  }
0x6c7: {  	_ = 	snop  }
0x6c8: {  	[hbm4b:s5+s3] =	stream.indirect_vreg.scatter [tilespmem:s26], [sflag:$0x4], $0x80, v3, vm0, $0xb8;
	[tilespmem:$0x18400] =	vst v63  }
0x6c9: {  	s31 =	simm.s32 $0x5  }
0x6ca: {  	[hbm4b:s6+s3] =	stream.indirect_vreg.scatter [tilespmem:s29], [sflag:$0x4], $0x80, v3, vm0, $0xb8;
	[tilespmem:$0x18400] =	vst v63  }
0x6cb: {  	s30 =	sld [smem:$0x7E9];
	_ =	swait.ge [sflag:s31], $0x8000  }
0x6cc: {  	[sflag:s31] =	ssyncset.done $0x0  }
0x6cd: {  	[sflag:s31] =	ssyncadd.s32 $0xFFFF8000  }
0x6ce: {  	_ =	swait.ge [sflag:s31], $0x8000  }
0x6cf: {  	[sflag:s31] =	ssyncset.done $0x0  }
0x6d0: {  	s21 =	simm.s32 $0x6;
	[sflag:s31] =	ssyncadd.s32 $0xFFFF8000  }
0x6d1: {  	_ =	swait.ge [sflag:s21], $0x8000  }
0x6d2: {  	[sflag:s21] =	ssyncset.done $0x0  }
0x6d3: {  	[sflag:s21] =	ssyncadd.s32 $0xFFFF8000  }
0x6d4: {  	_ =	swait.ge [sflag:s21], $0x8000  }
0x6d5: {  	[sflag:s21] =	ssyncset.done $0x0  }
0x6d6: {  	s20 =	simm.s32 $0x4;
	[sflag:s21] =	ssyncadd.s32 $0xFFFF8000  }
0x6d7: {  	p0 =	sne.s32 s30, $0x1;
	_ =	swait.ge [sflag:s20], $0x8000  }
.Ltmp0:
0x6d8: {  	[sflag:s20] =	ssyncset.done $0x0;
	(pc) =	sbr.rel @p0 .LBB2_1-.Ltmp0, $4  }
0x6d9: {  	[sflag:s20] =	ssyncadd.s32 $0xFFFF8000  }
0x6da: {  	_ =	swait.ge [sflag:s20], $0x8000  }
0x6db: {  	[sflag:s20] =	ssyncset.done $0x0  }
0x6dc: {  	s7 =	sadd.s32 $0xFFFFFFFF, s30;
	[sflag:s20] =	ssyncadd.s32 $0xFFFF8000  }
0x6dd: {  	_ =	sfence.sel $0x180000  }
0x6de: {  	[bflag:$0x0] =	sbarrier.arrive $0xFFFF  }
0x6df: {  	_ =	strace $0x90000047  }
0x6e0: {  	s0 =	stileid.u32;
	[bflag:$0x2] =	sbarrier.arrive $0xFFFF  }
0x6e1: {  	p0 =	sne.s32 s0, $0x0;
	s0 =	rddreg [dreg:$0x3]  }
0x6e2: {  	s0 =	sadd.s32 @!p0 $0x100000, s0  }
0x6e3: {  	[sflag:s0] =	ssyncadd.tile.s32 @!p0 $0x1;
	_ =	shalt  }
.Lfunc_end2:
_tile_overlayer_lowered:
.L_overlay_start_2:
0x6e4: {  	(tag) =	ssettag $0x2  }
0x6e5: {  	s0 =	rddreg [dreg:$0x0];
	s2 =	stileid.u32  }
0x6e6: {  	s1 =	rddreg [dreg:$0x1];
	p0 =	sne.s32 s2, $0x0  }
0x6e7: {  	s3 =	rddreg [dreg:$0x2];
	[bflag:$0x3] =	sbarrier.arrive $0xFFFF;
	s2 =	simm.s32 @!p0 $0x1C07  }
0x6e8: {  	[timem:s3], [sflag:s2] =	dma.local @!p0 [hbm:s0], s1  }
0x6e9: {  	s0 =	simm.s32 @!p0 $0x7  }
0x6ea: {  	_ =	swait.ge @!p0 [sflag:s0], s1  }
0x6eb: {  	s1 =	ssub.s32 @!p0 $0x0, s1;
	[sflag:s0] =	ssyncset.done @!p0 $0x0  }
0x6ec: {  	[sflag:s0] =	ssyncadd.s32 @!p0 s1  }
0x6ed: {  	[bflag:$0x3] =	sbarrier.arrive $0xFFFF  }
0x6ee: {  	_ =	shalt  }

</sc_bundles>
